<compile_context>
chip_gen: v7x
topology: tpu7x:2x2x1
jax: 0.10.2.dev20260603
libtpu: 0.0.44.dev20260713+nightly
codegen_flags: <defaults>
</compile_context>

<pallas_src>
import functools

import jax
import jax.numpy as jnp
import numpy as np
from jax import lax
from jax.experimental import pallas as pl
from jax.experimental.pallas import tpu as pltpu
from jax.experimental.pallas import tpu_sc as plsc

_T = 50
_H = 8
_W = 8
_NH = 16
_RPE = 16.0
_RCT = 8.0
_ND = 2 * _T - 1
_NDP = 104
_DPB = 8
_NS = 225
_NSP = 256


def _static_tables():
    rt = np.arange(0, 2 * _T - 1, dtype=np.float32)
    rh = np.arange(-_H + 1, _H, dtype=np.float32)
    rw = np.arange(-_W + 1, _W, dtype=np.float32)
    tab = np.stack(np.meshgrid(rt, rh, rw, indexing='ij'), axis=0)
    tab = tab.transpose(1, 2, 3, 0).copy()
    tab[..., 0] /= (2 * _T - 1)
    tab[..., 1] /= (_H - 1)
    tab[..., 2] /= (_W - 1)
    tab = np.sign(tab) * np.log2(np.abs(tab) * _RCT + 1.0) / np.log2(_RCT)
    x = tab.reshape(-1, 3)

    xT = np.zeros((_NDP, 8, _NSP), dtype=np.float32)
    for d in range(_ND):
        xT[d, :3, :_NS] = x[d * _NS:(d + 1) * _NS].T
        xT[d, 3, :_NS] = 1.0

    s = np.arange(64)
    h1, w1 = s // 8, s % 8
    k = (h1[:, None] - h1[None, :] + 7) * 15 + (w1[:, None] - w1[None, :] + 7)
    gt = np.zeros((_NSP, 64 * 64), dtype=np.float32)
    gt[k.reshape(-1), np.arange(64 * 64)] = 1.0
    return xT, gt


_XT, _GT = _static_tables()


def _blk_body(xt_ref, w1t_ref, w2t_ref, gt_ref, out_ref):
    rows = []
    for i in range(_DPB):
        hdn = jnp.dot(w1t_ref[...], xt_ref[i],
                      preferred_element_type=jnp.float32)
        hdn = jnp.maximum(hdn, 0.0)
        rows.append(jnp.dot(w2t_ref[...], hdn,
                            preferred_element_type=jnp.float32))
    rptt = jnp.concatenate(rows, axis=0)
    blkt = jnp.dot(rptt, gt_ref[...],
                   preferred_element_type=jnp.float32)
    out_ref[...] = (_RPE * jax.nn.sigmoid(blkt)).reshape(_DPB, _NH, 64 * 64)


def _build_blk(w1t, w2t):
    return pl.pallas_call(
        _blk_body,
        grid=(_NDP // _DPB,),
        in_specs=[
            pl.BlockSpec((_DPB, 8, _NSP), lambda t: (t, 0, 0)),
            pl.BlockSpec((512, 8), lambda t: (0, 0)),
            pl.BlockSpec((_NH, 512), lambda t: (0, 0)),
            pl.BlockSpec((_NSP, 64 * 64), lambda t: (0, 0)),
        ],
        out_specs=pl.BlockSpec((_DPB, _NH, 64 * 64), lambda t: (t, 0, 0)),
        out_shape=jax.ShapeDtypeStruct((_NDP, _NH, 64 * 64), jnp.float32),
    )(_XT, w1t, w2t, _GT)


def _make_sc_copy(B, TF, TP):
    mesh = plsc.VectorSubcoreMesh(core_axis_name="c", subcore_axis_name="s")
    n_units = TP * 2

    @functools.partial(
        pl.kernel,
        mesh=mesh,
        compiler_params=pltpu.CompilerParams(
            use_tc_tiling_on_sc=False, needs_layout_passes=False),
        out_type=jax.ShapeDtypeStruct((B, _NH, TF * 64, TP * 64), jnp.float32),
        scratch_types=[
            pltpu.VMEM((16,), jnp.int32),
            pltpu.VMEM((16,), jnp.int32),
            pltpu.VMEM((8, 64, 64), jnp.float32),
            pltpu.VMEM((8, 64, 64), jnp.float32),
            pltpu.VMEM((8, 64, 64), jnp.float32),
            pltpu.SemaphoreType.DMA,
            pltpu.SemaphoreType.DMA,
            pltpu.SemaphoreType.DMA,
            pltpu.SemaphoreType.DMA,
            pltpu.SemaphoreType.DMA,
            pltpu.SemaphoreType.DMA,
        ],
    )
    def sc_copy(blk_hbm, ptc_hbm, ftc_hbm, out_hbm, ptc_v, ftc_v,
                buf0, buf1, buf2, gs0, gs1, gs2, ss0, ss1, ss2):
        bufs = (buf0, buf1, buf2)
        gsems = (gs0, gs1, gs2)
        ssems = (ss0, ss1, ss2)
        b = lax.axis_index("c")
        fi = lax.axis_index("s")
        pltpu.sync_copy(ptc_hbm.at[b], ptc_v)
        pltpu.sync_copy(ftc_hbm.at[b], ftc_v)
        lanes = lax.iota(jnp.int32, 16)
        fts = jnp.sum(jnp.where(lanes == fi, ftc_v[...], 0))
        d_vec = fts - ptc_v[...]

        def src(u):
            j, c = u // 2, (u % 2) * 8
            dj = jnp.sum(jnp.where(lanes == j, d_vec, 0))
            return blk_hbm.at[dj, pl.ds(c, 8)]

        def dst(u):
            j, c = u // 2, (u % 2) * 8
            return out_hbm.at[b, pl.ds(c, 8),
                              pl.ds(fi * 64, 64), pl.ds(j * 64, 64)]

        gh = [None] * n_units
        sh = [None] * n_units
        gh[0] = pltpu.async_copy(src(0), bufs[0], gsems[0])
        for u in range(n_units):
            k = u % 3
            if u + 1 < n_units:
                k1 = (u + 1) % 3
                if u + 1 >= 3:
                    sh[u - 2].wait()
                gh[u + 1] = pltpu.async_copy(src(u + 1), bufs[k1], gsems[k1])
            gh[u].wait()
            sh[u] = pltpu.async_copy(bufs[k], dst(u), ssems[k])
        for u in range(n_units - 3, n_units):
            sh[u].wait()

    return sc_copy


def kernel(ptc, ftc, w1, b1, w2):
    B, TP = ptc.shape
    TF = ftc.shape[1]
    w1aug = jnp.concatenate([w1, b1[None, :]], axis=0)
    w1t = jnp.zeros((512, 8), jnp.float32).at[:, :4].set(w1aug.T)
    w2t = w2.T
    blk = _build_blk(w1t, w2t).reshape(_NDP, _NH, 64, 64)
    return _make_sc_copy(B, TF, TP)(blk, ptc, ftc)

# --- scband reference (transcript-rebuilt; emitter-appended) ---
"""Pipeline reference for scband-relative-positional-encoding3-d-16492674417481 (READ-ONLY COPY).

The authoritative reference and input builder live on the scoring server;
editing this copy changes nothing except your own understanding.
"""

import jax, jax.numpy as jnp
import numpy as np

T = 50
H = 8
W = 8
NUM_HEADS = 16
RPE_COEF = 16.0
RCT_COEF = 8.0


def _build_tables():
    rt = np.arange(0, 2 * T - 1, dtype=np.float32)
    rh = np.arange(-H + 1, H, dtype=np.float32)
    rw = np.arange(-W + 1, W, dtype=np.float32)
    tab = np.stack(np.meshgrid(rt, rh, rw, indexing='ij'), axis=0).transpose(1, 2, 3, 0).copy()
    tab[..., 0] /= (2 * T - 1)
    tab[..., 1] /= (H - 1)
    tab[..., 2] /= (W - 1)
    tab = np.sign(tab) * np.log2(np.abs(tab) * RCT_COEF + 1.0) / np.log2(RCT_COEF)
    cf = np.stack(np.meshgrid(np.arange(T), np.arange(H), np.arange(W), indexing='ij'), axis=0).reshape(3, -1)
    cp = np.stack(np.meshgrid(-np.arange(T), np.arange(-H + 1, 1), np.arange(-W + 1, 1), indexing='ij'), axis=0).reshape(3, -1)
    rel = (cf[:, :, None] - cp[:, None, :]).transpose(1, 2, 0).copy()
    rel[..., 0] *= (2 * H - 1) * (2 * W - 1)
    rel[..., 1] *= (2 * W - 1)
    rpi = rel.sum(-1).reshape(T, H * W, T, H * W)
    return jnp.asarray(tab, dtype=jnp.float32), jnp.asarray(rpi, dtype=jnp.int32)


def setup_inputs(seed: int = 0) -> dict:
    key = jax.random.key(seed)
    k1, k2, k3, k4 = jax.random.split(key, 4)
    B, TP, TF = 2, 16, 16
    # past time coords are non-positive (module negates them); use 0..T-1 then negate
    ptc = -jax.random.randint(k1, (B, TP), 0, T, dtype=jnp.int32)
    ftc = jax.random.randint(k2, (B, TF), 0, T, dtype=jnp.int32)
    w1 = jax.random.normal(k3, (3, 512), dtype=jnp.float32) * 0.1
    b1 = jnp.zeros((512,), dtype=jnp.float32)
    w2 = jax.random.normal(k4, (512, NUM_HEADS), dtype=jnp.float32) * 0.1
    return {"ptc": ptc, "ftc": ftc, "w1": w1, "b1": b1, "w2": w2}


def reference(ptc, ftc, w1, b1, w2):
    tab, rpi_full = _build_tables()
    # cpb_mlp: Linear(3,512) + ReLU + Linear(512, num_heads, bias=False)
    x = tab.reshape(-1, 3)
    hdn = jax.nn.relu(x @ w1 + b1)
    rpt = hdn @ w2  # [99*15*15, num_heads]
    p_all = (-ptc).astype(jnp.int32)
    f_all = ftc.astype(jnp.int32)
    B = ptc.shape[0]
    TP = ptc.shape[1]
    TF = ftc.shape[1]
    res = []
    for b in range(B):
        rpi = jnp.take(rpi_full, f_all[b], axis=0)      # [TF, HW, T, HW]
        rpi = jnp.take(rpi, p_all[b], axis=2)           # [TF, HW, TP, HW]
        rpi = rpi.reshape(-1)
        rpb = jnp.take(rpt, rpi, axis=0).reshape(TF * H * W, TP * H * W, NUM_HEADS)
        rpb = RPE_COEF * jax.nn.sigmoid(rpb)
        res.append(rpb)
    out = jnp.stack(res, axis=0).transpose(0, 3, 1, 2)  # [B, heads, TF*HW, TP*HW]
    return out

if __name__ == "__main__":
    import jax
    _d = setup_inputs()
    print(jax.jit(kernel)(*tuple(_d.values())))

</pallas_src>

<mosaic_0001>
#map = affine_map<(d0, d1) -> (0, 0, 0, 0)>
#map1 = affine_map<(d0, d1) -> (0, 0)>
module attributes {stable_mosaic.version = 14 : i64} {
  func.func @sc_copy(%arg0: i32, %arg1: i32, %arg2: memref<104x16x64x64xf32, #tpu.memory_space<hbm>>, %arg3: memref<2x16xi32, #tpu.memory_space<hbm>>, %arg4: memref<2x16xi32, #tpu.memory_space<hbm>>, %arg5: memref<2x16x1024x1024xf32, #tpu.memory_space<hbm>>, %arg6: memref<16xi32, #tpu.memory_space<vmem>>, %arg7: memref<16xi32, #tpu.memory_space<vmem>>, %arg8: memref<8x64x64xf32, #tpu.memory_space<vmem>>, %arg9: memref<8x64x64xf32, #tpu.memory_space<vmem>>, %arg10: memref<8x64x64xf32, #tpu.memory_space<vmem>>, %arg11: memref<!tpu.dma_semaphore, #tpu.memory_space<semaphore_mem>>, %arg12: memref<!tpu.dma_semaphore, #tpu.memory_space<semaphore_mem>>, %arg13: memref<!tpu.dma_semaphore, #tpu.memory_space<semaphore_mem>>, %arg14: memref<!tpu.dma_semaphore, #tpu.memory_space<semaphore_mem>>, %arg15: memref<!tpu.dma_semaphore, #tpu.memory_space<semaphore_mem>>, %arg16: memref<!tpu.dma_semaphore, #tpu.memory_space<semaphore_mem>>) attributes {dimension_semantics = [#tpu.dimension_semantics<core_parallel>, #tpu.dimension_semantics<subcore_parallel>], iteration_bounds = array<i64: 2, 16>, scalar_prefetch = 0 : i64, scratch_operands = 11 : i64, tpu.core_type = #tpu.core_type<sc_vector_subcore>, window_params = [{transform_indices = #map}, {transform_indices = #map1}, {transform_indices = #map1}, {transform_indices = #map}]} {
    "tpu.region"() ({
      %run_scoped3A = tpu.sem_alloc : memref<!tpu.dma_semaphore, #tpu.memory_space<semaphore_mem>>
      %dma_start3A_1541 = arith.constant 0 : i32
      %dma_start3A_1542 = tpu.memref_slice %arg3[%arg0, %dma_start3A_1541] : memref<2x16xi32, #tpu.memory_space<hbm>> -> memref<1x16xi32, #tpu.memory_space<hbm>>
      %dma_start3A_1543 = tpu.memref_squeeze %dma_start3A_1542 : memref<1x16xi32, #tpu.memory_space<hbm>> -> memref<16xi32, #tpu.memory_space<hbm>>
      %dma_start3A_1544 = arith.constant 0 : i32
      %dma_start3A_1545 = tpu.memref_slice %arg3[%arg0, %dma_start3A_1544] : memref<2x16xi32, #tpu.memory_space<hbm>> -> memref<1x16xi32, #tpu.memory_space<hbm>>
      %dma_start3A_1546 = tpu.memref_squeeze %dma_start3A_1545 : memref<1x16xi32, #tpu.memory_space<hbm>> -> memref<16xi32, #tpu.memory_space<hbm>>
      tpu.enqueue_dma source(%dma_start3A_1546 : memref<16xi32, #tpu.memory_space<hbm>>) target(%arg6 : memref<16xi32, #tpu.memory_space<vmem>>) target_semaphore(%run_scoped3A : memref<!tpu.dma_semaphore, #tpu.memory_space<semaphore_mem>>)
      %dma_wait3A_1547 = arith.constant 0 : i32
      %dma_wait3A_1548 = tpu.memref_slice %arg3[%arg0, %dma_wait3A_1547] : memref<2x16xi32, #tpu.memory_space<hbm>> -> memref<1x16xi32, #tpu.memory_space<hbm>>
      %dma_wait3A_1549 = tpu.memref_squeeze %dma_wait3A_1548 : memref<1x16xi32, #tpu.memory_space<hbm>> -> memref<16xi32, #tpu.memory_space<hbm>>
      %dma_wait3A_1550 = arith.constant 0 : i32
      %dma_wait3A_1551 = tpu.memref_slice %arg3[%arg0, %dma_wait3A_1550] : memref<2x16xi32, #tpu.memory_space<hbm>> -> memref<1x16xi32, #tpu.memory_space<hbm>>
      %dma_wait3A_1552 = tpu.memref_squeeze %dma_wait3A_1551 : memref<1x16xi32, #tpu.memory_space<hbm>> -> memref<16xi32, #tpu.memory_space<hbm>>
      tpu.wait_dma2 semaphore(%run_scoped3A : memref<!tpu.dma_semaphore, #tpu.memory_space<semaphore_mem>>) src(%dma_wait3A_1552 : memref<16xi32, #tpu.memory_space<hbm>>) dst(%arg6 : memref<16xi32, #tpu.memory_space<vmem>>)
      tpu.yield
    }) : () -> ()
    "tpu.region"() ({
      %run_scoped3A = tpu.sem_alloc : memref<!tpu.dma_semaphore, #tpu.memory_space<semaphore_mem>>
      %dma_start3A_1541 = arith.constant 0 : i32
      %dma_start3A_1542 = tpu.memref_slice %arg4[%arg0, %dma_start3A_1541] : memref<2x16xi32, #tpu.memory_space<hbm>> -> memref<1x16xi32, #tpu.memory_space<hbm>>
      %dma_start3A_1543 = tpu.memref_squeeze %dma_start3A_1542 : memref<1x16xi32, #tpu.memory_space<hbm>> -> memref<16xi32, #tpu.memory_space<hbm>>
      %dma_start3A_1544 = arith.constant 0 : i32
      %dma_start3A_1545 = tpu.memref_slice %arg4[%arg0, %dma_start3A_1544] : memref<2x16xi32, #tpu.memory_space<hbm>> -> memref<1x16xi32, #tpu.memory_space<hbm>>
      %dma_start3A_1546 = tpu.memref_squeeze %dma_start3A_1545 : memref<1x16xi32, #tpu.memory_space<hbm>> -> memref<16xi32, #tpu.memory_space<hbm>>
      tpu.enqueue_dma source(%dma_start3A_1546 : memref<16xi32, #tpu.memory_space<hbm>>) target(%arg7 : memref<16xi32, #tpu.memory_space<vmem>>) target_semaphore(%run_scoped3A : memref<!tpu.dma_semaphore, #tpu.memory_space<semaphore_mem>>)
      %dma_wait3A_1547 = arith.constant 0 : i32
      %dma_wait3A_1548 = tpu.memref_slice %arg4[%arg0, %dma_wait3A_1547] : memref<2x16xi32, #tpu.memory_space<hbm>> -> memref<1x16xi32, #tpu.memory_space<hbm>>
      %dma_wait3A_1549 = tpu.memref_squeeze %dma_wait3A_1548 : memref<1x16xi32, #tpu.memory_space<hbm>> -> memref<16xi32, #tpu.memory_space<hbm>>
      %dma_wait3A_1550 = arith.constant 0 : i32
      %dma_wait3A_1551 = tpu.memref_slice %arg4[%arg0, %dma_wait3A_1550] : memref<2x16xi32, #tpu.memory_space<hbm>> -> memref<1x16xi32, #tpu.memory_space<hbm>>
      %dma_wait3A_1552 = tpu.memref_squeeze %dma_wait3A_1551 : memref<1x16xi32, #tpu.memory_space<hbm>> -> memref<16xi32, #tpu.memory_space<hbm>>
      tpu.wait_dma2 semaphore(%run_scoped3A : memref<!tpu.dma_semaphore, #tpu.memory_space<semaphore_mem>>) src(%dma_wait3A_1552 : memref<16xi32, #tpu.memory_space<hbm>>) dst(%arg7 : memref<16xi32, #tpu.memory_space<vmem>>)
      tpu.yield
    }) : () -> ()
    %iota3A = tpu.iota {dimensions = array<i32: 0>} : vector<16xi32>
    %eq3A = vector.broadcast %arg1 : i32 to vector<16xi32>
    %eq3A_0 = arith.cmpi eq, %iota3A, %eq3A : vector<16xi32>
    %get3A = arith.constant 0 : index
    %get3A_1 = tpu.vector_load %arg7[%get3A] {strides = array<i32>} : memref<16xi32, #tpu.memory_space<vmem>>, vector<16xi32>,
    %jit3A = arith.constant 0 : i32
    %broadcast_in_dim3A = vector.broadcast %jit3A : i32 to vector<16xi32>
    %select_n3A = arith.select %eq3A_0, %get3A_1, %broadcast_in_dim3A : vector<16xi1>, vector<16xi32>
    %reduce_sum3A = arith.constant true
    %reduce_sum3A_2 = vector.broadcast %reduce_sum3A : i1 to vector<16xi1>
    %reduce_sum3A_3 = tpu.scan <sum>, %select_n3A masked %reduce_sum3A_2 : vector<16xi32>, vector<16xi1> -> vector<16xi32>
    %reduce_sum3A_4 = vector.extract %reduce_sum3A_3[15] : i32 from vector<16xi32>
    %get3A_5 = arith.constant 0 : index
    %get3A_6 = tpu.vector_load %arg6[%get3A_5] {strides = array<i32>} : memref<16xi32, #tpu.memory_space<vmem>>, vector<16xi32>,
    %sub3A = vector.broadcast %reduce_sum3A_4 : i32 to vector<16xi32>
    %sub3A_7 = arith.subi %sub3A, %get3A_6 : vector<16xi32>
    %eq3A_8 = arith.constant 0 : i32
    %eq3A_9 = vector.broadcast %eq3A_8 : i32 to vector<16xi32>
    %eq3A_10 = arith.cmpi eq, %iota3A, %eq3A_9 : vector<16xi32>
    %jit3A_11 = arith.constant 0 : i32
    %broadcast_in_dim3A_12 = vector.broadcast %jit3A_11 : i32 to vector<16xi32>
    %select_n3A_13 = arith.select %eq3A_10, %sub3A_7, %broadcast_in_dim3A_12 : vector<16xi1>, vector<16xi32>
    %reduce_sum3A_14 = arith.constant true
    %reduce_sum3A_15 = vector.broadcast %reduce_sum3A_14 : i1 to vector<16xi1>
    %reduce_sum3A_16 = tpu.scan <sum>, %select_n3A_13 masked %reduce_sum3A_15 : vector<16xi32>, vector<16xi1> -> vector<16xi32>
    %reduce_sum3A_17 = vector.extract %reduce_sum3A_16[15] : i32 from vector<16xi32>
    %dma_start3A = arith.constant 0 : i32
    %dma_start3A_18 = arith.constant 0 : i32
    %dma_start3A_19 = arith.constant 0 : i32
    %dma_start3A_20 = tpu.memref_slice %arg2[%reduce_sum3A_17, %dma_start3A, %dma_start3A_18, %dma_start3A_19] : memref<104x16x64x64xf32, #tpu.memory_space<hbm>> -> memref<1x8x64x64xf32, #tpu.memory_space<hbm>>
    %dma_start3A_21 = tpu.memref_squeeze %dma_start3A_20 : memref<1x8x64x64xf32, #tpu.memory_space<hbm>> -> memref<8x64x64xf32, #tpu.memory_space<hbm>>
    %dma_start3A_22 = arith.constant 0 : i32
    %dma_start3A_23 = arith.constant 0 : i32
    %dma_start3A_24 = arith.constant 0 : i32
    %dma_start3A_25 = tpu.memref_slice %arg2[%reduce_sum3A_17, %dma_start3A_22, %dma_start3A_23, %dma_start3A_24] : memref<104x16x64x64xf32, #tpu.memory_space<hbm>> -> memref<1x8x64x64xf32, #tpu.memory_space<hbm>>
    %dma_start3A_26 = tpu.memref_squeeze %dma_start3A_25 : memref<1x8x64x64xf32, #tpu.memory_space<hbm>> -> memref<8x64x64xf32, #tpu.memory_space<hbm>>
    tpu.enqueue_dma source(%dma_start3A_26 : memref<8x64x64xf32, #tpu.memory_space<hbm>>) target(%arg8 : memref<8x64x64xf32, #tpu.memory_space<vmem>>) target_semaphore(%arg11 : memref<!tpu.dma_semaphore, #tpu.memory_space<semaphore_mem>>)
    %eq3A_27 = arith.constant 0 : i32
    %eq3A_28 = vector.broadcast %eq3A_27 : i32 to vector<16xi32>
    %eq3A_29 = arith.cmpi eq, %iota3A, %eq3A_28 : vector<16xi32>
    %jit3A_30 = arith.constant 0 : i32
    %broadcast_in_dim3A_31 = vector.broadcast %jit3A_30 : i32 to vector<16xi32>
    %select_n3A_32 = arith.select %eq3A_29, %sub3A_7, %broadcast_in_dim3A_31 : vector<16xi1>, vector<16xi32>
    %reduce_sum3A_33 = arith.constant true
    %reduce_sum3A_34 = vector.broadcast %reduce_sum3A_33 : i1 to vector<16xi1>
    %reduce_sum3A_35 = tpu.scan <sum>, %select_n3A_32 masked %reduce_sum3A_34 : vector<16xi32>, vector<16xi1> -> vector<16xi32>
    %reduce_sum3A_36 = vector.extract %reduce_sum3A_35[15] : i32 from vector<16xi32>
    %dma_start3A_37 = arith.constant 8 : i32
    %dma_start3A_38 = arith.constant 0 : i32
    %dma_start3A_39 = arith.constant 0 : i32
    %dma_start3A_40 = tpu.memref_slice %arg2[%reduce_sum3A_36, %dma_start3A_37, %dma_start3A_38, %dma_start3A_39] : memref<104x16x64x64xf32, #tpu.memory_space<hbm>> -> memref<1x8x64x64xf32, #tpu.memory_space<hbm>>
    %dma_start3A_41 = tpu.memref_squeeze %dma_start3A_40 : memref<1x8x64x64xf32, #tpu.memory_space<hbm>> -> memref<8x64x64xf32, #tpu.memory_space<hbm>>
    %dma_start3A_42 = arith.constant 8 : i32
    %dma_start3A_43 = arith.constant 0 : i32
    %dma_start3A_44 = arith.constant 0 : i32
    %dma_start3A_45 = tpu.memref_slice %arg2[%reduce_sum3A_36, %dma_start3A_42, %dma_start3A_43, %dma_start3A_44] : memref<104x16x64x64xf32, #tpu.memory_space<hbm>> -> memref<1x8x64x64xf32, #tpu.memory_space<hbm>>
    %dma_start3A_46 = tpu.memref_squeeze %dma_start3A_45 : memref<1x8x64x64xf32, #tpu.memory_space<hbm>> -> memref<8x64x64xf32, #tpu.memory_space<hbm>>
    tpu.enqueue_dma source(%dma_start3A_46 : memref<8x64x64xf32, #tpu.memory_space<hbm>>) target(%arg9 : memref<8x64x64xf32, #tpu.memory_space<vmem>>) target_semaphore(%arg12 : memref<!tpu.dma_semaphore, #tpu.memory_space<semaphore_mem>>)
    %dma_wait3A = arith.constant 0 : i32
    %dma_wait3A_47 = arith.constant 0 : i32
    %dma_wait3A_48 = arith.constant 0 : i32
    %dma_wait3A_49 = tpu.memref_slice %arg2[%reduce_sum3A_17, %dma_wait3A, %dma_wait3A_47, %dma_wait3A_48] : memref<104x16x64x64xf32, #tpu.memory_space<hbm>> -> memref<1x8x64x64xf32, #tpu.memory_space<hbm>>
    %dma_wait3A_50 = tpu.memref_squeeze %dma_wait3A_49 : memref<1x8x64x64xf32, #tpu.memory_space<hbm>> -> memref<8x64x64xf32, #tpu.memory_space<hbm>>
    %dma_wait3A_51 = arith.constant 0 : i32
    %dma_wait3A_52 = arith.constant 0 : i32
    %dma_wait3A_53 = arith.constant 0 : i32
    %dma_wait3A_54 = tpu.memref_slice %arg2[%reduce_sum3A_17, %dma_wait3A_51, %dma_wait3A_52, %dma_wait3A_53] : memref<104x16x64x64xf32, #tpu.memory_space<hbm>> -> memref<1x8x64x64xf32, #tpu.memory_space<hbm>>
    %dma_wait3A_55 = tpu.memref_squeeze %dma_wait3A_54 : memref<1x8x64x64xf32, #tpu.memory_space<hbm>> -> memref<8x64x64xf32, #tpu.memory_space<hbm>>
    tpu.wait_dma2 semaphore(%arg11 : memref<!tpu.dma_semaphore, #tpu.memory_space<semaphore_mem>>) src(%dma_wait3A_55 : memref<8x64x64xf32, #tpu.memory_space<hbm>>) dst(%arg8 : memref<8x64x64xf32, #tpu.memory_space<vmem>>)
    %mul3A = arith.constant 64 : i32
    %mul3A_56 = arith.muli %arg1, %mul3A : i32
    %dma_start3A_57 = arith.constant 0 : i32
    %dma_start3A_58 = arith.constant 0 : i32
    %dma_start3A_59 = tpu.memref_slice %arg5[%arg0, %dma_start3A_57, %mul3A_56, %dma_start3A_58] : memref<2x16x1024x1024xf32, #tpu.memory_space<hbm>> -> memref<1x8x64x64xf32, #tpu.memory_space<hbm>>
    %dma_start3A_60 = tpu.memref_squeeze %dma_start3A_59 : memref<1x8x64x64xf32, #tpu.memory_space<hbm>> -> memref<8x64x64xf32, #tpu.memory_space<hbm>>
    %dma_start3A_61 = arith.constant 0 : i32
    %dma_start3A_62 = arith.constant 0 : i32
    %dma_start3A_63 = tpu.memref_slice %arg5[%arg0, %dma_start3A_61, %mul3A_56, %dma_start3A_62] : memref<2x16x1024x1024xf32, #tpu.memory_space<hbm>> -> memref<1x8x64x64xf32, #tpu.memory_space<hbm>>
    %dma_start3A_64 = tpu.memref_squeeze %dma_start3A_63 : memref<1x8x64x64xf32, #tpu.memory_space<hbm>> -> memref<8x64x64xf32, #tpu.memory_space<hbm>>
    tpu.enqueue_dma source(%arg8 : memref<8x64x64xf32, #tpu.memory_space<vmem>>) target(%dma_start3A_64 : memref<8x64x64xf32, #tpu.memory_space<hbm>>) target_semaphore(%arg14 : memref<!tpu.dma_semaphore, #tpu.memory_space<semaphore_mem>>)
    %eq3A_65 = arith.constant 1 : i32
    %eq3A_66 = vector.broadcast %eq3A_65 : i32 to vector<16xi32>
    %eq3A_67 = arith.cmpi eq, %iota3A, %eq3A_66 : vector<16xi32>
    %jit3A_68 = arith.constant 0 : i32
    %broadcast_in_dim3A_69 = vector.broadcast %jit3A_68 : i32 to vector<16xi32>
    %select_n3A_70 = arith.select %eq3A_67, %sub3A_7, %broadcast_in_dim3A_69 : vector<16xi1>, vector<16xi32>
    %reduce_sum3A_71 = arith.constant true
    %reduce_sum3A_72 = vector.broadcast %reduce_sum3A_71 : i1 to vector<16xi1>
    %reduce_sum3A_73 = tpu.scan <sum>, %select_n3A_70 masked %reduce_sum3A_72 : vector<16xi32>, vector<16xi1> -> vector<16xi32>
    %reduce_sum3A_74 = vector.extract %reduce_sum3A_73[15] : i32 from vector<16xi32>
    %dma_start3A_75 = arith.constant 0 : i32
    %dma_start3A_76 = arith.constant 0 : i32
    %dma_start3A_77 = arith.constant 0 : i32
    %dma_start3A_78 = tpu.memref_slice %arg2[%reduce_sum3A_74, %dma_start3A_75, %dma_start3A_76, %dma_start3A_77] : memref<104x16x64x64xf32, #tpu.memory_space<hbm>> -> memref<1x8x64x64xf32, #tpu.memory_space<hbm>>
    %dma_start3A_79 = tpu.memref_squeeze %dma_start3A_78 : memref<1x8x64x64xf32, #tpu.memory_space<hbm>> -> memref<8x64x64xf32, #tpu.memory_space<hbm>>
    %dma_start3A_80 = arith.constant 0 : i32
    %dma_start3A_81 = arith.constant 0 : i32
    %dma_start3A_82 = arith.constant 0 : i32
    %dma_start3A_83 = tpu.memref_slice %arg2[%reduce_sum3A_74, %dma_start3A_80, %dma_start3A_81, %dma_start3A_82] : memref<104x16x64x64xf32, #tpu.memory_space<hbm>> -> memref<1x8x64x64xf32, #tpu.memory_space<hbm>>
    %dma_start3A_84 = tpu.memref_squeeze %dma_start3A_83 : memref<1x8x64x64xf32, #tpu.memory_space<hbm>> -> memref<8x64x64xf32, #tpu.memory_space<hbm>>
    tpu.enqueue_dma source(%dma_start3A_84 : memref<8x64x64xf32, #tpu.memory_space<hbm>>) target(%arg10 : memref<8x64x64xf32, #tpu.memory_space<vmem>>) target_semaphore(%arg13 : memref<!tpu.dma_semaphore, #tpu.memory_space<semaphore_mem>>)
    %dma_wait3A_85 = arith.constant 8 : i32
    %dma_wait3A_86 = arith.constant 0 : i32
    %dma_wait3A_87 = arith.constant 0 : i32
    %dma_wait3A_88 = tpu.memref_slice %arg2[%reduce_sum3A_36, %dma_wait3A_85, %dma_wait3A_86, %dma_wait3A_87] : memref<104x16x64x64xf32, #tpu.memory_space<hbm>> -> memref<1x8x64x64xf32, #tpu.memory_space<hbm>>
    %dma_wait3A_89 = tpu.memref_squeeze %dma_wait3A_88 : memref<1x8x64x64xf32, #tpu.memory_space<hbm>> -> memref<8x64x64xf32, #tpu.memory_space<hbm>>
    %dma_wait3A_90 = arith.constant 8 : i32
    %dma_wait3A_91 = arith.constant 0 : i32
    %dma_wait3A_92 = arith.constant 0 : i32
    %dma_wait3A_93 = tpu.memref_slice %arg2[%reduce_sum3A_36, %dma_wait3A_90, %dma_wait3A_91, %dma_wait3A_92] : memref<104x16x64x64xf32, #tpu.memory_space<hbm>> -> memref<1x8x64x64xf32, #tpu.memory_space<hbm>>
    %dma_wait3A_94 = tpu.memref_squeeze %dma_wait3A_93 : memref<1x8x64x64xf32, #tpu.memory_space<hbm>> -> memref<8x64x64xf32, #tpu.memory_space<hbm>>
    tpu.wait_dma2 semaphore(%arg12 : memref<!tpu.dma_semaphore, #tpu.memory_space<semaphore_mem>>) src(%dma_wait3A_94 : memref<8x64x64xf32, #tpu.memory_space<hbm>>) dst(%arg9 : memref<8x64x64xf32, #tpu.memory_space<vmem>>)
    %mul3A_95 = arith.constant 64 : i32
    %mul3A_96 = arith.muli %arg1, %mul3A_95 : i32
    %dma_start3A_97 = arith.constant 8 : i32
    %dma_start3A_98 = arith.constant 0 : i32
    %dma_start3A_99 = tpu.memref_slice %arg5[%arg0, %dma_start3A_97, %mul3A_96, %dma_start3A_98] : memref<2x16x1024x1024xf32, #tpu.memory_space<hbm>> -> memref<1x8x64x64xf32, #tpu.memory_space<hbm>>
    %dma_start3A_100 = tpu.memref_squeeze %dma_start3A_99 : memref<1x8x64x64xf32, #tpu.memory_space<hbm>> -> memref<8x64x64xf32, #tpu.memory_space<hbm>>
    %dma_start3A_101 = arith.constant 8 : i32
    %dma_start3A_102 = arith.constant 0 : i32
    %dma_start3A_103 = tpu.memref_slice %arg5[%arg0, %dma_start3A_101, %mul3A_96, %dma_start3A_102] : memref<2x16x1024x1024xf32, #tpu.memory_space<hbm>> -> memref<1x8x64x64xf32, #tpu.memory_space<hbm>>
    %dma_start3A_104 = tpu.memref_squeeze %dma_start3A_103 : memref<1x8x64x64xf32, #tpu.memory_space<hbm>> -> memref<8x64x64xf32, #tpu.memory_space<hbm>>
    tpu.enqueue_dma source(%arg9 : memref<8x64x64xf32, #tpu.memory_space<vmem>>) target(%dma_start3A_104 : memref<8x64x64xf32, #tpu.memory_space<hbm>>) target_semaphore(%arg15 : memref<!tpu.dma_semaphore, #tpu.memory_space<semaphore_mem>>)
    %dma_wait3A_105 = arith.constant 0 : i32
    %dma_wait3A_106 = arith.constant 0 : i32
    %dma_wait3A_107 = tpu.memref_slice %arg5[%arg0, %dma_wait3A_105, %mul3A_56, %dma_wait3A_106] : memref<2x16x1024x1024xf32, #tpu.memory_space<hbm>> -> memref<1x8x64x64xf32, #tpu.memory_space<hbm>>
    %dma_wait3A_108 = tpu.memref_squeeze %dma_wait3A_107 : memref<1x8x64x64xf32, #tpu.memory_space<hbm>> -> memref<8x64x64xf32, #tpu.memory_space<hbm>>
    %dma_wait3A_109 = arith.constant 0 : i32
    %dma_wait3A_110 = arith.constant 0 : i32
    %dma_wait3A_111 = tpu.memref_slice %arg5[%arg0, %dma_wait3A_109, %mul3A_56, %dma_wait3A_110] : memref<2x16x1024x1024xf32, #tpu.memory_space<hbm>> -> memref<1x8x64x64xf32, #tpu.memory_space<hbm>>
    %dma_wait3A_112 = tpu.memref_squeeze %dma_wait3A_111 : memref<1x8x64x64xf32, #tpu.memory_space<hbm>> -> memref<8x64x64xf32, #tpu.memory_space<hbm>>
    tpu.wait_dma2 semaphore(%arg14 : memref<!tpu.dma_semaphore, #tpu.memory_space<semaphore_mem>>) src(%arg8 : memref<8x64x64xf32, #tpu.memory_space<vmem>>) dst(%dma_wait3A_112 : memref<8x64x64xf32, #tpu.memory_space<hbm>>)
    %eq3A_113 = arith.constant 1 : i32
    %eq3A_114 = vector.broadcast %eq3A_113 : i32 to vector<16xi32>
    %eq3A_115 = arith.cmpi eq, %iota3A, %eq3A_114 : vector<16xi32>
    %jit3A_116 = arith.constant 0 : i32
    %broadcast_in_dim3A_117 = vector.broadcast %jit3A_116 : i32 to vector<16xi32>
    %select_n3A_118 = arith.select %eq3A_115, %sub3A_7, %broadcast_in_dim3A_117 : vector<16xi1>, vector<16xi32>
    %reduce_sum3A_119 = arith.constant true
    %reduce_sum3A_120 = vector.broadcast %reduce_sum3A_119 : i1 to vector<16xi1>
    %reduce_sum3A_121 = tpu.scan <sum>, %select_n3A_118 masked %reduce_sum3A_120 : vector<16xi32>, vector<16xi1> -> vector<16xi32>
    %reduce_sum3A_122 = vector.extract %reduce_sum3A_121[15] : i32 from vector<16xi32>
    %dma_start3A_123 = arith.constant 8 : i32
    %dma_start3A_124 = arith.constant 0 : i32
    %dma_start3A_125 = arith.constant 0 : i32
    %dma_start3A_126 = tpu.memref_slice %arg2[%reduce_sum3A_122, %dma_start3A_123, %dma_start3A_124, %dma_start3A_125] : memref<104x16x64x64xf32, #tpu.memory_space<hbm>> -> memref<1x8x64x64xf32, #tpu.memory_space<hbm>>
    %dma_start3A_127 = tpu.memref_squeeze %dma_start3A_126 : memref<1x8x64x64xf32, #tpu.memory_space<hbm>> -> memref<8x64x64xf32, #tpu.memory_space<hbm>>
    %dma_start3A_128 = arith.constant 8 : i32
    %dma_start3A_129 = arith.constant 0 : i32
    %dma_start3A_130 = arith.constant 0 : i32
    %dma_start3A_131 = tpu.memref_slice %arg2[%reduce_sum3A_122, %dma_start3A_128, %dma_start3A_129, %dma_start3A_130] : memref<104x16x64x64xf32, #tpu.memory_space<hbm>> -> memref<1x8x64x64xf32, #tpu.memory_space<hbm>>
    %dma_start3A_132 = tpu.memref_squeeze %dma_start3A_131 : memref<1x8x64x64xf32, #tpu.memory_space<hbm>> -> memref<8x64x64xf32, #tpu.memory_space<hbm>>
    tpu.enqueue_dma source(%dma_start3A_132 : memref<8x64x64xf32, #tpu.memory_space<hbm>>) target(%arg8 : memref<8x64x64xf32, #tpu.memory_space<vmem>>) target_semaphore(%arg11 : memref<!tpu.dma_semaphore, #tpu.memory_space<semaphore_mem>>)
    %dma_wait3A_133 = arith.constant 0 : i32
    %dma_wait3A_134 = arith.constant 0 : i32
    %dma_wait3A_135 = arith.constant 0 : i32
    %dma_wait3A_136 = tpu.memref_slice %arg2[%reduce_sum3A_74, %dma_wait3A_133, %dma_wait3A_134, %dma_wait3A_135] : memref<104x16x64x64xf32, #tpu.memory_space<hbm>> -> memref<1x8x64x64xf32, #tpu.memory_space<hbm>>
    %dma_wait3A_137 = tpu.memref_squeeze %dma_wait3A_136 : memref<1x8x64x64xf32, #tpu.memory_space<hbm>> -> memref<8x64x64xf32, #tpu.memory_space<hbm>>
    %dma_wait3A_138 = arith.constant 0 : i32
    %dma_wait3A_139 = arith.constant 0 : i32
    %dma_wait3A_140 = arith.constant 0 : i32
    %dma_wait3A_141 = tpu.memref_slice %arg2[%reduce_sum3A_74, %dma_wait3A_138, %dma_wait3A_139, %dma_wait3A_140] : memref<104x16x64x64xf32, #tpu.memory_space<hbm>> -> memref<1x8x64x64xf32, #tpu.memory_space<hbm>>
    %dma_wait3A_142 = tpu.memref_squeeze %dma_wait3A_141 : memref<1x8x64x64xf32, #tpu.memory_space<hbm>> -> memref<8x64x64xf32, #tpu.memory_space<hbm>>
    tpu.wait_dma2 semaphore(%arg13 : memref<!tpu.dma_semaphore, #tpu.memory_space<semaphore_mem>>) src(%dma_wait3A_142 : memref<8x64x64xf32, #tpu.memory_space<hbm>>) dst(%arg10 : memref<8x64x64xf32, #tpu.memory_space<vmem>>)
    %mul3A_143 = arith.constant 64 : i32
    %mul3A_144 = arith.muli %arg1, %mul3A_143 : i32
    %dma_start3A_145 = arith.constant 0 : i32
    %dma_start3A_146 = arith.constant 64 : i32
    %dma_start3A_147 = tpu.memref_slice %arg5[%arg0, %dma_start3A_145, %mul3A_144, %dma_start3A_146] : memref<2x16x1024x1024xf32, #tpu.memory_space<hbm>> -> memref<1x8x64x64xf32, #tpu.memory_space<hbm>>
    %dma_start3A_148 = tpu.memref_squeeze %dma_start3A_147 : memref<1x8x64x64xf32, #tpu.memory_space<hbm>> -> memref<8x64x64xf32, #tpu.memory_space<hbm>>
    %dma_start3A_149 = arith.constant 0 : i32
    %dma_start3A_150 = arith.constant 64 : i32
    %dma_start3A_151 = tpu.memref_slice %arg5[%arg0, %dma_start3A_149, %mul3A_144, %dma_start3A_150] : memref<2x16x1024x1024xf32, #tpu.memory_space<hbm>> -> memref<1x8x64x64xf32, #tpu.memory_space<hbm>>
    %dma_start3A_152 = tpu.memref_squeeze %dma_start3A_151 : memref<1x8x64x64xf32, #tpu.memory_space<hbm>> -> memref<8x64x64xf32, #tpu.memory_space<hbm>>
    tpu.enqueue_dma source(%arg10 : memref<8x64x64xf32, #tpu.memory_space<vmem>>) target(%dma_start3A_152 : memref<8x64x64xf32, #tpu.memory_space<hbm>>) target_semaphore(%arg16 : memref<!tpu.dma_semaphore, #tpu.memory_space<semaphore_mem>>)
    %dma_wait3A_153 = arith.constant 8 : i32
    %dma_wait3A_154 = arith.constant 0 : i32
    %dma_wait3A_155 = tpu.memref_slice %arg5[%arg0, %dma_wait3A_153, %mul3A_96, %dma_wait3A_154] : memref<2x16x1024x1024xf32, #tpu.memory_space<hbm>> -> memref<1x8x64x64xf32, #tpu.memory_space<hbm>>
    %dma_wait3A_156 = tpu.memref_squeeze %dma_wait3A_155 : memref<1x8x64x64xf32, #tpu.memory_space<hbm>> -> memref<8x64x64xf32, #tpu.memory_space<hbm>>
    %dma_wait3A_157 = arith.constant 8 : i32
    %dma_wait3A_158 = arith.constant 0 : i32
    %dma_wait3A_159 = tpu.memref_slice %arg5[%arg0, %dma_wait3A_157, %mul3A_96, %dma_wait3A_158] : memref<2x16x1024x1024xf32, #tpu.memory_space<hbm>> -> memref<1x8x64x64xf32, #tpu.memory_space<hbm>>
    %dma_wait3A_160 = tpu.memref_squeeze %dma_wait3A_159 : memref<1x8x64x64xf32, #tpu.memory_space<hbm>> -> memref<8x64x64xf32, #tpu.memory_space<hbm>>
    tpu.wait_dma2 semaphore(%arg15 : memref<!tpu.dma_semaphore, #tpu.memory_space<semaphore_mem>>) src(%arg9 : memref<8x64x64xf32, #tpu.memory_space<vmem>>) dst(%dma_wait3A_160 : memref<8x64x64xf32, #tpu.memory_space<hbm>>)
    %eq3A_161 = arith.constant 2 : i32
    %eq3A_162 = vector.broadcast %eq3A_161 : i32 to vector<16xi32>
    %eq3A_163 = arith.cmpi eq, %iota3A, %eq3A_162 : vector<16xi32>
    %jit3A_164 = arith.constant 0 : i32
    %broadcast_in_dim3A_165 = vector.broadcast %jit3A_164 : i32 to vector<16xi32>
    %select_n3A_166 = arith.select %eq3A_163, %sub3A_7, %broadcast_in_dim3A_165 : vector<16xi1>, vector<16xi32>
    %reduce_sum3A_167 = arith.constant true
    %reduce_sum3A_168 = vector.broadcast %reduce_sum3A_167 : i1 to vector<16xi1>
    %reduce_sum3A_169 = tpu.scan <sum>, %select_n3A_166 masked %reduce_sum3A_168 : vector<16xi32>, vector<16xi1> -> vector<16xi32>
    %reduce_sum3A_170 = vector.extract %reduce_sum3A_169[15] : i32 from vector<16xi32>
    %dma_start3A_171 = arith.constant 0 : i32
    %dma_start3A_172 = arith.constant 0 : i32
    %dma_start3A_173 = arith.constant 0 : i32
    %dma_start3A_174 = tpu.memref_slice %arg2[%reduce_sum3A_170, %dma_start3A_171, %dma_start3A_172, %dma_start3A_173] : memref<104x16x64x64xf32, #tpu.memory_space<hbm>> -> memref<1x8x64x64xf32, #tpu.memory_space<hbm>>
    %dma_start3A_175 = tpu.memref_squeeze %dma_start3A_174 : memref<1x8x64x64xf32, #tpu.memory_space<hbm>> -> memref<8x64x64xf32, #tpu.memory_space<hbm>>
    %dma_start3A_176 = arith.constant 0 : i32
    %dma_start3A_177 = arith.constant 0 : i32
    %dma_start3A_178 = arith.constant 0 : i32
    %dma_start3A_179 = tpu.memref_slice %arg2[%reduce_sum3A_170, %dma_start3A_176, %dma_start3A_177, %dma_start3A_178] : memref<104x16x64x64xf32, #tpu.memory_space<hbm>> -> memref<1x8x64x64xf32, #tpu.memory_space<hbm>>
    %dma_start3A_180 = tpu.memref_squeeze %dma_start3A_179 : memref<1x8x64x64xf32, #tpu.memory_space<hbm>> -> memref<8x64x64xf32, #tpu.memory_space<hbm>>
    tpu.enqueue_dma source(%dma_start3A_180 : memref<8x64x64xf32, #tpu.memory_space<hbm>>) target(%arg9 : memref<8x64x64xf32, #tpu.memory_space<vmem>>) target_semaphore(%arg12 : memref<!tpu.dma_semaphore, #tpu.memory_space<semaphore_mem>>)
    %dma_wait3A_181 = arith.constant 8 : i32
    %dma_wait3A_182 = arith.constant 0 : i32
    %dma_wait3A_183 = arith.constant 0 : i32
    %dma_wait3A_184 = tpu.memref_slice %arg2[%reduce_sum3A_122, %dma_wait3A_181, %dma_wait3A_182, %dma_wait3A_183] : memref<104x16x64x64xf32, #tpu.memory_space<hbm>> -> memref<1x8x64x64xf32, #tpu.memory_space<hbm>>
    %dma_wait3A_185 = tpu.memref_squeeze %dma_wait3A_184 : memref<1x8x64x64xf32, #tpu.memory_space<hbm>> -> memref<8x64x64xf32, #tpu.memory_space<hbm>>
    %dma_wait3A_186 = arith.constant 8 : i32
    %dma_wait3A_187 = arith.constant 0 : i32
    %dma_wait3A_188 = arith.constant 0 : i32
    %dma_wait3A_189 = tpu.memref_slice %arg2[%reduce_sum3A_122, %dma_wait3A_186, %dma_wait3A_187, %dma_wait3A_188] : memref<104x16x64x64xf32, #tpu.memory_space<hbm>> -> memref<1x8x64x64xf32, #tpu.memory_space<hbm>>
    %dma_wait3A_190 = tpu.memref_squeeze %dma_wait3A_189 : memref<1x8x64x64xf32, #tpu.memory_space<hbm>> -> memref<8x64x64xf32, #tpu.memory_space<hbm>>
    tpu.wait_dma2 semaphore(%arg11 : memref<!tpu.dma_semaphore, #tpu.memory_space<semaphore_mem>>) src(%dma_wait3A_190 : memref<8x64x64xf32, #tpu.memory_space<hbm>>) dst(%arg8 : memref<8x64x64xf32, #tpu.memory_space<vmem>>)
    %mul3A_191 = arith.constant 64 : i32
    %mul3A_192 = arith.muli %arg1, %mul3A_191 : i32
    %dma_start3A_193 = arith.constant 8 : i32
    %dma_start3A_194 = arith.constant 64 : i32
    %dma_start3A_195 = tpu.memref_slice %arg5[%arg0, %dma_start3A_193, %mul3A_192, %dma_start3A_194] : memref<2x16x1024x1024xf32, #tpu.memory_space<hbm>> -> memref<1x8x64x64xf32, #tpu.memory_space<hbm>>
    %dma_start3A_196 = tpu.memref_squeeze %dma_start3A_195 : memref<1x8x64x64xf32, #tpu.memory_space<hbm>> -> memref<8x64x64xf32, #tpu.memory_space<hbm>>
    %dma_start3A_197 = arith.constant 8 : i32
    %dma_start3A_198 = arith.constant 64 : i32
    %dma_start3A_199 = tpu.memref_slice %arg5[%arg0, %dma_start3A_197, %mul3A_192, %dma_start3A_198] : memref<2x16x1024x1024xf32, #tpu.memory_space<hbm>> -> memref<1x8x64x64xf32, #tpu.memory_space<hbm>>
    %dma_start3A_200 = tpu.memref_squeeze %dma_start3A_199 : memref<1x8x64x64xf32, #tpu.memory_space<hbm>> -> memref<8x64x64xf32, #tpu.memory_space<hbm>>
    tpu.enqueue_dma source(%arg8 : memref<8x64x64xf32, #tpu.memory_space<vmem>>) target(%dma_start3A_200 : memref<8x64x64xf32, #tpu.memory_space<hbm>>) target_semaphore(%arg14 : memref<!tpu.dma_semaphore, #tpu.memory_space<semaphore_mem>>)
    %dma_wait3A_201 = arith.constant 0 : i32
    %dma_wait3A_202 = arith.constant 64 : i32
    %dma_wait3A_203 = tpu.memref_slice %arg5[%arg0, %dma_wait3A_201, %mul3A_144, %dma_wait3A_202] : memref<2x16x1024x1024xf32, #tpu.memory_space<hbm>> -> memref<1x8x64x64xf32, #tpu.memory_space<hbm>>
    %dma_wait3A_204 = tpu.memref_squeeze %dma_wait3A_203 : memref<1x8x64x64xf32, #tpu.memory_space<hbm>> -> memref<8x64x64xf32, #tpu.memory_space<hbm>>
    %dma_wait3A_205 = arith.constant 0 : i32
    %dma_wait3A_206 = arith.constant 64 : i32
    %dma_wait3A_207 = tpu.memref_slice %arg5[%arg0, %dma_wait3A_205, %mul3A_144, %dma_wait3A_206] : memref<2x16x1024x1024xf32, #tpu.memory_space<hbm>> -> memref<1x8x64x64xf32, #tpu.memory_space<hbm>>
    %dma_wait3A_208 = tpu.memref_squeeze %dma_wait3A_207 : memref<1x8x64x64xf32, #tpu.memory_space<hbm>> -> memref<8x64x64xf32, #tpu.memory_space<hbm>>
    tpu.wait_dma2 semaphore(%arg16 : memref<!tpu.dma_semaphore, #tpu.memory_space<semaphore_mem>>) src(%arg10 : memref<8x64x64xf32, #tpu.memory_space<vmem>>) dst(%dma_wait3A_208 : memref<8x64x64xf32, #tpu.memory_space<hbm>>)
    %eq3A_209 = arith.constant 2 : i32
    %eq3A_210 = vector.broadcast %eq3A_209 : i32 to vector<16xi32>
    %eq3A_211 = arith.cmpi eq, %iota3A, %eq3A_210 : vector<16xi32>
    %jit3A_212 = arith.constant 0 : i32
    %broadcast_in_dim3A_213 = vector.broadcast %jit3A_212 : i32 to vector<16xi32>
    %select_n3A_214 = arith.select %eq3A_211, %sub3A_7, %broadcast_in_dim3A_213 : vector<16xi1>, vector<16xi32>
    %reduce_sum3A_215 = arith.constant true
    %reduce_sum3A_216 = vector.broadcast %reduce_sum3A_215 : i1 to vector<16xi1>
    %reduce_sum3A_217 = tpu.scan <sum>, %select_n3A_214 masked %reduce_sum3A_216 : vector<16xi32>, vector<16xi1> -> vector<16xi32>
    %reduce_sum3A_218 = vector.extract %reduce_sum3A_217[15] : i32 from vector<16xi32>
    %dma_start3A_219 = arith.constant 8 : i32
    %dma_start3A_220 = arith.constant 0 : i32
    %dma_start3A_221 = arith.constant 0 : i32
    %dma_start3A_222 = tpu.memref_slice %arg2[%reduce_sum3A_218, %dma_start3A_219, %dma_start3A_220, %dma_start3A_221] : memref<104x16x64x64xf32, #tpu.memory_space<hbm>> -> memref<1x8x64x64xf32, #tpu.memory_space<hbm>>
    %dma_start3A_223 = tpu.memref_squeeze %dma_start3A_222 : memref<1x8x64x64xf32, #tpu.memory_space<hbm>> -> memref<8x64x64xf32, #tpu.memory_space<hbm>>
    %dma_start3A_224 = arith.constant 8 : i32
    %dma_start3A_225 = arith.constant 0 : i32
    %dma_start3A_226 = arith.constant 0 : i32
    %dma_start3A_227 = tpu.memref_slice %arg2[%reduce_sum3A_218, %dma_start3A_224, %dma_start3A_225, %dma_start3A_226] : memref<104x16x64x64xf32, #tpu.memory_space<hbm>> -> memref<1x8x64x64xf32, #tpu.memory_space<hbm>>
    %dma_start3A_228 = tpu.memref_squeeze %dma_start3A_227 : memref<1x8x64x64xf32, #tpu.memory_space<hbm>> -> memref<8x64x64xf32, #tpu.memory_space<hbm>>
    tpu.enqueue_dma source(%dma_start3A_228 : memref<8x64x64xf32, #tpu.memory_space<hbm>>) target(%arg10 : memref<8x64x64xf32, #tpu.memory_space<vmem>>) target_semaphore(%arg13 : memref<!tpu.dma_semaphore, #tpu.memory_space<semaphore_mem>>)
    %dma_wait3A_229 = arith.constant 0 : i32
    %dma_wait3A_230 = arith.constant 0 : i32
    %dma_wait3A_231 = arith.constant 0 : i32
    %dma_wait3A_232 = tpu.memref_slice %arg2[%reduce_sum3A_170, %dma_wait3A_229, %dma_wait3A_230, %dma_wait3A_231] : memref<104x16x64x64xf32, #tpu.memory_space<hbm>> -> memref<1x8x64x64xf32, #tpu.memory_space<hbm>>
    %dma_wait3A_233 = tpu.memref_squeeze %dma_wait3A_232 : memref<1x8x64x64xf32, #tpu.memory_space<hbm>> -> memref<8x64x64xf32, #tpu.memory_space<hbm>>
    %dma_wait3A_234 = arith.constant 0 : i32
    %dma_wait3A_235 = arith.constant 0 : i32
    %dma_wait3A_236 = arith.constant 0 : i32
    %dma_wait3A_237 = tpu.memref_slice %arg2[%reduce_sum3A_170, %dma_wait3A_234, %dma_wait3A_235, %dma_wait3A_236] : memref<104x16x64x64xf32, #tpu.memory_space<hbm>> -> memref<1x8x64x64xf32, #tpu.memory_space<hbm>>
    %dma_wait3A_238 = tpu.memref_squeeze %dma_wait3A_237 : memref<1x8x64x64xf32, #tpu.memory_space<hbm>> -> memref<8x64x64xf32, #tpu.memory_space<hbm>>
    tpu.wait_dma2 semaphore(%arg12 : memref<!tpu.dma_semaphore, #tpu.memory_space<semaphore_mem>>) src(%dma_wait3A_238 : memref<8x64x64xf32, #tpu.memory_space<hbm>>) dst(%arg9 : memref<8x64x64xf32, #tpu.memory_space<vmem>>)
    %mul3A_239 = arith.constant 64 : i32
    %mul3A_240 = arith.muli %arg1, %mul3A_239 : i32
    %dma_start3A_241 = arith.constant 0 : i32
    %dma_start3A_242 = arith.constant 128 : i32
    %dma_start3A_243 = tpu.memref_slice %arg5[%arg0, %dma_start3A_241, %mul3A_240, %dma_start3A_242] : memref<2x16x1024x1024xf32, #tpu.memory_space<hbm>> -> memref<1x8x64x64xf32, #tpu.memory_space<hbm>>
    %dma_start3A_244 = tpu.memref_squeeze %dma_start3A_243 : memref<1x8x64x64xf32, #tpu.memory_space<hbm>> -> memref<8x64x64xf32, #tpu.memory_space<hbm>>
    %dma_start3A_245 = arith.constant 0 : i32
    %dma_start3A_246 = arith.constant 128 : i32
    %dma_start3A_247 = tpu.memref_slice %arg5[%arg0, %dma_start3A_245, %mul3A_240, %dma_start3A_246] : memref<2x16x1024x1024xf32, #tpu.memory_space<hbm>> -> memref<1x8x64x64xf32, #tpu.memory_space<hbm>>
    %dma_start3A_248 = tpu.memref_squeeze %dma_start3A_247 : memref<1x8x64x64xf32, #tpu.memory_space<hbm>> -> memref<8x64x64xf32, #tpu.memory_space<hbm>>
    tpu.enqueue_dma source(%arg9 : memref<8x64x64xf32, #tpu.memory_space<vmem>>) target(%dma_start3A_248 : memref<8x64x64xf32, #tpu.memory_space<hbm>>) target_semaphore(%arg15 : memref<!tpu.dma_semaphore, #tpu.memory_space<semaphore_mem>>)
    %dma_wait3A_249 = arith.constant 8 : i32
    %dma_wait3A_250 = arith.constant 64 : i32
    %dma_wait3A_251 = tpu.memref_slice %arg5[%arg0, %dma_wait3A_249, %mul3A_192, %dma_wait3A_250] : memref<2x16x1024x1024xf32, #tpu.memory_space<hbm>> -> memref<1x8x64x64xf32, #tpu.memory_space<hbm>>
    %dma_wait3A_252 = tpu.memref_squeeze %dma_wait3A_251 : memref<1x8x64x64xf32, #tpu.memory_space<hbm>> -> memref<8x64x64xf32, #tpu.memory_space<hbm>>
    %dma_wait3A_253 = arith.constant 8 : i32
    %dma_wait3A_254 = arith.constant 64 : i32
    %dma_wait3A_255 = tpu.memref_slice %arg5[%arg0, %dma_wait3A_253, %mul3A_192, %dma_wait3A_254] : memref<2x16x1024x1024xf32, #tpu.memory_space<hbm>> -> memref<1x8x64x64xf32, #tpu.memory_space<hbm>>
    %dma_wait3A_256 = tpu.memref_squeeze %dma_wait3A_255 : memref<1x8x64x64xf32, #tpu.memory_space<hbm>> -> memref<8x64x64xf32, #tpu.memory_space<hbm>>
    tpu.wait_dma2 semaphore(%arg14 : memref<!tpu.dma_semaphore, #tpu.memory_space<semaphore_mem>>) src(%arg8 : memref<8x64x64xf32, #tpu.memory_space<vmem>>) dst(%dma_wait3A_256 : memref<8x64x64xf32, #tpu.memory_space<hbm>>)
    %eq3A_257 = arith.constant 3 : i32
    %eq3A_258 = vector.broadcast %eq3A_257 : i32 to vector<16xi32>
    %eq3A_259 = arith.cmpi eq, %iota3A, %eq3A_258 : vector<16xi32>
    %jit3A_260 = arith.constant 0 : i32
    %broadcast_in_dim3A_261 = vector.broadcast %jit3A_260 : i32 to vector<16xi32>
    %select_n3A_262 = arith.select %eq3A_259, %sub3A_7, %broadcast_in_dim3A_261 : vector<16xi1>, vector<16xi32>
    %reduce_sum3A_263 = arith.constant true
    %reduce_sum3A_264 = vector.broadcast %reduce_sum3A_263 : i1 to vector<16xi1>
    %reduce_sum3A_265 = tpu.scan <sum>, %select_n3A_262 masked %reduce_sum3A_264 : vector<16xi32>, vector<16xi1> -> vector<16xi32>
    %reduce_sum3A_266 = vector.extract %reduce_sum3A_265[15] : i32 from vector<16xi32>
    %dma_start3A_267 = arith.constant 0 : i32
    %dma_start3A_268 = arith.constant 0 : i32
    %dma_start3A_269 = arith.constant 0 : i32
    %dma_start3A_270 = tpu.memref_slice %arg2[%reduce_sum3A_266, %dma_start3A_267, %dma_start3A_268, %dma_start3A_269] : memref<104x16x64x64xf32, #tpu.memory_space<hbm>> -> memref<1x8x64x64xf32, #tpu.memory_space<hbm>>
    %dma_start3A_271 = tpu.memref_squeeze %dma_start3A_270 : memref<1x8x64x64xf32, #tpu.memory_space<hbm>> -> memref<8x64x64xf32, #tpu.memory_space<hbm>>
    %dma_start3A_272 = arith.constant 0 : i32
    %dma_start3A_273 = arith.constant 0 : i32
    %dma_start3A_274 = arith.constant 0 : i32
    %dma_start3A_275 = tpu.memref_slice %arg2[%reduce_sum3A_266, %dma_start3A_272, %dma_start3A_273, %dma_start3A_274] : memref<104x16x64x64xf32, #tpu.memory_space<hbm>> -> memref<1x8x64x64xf32, #tpu.memory_space<hbm>>
    %dma_start3A_276 = tpu.memref_squeeze %dma_start3A_275 : memref<1x8x64x64xf32, #tpu.memory_space<hbm>> -> memref<8x64x64xf32, #tpu.memory_space<hbm>>
    tpu.enqueue_dma source(%dma_start3A_276 : memref<8x64x64xf32, #tpu.memory_space<hbm>>) target(%arg8 : memref<8x64x64xf32, #tpu.memory_space<vmem>>) target_semaphore(%arg11 : memref<!tpu.dma_semaphore, #tpu.memory_space<semaphore_mem>>)
    %dma_wait3A_277 = arith.constant 8 : i32
    %dma_wait3A_278 = arith.constant 0 : i32
    %dma_wait3A_279 = arith.constant 0 : i32
    %dma_wait3A_280 = tpu.memref_slice %arg2[%reduce_sum3A_218, %dma_wait3A_277, %dma_wait3A_278, %dma_wait3A_279] : memref<104x16x64x64xf32, #tpu.memory_space<hbm>> -> memref<1x8x64x64xf32, #tpu.memory_space<hbm>>
    %dma_wait3A_281 = tpu.memref_squeeze %dma_wait3A_280 : memref<1x8x64x64xf32, #tpu.memory_space<hbm>> -> memref<8x64x64xf32, #tpu.memory_space<hbm>>
    %dma_wait3A_282 = arith.constant 8 : i32
    %dma_wait3A_283 = arith.constant 0 : i32
    %dma_wait3A_284 = arith.constant 0 : i32
    %dma_wait3A_285 = tpu.memref_slice %arg2[%reduce_sum3A_218, %dma_wait3A_282, %dma_wait3A_283, %dma_wait3A_284] : memref<104x16x64x64xf32, #tpu.memory_space<hbm>> -> memref<1x8x64x64xf32, #tpu.memory_space<hbm>>
    %dma_wait3A_286 = tpu.memref_squeeze %dma_wait3A_285 : memref<1x8x64x64xf32, #tpu.memory_space<hbm>> -> memref<8x64x64xf32, #tpu.memory_space<hbm>>
    tpu.wait_dma2 semaphore(%arg13 : memref<!tpu.dma_semaphore, #tpu.memory_space<semaphore_mem>>) src(%dma_wait3A_286 : memref<8x64x64xf32, #tpu.memory_space<hbm>>) dst(%arg10 : memref<8x64x64xf32, #tpu.memory_space<vmem>>)
    %mul3A_287 = arith.constant 64 : i32
    %mul3A_288 = arith.muli %arg1, %mul3A_287 : i32
    %dma_start3A_289 = arith.constant 8 : i32
    %dma_start3A_290 = arith.constant 128 : i32
    %dma_start3A_291 = tpu.memref_slice %arg5[%arg0, %dma_start3A_289, %mul3A_288, %dma_start3A_290] : memref<2x16x1024x1024xf32, #tpu.memory_space<hbm>> -> memref<1x8x64x64xf32, #tpu.memory_space<hbm>>
    %dma_start3A_292 = tpu.memref_squeeze %dma_start3A_291 : memref<1x8x64x64xf32, #tpu.memory_space<hbm>> -> memref<8x64x64xf32, #tpu.memory_space<hbm>>
    %dma_start3A_293 = arith.constant 8 : i32
    %dma_start3A_294 = arith.constant 128 : i32
    %dma_start3A_295 = tpu.memref_slice %arg5[%arg0, %dma_start3A_293, %mul3A_288, %dma_start3A_294] : memref<2x16x1024x1024xf32, #tpu.memory_space<hbm>> -> memref<1x8x64x64xf32, #tpu.memory_space<hbm>>
    %dma_start3A_296 = tpu.memref_squeeze %dma_start3A_295 : memref<1x8x64x64xf32, #tpu.memory_space<hbm>> -> memref<8x64x64xf32, #tpu.memory_space<hbm>>
    tpu.enqueue_dma source(%arg10 : memref<8x64x64xf32, #tpu.memory_space<vmem>>) target(%dma_start3A_296 : memref<8x64x64xf32, #tpu.memory_space<hbm>>) target_semaphore(%arg16 : memref<!tpu.dma_semaphore, #tpu.memory_space<semaphore_mem>>)
    %dma_wait3A_297 = arith.constant 0 : i32
    %dma_wait3A_298 = arith.constant 128 : i32
    %dma_wait3A_299 = tpu.memref_slice %arg5[%arg0, %dma_wait3A_297, %mul3A_240, %dma_wait3A_298] : memref<2x16x1024x1024xf32, #tpu.memory_space<hbm>> -> memref<1x8x64x64xf32, #tpu.memory_space<hbm>>
    %dma_wait3A_300 = tpu.memref_squeeze %dma_wait3A_299 : memref<1x8x64x64xf32, #tpu.memory_space<hbm>> -> memref<8x64x64xf32, #tpu.memory_space<hbm>>
    %dma_wait3A_301 = arith.constant 0 : i32
    %dma_wait3A_302 = arith.constant 128 : i32
    %dma_wait3A_303 = tpu.memref_slice %arg5[%arg0, %dma_wait3A_301, %mul3A_240, %dma_wait3A_302] : memref<2x16x1024x1024xf32, #tpu.memory_space<hbm>> -> memref<1x8x64x64xf32, #tpu.memory_space<hbm>>
    %dma_wait3A_304 = tpu.memref_squeeze %dma_wait3A_303 : memref<1x8x64x64xf32, #tpu.memory_space<hbm>> -> memref<8x64x64xf32, #tpu.memory_space<hbm>>
    tpu.wait_dma2 semaphore(%arg15 : memref<!tpu.dma_semaphore, #tpu.memory_space<semaphore_mem>>) src(%arg9 : memref<8x64x64xf32, #tpu.memory_space<vmem>>) dst(%dma_wait3A_304 : memref<8x64x64xf32, #tpu.memory_space<hbm>>)
    %eq3A_305 = arith.constant 3 : i32
    %eq3A_306 = vector.broadcast %eq3A_305 : i32 to vector<16xi32>
    %eq3A_307 = arith.cmpi eq, %iota3A, %eq3A_306 : vector<16xi32>
    %jit3A_308 = arith.constant 0 : i32
    %broadcast_in_dim3A_309 = vector.broadcast %jit3A_308 : i32 to vector<16xi32>
    %select_n3A_310 = arith.select %eq3A_307, %sub3A_7, %broadcast_in_dim3A_309 : vector<16xi1>, vector<16xi32>
    %reduce_sum3A_311 = arith.constant true
    %reduce_sum3A_312 = vector.broadcast %reduce_sum3A_311 : i1 to vector<16xi1>
    %reduce_sum3A_313 = tpu.scan <sum>, %select_n3A_310 masked %reduce_sum3A_312 : vector<16xi32>, vector<16xi1> -> vector<16xi32>
    %reduce_sum3A_314 = vector.extract %reduce_sum3A_313[15] : i32 from vector<16xi32>
    %dma_start3A_315 = arith.constant 8 : i32
    %dma_start3A_316 = arith.constant 0 : i32
    %dma_start3A_317 = arith.constant 0 : i32
    %dma_start3A_318 = tpu.memref_slice %arg2[%reduce_sum3A_314, %dma_start3A_315, %dma_start3A_316, %dma_start3A_317] : memref<104x16x64x64xf32, #tpu.memory_space<hbm>> -> memref<1x8x64x64xf32, #tpu.memory_space<hbm>>
    %dma_start3A_319 = tpu.memref_squeeze %dma_start3A_318 : memref<1x8x64x64xf32, #tpu.memory_space<hbm>> -> memref<8x64x64xf32, #tpu.memory_space<hbm>>
    %dma_start3A_320 = arith.constant 8 : i32
    %dma_start3A_321 = arith.constant 0 : i32
    %dma_start3A_322 = arith.constant 0 : i32
    %dma_start3A_323 = tpu.memref_slice %arg2[%reduce_sum3A_314, %dma_start3A_320, %dma_start3A_321, %dma_start3A_322] : memref<104x16x64x64xf32, #tpu.memory_space<hbm>> -> memref<1x8x64x64xf32, #tpu.memory_space<hbm>>
    %dma_start3A_324 = tpu.memref_squeeze %dma_start3A_323 : memref<1x8x64x64xf32, #tpu.memory_space<hbm>> -> memref<8x64x64xf32, #tpu.memory_space<hbm>>
    tpu.enqueue_dma source(%dma_start3A_324 : memref<8x64x64xf32, #tpu.memory_space<hbm>>) target(%arg9 : memref<8x64x64xf32, #tpu.memory_space<vmem>>) target_semaphore(%arg12 : memref<!tpu.dma_semaphore, #tpu.memory_space<semaphore_mem>>)
    %dma_wait3A_325 = arith.constant 0 : i32
    %dma_wait3A_326 = arith.constant 0 : i32
    %dma_wait3A_327 = arith.constant 0 : i32
    %dma_wait3A_328 = tpu.memref_slice %arg2[%reduce_sum3A_266, %dma_wait3A_325, %dma_wait3A_326, %dma_wait3A_327] : memref<104x16x64x64xf32, #tpu.memory_space<hbm>> -> memref<1x8x64x64xf32, #tpu.memory_space<hbm>>
    %dma_wait3A_329 = tpu.memref_squeeze %dma_wait3A_328 : memref<1x8x64x64xf32, #tpu.memory_space<hbm>> -> memref<8x64x64xf32, #tpu.memory_space<hbm>>
    %dma_wait3A_330 = arith.constant 0 : i32
    %dma_wait3A_331 = arith.constant 0 : i32
    %dma_wait3A_332 = arith.constant 0 : i32
    %dma_wait3A_333 = tpu.memref_slice %arg2[%reduce_sum3A_266, %dma_wait3A_330, %dma_wait3A_331, %dma_wait3A_332] : memref<104x16x64x64xf32, #tpu.memory_space<hbm>> -> memref<1x8x64x64xf32, #tpu.memory_space<hbm>>
    %dma_wait3A_334 = tpu.memref_squeeze %dma_wait3A_333 : memref<1x8x64x64xf32, #tpu.memory_space<hbm>> -> memref<8x64x64xf32, #tpu.memory_space<hbm>>
    tpu.wait_dma2 semaphore(%arg11 : memref<!tpu.dma_semaphore, #tpu.memory_space<semaphore_mem>>) src(%dma_wait3A_334 : memref<8x64x64xf32, #tpu.memory_space<hbm>>) dst(%arg8 : memref<8x64x64xf32, #tpu.memory_space<vmem>>)
    %mul3A_335 = arith.constant 64 : i32
    %mul3A_336 = arith.muli %arg1, %mul3A_335 : i32
    %dma_start3A_337 = arith.constant 0 : i32
    %dma_start3A_338 = arith.constant 192 : i32
    %dma_start3A_339 = tpu.memref_slice %arg5[%arg0, %dma_start3A_337, %mul3A_336, %dma_start3A_338] : memref<2x16x1024x1024xf32, #tpu.memory_space<hbm>> -> memref<1x8x64x64xf32, #tpu.memory_space<hbm>>
    %dma_start3A_340 = tpu.memref_squeeze %dma_start3A_339 : memref<1x8x64x64xf32, #tpu.memory_space<hbm>> -> memref<8x64x64xf32, #tpu.memory_space<hbm>>
    %dma_start3A_341 = arith.constant 0 : i32
    %dma_start3A_342 = arith.constant 192 : i32
    %dma_start3A_343 = tpu.memref_slice %arg5[%arg0, %dma_start3A_341, %mul3A_336, %dma_start3A_342] : memref<2x16x1024x1024xf32, #tpu.memory_space<hbm>> -> memref<1x8x64x64xf32, #tpu.memory_space<hbm>>
    %dma_start3A_344 = tpu.memref_squeeze %dma_start3A_343 : memref<1x8x64x64xf32, #tpu.memory_space<hbm>> -> memref<8x64x64xf32, #tpu.memory_space<hbm>>
    tpu.enqueue_dma source(%arg8 : memref<8x64x64xf32, #tpu.memory_space<vmem>>) target(%dma_start3A_344 : memref<8x64x64xf32, #tpu.memory_space<hbm>>) target_semaphore(%arg14 : memref<!tpu.dma_semaphore, #tpu.memory_space<semaphore_mem>>)
    %dma_wait3A_345 = arith.constant 8 : i32
    %dma_wait3A_346 = arith.constant 128 : i32
    %dma_wait3A_347 = tpu.memref_slice %arg5[%arg0, %dma_wait3A_345, %mul3A_288, %dma_wait3A_346] : memref<2x16x1024x1024xf32, #tpu.memory_space<hbm>> -> memref<1x8x64x64xf32, #tpu.memory_space<hbm>>
    %dma_wait3A_348 = tpu.memref_squeeze %dma_wait3A_347 : memref<1x8x64x64xf32, #tpu.memory_space<hbm>> -> memref<8x64x64xf32, #tpu.memory_space<hbm>>
    %dma_wait3A_349 = arith.constant 8 : i32
    %dma_wait3A_350 = arith.constant 128 : i32
    %dma_wait3A_351 = tpu.memref_slice %arg5[%arg0, %dma_wait3A_349, %mul3A_288, %dma_wait3A_350] : memref<2x16x1024x1024xf32, #tpu.memory_space<hbm>> -> memref<1x8x64x64xf32, #tpu.memory_space<hbm>>
    %dma_wait3A_352 = tpu.memref_squeeze %dma_wait3A_351 : memref<1x8x64x64xf32, #tpu.memory_space<hbm>> -> memref<8x64x64xf32, #tpu.memory_space<hbm>>
    tpu.wait_dma2 semaphore(%arg16 : memref<!tpu.dma_semaphore, #tpu.memory_space<semaphore_mem>>) src(%arg10 : memref<8x64x64xf32, #tpu.memory_space<vmem>>) dst(%dma_wait3A_352 : memref<8x64x64xf32, #tpu.memory_space<hbm>>)
    %eq3A_353 = arith.constant 4 : i32
    %eq3A_354 = vector.broadcast %eq3A_353 : i32 to vector<16xi32>
    %eq3A_355 = arith.cmpi eq, %iota3A, %eq3A_354 : vector<16xi32>
    %jit3A_356 = arith.constant 0 : i32
    %broadcast_in_dim3A_357 = vector.broadcast %jit3A_356 : i32 to vector<16xi32>
    %select_n3A_358 = arith.select %eq3A_355, %sub3A_7, %broadcast_in_dim3A_357 : vector<16xi1>, vector<16xi32>
    %reduce_sum3A_359 = arith.constant true
    %reduce_sum3A_360 = vector.broadcast %reduce_sum3A_359 : i1 to vector<16xi1>
    %reduce_sum3A_361 = tpu.scan <sum>, %select_n3A_358 masked %reduce_sum3A_360 : vector<16xi32>, vector<16xi1> -> vector<16xi32>
    %reduce_sum3A_362 = vector.extract %reduce_sum3A_361[15] : i32 from vector<16xi32>
    %dma_start3A_363 = arith.constant 0 : i32
    %dma_start3A_364 = arith.constant 0 : i32
    %dma_start3A_365 = arith.constant 0 : i32
    %dma_start3A_366 = tpu.memref_slice %arg2[%reduce_sum3A_362, %dma_start3A_363, %dma_start3A_364, %dma_start3A_365] : memref<104x16x64x64xf32, #tpu.memory_space<hbm>> -> memref<1x8x64x64xf32, #tpu.memory_space<hbm>>
    %dma_start3A_367 = tpu.memref_squeeze %dma_start3A_366 : memref<1x8x64x64xf32, #tpu.memory_space<hbm>> -> memref<8x64x64xf32, #tpu.memory_space<hbm>>
    %dma_start3A_368 = arith.constant 0 : i32
    %dma_start3A_369 = arith.constant 0 : i32
    %dma_start3A_370 = arith.constant 0 : i32
    %dma_start3A_371 = tpu.memref_slice %arg2[%reduce_sum3A_362, %dma_start3A_368, %dma_start3A_369, %dma_start3A_370] : memref<104x16x64x64xf32, #tpu.memory_space<hbm>> -> memref<1x8x64x64xf32, #tpu.memory_space<hbm>>
    %dma_start3A_372 = tpu.memref_squeeze %dma_start3A_371 : memref<1x8x64x64xf32, #tpu.memory_space<hbm>> -> memref<8x64x64xf32, #tpu.memory_space<hbm>>
    tpu.enqueue_dma source(%dma_start3A_372 : memref<8x64x64xf32, #tpu.memory_space<hbm>>) target(%arg10 : memref<8x64x64xf32, #tpu.memory_space<vmem>>) target_semaphore(%arg13 : memref<!tpu.dma_semaphore, #tpu.memory_space<semaphore_mem>>)
    %dma_wait3A_373 = arith.constant 8 : i32
    %dma_wait3A_374 = arith.constant 0 : i32
    %dma_wait3A_375 = arith.constant 0 : i32
    %dma_wait3A_376 = tpu.memref_slice %arg2[%reduce_sum3A_314, %dma_wait3A_373, %dma_wait3A_374, %dma_wait3A_375] : memref<104x16x64x64xf32, #tpu.memory_space<hbm>> -> memref<1x8x64x64xf32, #tpu.memory_space<hbm>>
    %dma_wait3A_377 = tpu.memref_squeeze %dma_wait3A_376 : memref<1x8x64x64xf32, #tpu.memory_space<hbm>> -> memref<8x64x64xf32, #tpu.memory_space<hbm>>
    %dma_wait3A_378 = arith.constant 8 : i32
    %dma_wait3A_379 = arith.constant 0 : i32
    %dma_wait3A_380 = arith.constant 0 : i32
    %dma_wait3A_381 = tpu.memref_slice %arg2[%reduce_sum3A_314, %dma_wait3A_378, %dma_wait3A_379, %dma_wait3A_380] : memref<104x16x64x64xf32, #tpu.memory_space<hbm>> -> memref<1x8x64x64xf32, #tpu.memory_space<hbm>>
    %dma_wait3A_382 = tpu.memref_squeeze %dma_wait3A_381 : memref<1x8x64x64xf32, #tpu.memory_space<hbm>> -> memref<8x64x64xf32, #tpu.memory_space<hbm>>
    tpu.wait_dma2 semaphore(%arg12 : memref<!tpu.dma_semaphore, #tpu.memory_space<semaphore_mem>>) src(%dma_wait3A_382 : memref<8x64x64xf32, #tpu.memory_space<hbm>>) dst(%arg9 : memref<8x64x64xf32, #tpu.memory_space<vmem>>)
    %mul3A_383 = arith.constant 64 : i32
    %mul3A_384 = arith.muli %arg1, %mul3A_383 : i32
    %dma_start3A_385 = arith.constant 8 : i32
    %dma_start3A_386 = arith.constant 192 : i32
    %dma_start3A_387 = tpu.memref_slice %arg5[%arg0, %dma_start3A_385, %mul3A_384, %dma_start3A_386] : memref<2x16x1024x1024xf32, #tpu.memory_space<hbm>> -> memref<1x8x64x64xf32, #tpu.memory_space<hbm>>
    %dma_start3A_388 = tpu.memref_squeeze %dma_start3A_387 : memref<1x8x64x64xf32, #tpu.memory_space<hbm>> -> memref<8x64x64xf32, #tpu.memory_space<hbm>>
    %dma_start3A_389 = arith.constant 8 : i32
    %dma_start3A_390 = arith.constant 192 : i32
    %dma_start3A_391 = tpu.memref_slice %arg5[%arg0, %dma_start3A_389, %mul3A_384, %dma_start3A_390] : memref<2x16x1024x1024xf32, #tpu.memory_space<hbm>> -> memref<1x8x64x64xf32, #tpu.memory_space<hbm>>
    %dma_start3A_392 = tpu.memref_squeeze %dma_start3A_391 : memref<1x8x64x64xf32, #tpu.memory_space<hbm>> -> memref<8x64x64xf32, #tpu.memory_space<hbm>>
    tpu.enqueue_dma source(%arg9 : memref<8x64x64xf32, #tpu.memory_space<vmem>>) target(%dma_start3A_392 : memref<8x64x64xf32, #tpu.memory_space<hbm>>) target_semaphore(%arg15 : memref<!tpu.dma_semaphore, #tpu.memory_space<semaphore_mem>>)
    %dma_wait3A_393 = arith.constant 0 : i32
    %dma_wait3A_394 = arith.constant 192 : i32
    %dma_wait3A_395 = tpu.memref_slice %arg5[%arg0, %dma_wait3A_393, %mul3A_336, %dma_wait3A_394] : memref<2x16x1024x1024xf32, #tpu.memory_space<hbm>> -> memref<1x8x64x64xf32, #tpu.memory_space<hbm>>
    %dma_wait3A_396 = tpu.memref_squeeze %dma_wait3A_395 : memref<1x8x64x64xf32, #tpu.memory_space<hbm>> -> memref<8x64x64xf32, #tpu.memory_space<hbm>>
    %dma_wait3A_397 = arith.constant 0 : i32
    %dma_wait3A_398 = arith.constant 192 : i32
    %dma_wait3A_399 = tpu.memref_slice %arg5[%arg0, %dma_wait3A_397, %mul3A_336, %dma_wait3A_398] : memref<2x16x1024x1024xf32, #tpu.memory_space<hbm>> -> memref<1x8x64x64xf32, #tpu.memory_space<hbm>>
    %dma_wait3A_400 = tpu.memref_squeeze %dma_wait3A_399 : memref<1x8x64x64xf32, #tpu.memory_space<hbm>> -> memref<8x64x64xf32, #tpu.memory_space<hbm>>
    tpu.wait_dma2 semaphore(%arg14 : memref<!tpu.dma_semaphore, #tpu.memory_space<semaphore_mem>>) src(%arg8 : memref<8x64x64xf32, #tpu.memory_space<vmem>>) dst(%dma_wait3A_400 : memref<8x64x64xf32, #tpu.memory_space<hbm>>)
    %eq3A_401 = arith.constant 4 : i32
    %eq3A_402 = vector.broadcast %eq3A_401 : i32 to vector<16xi32>
    %eq3A_403 = arith.cmpi eq, %iota3A, %eq3A_402 : vector<16xi32>
    %jit3A_404 = arith.constant 0 : i32
    %broadcast_in_dim3A_405 = vector.broadcast %jit3A_404 : i32 to vector<16xi32>
    %select_n3A_406 = arith.select %eq3A_403, %sub3A_7, %broadcast_in_dim3A_405 : vector<16xi1>, vector<16xi32>
    %reduce_sum3A_407 = arith.constant true
    %reduce_sum3A_408 = vector.broadcast %reduce_sum3A_407 : i1 to vector<16xi1>
    %reduce_sum3A_409 = tpu.scan <sum>, %select_n3A_406 masked %reduce_sum3A_408 : vector<16xi32>, vector<16xi1> -> vector<16xi32>
    %reduce_sum3A_410 = vector.extract %reduce_sum3A_409[15] : i32 from vector<16xi32>
    %dma_start3A_411 = arith.constant 8 : i32
    %dma_start3A_412 = arith.constant 0 : i32
    %dma_start3A_413 = arith.constant 0 : i32
    %dma_start3A_414 = tpu.memref_slice %arg2[%reduce_sum3A_410, %dma_start3A_411, %dma_start3A_412, %dma_start3A_413] : memref<104x16x64x64xf32, #tpu.memory_space<hbm>> -> memref<1x8x64x64xf32, #tpu.memory_space<hbm>>
    %dma_start3A_415 = tpu.memref_squeeze %dma_start3A_414 : memref<1x8x64x64xf32, #tpu.memory_space<hbm>> -> memref<8x64x64xf32, #tpu.memory_space<hbm>>
    %dma_start3A_416 = arith.constant 8 : i32
    %dma_start3A_417 = arith.constant 0 : i32
    %dma_start3A_418 = arith.constant 0 : i32
    %dma_start3A_419 = tpu.memref_slice %arg2[%reduce_sum3A_410, %dma_start3A_416, %dma_start3A_417, %dma_start3A_418] : memref<104x16x64x64xf32, #tpu.memory_space<hbm>> -> memref<1x8x64x64xf32, #tpu.memory_space<hbm>>
    %dma_start3A_420 = tpu.memref_squeeze %dma_start3A_419 : memref<1x8x64x64xf32, #tpu.memory_space<hbm>> -> memref<8x64x64xf32, #tpu.memory_space<hbm>>
    tpu.enqueue_dma source(%dma_start3A_420 : memref<8x64x64xf32, #tpu.memory_space<hbm>>) target(%arg8 : memref<8x64x64xf32, #tpu.memory_space<vmem>>) target_semaphore(%arg11 : memref<!tpu.dma_semaphore, #tpu.memory_space<semaphore_mem>>)
    %dma_wait3A_421 = arith.constant 0 : i32
    %dma_wait3A_422 = arith.constant 0 : i32
    %dma_wait3A_423 = arith.constant 0 : i32
    %dma_wait3A_424 = tpu.memref_slice %arg2[%reduce_sum3A_362, %dma_wait3A_421, %dma_wait3A_422, %dma_wait3A_423] : memref<104x16x64x64xf32, #tpu.memory_space<hbm>> -> memref<1x8x64x64xf32, #tpu.memory_space<hbm>>
    %dma_wait3A_425 = tpu.memref_squeeze %dma_wait3A_424 : memref<1x8x64x64xf32, #tpu.memory_space<hbm>> -> memref<8x64x64xf32, #tpu.memory_space<hbm>>
    %dma_wait3A_426 = arith.constant 0 : i32
    %dma_wait3A_427 = arith.constant 0 : i32
    %dma_wait3A_428 = arith.constant 0 : i32
    %dma_wait3A_429 = tpu.memref_slice %arg2[%reduce_sum3A_362, %dma_wait3A_426, %dma_wait3A_427, %dma_wait3A_428] : memref<104x16x64x64xf32, #tpu.memory_space<hbm>> -> memref<1x8x64x64xf32, #tpu.memory_space<hbm>>
    %dma_wait3A_430 = tpu.memref_squeeze %dma_wait3A_429 : memref<1x8x64x64xf32, #tpu.memory_space<hbm>> -> memref<8x64x64xf32, #tpu.memory_space<hbm>>
    tpu.wait_dma2 semaphore(%arg13 : memref<!tpu.dma_semaphore, #tpu.memory_space<semaphore_mem>>) src(%dma_wait3A_430 : memref<8x64x64xf32, #tpu.memory_space<hbm>>) dst(%arg10 : memref<8x64x64xf32, #tpu.memory_space<vmem>>)
    %mul3A_431 = arith.constant 64 : i32
    %mul3A_432 = arith.muli %arg1, %mul3A_431 : i32
    %dma_start3A_433 = arith.constant 0 : i32
    %dma_start3A_434 = arith.constant 256 : i32
    %dma_start3A_435 = tpu.memref_slice %arg5[%arg0, %dma_start3A_433, %mul3A_432, %dma_start3A_434] : memref<2x16x1024x1024xf32, #tpu.memory_space<hbm>> -> memref<1x8x64x64xf32, #tpu.memory_space<hbm>>
    %dma_start3A_436 = tpu.memref_squeeze %dma_start3A_435 : memref<1x8x64x64xf32, #tpu.memory_space<hbm>> -> memref<8x64x64xf32, #tpu.memory_space<hbm>>
    %dma_start3A_437 = arith.constant 0 : i32
    %dma_start3A_438 = arith.constant 256 : i32
    %dma_start3A_439 = tpu.memref_slice %arg5[%arg0, %dma_start3A_437, %mul3A_432, %dma_start3A_438] : memref<2x16x1024x1024xf32, #tpu.memory_space<hbm>> -> memref<1x8x64x64xf32, #tpu.memory_space<hbm>>
    %dma_start3A_440 = tpu.memref_squeeze %dma_start3A_439 : memref<1x8x64x64xf32, #tpu.memory_space<hbm>> -> memref<8x64x64xf32, #tpu.memory_space<hbm>>
    tpu.enqueue_dma source(%arg10 : memref<8x64x64xf32, #tpu.memory_space<vmem>>) target(%dma_start3A_440 : memref<8x64x64xf32, #tpu.memory_space<hbm>>) target_semaphore(%arg16 : memref<!tpu.dma_semaphore, #tpu.memory_space<semaphore_mem>>)
    %dma_wait3A_441 = arith.constant 8 : i32
    %dma_wait3A_442 = arith.constant 192 : i32
    %dma_wait3A_443 = tpu.memref_slice %arg5[%arg0, %dma_wait3A_441, %mul3A_384, %dma_wait3A_442] : memref<2x16x1024x1024xf32, #tpu.memory_space<hbm>> -> memref<1x8x64x64xf32, #tpu.memory_space<hbm>>
    %dma_wait3A_444 = tpu.memref_squeeze %dma_wait3A_443 : memref<1x8x64x64xf32, #tpu.memory_space<hbm>> -> memref<8x64x64xf32, #tpu.memory_space<hbm>>
    %dma_wait3A_445 = arith.constant 8 : i32
    %dma_wait3A_446 = arith.constant 192 : i32
    %dma_wait3A_447 = tpu.memref_slice %arg5[%arg0, %dma_wait3A_445, %mul3A_384, %dma_wait3A_446] : memref<2x16x1024x1024xf32, #tpu.memory_space<hbm>> -> memref<1x8x64x64xf32, #tpu.memory_space<hbm>>
    %dma_wait3A_448 = tpu.memref_squeeze %dma_wait3A_447 : memref<1x8x64x64xf32, #tpu.memory_space<hbm>> -> memref<8x64x64xf32, #tpu.memory_space<hbm>>
    tpu.wait_dma2 semaphore(%arg15 : memref<!tpu.dma_semaphore, #tpu.memory_space<semaphore_mem>>) src(%arg9 : memref<8x64x64xf32, #tpu.memory_space<vmem>>) dst(%dma_wait3A_448 : memref<8x64x64xf32, #tpu.memory_space<hbm>>)
    %eq3A_449 = arith.constant 5 : i32
    %eq3A_450 = vector.broadcast %eq3A_449 : i32 to vector<16xi32>
    %eq3A_451 = arith.cmpi eq, %iota3A, %eq3A_450 : vector<16xi32>
    %jit3A_452 = arith.constant 0 : i32
    %broadcast_in_dim3A_453 = vector.broadcast %jit3A_452 : i32 to vector<16xi32>
    %select_n3A_454 = arith.select %eq3A_451, %sub3A_7, %broadcast_in_dim3A_453 : vector<16xi1>, vector<16xi32>
    %reduce_sum3A_455 = arith.constant true
    %reduce_sum3A_456 = vector.broadcast %reduce_sum3A_455 : i1 to vector<16xi1>
    %reduce_sum3A_457 = tpu.scan <sum>, %select_n3A_454 masked %reduce_sum3A_456 : vector<16xi32>, vector<16xi1> -> vector<16xi32>
    %reduce_sum3A_458 = vector.extract %reduce_sum3A_457[15] : i32 from vector<16xi32>
    %dma_start3A_459 = arith.constant 0 : i32
    %dma_start3A_460 = arith.constant 0 : i32
    %dma_start3A_461 = arith.constant 0 : i32
    %dma_start3A_462 = tpu.memref_slice %arg2[%reduce_sum3A_458, %dma_start3A_459, %dma_start3A_460, %dma_start3A_461] : memref<104x16x64x64xf32, #tpu.memory_space<hbm>> -> memref<1x8x64x64xf32, #tpu.memory_space<hbm>>
    %dma_start3A_463 = tpu.memref_squeeze %dma_start3A_462 : memref<1x8x64x64xf32, #tpu.memory_space<hbm>> -> memref<8x64x64xf32, #tpu.memory_space<hbm>>
    %dma_start3A_464 = arith.constant 0 : i32
    %dma_start3A_465 = arith.constant 0 : i32
    %dma_start3A_466 = arith.constant 0 : i32
    %dma_start3A_467 = tpu.memref_slice %arg2[%reduce_sum3A_458, %dma_start3A_464, %dma_start3A_465, %dma_start3A_466] : memref<104x16x64x64xf32, #tpu.memory_space<hbm>> -> memref<1x8x64x64xf32, #tpu.memory_space<hbm>>
    %dma_start3A_468 = tpu.memref_squeeze %dma_start3A_467 : memref<1x8x64x64xf32, #tpu.memory_space<hbm>> -> memref<8x64x64xf32, #tpu.memory_space<hbm>>
    tpu.enqueue_dma source(%dma_start3A_468 : memref<8x64x64xf32, #tpu.memory_space<hbm>>) target(%arg9 : memref<8x64x64xf32, #tpu.memory_space<vmem>>) target_semaphore(%arg12 : memref<!tpu.dma_semaphore, #tpu.memory_space<semaphore_mem>>)
    %dma_wait3A_469 = arith.constant 8 : i32
    %dma_wait3A_470 = arith.constant 0 : i32
    %dma_wait3A_471 = arith.constant 0 : i32
    %dma_wait3A_472 = tpu.memref_slice %arg2[%reduce_sum3A_410, %dma_wait3A_469, %dma_wait3A_470, %dma_wait3A_471] : memref<104x16x64x64xf32, #tpu.memory_space<hbm>> -> memref<1x8x64x64xf32, #tpu.memory_space<hbm>>
    %dma_wait3A_473 = tpu.memref_squeeze %dma_wait3A_472 : memref<1x8x64x64xf32, #tpu.memory_space<hbm>> -> memref<8x64x64xf32, #tpu.memory_space<hbm>>
    %dma_wait3A_474 = arith.constant 8 : i32
    %dma_wait3A_475 = arith.constant 0 : i32
    %dma_wait3A_476 = arith.constant 0 : i32
    %dma_wait3A_477 = tpu.memref_slice %arg2[%reduce_sum3A_410, %dma_wait3A_474, %dma_wait3A_475, %dma_wait3A_476] : memref<104x16x64x64xf32, #tpu.memory_space<hbm>> -> memref<1x8x64x64xf32, #tpu.memory_space<hbm>>
    %dma_wait3A_478 = tpu.memref_squeeze %dma_wait3A_477 : memref<1x8x64x64xf32, #tpu.memory_space<hbm>> -> memref<8x64x64xf32, #tpu.memory_space<hbm>>
    tpu.wait_dma2 semaphore(%arg11 : memref<!tpu.dma_semaphore, #tpu.memory_space<semaphore_mem>>) src(%dma_wait3A_478 : memref<8x64x64xf32, #tpu.memory_space<hbm>>) dst(%arg8 : memref<8x64x64xf32, #tpu.memory_space<vmem>>)
    %mul3A_479 = arith.constant 64 : i32
    %mul3A_480 = arith.muli %arg1, %mul3A_479 : i32
    %dma_start3A_481 = arith.constant 8 : i32
    %dma_start3A_482 = arith.constant 256 : i32
    %dma_start3A_483 = tpu.memref_slice %arg5[%arg0, %dma_start3A_481, %mul3A_480, %dma_start3A_482] : memref<2x16x1024x1024xf32, #tpu.memory_space<hbm>> -> memref<1x8x64x64xf32, #tpu.memory_space<hbm>>
    %dma_start3A_484 = tpu.memref_squeeze %dma_start3A_483 : memref<1x8x64x64xf32, #tpu.memory_space<hbm>> -> memref<8x64x64xf32, #tpu.memory_space<hbm>>
    %dma_start3A_485 = arith.constant 8 : i32
    %dma_start3A_486 = arith.constant 256 : i32
    %dma_start3A_487 = tpu.memref_slice %arg5[%arg0, %dma_start3A_485, %mul3A_480, %dma_start3A_486] : memref<2x16x1024x1024xf32, #tpu.memory_space<hbm>> -> memref<1x8x64x64xf32, #tpu.memory_space<hbm>>
    %dma_start3A_488 = tpu.memref_squeeze %dma_start3A_487 : memref<1x8x64x64xf32, #tpu.memory_space<hbm>> -> memref<8x64x64xf32, #tpu.memory_space<hbm>>
    tpu.enqueue_dma source(%arg8 : memref<8x64x64xf32, #tpu.memory_space<vmem>>) target(%dma_start3A_488 : memref<8x64x64xf32, #tpu.memory_space<hbm>>) target_semaphore(%arg14 : memref<!tpu.dma_semaphore, #tpu.memory_space<semaphore_mem>>)
    %dma_wait3A_489 = arith.constant 0 : i32
    %dma_wait3A_490 = arith.constant 256 : i32
    %dma_wait3A_491 = tpu.memref_slice %arg5[%arg0, %dma_wait3A_489, %mul3A_432, %dma_wait3A_490] : memref<2x16x1024x1024xf32, #tpu.memory_space<hbm>> -> memref<1x8x64x64xf32, #tpu.memory_space<hbm>>
    %dma_wait3A_492 = tpu.memref_squeeze %dma_wait3A_491 : memref<1x8x64x64xf32, #tpu.memory_space<hbm>> -> memref<8x64x64xf32, #tpu.memory_space<hbm>>
    %dma_wait3A_493 = arith.constant 0 : i32
    %dma_wait3A_494 = arith.constant 256 : i32
    %dma_wait3A_495 = tpu.memref_slice %arg5[%arg0, %dma_wait3A_493, %mul3A_432, %dma_wait3A_494] : memref<2x16x1024x1024xf32, #tpu.memory_space<hbm>> -> memref<1x8x64x64xf32, #tpu.memory_space<hbm>>
    %dma_wait3A_496 = tpu.memref_squeeze %dma_wait3A_495 : memref<1x8x64x64xf32, #tpu.memory_space<hbm>> -> memref<8x64x64xf32, #tpu.memory_space<hbm>>
    tpu.wait_dma2 semaphore(%arg16 : memref<!tpu.dma_semaphore, #tpu.memory_space<semaphore_mem>>) src(%arg10 : memref<8x64x64xf32, #tpu.memory_space<vmem>>) dst(%dma_wait3A_496 : memref<8x64x64xf32, #tpu.memory_space<hbm>>)
    %eq3A_497 = arith.constant 5 : i32
    %eq3A_498 = vector.broadcast %eq3A_497 : i32 to vector<16xi32>
    %eq3A_499 = arith.cmpi eq, %iota3A, %eq3A_498 : vector<16xi32>
    %jit3A_500 = arith.constant 0 : i32
    %broadcast_in_dim3A_501 = vector.broadcast %jit3A_500 : i32 to vector<16xi32>
    %select_n3A_502 = arith.select %eq3A_499, %sub3A_7, %broadcast_in_dim3A_501 : vector<16xi1>, vector<16xi32>
    %reduce_sum3A_503 = arith.constant true
    %reduce_sum3A_504 = vector.broadcast %reduce_sum3A_503 : i1 to vector<16xi1>
    %reduce_sum3A_505 = tpu.scan <sum>, %select_n3A_502 masked %reduce_sum3A_504 : vector<16xi32>, vector<16xi1> -> vector<16xi32>
    %reduce_sum3A_506 = vector.extract %reduce_sum3A_505[15] : i32 from vector<16xi32>
    %dma_start3A_507 = arith.constant 8 : i32
    %dma_start3A_508 = arith.constant 0 : i32
    %dma_start3A_509 = arith.constant 0 : i32
    %dma_start3A_510 = tpu.memref_slice %arg2[%reduce_sum3A_506, %dma_start3A_507, %dma_start3A_508, %dma_start3A_509] : memref<104x16x64x64xf32, #tpu.memory_space<hbm>> -> memref<1x8x64x64xf32, #tpu.memory_space<hbm>>
    %dma_start3A_511 = tpu.memref_squeeze %dma_start3A_510 : memref<1x8x64x64xf32, #tpu.memory_space<hbm>> -> memref<8x64x64xf32, #tpu.memory_space<hbm>>
    %dma_start3A_512 = arith.constant 8 : i32
    %dma_start3A_513 = arith.constant 0 : i32
    %dma_start3A_514 = arith.constant 0 : i32
    %dma_start3A_515 = tpu.memref_slice %arg2[%reduce_sum3A_506, %dma_start3A_512, %dma_start3A_513, %dma_start3A_514] : memref<104x16x64x64xf32, #tpu.memory_space<hbm>> -> memref<1x8x64x64xf32, #tpu.memory_space<hbm>>
    %dma_start3A_516 = tpu.memref_squeeze %dma_start3A_515 : memref<1x8x64x64xf32, #tpu.memory_space<hbm>> -> memref<8x64x64xf32, #tpu.memory_space<hbm>>
    tpu.enqueue_dma source(%dma_start3A_516 : memref<8x64x64xf32, #tpu.memory_space<hbm>>) target(%arg10 : memref<8x64x64xf32, #tpu.memory_space<vmem>>) target_semaphore(%arg13 : memref<!tpu.dma_semaphore, #tpu.memory_space<semaphore_mem>>)
    %dma_wait3A_517 = arith.constant 0 : i32
    %dma_wait3A_518 = arith.constant 0 : i32
    %dma_wait3A_519 = arith.constant 0 : i32
    %dma_wait3A_520 = tpu.memref_slice %arg2[%reduce_sum3A_458, %dma_wait3A_517, %dma_wait3A_518, %dma_wait3A_519] : memref<104x16x64x64xf32, #tpu.memory_space<hbm>> -> memref<1x8x64x64xf32, #tpu.memory_space<hbm>>
    %dma_wait3A_521 = tpu.memref_squeeze %dma_wait3A_520 : memref<1x8x64x64xf32, #tpu.memory_space<hbm>> -> memref<8x64x64xf32, #tpu.memory_space<hbm>>
    %dma_wait3A_522 = arith.constant 0 : i32
    %dma_wait3A_523 = arith.constant 0 : i32
    %dma_wait3A_524 = arith.constant 0 : i32
    %dma_wait3A_525 = tpu.memref_slice %arg2[%reduce_sum3A_458, %dma_wait3A_522, %dma_wait3A_523, %dma_wait3A_524] : memref<104x16x64x64xf32, #tpu.memory_space<hbm>> -> memref<1x8x64x64xf32, #tpu.memory_space<hbm>>
    %dma_wait3A_526 = tpu.memref_squeeze %dma_wait3A_525 : memref<1x8x64x64xf32, #tpu.memory_space<hbm>> -> memref<8x64x64xf32, #tpu.memory_space<hbm>>
    tpu.wait_dma2 semaphore(%arg12 : memref<!tpu.dma_semaphore, #tpu.memory_space<semaphore_mem>>) src(%dma_wait3A_526 : memref<8x64x64xf32, #tpu.memory_space<hbm>>) dst(%arg9 : memref<8x64x64xf32, #tpu.memory_space<vmem>>)
    %mul3A_527 = arith.constant 64 : i32
    %mul3A_528 = arith.muli %arg1, %mul3A_527 : i32
    %dma_start3A_529 = arith.constant 0 : i32
    %dma_start3A_530 = arith.constant 320 : i32
    %dma_start3A_531 = tpu.memref_slice %arg5[%arg0, %dma_start3A_529, %mul3A_528, %dma_start3A_530] : memref<2x16x1024x1024xf32, #tpu.memory_space<hbm>> -> memref<1x8x64x64xf32, #tpu.memory_space<hbm>>
    %dma_start3A_532 = tpu.memref_squeeze %dma_start3A_531 : memref<1x8x64x64xf32, #tpu.memory_space<hbm>> -> memref<8x64x64xf32, #tpu.memory_space<hbm>>
    %dma_start3A_533 = arith.constant 0 : i32
    %dma_start3A_534 = arith.constant 320 : i32
    %dma_start3A_535 = tpu.memref_slice %arg5[%arg0, %dma_start3A_533, %mul3A_528, %dma_start3A_534] : memref<2x16x1024x1024xf32, #tpu.memory_space<hbm>> -> memref<1x8x64x64xf32, #tpu.memory_space<hbm>>
    %dma_start3A_536 = tpu.memref_squeeze %dma_start3A_535 : memref<1x8x64x64xf32, #tpu.memory_space<hbm>> -> memref<8x64x64xf32, #tpu.memory_space<hbm>>
    tpu.enqueue_dma source(%arg9 : memref<8x64x64xf32, #tpu.memory_space<vmem>>) target(%dma_start3A_536 : memref<8x64x64xf32, #tpu.memory_space<hbm>>) target_semaphore(%arg15 : memref<!tpu.dma_semaphore, #tpu.memory_space<semaphore_mem>>)
    %dma_wait3A_537 = arith.constant 8 : i32
    %dma_wait3A_538 = arith.constant 256 : i32
    %dma_wait3A_539 = tpu.memref_slice %arg5[%arg0, %dma_wait3A_537, %mul3A_480, %dma_wait3A_538] : memref<2x16x1024x1024xf32, #tpu.memory_space<hbm>> -> memref<1x8x64x64xf32, #tpu.memory_space<hbm>>
    %dma_wait3A_540 = tpu.memref_squeeze %dma_wait3A_539 : memref<1x8x64x64xf32, #tpu.memory_space<hbm>> -> memref<8x64x64xf32, #tpu.memory_space<hbm>>
    %dma_wait3A_541 = arith.constant 8 : i32
    %dma_wait3A_542 = arith.constant 256 : i32
    %dma_wait3A_543 = tpu.memref_slice %arg5[%arg0, %dma_wait3A_541, %mul3A_480, %dma_wait3A_542] : memref<2x16x1024x1024xf32, #tpu.memory_space<hbm>> -> memref<1x8x64x64xf32, #tpu.memory_space<hbm>>
    %dma_wait3A_544 = tpu.memref_squeeze %dma_wait3A_543 : memref<1x8x64x64xf32, #tpu.memory_space<hbm>> -> memref<8x64x64xf32, #tpu.memory_space<hbm>>
    tpu.wait_dma2 semaphore(%arg14 : memref<!tpu.dma_semaphore, #tpu.memory_space<semaphore_mem>>) src(%arg8 : memref<8x64x64xf32, #tpu.memory_space<vmem>>) dst(%dma_wait3A_544 : memref<8x64x64xf32, #tpu.memory_space<hbm>>)
    %eq3A_545 = arith.constant 6 : i32
    %eq3A_546 = vector.broadcast %eq3A_545 : i32 to vector<16xi32>
    %eq3A_547 = arith.cmpi eq, %iota3A, %eq3A_546 : vector<16xi32>
    %jit3A_548 = arith.constant 0 : i32
    %broadcast_in_dim3A_549 = vector.broadcast %jit3A_548 : i32 to vector<16xi32>
    %select_n3A_550 = arith.select %eq3A_547, %sub3A_7, %broadcast_in_dim3A_549 : vector<16xi1>, vector<16xi32>
    %reduce_sum3A_551 = arith.constant true
    %reduce_sum3A_552 = vector.broadcast %reduce_sum3A_551 : i1 to vector<16xi1>
    %reduce_sum3A_553 = tpu.scan <sum>, %select_n3A_550 masked %reduce_sum3A_552 : vector<16xi32>, vector<16xi1> -> vector<16xi32>
    %reduce_sum3A_554 = vector.extract %reduce_sum3A_553[15] : i32 from vector<16xi32>
    %dma_start3A_555 = arith.constant 0 : i32
    %dma_start3A_556 = arith.constant 0 : i32
    %dma_start3A_557 = arith.constant 0 : i32
    %dma_start3A_558 = tpu.memref_slice %arg2[%reduce_sum3A_554, %dma_start3A_555, %dma_start3A_556, %dma_start3A_557] : memref<104x16x64x64xf32, #tpu.memory_space<hbm>> -> memref<1x8x64x64xf32, #tpu.memory_space<hbm>>
    %dma_start3A_559 = tpu.memref_squeeze %dma_start3A_558 : memref<1x8x64x64xf32, #tpu.memory_space<hbm>> -> memref<8x64x64xf32, #tpu.memory_space<hbm>>
    %dma_start3A_560 = arith.constant 0 : i32
    %dma_start3A_561 = arith.constant 0 : i32
    %dma_start3A_562 = arith.constant 0 : i32
    %dma_start3A_563 = tpu.memref_slice %arg2[%reduce_sum3A_554, %dma_start3A_560, %dma_start3A_561, %dma_start3A_562] : memref<104x16x64x64xf32, #tpu.memory_space<hbm>> -> memref<1x8x64x64xf32, #tpu.memory_space<hbm>>
    %dma_start3A_564 = tpu.memref_squeeze %dma_start3A_563 : memref<1x8x64x64xf32, #tpu.memory_space<hbm>> -> memref<8x64x64xf32, #tpu.memory_space<hbm>>
    tpu.enqueue_dma source(%dma_start3A_564 : memref<8x64x64xf32, #tpu.memory_space<hbm>>) target(%arg8 : memref<8x64x64xf32, #tpu.memory_space<vmem>>) target_semaphore(%arg11 : memref<!tpu.dma_semaphore, #tpu.memory_space<semaphore_mem>>)
    %dma_wait3A_565 = arith.constant 8 : i32
    %dma_wait3A_566 = arith.constant 0 : i32
    %dma_wait3A_567 = arith.constant 0 : i32
    %dma_wait3A_568 = tpu.memref_slice %arg2[%reduce_sum3A_506, %dma_wait3A_565, %dma_wait3A_566, %dma_wait3A_567] : memref<104x16x64x64xf32, #tpu.memory_space<hbm>> -> memref<1x8x64x64xf32, #tpu.memory_space<hbm>>
    %dma_wait3A_569 = tpu.memref_squeeze %dma_wait3A_568 : memref<1x8x64x64xf32, #tpu.memory_space<hbm>> -> memref<8x64x64xf32, #tpu.memory_space<hbm>>
    %dma_wait3A_570 = arith.constant 8 : i32
    %dma_wait3A_571 = arith.constant 0 : i32
    %dma_wait3A_572 = arith.constant 0 : i32
    %dma_wait3A_573 = tpu.memref_slice %arg2[%reduce_sum3A_506, %dma_wait3A_570, %dma_wait3A_571, %dma_wait3A_572] : memref<104x16x64x64xf32, #tpu.memory_space<hbm>> -> memref<1x8x64x64xf32, #tpu.memory_space<hbm>>
    %dma_wait3A_574 = tpu.memref_squeeze %dma_wait3A_573 : memref<1x8x64x64xf32, #tpu.memory_space<hbm>> -> memref<8x64x64xf32, #tpu.memory_space<hbm>>
    tpu.wait_dma2 semaphore(%arg13 : memref<!tpu.dma_semaphore, #tpu.memory_space<semaphore_mem>>) src(%dma_wait3A_574 : memref<8x64x64xf32, #tpu.memory_space<hbm>>) dst(%arg10 : memref<8x64x64xf32, #tpu.memory_space<vmem>>)
    %mul3A_575 = arith.constant 64 : i32
    %mul3A_576 = arith.muli %arg1, %mul3A_575 : i32
    %dma_start3A_577 = arith.constant 8 : i32
    %dma_start3A_578 = arith.constant 320 : i32
    %dma_start3A_579 = tpu.memref_slice %arg5[%arg0, %dma_start3A_577, %mul3A_576, %dma_start3A_578] : memref<2x16x1024x1024xf32, #tpu.memory_space<hbm>> -> memref<1x8x64x64xf32, #tpu.memory_space<hbm>>
    %dma_start3A_580 = tpu.memref_squeeze %dma_start3A_579 : memref<1x8x64x64xf32, #tpu.memory_space<hbm>> -> memref<8x64x64xf32, #tpu.memory_space<hbm>>
    %dma_start3A_581 = arith.constant 8 : i32
    %dma_start3A_582 = arith.constant 320 : i32
    %dma_start3A_583 = tpu.memref_slice %arg5[%arg0, %dma_start3A_581, %mul3A_576, %dma_start3A_582] : memref<2x16x1024x1024xf32, #tpu.memory_space<hbm>> -> memref<1x8x64x64xf32, #tpu.memory_space<hbm>>
    %dma_start3A_584 = tpu.memref_squeeze %dma_start3A_583 : memref<1x8x64x64xf32, #tpu.memory_space<hbm>> -> memref<8x64x64xf32, #tpu.memory_space<hbm>>
    tpu.enqueue_dma source(%arg10 : memref<8x64x64xf32, #tpu.memory_space<vmem>>) target(%dma_start3A_584 : memref<8x64x64xf32, #tpu.memory_space<hbm>>) target_semaphore(%arg16 : memref<!tpu.dma_semaphore, #tpu.memory_space<semaphore_mem>>)
    %dma_wait3A_585 = arith.constant 0 : i32
    %dma_wait3A_586 = arith.constant 320 : i32
    %dma_wait3A_587 = tpu.memref_slice %arg5[%arg0, %dma_wait3A_585, %mul3A_528, %dma_wait3A_586] : memref<2x16x1024x1024xf32, #tpu.memory_space<hbm>> -> memref<1x8x64x64xf32, #tpu.memory_space<hbm>>
    %dma_wait3A_588 = tpu.memref_squeeze %dma_wait3A_587 : memref<1x8x64x64xf32, #tpu.memory_space<hbm>> -> memref<8x64x64xf32, #tpu.memory_space<hbm>>
    %dma_wait3A_589 = arith.constant 0 : i32
    %dma_wait3A_590 = arith.constant 320 : i32
    %dma_wait3A_591 = tpu.memref_slice %arg5[%arg0, %dma_wait3A_589, %mul3A_528, %dma_wait3A_590] : memref<2x16x1024x1024xf32, #tpu.memory_space<hbm>> -> memref<1x8x64x64xf32, #tpu.memory_space<hbm>>
    %dma_wait3A_592 = tpu.memref_squeeze %dma_wait3A_591 : memref<1x8x64x64xf32, #tpu.memory_space<hbm>> -> memref<8x64x64xf32, #tpu.memory_space<hbm>>
    tpu.wait_dma2 semaphore(%arg15 : memref<!tpu.dma_semaphore, #tpu.memory_space<semaphore_mem>>) src(%arg9 : memref<8x64x64xf32, #tpu.memory_space<vmem>>) dst(%dma_wait3A_592 : memref<8x64x64xf32, #tpu.memory_space<hbm>>)
    %eq3A_593 = arith.constant 6 : i32
    %eq3A_594 = vector.broadcast %eq3A_593 : i32 to vector<16xi32>
    %eq3A_595 = arith.cmpi eq, %iota3A, %eq3A_594 : vector<16xi32>
    %jit3A_596 = arith.constant 0 : i32
    %broadcast_in_dim3A_597 = vector.broadcast %jit3A_596 : i32 to vector<16xi32>
    %select_n3A_598 = arith.select %eq3A_595, %sub3A_7, %broadcast_in_dim3A_597 : vector<16xi1>, vector<16xi32>
    %reduce_sum3A_599 = arith.constant true
    %reduce_sum3A_600 = vector.broadcast %reduce_sum3A_599 : i1 to vector<16xi1>
    %reduce_sum3A_601 = tpu.scan <sum>, %select_n3A_598 masked %reduce_sum3A_600 : vector<16xi32>, vector<16xi1> -> vector<16xi32>
    %reduce_sum3A_602 = vector.extract %reduce_sum3A_601[15] : i32 from vector<16xi32>
    %dma_start3A_603 = arith.constant 8 : i32
    %dma_start3A_604 = arith.constant 0 : i32
    %dma_start3A_605 = arith.constant 0 : i32
    %dma_start3A_606 = tpu.memref_slice %arg2[%reduce_sum3A_602, %dma_start3A_603, %dma_start3A_604, %dma_start3A_605] : memref<104x16x64x64xf32, #tpu.memory_space<hbm>> -> memref<1x8x64x64xf32, #tpu.memory_space<hbm>>
    %dma_start3A_607 = tpu.memref_squeeze %dma_start3A_606 : memref<1x8x64x64xf32, #tpu.memory_space<hbm>> -> memref<8x64x64xf32, #tpu.memory_space<hbm>>
    %dma_start3A_608 = arith.constant 8 : i32
    %dma_start3A_609 = arith.constant 0 : i32
    %dma_start3A_610 = arith.constant 0 : i32
    %dma_start3A_611 = tpu.memref_slice %arg2[%reduce_sum3A_602, %dma_start3A_608, %dma_start3A_609, %dma_start3A_610] : memref<104x16x64x64xf32, #tpu.memory_space<hbm>> -> memref<1x8x64x64xf32, #tpu.memory_space<hbm>>
    %dma_start3A_612 = tpu.memref_squeeze %dma_start3A_611 : memref<1x8x64x64xf32, #tpu.memory_space<hbm>> -> memref<8x64x64xf32, #tpu.memory_space<hbm>>
    tpu.enqueue_dma source(%dma_start3A_612 : memref<8x64x64xf32, #tpu.memory_space<hbm>>) target(%arg9 : memref<8x64x64xf32, #tpu.memory_space<vmem>>) target_semaphore(%arg12 : memref<!tpu.dma_semaphore, #tpu.memory_space<semaphore_mem>>)
    %dma_wait3A_613 = arith.constant 0 : i32
    %dma_wait3A_614 = arith.constant 0 : i32
    %dma_wait3A_615 = arith.constant 0 : i32
    %dma_wait3A_616 = tpu.memref_slice %arg2[%reduce_sum3A_554, %dma_wait3A_613, %dma_wait3A_614, %dma_wait3A_615] : memref<104x16x64x64xf32, #tpu.memory_space<hbm>> -> memref<1x8x64x64xf32, #tpu.memory_space<hbm>>
    %dma_wait3A_617 = tpu.memref_squeeze %dma_wait3A_616 : memref<1x8x64x64xf32, #tpu.memory_space<hbm>> -> memref<8x64x64xf32, #tpu.memory_space<hbm>>
    %dma_wait3A_618 = arith.constant 0 : i32
    %dma_wait3A_619 = arith.constant 0 : i32
    %dma_wait3A_620 = arith.constant 0 : i32
    %dma_wait3A_621 = tpu.memref_slice %arg2[%reduce_sum3A_554, %dma_wait3A_618, %dma_wait3A_619, %dma_wait3A_620] : memref<104x16x64x64xf32, #tpu.memory_space<hbm>> -> memref<1x8x64x64xf32, #tpu.memory_space<hbm>>
    %dma_wait3A_622 = tpu.memref_squeeze %dma_wait3A_621 : memref<1x8x64x64xf32, #tpu.memory_space<hbm>> -> memref<8x64x64xf32, #tpu.memory_space<hbm>>
    tpu.wait_dma2 semaphore(%arg11 : memref<!tpu.dma_semaphore, #tpu.memory_space<semaphore_mem>>) src(%dma_wait3A_622 : memref<8x64x64xf32, #tpu.memory_space<hbm>>) dst(%arg8 : memref<8x64x64xf32, #tpu.memory_space<vmem>>)
    %mul3A_623 = arith.constant 64 : i32
    %mul3A_624 = arith.muli %arg1, %mul3A_623 : i32
    %dma_start3A_625 = arith.constant 0 : i32
    %dma_start3A_626 = arith.constant 384 : i32
    %dma_start3A_627 = tpu.memref_slice %arg5[%arg0, %dma_start3A_625, %mul3A_624, %dma_start3A_626] : memref<2x16x1024x1024xf32, #tpu.memory_space<hbm>> -> memref<1x8x64x64xf32, #tpu.memory_space<hbm>>
    %dma_start3A_628 = tpu.memref_squeeze %dma_start3A_627 : memref<1x8x64x64xf32, #tpu.memory_space<hbm>> -> memref<8x64x64xf32, #tpu.memory_space<hbm>>
    %dma_start3A_629 = arith.constant 0 : i32
    %dma_start3A_630 = arith.constant 384 : i32
    %dma_start3A_631 = tpu.memref_slice %arg5[%arg0, %dma_start3A_629, %mul3A_624, %dma_start3A_630] : memref<2x16x1024x1024xf32, #tpu.memory_space<hbm>> -> memref<1x8x64x64xf32, #tpu.memory_space<hbm>>
    %dma_start3A_632 = tpu.memref_squeeze %dma_start3A_631 : memref<1x8x64x64xf32, #tpu.memory_space<hbm>> -> memref<8x64x64xf32, #tpu.memory_space<hbm>>
    tpu.enqueue_dma source(%arg8 : memref<8x64x64xf32, #tpu.memory_space<vmem>>) target(%dma_start3A_632 : memref<8x64x64xf32, #tpu.memory_space<hbm>>) target_semaphore(%arg14 : memref<!tpu.dma_semaphore, #tpu.memory_space<semaphore_mem>>)
    %dma_wait3A_633 = arith.constant 8 : i32
    %dma_wait3A_634 = arith.constant 320 : i32
    %dma_wait3A_635 = tpu.memref_slice %arg5[%arg0, %dma_wait3A_633, %mul3A_576, %dma_wait3A_634] : memref<2x16x1024x1024xf32, #tpu.memory_space<hbm>> -> memref<1x8x64x64xf32, #tpu.memory_space<hbm>>
    %dma_wait3A_636 = tpu.memref_squeeze %dma_wait3A_635 : memref<1x8x64x64xf32, #tpu.memory_space<hbm>> -> memref<8x64x64xf32, #tpu.memory_space<hbm>>
    %dma_wait3A_637 = arith.constant 8 : i32
    %dma_wait3A_638 = arith.constant 320 : i32
    %dma_wait3A_639 = tpu.memref_slice %arg5[%arg0, %dma_wait3A_637, %mul3A_576, %dma_wait3A_638] : memref<2x16x1024x1024xf32, #tpu.memory_space<hbm>> -> memref<1x8x64x64xf32, #tpu.memory_space<hbm>>
    %dma_wait3A_640 = tpu.memref_squeeze %dma_wait3A_639 : memref<1x8x64x64xf32, #tpu.memory_space<hbm>> -> memref<8x64x64xf32, #tpu.memory_space<hbm>>
    tpu.wait_dma2 semaphore(%arg16 : memref<!tpu.dma_semaphore, #tpu.memory_space<semaphore_mem>>) src(%arg10 : memref<8x64x64xf32, #tpu.memory_space<vmem>>) dst(%dma_wait3A_640 : memref<8x64x64xf32, #tpu.memory_space<hbm>>)
    %eq3A_641 = arith.constant 7 : i32
    %eq3A_642 = vector.broadcast %eq3A_641 : i32 to vector<16xi32>
    %eq3A_643 = arith.cmpi eq, %iota3A, %eq3A_642 : vector<16xi32>
    %jit3A_644 = arith.constant 0 : i32
    %broadcast_in_dim3A_645 = vector.broadcast %jit3A_644 : i32 to vector<16xi32>
    %select_n3A_646 = arith.select %eq3A_643, %sub3A_7, %broadcast_in_dim3A_645 : vector<16xi1>, vector<16xi32>
    %reduce_sum3A_647 = arith.constant true
    %reduce_sum3A_648 = vector.broadcast %reduce_sum3A_647 : i1 to vector<16xi1>
    %reduce_sum3A_649 = tpu.scan <sum>, %select_n3A_646 masked %reduce_sum3A_648 : vector<16xi32>, vector<16xi1> -> vector<16xi32>
    %reduce_sum3A_650 = vector.extract %reduce_sum3A_649[15] : i32 from vector<16xi32>
    %dma_start3A_651 = arith.constant 0 : i32
    %dma_start3A_652 = arith.constant 0 : i32
    %dma_start3A_653 = arith.constant 0 : i32
    %dma_start3A_654 = tpu.memref_slice %arg2[%reduce_sum3A_650, %dma_start3A_651, %dma_start3A_652, %dma_start3A_653] : memref<104x16x64x64xf32, #tpu.memory_space<hbm>> -> memref<1x8x64x64xf32, #tpu.memory_space<hbm>>
    %dma_start3A_655 = tpu.memref_squeeze %dma_start3A_654 : memref<1x8x64x64xf32, #tpu.memory_space<hbm>> -> memref<8x64x64xf32, #tpu.memory_space<hbm>>
    %dma_start3A_656 = arith.constant 0 : i32
    %dma_start3A_657 = arith.constant 0 : i32
    %dma_start3A_658 = arith.constant 0 : i32
    %dma_start3A_659 = tpu.memref_slice %arg2[%reduce_sum3A_650, %dma_start3A_656, %dma_start3A_657, %dma_start3A_658] : memref<104x16x64x64xf32, #tpu.memory_space<hbm>> -> memref<1x8x64x64xf32, #tpu.memory_space<hbm>>
    %dma_start3A_660 = tpu.memref_squeeze %dma_start3A_659 : memref<1x8x64x64xf32, #tpu.memory_space<hbm>> -> memref<8x64x64xf32, #tpu.memory_space<hbm>>
    tpu.enqueue_dma source(%dma_start3A_660 : memref<8x64x64xf32, #tpu.memory_space<hbm>>) target(%arg10 : memref<8x64x64xf32, #tpu.memory_space<vmem>>) target_semaphore(%arg13 : memref<!tpu.dma_semaphore, #tpu.memory_space<semaphore_mem>>)
    %dma_wait3A_661 = arith.constant 8 : i32
    %dma_wait3A_662 = arith.constant 0 : i32
    %dma_wait3A_663 = arith.constant 0 : i32
    %dma_wait3A_664 = tpu.memref_slice %arg2[%reduce_sum3A_602, %dma_wait3A_661, %dma_wait3A_662, %dma_wait3A_663] : memref<104x16x64x64xf32, #tpu.memory_space<hbm>> -> memref<1x8x64x64xf32, #tpu.memory_space<hbm>>
    %dma_wait3A_665 = tpu.memref_squeeze %dma_wait3A_664 : memref<1x8x64x64xf32, #tpu.memory_space<hbm>> -> memref<8x64x64xf32, #tpu.memory_space<hbm>>
    %dma_wait3A_666 = arith.constant 8 : i32
    %dma_wait3A_667 = arith.constant 0 : i32
    %dma_wait3A_668 = arith.constant 0 : i32
    %dma_wait3A_669 = tpu.memref_slice %arg2[%reduce_sum3A_602, %dma_wait3A_666, %dma_wait3A_667, %dma_wait3A_668] : memref<104x16x64x64xf32, #tpu.memory_space<hbm>> -> memref<1x8x64x64xf32, #tpu.memory_space<hbm>>
    %dma_wait3A_670 = tpu.memref_squeeze %dma_wait3A_669 : memref<1x8x64x64xf32, #tpu.memory_space<hbm>> -> memref<8x64x64xf32, #tpu.memory_space<hbm>>
    tpu.wait_dma2 semaphore(%arg12 : memref<!tpu.dma_semaphore, #tpu.memory_space<semaphore_mem>>) src(%dma_wait3A_670 : memref<8x64x64xf32, #tpu.memory_space<hbm>>) dst(%arg9 : memref<8x64x64xf32, #tpu.memory_space<vmem>>)
    %mul3A_671 = arith.constant 64 : i32
    %mul3A_672 = arith.muli %arg1, %mul3A_671 : i32
    %dma_start3A_673 = arith.constant 8 : i32
    %dma_start3A_674 = arith.constant 384 : i32
    %dma_start3A_675 = tpu.memref_slice %arg5[%arg0, %dma_start3A_673, %mul3A_672, %dma_start3A_674] : memref<2x16x1024x1024xf32, #tpu.memory_space<hbm>> -> memref<1x8x64x64xf32, #tpu.memory_space<hbm>>
    %dma_start3A_676 = tpu.memref_squeeze %dma_start3A_675 : memref<1x8x64x64xf32, #tpu.memory_space<hbm>> -> memref<8x64x64xf32, #tpu.memory_space<hbm>>
    %dma_start3A_677 = arith.constant 8 : i32
    %dma_start3A_678 = arith.constant 384 : i32
    %dma_start3A_679 = tpu.memref_slice %arg5[%arg0, %dma_start3A_677, %mul3A_672, %dma_start3A_678] : memref<2x16x1024x1024xf32, #tpu.memory_space<hbm>> -> memref<1x8x64x64xf32, #tpu.memory_space<hbm>>
    %dma_start3A_680 = tpu.memref_squeeze %dma_start3A_679 : memref<1x8x64x64xf32, #tpu.memory_space<hbm>> -> memref<8x64x64xf32, #tpu.memory_space<hbm>>
    tpu.enqueue_dma source(%arg9 : memref<8x64x64xf32, #tpu.memory_space<vmem>>) target(%dma_start3A_680 : memref<8x64x64xf32, #tpu.memory_space<hbm>>) target_semaphore(%arg15 : memref<!tpu.dma_semaphore, #tpu.memory_space<semaphore_mem>>)
    %dma_wait3A_681 = arith.constant 0 : i32
    %dma_wait3A_682 = arith.constant 384 : i32
    %dma_wait3A_683 = tpu.memref_slice %arg5[%arg0, %dma_wait3A_681, %mul3A_624, %dma_wait3A_682] : memref<2x16x1024x1024xf32, #tpu.memory_space<hbm>> -> memref<1x8x64x64xf32, #tpu.memory_space<hbm>>
    %dma_wait3A_684 = tpu.memref_squeeze %dma_wait3A_683 : memref<1x8x64x64xf32, #tpu.memory_space<hbm>> -> memref<8x64x64xf32, #tpu.memory_space<hbm>>
    %dma_wait3A_685 = arith.constant 0 : i32
    %dma_wait3A_686 = arith.constant 384 : i32
    %dma_wait3A_687 = tpu.memref_slice %arg5[%arg0, %dma_wait3A_685, %mul3A_624, %dma_wait3A_686] : memref<2x16x1024x1024xf32, #tpu.memory_space<hbm>> -> memref<1x8x64x64xf32, #tpu.memory_space<hbm>>
    %dma_wait3A_688 = tpu.memref_squeeze %dma_wait3A_687 : memref<1x8x64x64xf32, #tpu.memory_space<hbm>> -> memref<8x64x64xf32, #tpu.memory_space<hbm>>
    tpu.wait_dma2 semaphore(%arg14 : memref<!tpu.dma_semaphore, #tpu.memory_space<semaphore_mem>>) src(%arg8 : memref<8x64x64xf32, #tpu.memory_space<vmem>>) dst(%dma_wait3A_688 : memref<8x64x64xf32, #tpu.memory_space<hbm>>)
    %eq3A_689 = arith.constant 7 : i32
    %eq3A_690 = vector.broadcast %eq3A_689 : i32 to vector<16xi32>
    %eq3A_691 = arith.cmpi eq, %iota3A, %eq3A_690 : vector<16xi32>
    %jit3A_692 = arith.constant 0 : i32
    %broadcast_in_dim3A_693 = vector.broadcast %jit3A_692 : i32 to vector<16xi32>
    %select_n3A_694 = arith.select %eq3A_691, %sub3A_7, %broadcast_in_dim3A_693 : vector<16xi1>, vector<16xi32>
    %reduce_sum3A_695 = arith.constant true
    %reduce_sum3A_696 = vector.broadcast %reduce_sum3A_695 : i1 to vector<16xi1>
    %reduce_sum3A_697 = tpu.scan <sum>, %select_n3A_694 masked %reduce_sum3A_696 : vector<16xi32>, vector<16xi1> -> vector<16xi32>
    %reduce_sum3A_698 = vector.extract %reduce_sum3A_697[15] : i32 from vector<16xi32>
    %dma_start3A_699 = arith.constant 8 : i32
    %dma_start3A_700 = arith.constant 0 : i32
    %dma_start3A_701 = arith.constant 0 : i32
    %dma_start3A_702 = tpu.memref_slice %arg2[%reduce_sum3A_698, %dma_start3A_699, %dma_start3A_700, %dma_start3A_701] : memref<104x16x64x64xf32, #tpu.memory_space<hbm>> -> memref<1x8x64x64xf32, #tpu.memory_space<hbm>>
    %dma_start3A_703 = tpu.memref_squeeze %dma_start3A_702 : memref<1x8x64x64xf32, #tpu.memory_space<hbm>> -> memref<8x64x64xf32, #tpu.memory_space<hbm>>
    %dma_start3A_704 = arith.constant 8 : i32
    %dma_start3A_705 = arith.constant 0 : i32
    %dma_start3A_706 = arith.constant 0 : i32
    %dma_start3A_707 = tpu.memref_slice %arg2[%reduce_sum3A_698, %dma_start3A_704, %dma_start3A_705, %dma_start3A_706] : memref<104x16x64x64xf32, #tpu.memory_space<hbm>> -> memref<1x8x64x64xf32, #tpu.memory_space<hbm>>
    %dma_start3A_708 = tpu.memref_squeeze %dma_start3A_707 : memref<1x8x64x64xf32, #tpu.memory_space<hbm>> -> memref<8x64x64xf32, #tpu.memory_space<hbm>>
    tpu.enqueue_dma source(%dma_start3A_708 : memref<8x64x64xf32, #tpu.memory_space<hbm>>) target(%arg8 : memref<8x64x64xf32, #tpu.memory_space<vmem>>) target_semaphore(%arg11 : memref<!tpu.dma_semaphore, #tpu.memory_space<semaphore_mem>>)
    %dma_wait3A_709 = arith.constant 0 : i32
    %dma_wait3A_710 = arith.constant 0 : i32
    %dma_wait3A_711 = arith.constant 0 : i32
    %dma_wait3A_712 = tpu.memref_slice %arg2[%reduce_sum3A_650, %dma_wait3A_709, %dma_wait3A_710, %dma_wait3A_711] : memref<104x16x64x64xf32, #tpu.memory_space<hbm>> -> memref<1x8x64x64xf32, #tpu.memory_space<hbm>>
    %dma_wait3A_713 = tpu.memref_squeeze %dma_wait3A_712 : memref<1x8x64x64xf32, #tpu.memory_space<hbm>> -> memref<8x64x64xf32, #tpu.memory_space<hbm>>
    %dma_wait3A_714 = arith.constant 0 : i32
    %dma_wait3A_715 = arith.constant 0 : i32
    %dma_wait3A_716 = arith.constant 0 : i32
    %dma_wait3A_717 = tpu.memref_slice %arg2[%reduce_sum3A_650, %dma_wait3A_714, %dma_wait3A_715, %dma_wait3A_716] : memref<104x16x64x64xf32, #tpu.memory_space<hbm>> -> memref<1x8x64x64xf32, #tpu.memory_space<hbm>>
    %dma_wait3A_718 = tpu.memref_squeeze %dma_wait3A_717 : memref<1x8x64x64xf32, #tpu.memory_space<hbm>> -> memref<8x64x64xf32, #tpu.memory_space<hbm>>
    tpu.wait_dma2 semaphore(%arg13 : memref<!tpu.dma_semaphore, #tpu.memory_space<semaphore_mem>>) src(%dma_wait3A_718 : memref<8x64x64xf32, #tpu.memory_space<hbm>>) dst(%arg10 : memref<8x64x64xf32, #tpu.memory_space<vmem>>)
    %mul3A_719 = arith.constant 64 : i32
    %mul3A_720 = arith.muli %arg1, %mul3A_719 : i32
    %dma_start3A_721 = arith.constant 0 : i32
    %dma_start3A_722 = arith.constant 448 : i32
    %dma_start3A_723 = tpu.memref_slice %arg5[%arg0, %dma_start3A_721, %mul3A_720, %dma_start3A_722] : memref<2x16x1024x1024xf32, #tpu.memory_space<hbm>> -> memref<1x8x64x64xf32, #tpu.memory_space<hbm>>
    %dma_start3A_724 = tpu.memref_squeeze %dma_start3A_723 : memref<1x8x64x64xf32, #tpu.memory_space<hbm>> -> memref<8x64x64xf32, #tpu.memory_space<hbm>>
    %dma_start3A_725 = arith.constant 0 : i32
    %dma_start3A_726 = arith.constant 448 : i32
    %dma_start3A_727 = tpu.memref_slice %arg5[%arg0, %dma_start3A_725, %mul3A_720, %dma_start3A_726] : memref<2x16x1024x1024xf32, #tpu.memory_space<hbm>> -> memref<1x8x64x64xf32, #tpu.memory_space<hbm>>
    %dma_start3A_728 = tpu.memref_squeeze %dma_start3A_727 : memref<1x8x64x64xf32, #tpu.memory_space<hbm>> -> memref<8x64x64xf32, #tpu.memory_space<hbm>>
    tpu.enqueue_dma source(%arg10 : memref<8x64x64xf32, #tpu.memory_space<vmem>>) target(%dma_start3A_728 : memref<8x64x64xf32, #tpu.memory_space<hbm>>) target_semaphore(%arg16 : memref<!tpu.dma_semaphore, #tpu.memory_space<semaphore_mem>>)
    %dma_wait3A_729 = arith.constant 8 : i32
    %dma_wait3A_730 = arith.constant 384 : i32
    %dma_wait3A_731 = tpu.memref_slice %arg5[%arg0, %dma_wait3A_729, %mul3A_672, %dma_wait3A_730] : memref<2x16x1024x1024xf32, #tpu.memory_space<hbm>> -> memref<1x8x64x64xf32, #tpu.memory_space<hbm>>
    %dma_wait3A_732 = tpu.memref_squeeze %dma_wait3A_731 : memref<1x8x64x64xf32, #tpu.memory_space<hbm>> -> memref<8x64x64xf32, #tpu.memory_space<hbm>>
    %dma_wait3A_733 = arith.constant 8 : i32
    %dma_wait3A_734 = arith.constant 384 : i32
    %dma_wait3A_735 = tpu.memref_slice %arg5[%arg0, %dma_wait3A_733, %mul3A_672, %dma_wait3A_734] : memref<2x16x1024x1024xf32, #tpu.memory_space<hbm>> -> memref<1x8x64x64xf32, #tpu.memory_space<hbm>>
    %dma_wait3A_736 = tpu.memref_squeeze %dma_wait3A_735 : memref<1x8x64x64xf32, #tpu.memory_space<hbm>> -> memref<8x64x64xf32, #tpu.memory_space<hbm>>
    tpu.wait_dma2 semaphore(%arg15 : memref<!tpu.dma_semaphore, #tpu.memory_space<semaphore_mem>>) src(%arg9 : memref<8x64x64xf32, #tpu.memory_space<vmem>>) dst(%dma_wait3A_736 : memref<8x64x64xf32, #tpu.memory_space<hbm>>)
    %eq3A_737 = arith.constant 8 : i32
    %eq3A_738 = vector.broadcast %eq3A_737 : i32 to vector<16xi32>
    %eq3A_739 = arith.cmpi eq, %iota3A, %eq3A_738 : vector<16xi32>
    %jit3A_740 = arith.constant 0 : i32
    %broadcast_in_dim3A_741 = vector.broadcast %jit3A_740 : i32 to vector<16xi32>
    %select_n3A_742 = arith.select %eq3A_739, %sub3A_7, %broadcast_in_dim3A_741 : vector<16xi1>, vector<16xi32>
    %reduce_sum3A_743 = arith.constant true
    %reduce_sum3A_744 = vector.broadcast %reduce_sum3A_743 : i1 to vector<16xi1>
    %reduce_sum3A_745 = tpu.scan <sum>, %select_n3A_742 masked %reduce_sum3A_744 : vector<16xi32>, vector<16xi1> -> vector<16xi32>
    %reduce_sum3A_746 = vector.extract %reduce_sum3A_745[15] : i32 from vector<16xi32>
    %dma_start3A_747 = arith.constant 0 : i32
    %dma_start3A_748 = arith.constant 0 : i32
    %dma_start3A_749 = arith.constant 0 : i32
    %dma_start3A_750 = tpu.memref_slice %arg2[%reduce_sum3A_746, %dma_start3A_747, %dma_start3A_748, %dma_start3A_749] : memref<104x16x64x64xf32, #tpu.memory_space<hbm>> -> memref<1x8x64x64xf32, #tpu.memory_space<hbm>>
    %dma_start3A_751 = tpu.memref_squeeze %dma_start3A_750 : memref<1x8x64x64xf32, #tpu.memory_space<hbm>> -> memref<8x64x64xf32, #tpu.memory_space<hbm>>
    %dma_start3A_752 = arith.constant 0 : i32
    %dma_start3A_753 = arith.constant 0 : i32
    %dma_start3A_754 = arith.constant 0 : i32
    %dma_start3A_755 = tpu.memref_slice %arg2[%reduce_sum3A_746, %dma_start3A_752, %dma_start3A_753, %dma_start3A_754] : memref<104x16x64x64xf32, #tpu.memory_space<hbm>> -> memref<1x8x64x64xf32, #tpu.memory_space<hbm>>
    %dma_start3A_756 = tpu.memref_squeeze %dma_start3A_755 : memref<1x8x64x64xf32, #tpu.memory_space<hbm>> -> memref<8x64x64xf32, #tpu.memory_space<hbm>>
    tpu.enqueue_dma source(%dma_start3A_756 : memref<8x64x64xf32, #tpu.memory_space<hbm>>) target(%arg9 : memref<8x64x64xf32, #tpu.memory_space<vmem>>) target_semaphore(%arg12 : memref<!tpu.dma_semaphore, #tpu.memory_space<semaphore_mem>>)
    %dma_wait3A_757 = arith.constant 8 : i32
    %dma_wait3A_758 = arith.constant 0 : i32
    %dma_wait3A_759 = arith.constant 0 : i32
    %dma_wait3A_760 = tpu.memref_slice %arg2[%reduce_sum3A_698, %dma_wait3A_757, %dma_wait3A_758, %dma_wait3A_759] : memref<104x16x64x64xf32, #tpu.memory_space<hbm>> -> memref<1x8x64x64xf32, #tpu.memory_space<hbm>>
    %dma_wait3A_761 = tpu.memref_squeeze %dma_wait3A_760 : memref<1x8x64x64xf32, #tpu.memory_space<hbm>> -> memref<8x64x64xf32, #tpu.memory_space<hbm>>
    %dma_wait3A_762 = arith.constant 8 : i32
    %dma_wait3A_763 = arith.constant 0 : i32
    %dma_wait3A_764 = arith.constant 0 : i32
    %dma_wait3A_765 = tpu.memref_slice %arg2[%reduce_sum3A_698, %dma_wait3A_762, %dma_wait3A_763, %dma_wait3A_764] : memref<104x16x64x64xf32, #tpu.memory_space<hbm>> -> memref<1x8x64x64xf32, #tpu.memory_space<hbm>>
    %dma_wait3A_766 = tpu.memref_squeeze %dma_wait3A_765 : memref<1x8x64x64xf32, #tpu.memory_space<hbm>> -> memref<8x64x64xf32, #tpu.memory_space<hbm>>
    tpu.wait_dma2 semaphore(%arg11 : memref<!tpu.dma_semaphore, #tpu.memory_space<semaphore_mem>>) src(%dma_wait3A_766 : memref<8x64x64xf32, #tpu.memory_space<hbm>>) dst(%arg8 : memref<8x64x64xf32, #tpu.memory_space<vmem>>)
    %mul3A_767 = arith.constant 64 : i32
    %mul3A_768 = arith.muli %arg1, %mul3A_767 : i32
    %dma_start3A_769 = arith.constant 8 : i32
    %dma_start3A_770 = arith.constant 448 : i32
    %dma_start3A_771 = tpu.memref_slice %arg5[%arg0, %dma_start3A_769, %mul3A_768, %dma_start3A_770] : memref<2x16x1024x1024xf32, #tpu.memory_space<hbm>> -> memref<1x8x64x64xf32, #tpu.memory_space<hbm>>
    %dma_start3A_772 = tpu.memref_squeeze %dma_start3A_771 : memref<1x8x64x64xf32, #tpu.memory_space<hbm>> -> memref<8x64x64xf32, #tpu.memory_space<hbm>>
    %dma_start3A_773 = arith.constant 8 : i32
    %dma_start3A_774 = arith.constant 448 : i32
    %dma_start3A_775 = tpu.memref_slice %arg5[%arg0, %dma_start3A_773, %mul3A_768, %dma_start3A_774] : memref<2x16x1024x1024xf32, #tpu.memory_space<hbm>> -> memref<1x8x64x64xf32, #tpu.memory_space<hbm>>
    %dma_start3A_776 = tpu.memref_squeeze %dma_start3A_775 : memref<1x8x64x64xf32, #tpu.memory_space<hbm>> -> memref<8x64x64xf32, #tpu.memory_space<hbm>>
    tpu.enqueue_dma source(%arg8 : memref<8x64x64xf32, #tpu.memory_space<vmem>>) target(%dma_start3A_776 : memref<8x64x64xf32, #tpu.memory_space<hbm>>) target_semaphore(%arg14 : memref<!tpu.dma_semaphore, #tpu.memory_space<semaphore_mem>>)
    %dma_wait3A_777 = arith.constant 0 : i32
    %dma_wait3A_778 = arith.constant 448 : i32
    %dma_wait3A_779 = tpu.memref_slice %arg5[%arg0, %dma_wait3A_777, %mul3A_720, %dma_wait3A_778] : memref<2x16x1024x1024xf32, #tpu.memory_space<hbm>> -> memref<1x8x64x64xf32, #tpu.memory_space<hbm>>
    %dma_wait3A_780 = tpu.memref_squeeze %dma_wait3A_779 : memref<1x8x64x64xf32, #tpu.memory_space<hbm>> -> memref<8x64x64xf32, #tpu.memory_space<hbm>>
    %dma_wait3A_781 = arith.constant 0 : i32
    %dma_wait3A_782 = arith.constant 448 : i32
    %dma_wait3A_783 = tpu.memref_slice %arg5[%arg0, %dma_wait3A_781, %mul3A_720, %dma_wait3A_782] : memref<2x16x1024x1024xf32, #tpu.memory_space<hbm>> -> memref<1x8x64x64xf32, #tpu.memory_space<hbm>>
    %dma_wait3A_784 = tpu.memref_squeeze %dma_wait3A_783 : memref<1x8x64x64xf32, #tpu.memory_space<hbm>> -> memref<8x64x64xf32, #tpu.memory_space<hbm>>
    tpu.wait_dma2 semaphore(%arg16 : memref<!tpu.dma_semaphore, #tpu.memory_space<semaphore_mem>>) src(%arg10 : memref<8x64x64xf32, #tpu.memory_space<vmem>>) dst(%dma_wait3A_784 : memref<8x64x64xf32, #tpu.memory_space<hbm>>)
    %eq3A_785 = arith.constant 8 : i32
    %eq3A_786 = vector.broadcast %eq3A_785 : i32 to vector<16xi32>
    %eq3A_787 = arith.cmpi eq, %iota3A, %eq3A_786 : vector<16xi32>
    %jit3A_788 = arith.constant 0 : i32
    %broadcast_in_dim3A_789 = vector.broadcast %jit3A_788 : i32 to vector<16xi32>
    %select_n3A_790 = arith.select %eq3A_787, %sub3A_7, %broadcast_in_dim3A_789 : vector<16xi1>, vector<16xi32>
    %reduce_sum3A_791 = arith.constant true
    %reduce_sum3A_792 = vector.broadcast %reduce_sum3A_791 : i1 to vector<16xi1>
    %reduce_sum3A_793 = tpu.scan <sum>, %select_n3A_790 masked %reduce_sum3A_792 : vector<16xi32>, vector<16xi1> -> vector<16xi32>
    %reduce_sum3A_794 = vector.extract %reduce_sum3A_793[15] : i32 from vector<16xi32>
    %dma_start3A_795 = arith.constant 8 : i32
    %dma_start3A_796 = arith.constant 0 : i32
    %dma_start3A_797 = arith.constant 0 : i32
    %dma_start3A_798 = tpu.memref_slice %arg2[%reduce_sum3A_794, %dma_start3A_795, %dma_start3A_796, %dma_start3A_797] : memref<104x16x64x64xf32, #tpu.memory_space<hbm>> -> memref<1x8x64x64xf32, #tpu.memory_space<hbm>>
    %dma_start3A_799 = tpu.memref_squeeze %dma_start3A_798 : memref<1x8x64x64xf32, #tpu.memory_space<hbm>> -> memref<8x64x64xf32, #tpu.memory_space<hbm>>
    %dma_start3A_800 = arith.constant 8 : i32
    %dma_start3A_801 = arith.constant 0 : i32
    %dma_start3A_802 = arith.constant 0 : i32
    %dma_start3A_803 = tpu.memref_slice %arg2[%reduce_sum3A_794, %dma_start3A_800, %dma_start3A_801, %dma_start3A_802] : memref<104x16x64x64xf32, #tpu.memory_space<hbm>> -> memref<1x8x64x64xf32, #tpu.memory_space<hbm>>
    %dma_start3A_804 = tpu.memref_squeeze %dma_start3A_803 : memref<1x8x64x64xf32, #tpu.memory_space<hbm>> -> memref<8x64x64xf32, #tpu.memory_space<hbm>>
    tpu.enqueue_dma source(%dma_start3A_804 : memref<8x64x64xf32, #tpu.memory_space<hbm>>) target(%arg10 : memref<8x64x64xf32, #tpu.memory_space<vmem>>) target_semaphore(%arg13 : memref<!tpu.dma_semaphore, #tpu.memory_space<semaphore_mem>>)
    %dma_wait3A_805 = arith.constant 0 : i32
    %dma_wait3A_806 = arith.constant 0 : i32
    %dma_wait3A_807 = arith.constant 0 : i32
    %dma_wait3A_808 = tpu.memref_slice %arg2[%reduce_sum3A_746, %dma_wait3A_805, %dma_wait3A_806, %dma_wait3A_807] : memref<104x16x64x64xf32, #tpu.memory_space<hbm>> -> memref<1x8x64x64xf32, #tpu.memory_space<hbm>>
    %dma_wait3A_809 = tpu.memref_squeeze %dma_wait3A_808 : memref<1x8x64x64xf32, #tpu.memory_space<hbm>> -> memref<8x64x64xf32, #tpu.memory_space<hbm>>
    %dma_wait3A_810 = arith.constant 0 : i32
    %dma_wait3A_811 = arith.constant 0 : i32
    %dma_wait3A_812 = arith.constant 0 : i32
    %dma_wait3A_813 = tpu.memref_slice %arg2[%reduce_sum3A_746, %dma_wait3A_810, %dma_wait3A_811, %dma_wait3A_812] : memref<104x16x64x64xf32, #tpu.memory_space<hbm>> -> memref<1x8x64x64xf32, #tpu.memory_space<hbm>>
    %dma_wait3A_814 = tpu.memref_squeeze %dma_wait3A_813 : memref<1x8x64x64xf32, #tpu.memory_space<hbm>> -> memref<8x64x64xf32, #tpu.memory_space<hbm>>
    tpu.wait_dma2 semaphore(%arg12 : memref<!tpu.dma_semaphore, #tpu.memory_space<semaphore_mem>>) src(%dma_wait3A_814 : memref<8x64x64xf32, #tpu.memory_space<hbm>>) dst(%arg9 : memref<8x64x64xf32, #tpu.memory_space<vmem>>)
    %mul3A_815 = arith.constant 64 : i32
    %mul3A_816 = arith.muli %arg1, %mul3A_815 : i32
    %dma_start3A_817 = arith.constant 0 : i32
    %dma_start3A_818 = arith.constant 512 : i32
    %dma_start3A_819 = tpu.memref_slice %arg5[%arg0, %dma_start3A_817, %mul3A_816, %dma_start3A_818] : memref<2x16x1024x1024xf32, #tpu.memory_space<hbm>> -> memref<1x8x64x64xf32, #tpu.memory_space<hbm>>
    %dma_start3A_820 = tpu.memref_squeeze %dma_start3A_819 : memref<1x8x64x64xf32, #tpu.memory_space<hbm>> -> memref<8x64x64xf32, #tpu.memory_space<hbm>>
    %dma_start3A_821 = arith.constant 0 : i32
    %dma_start3A_822 = arith.constant 512 : i32
    %dma_start3A_823 = tpu.memref_slice %arg5[%arg0, %dma_start3A_821, %mul3A_816, %dma_start3A_822] : memref<2x16x1024x1024xf32, #tpu.memory_space<hbm>> -> memref<1x8x64x64xf32, #tpu.memory_space<hbm>>
    %dma_start3A_824 = tpu.memref_squeeze %dma_start3A_823 : memref<1x8x64x64xf32, #tpu.memory_space<hbm>> -> memref<8x64x64xf32, #tpu.memory_space<hbm>>
    tpu.enqueue_dma source(%arg9 : memref<8x64x64xf32, #tpu.memory_space<vmem>>) target(%dma_start3A_824 : memref<8x64x64xf32, #tpu.memory_space<hbm>>) target_semaphore(%arg15 : memref<!tpu.dma_semaphore, #tpu.memory_space<semaphore_mem>>)
    %dma_wait3A_825 = arith.constant 8 : i32
    %dma_wait3A_826 = arith.constant 448 : i32
    %dma_wait3A_827 = tpu.memref_slice %arg5[%arg0, %dma_wait3A_825, %mul3A_768, %dma_wait3A_826] : memref<2x16x1024x1024xf32, #tpu.memory_space<hbm>> -> memref<1x8x64x64xf32, #tpu.memory_space<hbm>>
    %dma_wait3A_828 = tpu.memref_squeeze %dma_wait3A_827 : memref<1x8x64x64xf32, #tpu.memory_space<hbm>> -> memref<8x64x64xf32, #tpu.memory_space<hbm>>
    %dma_wait3A_829 = arith.constant 8 : i32
    %dma_wait3A_830 = arith.constant 448 : i32
    %dma_wait3A_831 = tpu.memref_slice %arg5[%arg0, %dma_wait3A_829, %mul3A_768, %dma_wait3A_830] : memref<2x16x1024x1024xf32, #tpu.memory_space<hbm>> -> memref<1x8x64x64xf32, #tpu.memory_space<hbm>>
    %dma_wait3A_832 = tpu.memref_squeeze %dma_wait3A_831 : memref<1x8x64x64xf32, #tpu.memory_space<hbm>> -> memref<8x64x64xf32, #tpu.memory_space<hbm>>
    tpu.wait_dma2 semaphore(%arg14 : memref<!tpu.dma_semaphore, #tpu.memory_space<semaphore_mem>>) src(%arg8 : memref<8x64x64xf32, #tpu.memory_space<vmem>>) dst(%dma_wait3A_832 : memref<8x64x64xf32, #tpu.memory_space<hbm>>)
    %eq3A_833 = arith.constant 9 : i32
    %eq3A_834 = vector.broadcast %eq3A_833 : i32 to vector<16xi32>
    %eq3A_835 = arith.cmpi eq, %iota3A, %eq3A_834 : vector<16xi32>
    %jit3A_836 = arith.constant 0 : i32
    %broadcast_in_dim3A_837 = vector.broadcast %jit3A_836 : i32 to vector<16xi32>
    %select_n3A_838 = arith.select %eq3A_835, %sub3A_7, %broadcast_in_dim3A_837 : vector<16xi1>, vector<16xi32>
    %reduce_sum3A_839 = arith.constant true
    %reduce_sum3A_840 = vector.broadcast %reduce_sum3A_839 : i1 to vector<16xi1>
    %reduce_sum3A_841 = tpu.scan <sum>, %select_n3A_838 masked %reduce_sum3A_840 : vector<16xi32>, vector<16xi1> -> vector<16xi32>
    %reduce_sum3A_842 = vector.extract %reduce_sum3A_841[15] : i32 from vector<16xi32>
    %dma_start3A_843 = arith.constant 0 : i32
    %dma_start3A_844 = arith.constant 0 : i32
    %dma_start3A_845 = arith.constant 0 : i32
    %dma_start3A_846 = tpu.memref_slice %arg2[%reduce_sum3A_842, %dma_start3A_843, %dma_start3A_844, %dma_start3A_845] : memref<104x16x64x64xf32, #tpu.memory_space<hbm>> -> memref<1x8x64x64xf32, #tpu.memory_space<hbm>>
    %dma_start3A_847 = tpu.memref_squeeze %dma_start3A_846 : memref<1x8x64x64xf32, #tpu.memory_space<hbm>> -> memref<8x64x64xf32, #tpu.memory_space<hbm>>
    %dma_start3A_848 = arith.constant 0 : i32
    %dma_start3A_849 = arith.constant 0 : i32
    %dma_start3A_850 = arith.constant 0 : i32
    %dma_start3A_851 = tpu.memref_slice %arg2[%reduce_sum3A_842, %dma_start3A_848, %dma_start3A_849, %dma_start3A_850] : memref<104x16x64x64xf32, #tpu.memory_space<hbm>> -> memref<1x8x64x64xf32, #tpu.memory_space<hbm>>
    %dma_start3A_852 = tpu.memref_squeeze %dma_start3A_851 : memref<1x8x64x64xf32, #tpu.memory_space<hbm>> -> memref<8x64x64xf32, #tpu.memory_space<hbm>>
    tpu.enqueue_dma source(%dma_start3A_852 : memref<8x64x64xf32, #tpu.memory_space<hbm>>) target(%arg8 : memref<8x64x64xf32, #tpu.memory_space<vmem>>) target_semaphore(%arg11 : memref<!tpu.dma_semaphore, #tpu.memory_space<semaphore_mem>>)
    %dma_wait3A_853 = arith.constant 8 : i32
    %dma_wait3A_854 = arith.constant 0 : i32
    %dma_wait3A_855 = arith.constant 0 : i32
    %dma_wait3A_856 = tpu.memref_slice %arg2[%reduce_sum3A_794, %dma_wait3A_853, %dma_wait3A_854, %dma_wait3A_855] : memref<104x16x64x64xf32, #tpu.memory_space<hbm>> -> memref<1x8x64x64xf32, #tpu.memory_space<hbm>>
    %dma_wait3A_857 = tpu.memref_squeeze %dma_wait3A_856 : memref<1x8x64x64xf32, #tpu.memory_space<hbm>> -> memref<8x64x64xf32, #tpu.memory_space<hbm>>
    %dma_wait3A_858 = arith.constant 8 : i32
    %dma_wait3A_859 = arith.constant 0 : i32
    %dma_wait3A_860 = arith.constant 0 : i32
    %dma_wait3A_861 = tpu.memref_slice %arg2[%reduce_sum3A_794, %dma_wait3A_858, %dma_wait3A_859, %dma_wait3A_860] : memref<104x16x64x64xf32, #tpu.memory_space<hbm>> -> memref<1x8x64x64xf32, #tpu.memory_space<hbm>>
    %dma_wait3A_862 = tpu.memref_squeeze %dma_wait3A_861 : memref<1x8x64x64xf32, #tpu.memory_space<hbm>> -> memref<8x64x64xf32, #tpu.memory_space<hbm>>
    tpu.wait_dma2 semaphore(%arg13 : memref<!tpu.dma_semaphore, #tpu.memory_space<semaphore_mem>>) src(%dma_wait3A_862 : memref<8x64x64xf32, #tpu.memory_space<hbm>>) dst(%arg10 : memref<8x64x64xf32, #tpu.memory_space<vmem>>)
    %mul3A_863 = arith.constant 64 : i32
    %mul3A_864 = arith.muli %arg1, %mul3A_863 : i32
    %dma_start3A_865 = arith.constant 8 : i32
    %dma_start3A_866 = arith.constant 512 : i32
    %dma_start3A_867 = tpu.memref_slice %arg5[%arg0, %dma_start3A_865, %mul3A_864, %dma_start3A_866] : memref<2x16x1024x1024xf32, #tpu.memory_space<hbm>> -> memref<1x8x64x64xf32, #tpu.memory_space<hbm>>
    %dma_start3A_868 = tpu.memref_squeeze %dma_start3A_867 : memref<1x8x64x64xf32, #tpu.memory_space<hbm>> -> memref<8x64x64xf32, #tpu.memory_space<hbm>>
    %dma_start3A_869 = arith.constant 8 : i32
    %dma_start3A_870 = arith.constant 512 : i32
    %dma_start3A_871 = tpu.memref_slice %arg5[%arg0, %dma_start3A_869, %mul3A_864, %dma_start3A_870] : memref<2x16x1024x1024xf32, #tpu.memory_space<hbm>> -> memref<1x8x64x64xf32, #tpu.memory_space<hbm>>
    %dma_start3A_872 = tpu.memref_squeeze %dma_start3A_871 : memref<1x8x64x64xf32, #tpu.memory_space<hbm>> -> memref<8x64x64xf32, #tpu.memory_space<hbm>>
    tpu.enqueue_dma source(%arg10 : memref<8x64x64xf32, #tpu.memory_space<vmem>>) target(%dma_start3A_872 : memref<8x64x64xf32, #tpu.memory_space<hbm>>) target_semaphore(%arg16 : memref<!tpu.dma_semaphore, #tpu.memory_space<semaphore_mem>>)
    %dma_wait3A_873 = arith.constant 0 : i32
    %dma_wait3A_874 = arith.constant 512 : i32
    %dma_wait3A_875 = tpu.memref_slice %arg5[%arg0, %dma_wait3A_873, %mul3A_816, %dma_wait3A_874] : memref<2x16x1024x1024xf32, #tpu.memory_space<hbm>> -> memref<1x8x64x64xf32, #tpu.memory_space<hbm>>
    %dma_wait3A_876 = tpu.memref_squeeze %dma_wait3A_875 : memref<1x8x64x64xf32, #tpu.memory_space<hbm>> -> memref<8x64x64xf32, #tpu.memory_space<hbm>>
    %dma_wait3A_877 = arith.constant 0 : i32
    %dma_wait3A_878 = arith.constant 512 : i32
    %dma_wait3A_879 = tpu.memref_slice %arg5[%arg0, %dma_wait3A_877, %mul3A_816, %dma_wait3A_878] : memref<2x16x1024x1024xf32, #tpu.memory_space<hbm>> -> memref<1x8x64x64xf32, #tpu.memory_space<hbm>>
    %dma_wait3A_880 = tpu.memref_squeeze %dma_wait3A_879 : memref<1x8x64x64xf32, #tpu.memory_space<hbm>> -> memref<8x64x64xf32, #tpu.memory_space<hbm>>
    tpu.wait_dma2 semaphore(%arg15 : memref<!tpu.dma_semaphore, #tpu.memory_space<semaphore_mem>>) src(%arg9 : memref<8x64x64xf32, #tpu.memory_space<vmem>>) dst(%dma_wait3A_880 : memref<8x64x64xf32, #tpu.memory_space<hbm>>)
    %eq3A_881 = arith.constant 9 : i32
    %eq3A_882 = vector.broadcast %eq3A_881 : i32 to vector<16xi32>
    %eq3A_883 = arith.cmpi eq, %iota3A, %eq3A_882 : vector<16xi32>
    %jit3A_884 = arith.constant 0 : i32
    %broadcast_in_dim3A_885 = vector.broadcast %jit3A_884 : i32 to vector<16xi32>
    %select_n3A_886 = arith.select %eq3A_883, %sub3A_7, %broadcast_in_dim3A_885 : vector<16xi1>, vector<16xi32>
    %reduce_sum3A_887 = arith.constant true
    %reduce_sum3A_888 = vector.broadcast %reduce_sum3A_887 : i1 to vector<16xi1>
    %reduce_sum3A_889 = tpu.scan <sum>, %select_n3A_886 masked %reduce_sum3A_888 : vector<16xi32>, vector<16xi1> -> vector<16xi32>
    %reduce_sum3A_890 = vector.extract %reduce_sum3A_889[15] : i32 from vector<16xi32>
    %dma_start3A_891 = arith.constant 8 : i32
    %dma_start3A_892 = arith.constant 0 : i32
    %dma_start3A_893 = arith.constant 0 : i32
    %dma_start3A_894 = tpu.memref_slice %arg2[%reduce_sum3A_890, %dma_start3A_891, %dma_start3A_892, %dma_start3A_893] : memref<104x16x64x64xf32, #tpu.memory_space<hbm>> -> memref<1x8x64x64xf32, #tpu.memory_space<hbm>>
    %dma_start3A_895 = tpu.memref_squeeze %dma_start3A_894 : memref<1x8x64x64xf32, #tpu.memory_space<hbm>> -> memref<8x64x64xf32, #tpu.memory_space<hbm>>
    %dma_start3A_896 = arith.constant 8 : i32
    %dma_start3A_897 = arith.constant 0 : i32
    %dma_start3A_898 = arith.constant 0 : i32
    %dma_start3A_899 = tpu.memref_slice %arg2[%reduce_sum3A_890, %dma_start3A_896, %dma_start3A_897, %dma_start3A_898] : memref<104x16x64x64xf32, #tpu.memory_space<hbm>> -> memref<1x8x64x64xf32, #tpu.memory_space<hbm>>
    %dma_start3A_900 = tpu.memref_squeeze %dma_start3A_899 : memref<1x8x64x64xf32, #tpu.memory_space<hbm>> -> memref<8x64x64xf32, #tpu.memory_space<hbm>>
    tpu.enqueue_dma source(%dma_start3A_900 : memref<8x64x64xf32, #tpu.memory_space<hbm>>) target(%arg9 : memref<8x64x64xf32, #tpu.memory_space<vmem>>) target_semaphore(%arg12 : memref<!tpu.dma_semaphore, #tpu.memory_space<semaphore_mem>>)
    %dma_wait3A_901 = arith.constant 0 : i32
    %dma_wait3A_902 = arith.constant 0 : i32
    %dma_wait3A_903 = arith.constant 0 : i32
    %dma_wait3A_904 = tpu.memref_slice %arg2[%reduce_sum3A_842, %dma_wait3A_901, %dma_wait3A_902, %dma_wait3A_903] : memref<104x16x64x64xf32, #tpu.memory_space<hbm>> -> memref<1x8x64x64xf32, #tpu.memory_space<hbm>>
    %dma_wait3A_905 = tpu.memref_squeeze %dma_wait3A_904 : memref<1x8x64x64xf32, #tpu.memory_space<hbm>> -> memref<8x64x64xf32, #tpu.memory_space<hbm>>
    %dma_wait3A_906 = arith.constant 0 : i32
    %dma_wait3A_907 = arith.constant 0 : i32
    %dma_wait3A_908 = arith.constant 0 : i32
    %dma_wait3A_909 = tpu.memref_slice %arg2[%reduce_sum3A_842, %dma_wait3A_906, %dma_wait3A_907, %dma_wait3A_908] : memref<104x16x64x64xf32, #tpu.memory_space<hbm>> -> memref<1x8x64x64xf32, #tpu.memory_space<hbm>>
    %dma_wait3A_910 = tpu.memref_squeeze %dma_wait3A_909 : memref<1x8x64x64xf32, #tpu.memory_space<hbm>> -> memref<8x64x64xf32, #tpu.memory_space<hbm>>
    tpu.wait_dma2 semaphore(%arg11 : memref<!tpu.dma_semaphore, #tpu.memory_space<semaphore_mem>>) src(%dma_wait3A_910 : memref<8x64x64xf32, #tpu.memory_space<hbm>>) dst(%arg8 : memref<8x64x64xf32, #tpu.memory_space<vmem>>)
    %mul3A_911 = arith.constant 64 : i32
    %mul3A_912 = arith.muli %arg1, %mul3A_911 : i32
    %dma_start3A_913 = arith.constant 0 : i32
    %dma_start3A_914 = arith.constant 576 : i32
    %dma_start3A_915 = tpu.memref_slice %arg5[%arg0, %dma_start3A_913, %mul3A_912, %dma_start3A_914] : memref<2x16x1024x1024xf32, #tpu.memory_space<hbm>> -> memref<1x8x64x64xf32, #tpu.memory_space<hbm>>
    %dma_start3A_916 = tpu.memref_squeeze %dma_start3A_915 : memref<1x8x64x64xf32, #tpu.memory_space<hbm>> -> memref<8x64x64xf32, #tpu.memory_space<hbm>>
    %dma_start3A_917 = arith.constant 0 : i32
    %dma_start3A_918 = arith.constant 576 : i32
    %dma_start3A_919 = tpu.memref_slice %arg5[%arg0, %dma_start3A_917, %mul3A_912, %dma_start3A_918] : memref<2x16x1024x1024xf32, #tpu.memory_space<hbm>> -> memref<1x8x64x64xf32, #tpu.memory_space<hbm>>
    %dma_start3A_920 = tpu.memref_squeeze %dma_start3A_919 : memref<1x8x64x64xf32, #tpu.memory_space<hbm>> -> memref<8x64x64xf32, #tpu.memory_space<hbm>>
    tpu.enqueue_dma source(%arg8 : memref<8x64x64xf32, #tpu.memory_space<vmem>>) target(%dma_start3A_920 : memref<8x64x64xf32, #tpu.memory_space<hbm>>) target_semaphore(%arg14 : memref<!tpu.dma_semaphore, #tpu.memory_space<semaphore_mem>>)
    %dma_wait3A_921 = arith.constant 8 : i32
    %dma_wait3A_922 = arith.constant 512 : i32
    %dma_wait3A_923 = tpu.memref_slice %arg5[%arg0, %dma_wait3A_921, %mul3A_864, %dma_wait3A_922] : memref<2x16x1024x1024xf32, #tpu.memory_space<hbm>> -> memref<1x8x64x64xf32, #tpu.memory_space<hbm>>
    %dma_wait3A_924 = tpu.memref_squeeze %dma_wait3A_923 : memref<1x8x64x64xf32, #tpu.memory_space<hbm>> -> memref<8x64x64xf32, #tpu.memory_space<hbm>>
    %dma_wait3A_925 = arith.constant 8 : i32
    %dma_wait3A_926 = arith.constant 512 : i32
    %dma_wait3A_927 = tpu.memref_slice %arg5[%arg0, %dma_wait3A_925, %mul3A_864, %dma_wait3A_926] : memref<2x16x1024x1024xf32, #tpu.memory_space<hbm>> -> memref<1x8x64x64xf32, #tpu.memory_space<hbm>>
    %dma_wait3A_928 = tpu.memref_squeeze %dma_wait3A_927 : memref<1x8x64x64xf32, #tpu.memory_space<hbm>> -> memref<8x64x64xf32, #tpu.memory_space<hbm>>
    tpu.wait_dma2 semaphore(%arg16 : memref<!tpu.dma_semaphore, #tpu.memory_space<semaphore_mem>>) src(%arg10 : memref<8x64x64xf32, #tpu.memory_space<vmem>>) dst(%dma_wait3A_928 : memref<8x64x64xf32, #tpu.memory_space<hbm>>)
    %eq3A_929 = arith.constant 10 : i32
    %eq3A_930 = vector.broadcast %eq3A_929 : i32 to vector<16xi32>
    %eq3A_931 = arith.cmpi eq, %iota3A, %eq3A_930 : vector<16xi32>
    %jit3A_932 = arith.constant 0 : i32
    %broadcast_in_dim3A_933 = vector.broadcast %jit3A_932 : i32 to vector<16xi32>
    %select_n3A_934 = arith.select %eq3A_931, %sub3A_7, %broadcast_in_dim3A_933 : vector<16xi1>, vector<16xi32>
    %reduce_sum3A_935 = arith.constant true
    %reduce_sum3A_936 = vector.broadcast %reduce_sum3A_935 : i1 to vector<16xi1>
    %reduce_sum3A_937 = tpu.scan <sum>, %select_n3A_934 masked %reduce_sum3A_936 : vector<16xi32>, vector<16xi1> -> vector<16xi32>
    %reduce_sum3A_938 = vector.extract %reduce_sum3A_937[15] : i32 from vector<16xi32>
    %dma_start3A_939 = arith.constant 0 : i32
    %dma_start3A_940 = arith.constant 0 : i32
    %dma_start3A_941 = arith.constant 0 : i32
    %dma_start3A_942 = tpu.memref_slice %arg2[%reduce_sum3A_938, %dma_start3A_939, %dma_start3A_940, %dma_start3A_941] : memref<104x16x64x64xf32, #tpu.memory_space<hbm>> -> memref<1x8x64x64xf32, #tpu.memory_space<hbm>>
    %dma_start3A_943 = tpu.memref_squeeze %dma_start3A_942 : memref<1x8x64x64xf32, #tpu.memory_space<hbm>> -> memref<8x64x64xf32, #tpu.memory_space<hbm>>
    %dma_start3A_944 = arith.constant 0 : i32
    %dma_start3A_945 = arith.constant 0 : i32
    %dma_start3A_946 = arith.constant 0 : i32
    %dma_start3A_947 = tpu.memref_slice %arg2[%reduce_sum3A_938, %dma_start3A_944, %dma_start3A_945, %dma_start3A_946] : memref<104x16x64x64xf32, #tpu.memory_space<hbm>> -> memref<1x8x64x64xf32, #tpu.memory_space<hbm>>
    %dma_start3A_948 = tpu.memref_squeeze %dma_start3A_947 : memref<1x8x64x64xf32, #tpu.memory_space<hbm>> -> memref<8x64x64xf32, #tpu.memory_space<hbm>>
    tpu.enqueue_dma source(%dma_start3A_948 : memref<8x64x64xf32, #tpu.memory_space<hbm>>) target(%arg10 : memref<8x64x64xf32, #tpu.memory_space<vmem>>) target_semaphore(%arg13 : memref<!tpu.dma_semaphore, #tpu.memory_space<semaphore_mem>>)
    %dma_wait3A_949 = arith.constant 8 : i32
    %dma_wait3A_950 = arith.constant 0 : i32
    %dma_wait3A_951 = arith.constant 0 : i32
    %dma_wait3A_952 = tpu.memref_slice %arg2[%reduce_sum3A_890, %dma_wait3A_949, %dma_wait3A_950, %dma_wait3A_951] : memref<104x16x64x64xf32, #tpu.memory_space<hbm>> -> memref<1x8x64x64xf32, #tpu.memory_space<hbm>>
    %dma_wait3A_953 = tpu.memref_squeeze %dma_wait3A_952 : memref<1x8x64x64xf32, #tpu.memory_space<hbm>> -> memref<8x64x64xf32, #tpu.memory_space<hbm>>
    %dma_wait3A_954 = arith.constant 8 : i32
    %dma_wait3A_955 = arith.constant 0 : i32
    %dma_wait3A_956 = arith.constant 0 : i32
    %dma_wait3A_957 = tpu.memref_slice %arg2[%reduce_sum3A_890, %dma_wait3A_954, %dma_wait3A_955, %dma_wait3A_956] : memref<104x16x64x64xf32, #tpu.memory_space<hbm>> -> memref<1x8x64x64xf32, #tpu.memory_space<hbm>>
    %dma_wait3A_958 = tpu.memref_squeeze %dma_wait3A_957 : memref<1x8x64x64xf32, #tpu.memory_space<hbm>> -> memref<8x64x64xf32, #tpu.memory_space<hbm>>
    tpu.wait_dma2 semaphore(%arg12 : memref<!tpu.dma_semaphore, #tpu.memory_space<semaphore_mem>>) src(%dma_wait3A_958 : memref<8x64x64xf32, #tpu.memory_space<hbm>>) dst(%arg9 : memref<8x64x64xf32, #tpu.memory_space<vmem>>)
    %mul3A_959 = arith.constant 64 : i32
    %mul3A_960 = arith.muli %arg1, %mul3A_959 : i32
    %dma_start3A_961 = arith.constant 8 : i32
    %dma_start3A_962 = arith.constant 576 : i32
    %dma_start3A_963 = tpu.memref_slice %arg5[%arg0, %dma_start3A_961, %mul3A_960, %dma_start3A_962] : memref<2x16x1024x1024xf32, #tpu.memory_space<hbm>> -> memref<1x8x64x64xf32, #tpu.memory_space<hbm>>
    %dma_start3A_964 = tpu.memref_squeeze %dma_start3A_963 : memref<1x8x64x64xf32, #tpu.memory_space<hbm>> -> memref<8x64x64xf32, #tpu.memory_space<hbm>>
    %dma_start3A_965 = arith.constant 8 : i32
    %dma_start3A_966 = arith.constant 576 : i32
    %dma_start3A_967 = tpu.memref_slice %arg5[%arg0, %dma_start3A_965, %mul3A_960, %dma_start3A_966] : memref<2x16x1024x1024xf32, #tpu.memory_space<hbm>> -> memref<1x8x64x64xf32, #tpu.memory_space<hbm>>
    %dma_start3A_968 = tpu.memref_squeeze %dma_start3A_967 : memref<1x8x64x64xf32, #tpu.memory_space<hbm>> -> memref<8x64x64xf32, #tpu.memory_space<hbm>>
    tpu.enqueue_dma source(%arg9 : memref<8x64x64xf32, #tpu.memory_space<vmem>>) target(%dma_start3A_968 : memref<8x64x64xf32, #tpu.memory_space<hbm>>) target_semaphore(%arg15 : memref<!tpu.dma_semaphore, #tpu.memory_space<semaphore_mem>>)
    %dma_wait3A_969 = arith.constant 0 : i32
    %dma_wait3A_970 = arith.constant 576 : i32
    %dma_wait3A_971 = tpu.memref_slice %arg5[%arg0, %dma_wait3A_969, %mul3A_912, %dma_wait3A_970] : memref<2x16x1024x1024xf32, #tpu.memory_space<hbm>> -> memref<1x8x64x64xf32, #tpu.memory_space<hbm>>
    %dma_wait3A_972 = tpu.memref_squeeze %dma_wait3A_971 : memref<1x8x64x64xf32, #tpu.memory_space<hbm>> -> memref<8x64x64xf32, #tpu.memory_space<hbm>>
    %dma_wait3A_973 = arith.constant 0 : i32
    %dma_wait3A_974 = arith.constant 576 : i32
    %dma_wait3A_975 = tpu.memref_slice %arg5[%arg0, %dma_wait3A_973, %mul3A_912, %dma_wait3A_974] : memref<2x16x1024x1024xf32, #tpu.memory_space<hbm>> -> memref<1x8x64x64xf32, #tpu.memory_space<hbm>>
    %dma_wait3A_976 = tpu.memref_squeeze %dma_wait3A_975 : memref<1x8x64x64xf32, #tpu.memory_space<hbm>> -> memref<8x64x64xf32, #tpu.memory_space<hbm>>
    tpu.wait_dma2 semaphore(%arg14 : memref<!tpu.dma_semaphore, #tpu.memory_space<semaphore_mem>>) src(%arg8 : memref<8x64x64xf32, #tpu.memory_space<vmem>>) dst(%dma_wait3A_976 : memref<8x64x64xf32, #tpu.memory_space<hbm>>)
    %eq3A_977 = arith.constant 10 : i32
    %eq3A_978 = vector.broadcast %eq3A_977 : i32 to vector<16xi32>
    %eq3A_979 = arith.cmpi eq, %iota3A, %eq3A_978 : vector<16xi32>
    %jit3A_980 = arith.constant 0 : i32
    %broadcast_in_dim3A_981 = vector.broadcast %jit3A_980 : i32 to vector<16xi32>
    %select_n3A_982 = arith.select %eq3A_979, %sub3A_7, %broadcast_in_dim3A_981 : vector<16xi1>, vector<16xi32>
    %reduce_sum3A_983 = arith.constant true
    %reduce_sum3A_984 = vector.broadcast %reduce_sum3A_983 : i1 to vector<16xi1>
    %reduce_sum3A_985 = tpu.scan <sum>, %select_n3A_982 masked %reduce_sum3A_984 : vector<16xi32>, vector<16xi1> -> vector<16xi32>
    %reduce_sum3A_986 = vector.extract %reduce_sum3A_985[15] : i32 from vector<16xi32>
    %dma_start3A_987 = arith.constant 8 : i32
    %dma_start3A_988 = arith.constant 0 : i32
    %dma_start3A_989 = arith.constant 0 : i32
    %dma_start3A_990 = tpu.memref_slice %arg2[%reduce_sum3A_986, %dma_start3A_987, %dma_start3A_988, %dma_start3A_989] : memref<104x16x64x64xf32, #tpu.memory_space<hbm>> -> memref<1x8x64x64xf32, #tpu.memory_space<hbm>>
    %dma_start3A_991 = tpu.memref_squeeze %dma_start3A_990 : memref<1x8x64x64xf32, #tpu.memory_space<hbm>> -> memref<8x64x64xf32, #tpu.memory_space<hbm>>
    %dma_start3A_992 = arith.constant 8 : i32
    %dma_start3A_993 = arith.constant 0 : i32
    %dma_start3A_994 = arith.constant 0 : i32
    %dma_start3A_995 = tpu.memref_slice %arg2[%reduce_sum3A_986, %dma_start3A_992, %dma_start3A_993, %dma_start3A_994] : memref<104x16x64x64xf32, #tpu.memory_space<hbm>> -> memref<1x8x64x64xf32, #tpu.memory_space<hbm>>
    %dma_start3A_996 = tpu.memref_squeeze %dma_start3A_995 : memref<1x8x64x64xf32, #tpu.memory_space<hbm>> -> memref<8x64x64xf32, #tpu.memory_space<hbm>>
    tpu.enqueue_dma source(%dma_start3A_996 : memref<8x64x64xf32, #tpu.memory_space<hbm>>) target(%arg8 : memref<8x64x64xf32, #tpu.memory_space<vmem>>) target_semaphore(%arg11 : memref<!tpu.dma_semaphore, #tpu.memory_space<semaphore_mem>>)
    %dma_wait3A_997 = arith.constant 0 : i32
    %dma_wait3A_998 = arith.constant 0 : i32
    %dma_wait3A_999 = arith.constant 0 : i32
    %dma_wait3A_1000 = tpu.memref_slice %arg2[%reduce_sum3A_938, %dma_wait3A_997, %dma_wait3A_998, %dma_wait3A_999] : memref<104x16x64x64xf32, #tpu.memory_space<hbm>> -> memref<1x8x64x64xf32, #tpu.memory_space<hbm>>
    %dma_wait3A_1001 = tpu.memref_squeeze %dma_wait3A_1000 : memref<1x8x64x64xf32, #tpu.memory_space<hbm>> -> memref<8x64x64xf32, #tpu.memory_space<hbm>>
    %dma_wait3A_1002 = arith.constant 0 : i32
    %dma_wait3A_1003 = arith.constant 0 : i32
    %dma_wait3A_1004 = arith.constant 0 : i32
    %dma_wait3A_1005 = tpu.memref_slice %arg2[%reduce_sum3A_938, %dma_wait3A_1002, %dma_wait3A_1003, %dma_wait3A_1004] : memref<104x16x64x64xf32, #tpu.memory_space<hbm>> -> memref<1x8x64x64xf32, #tpu.memory_space<hbm>>
    %dma_wait3A_1006 = tpu.memref_squeeze %dma_wait3A_1005 : memref<1x8x64x64xf32, #tpu.memory_space<hbm>> -> memref<8x64x64xf32, #tpu.memory_space<hbm>>
    tpu.wait_dma2 semaphore(%arg13 : memref<!tpu.dma_semaphore, #tpu.memory_space<semaphore_mem>>) src(%dma_wait3A_1006 : memref<8x64x64xf32, #tpu.memory_space<hbm>>) dst(%arg10 : memref<8x64x64xf32, #tpu.memory_space<vmem>>)
    %mul3A_1007 = arith.constant 64 : i32
    %mul3A_1008 = arith.muli %arg1, %mul3A_1007 : i32
    %dma_start3A_1009 = arith.constant 0 : i32
    %dma_start3A_1010 = arith.constant 640 : i32
    %dma_start3A_1011 = tpu.memref_slice %arg5[%arg0, %dma_start3A_1009, %mul3A_1008, %dma_start3A_1010] : memref<2x16x1024x1024xf32, #tpu.memory_space<hbm>> -> memref<1x8x64x64xf32, #tpu.memory_space<hbm>>
    %dma_start3A_1012 = tpu.memref_squeeze %dma_start3A_1011 : memref<1x8x64x64xf32, #tpu.memory_space<hbm>> -> memref<8x64x64xf32, #tpu.memory_space<hbm>>
    %dma_start3A_1013 = arith.constant 0 : i32
    %dma_start3A_1014 = arith.constant 640 : i32
    %dma_start3A_1015 = tpu.memref_slice %arg5[%arg0, %dma_start3A_1013, %mul3A_1008, %dma_start3A_1014] : memref<2x16x1024x1024xf32, #tpu.memory_space<hbm>> -> memref<1x8x64x64xf32, #tpu.memory_space<hbm>>
    %dma_start3A_1016 = tpu.memref_squeeze %dma_start3A_1015 : memref<1x8x64x64xf32, #tpu.memory_space<hbm>> -> memref<8x64x64xf32, #tpu.memory_space<hbm>>
    tpu.enqueue_dma source(%arg10 : memref<8x64x64xf32, #tpu.memory_space<vmem>>) target(%dma_start3A_1016 : memref<8x64x64xf32, #tpu.memory_space<hbm>>) target_semaphore(%arg16 : memref<!tpu.dma_semaphore, #tpu.memory_space<semaphore_mem>>)
    %dma_wait3A_1017 = arith.constant 8 : i32
    %dma_wait3A_1018 = arith.constant 576 : i32
    %dma_wait3A_1019 = tpu.memref_slice %arg5[%arg0, %dma_wait3A_1017, %mul3A_960, %dma_wait3A_1018] : memref<2x16x1024x1024xf32, #tpu.memory_space<hbm>> -> memref<1x8x64x64xf32, #tpu.memory_space<hbm>>
    %dma_wait3A_1020 = tpu.memref_squeeze %dma_wait3A_1019 : memref<1x8x64x64xf32, #tpu.memory_space<hbm>> -> memref<8x64x64xf32, #tpu.memory_space<hbm>>
    %dma_wait3A_1021 = arith.constant 8 : i32
    %dma_wait3A_1022 = arith.constant 576 : i32
    %dma_wait3A_1023 = tpu.memref_slice %arg5[%arg0, %dma_wait3A_1021, %mul3A_960, %dma_wait3A_1022] : memref<2x16x1024x1024xf32, #tpu.memory_space<hbm>> -> memref<1x8x64x64xf32, #tpu.memory_space<hbm>>
    %dma_wait3A_1024 = tpu.memref_squeeze %dma_wait3A_1023 : memref<1x8x64x64xf32, #tpu.memory_space<hbm>> -> memref<8x64x64xf32, #tpu.memory_space<hbm>>
    tpu.wait_dma2 semaphore(%arg15 : memref<!tpu.dma_semaphore, #tpu.memory_space<semaphore_mem>>) src(%arg9 : memref<8x64x64xf32, #tpu.memory_space<vmem>>) dst(%dma_wait3A_1024 : memref<8x64x64xf32, #tpu.memory_space<hbm>>)
    %eq3A_1025 = arith.constant 11 : i32
    %eq3A_1026 = vector.broadcast %eq3A_1025 : i32 to vector<16xi32>
    %eq3A_1027 = arith.cmpi eq, %iota3A, %eq3A_1026 : vector<16xi32>
    %jit3A_1028 = arith.constant 0 : i32
    %broadcast_in_dim3A_1029 = vector.broadcast %jit3A_1028 : i32 to vector<16xi32>
    %select_n3A_1030 = arith.select %eq3A_1027, %sub3A_7, %broadcast_in_dim3A_1029 : vector<16xi1>, vector<16xi32>
    %reduce_sum3A_1031 = arith.constant true
    %reduce_sum3A_1032 = vector.broadcast %reduce_sum3A_1031 : i1 to vector<16xi1>
    %reduce_sum3A_1033 = tpu.scan <sum>, %select_n3A_1030 masked %reduce_sum3A_1032 : vector<16xi32>, vector<16xi1> -> vector<16xi32>
    %reduce_sum3A_1034 = vector.extract %reduce_sum3A_1033[15] : i32 from vector<16xi32>
    %dma_start3A_1035 = arith.constant 0 : i32
    %dma_start3A_1036 = arith.constant 0 : i32
    %dma_start3A_1037 = arith.constant 0 : i32
    %dma_start3A_1038 = tpu.memref_slice %arg2[%reduce_sum3A_1034, %dma_start3A_1035, %dma_start3A_1036, %dma_start3A_1037] : memref<104x16x64x64xf32, #tpu.memory_space<hbm>> -> memref<1x8x64x64xf32, #tpu.memory_space<hbm>>
    %dma_start3A_1039 = tpu.memref_squeeze %dma_start3A_1038 : memref<1x8x64x64xf32, #tpu.memory_space<hbm>> -> memref<8x64x64xf32, #tpu.memory_space<hbm>>
    %dma_start3A_1040 = arith.constant 0 : i32
    %dma_start3A_1041 = arith.constant 0 : i32
    %dma_start3A_1042 = arith.constant 0 : i32
    %dma_start3A_1043 = tpu.memref_slice %arg2[%reduce_sum3A_1034, %dma_start3A_1040, %dma_start3A_1041, %dma_start3A_1042] : memref<104x16x64x64xf32, #tpu.memory_space<hbm>> -> memref<1x8x64x64xf32, #tpu.memory_space<hbm>>
    %dma_start3A_1044 = tpu.memref_squeeze %dma_start3A_1043 : memref<1x8x64x64xf32, #tpu.memory_space<hbm>> -> memref<8x64x64xf32, #tpu.memory_space<hbm>>
    tpu.enqueue_dma source(%dma_start3A_1044 : memref<8x64x64xf32, #tpu.memory_space<hbm>>) target(%arg9 : memref<8x64x64xf32, #tpu.memory_space<vmem>>) target_semaphore(%arg12 : memref<!tpu.dma_semaphore, #tpu.memory_space<semaphore_mem>>)
    %dma_wait3A_1045 = arith.constant 8 : i32
    %dma_wait3A_1046 = arith.constant 0 : i32
    %dma_wait3A_1047 = arith.constant 0 : i32
    %dma_wait3A_1048 = tpu.memref_slice %arg2[%reduce_sum3A_986, %dma_wait3A_1045, %dma_wait3A_1046, %dma_wait3A_1047] : memref<104x16x64x64xf32, #tpu.memory_space<hbm>> -> memref<1x8x64x64xf32, #tpu.memory_space<hbm>>
    %dma_wait3A_1049 = tpu.memref_squeeze %dma_wait3A_1048 : memref<1x8x64x64xf32, #tpu.memory_space<hbm>> -> memref<8x64x64xf32, #tpu.memory_space<hbm>>
    %dma_wait3A_1050 = arith.constant 8 : i32
    %dma_wait3A_1051 = arith.constant 0 : i32
    %dma_wait3A_1052 = arith.constant 0 : i32
    %dma_wait3A_1053 = tpu.memref_slice %arg2[%reduce_sum3A_986, %dma_wait3A_1050, %dma_wait3A_1051, %dma_wait3A_1052] : memref<104x16x64x64xf32, #tpu.memory_space<hbm>> -> memref<1x8x64x64xf32, #tpu.memory_space<hbm>>
    %dma_wait3A_1054 = tpu.memref_squeeze %dma_wait3A_1053 : memref<1x8x64x64xf32, #tpu.memory_space<hbm>> -> memref<8x64x64xf32, #tpu.memory_space<hbm>>
    tpu.wait_dma2 semaphore(%arg11 : memref<!tpu.dma_semaphore, #tpu.memory_space<semaphore_mem>>) src(%dma_wait3A_1054 : memref<8x64x64xf32, #tpu.memory_space<hbm>>) dst(%arg8 : memref<8x64x64xf32, #tpu.memory_space<vmem>>)
    %mul3A_1055 = arith.constant 64 : i32
    %mul3A_1056 = arith.muli %arg1, %mul3A_1055 : i32
    %dma_start3A_1057 = arith.constant 8 : i32
    %dma_start3A_1058 = arith.constant 640 : i32
    %dma_start3A_1059 = tpu.memref_slice %arg5[%arg0, %dma_start3A_1057, %mul3A_1056, %dma_start3A_1058] : memref<2x16x1024x1024xf32, #tpu.memory_space<hbm>> -> memref<1x8x64x64xf32, #tpu.memory_space<hbm>>
    %dma_start3A_1060 = tpu.memref_squeeze %dma_start3A_1059 : memref<1x8x64x64xf32, #tpu.memory_space<hbm>> -> memref<8x64x64xf32, #tpu.memory_space<hbm>>
    %dma_start3A_1061 = arith.constant 8 : i32
    %dma_start3A_1062 = arith.constant 640 : i32
    %dma_start3A_1063 = tpu.memref_slice %arg5[%arg0, %dma_start3A_1061, %mul3A_1056, %dma_start3A_1062] : memref<2x16x1024x1024xf32, #tpu.memory_space<hbm>> -> memref<1x8x64x64xf32, #tpu.memory_space<hbm>>
    %dma_start3A_1064 = tpu.memref_squeeze %dma_start3A_1063 : memref<1x8x64x64xf32, #tpu.memory_space<hbm>> -> memref<8x64x64xf32, #tpu.memory_space<hbm>>
    tpu.enqueue_dma source(%arg8 : memref<8x64x64xf32, #tpu.memory_space<vmem>>) target(%dma_start3A_1064 : memref<8x64x64xf32, #tpu.memory_space<hbm>>) target_semaphore(%arg14 : memref<!tpu.dma_semaphore, #tpu.memory_space<semaphore_mem>>)
    %dma_wait3A_1065 = arith.constant 0 : i32
    %dma_wait3A_1066 = arith.constant 640 : i32
    %dma_wait3A_1067 = tpu.memref_slice %arg5[%arg0, %dma_wait3A_1065, %mul3A_1008, %dma_wait3A_1066] : memref<2x16x1024x1024xf32, #tpu.memory_space<hbm>> -> memref<1x8x64x64xf32, #tpu.memory_space<hbm>>
    %dma_wait3A_1068 = tpu.memref_squeeze %dma_wait3A_1067 : memref<1x8x64x64xf32, #tpu.memory_space<hbm>> -> memref<8x64x64xf32, #tpu.memory_space<hbm>>
    %dma_wait3A_1069 = arith.constant 0 : i32
    %dma_wait3A_1070 = arith.constant 640 : i32
    %dma_wait3A_1071 = tpu.memref_slice %arg5[%arg0, %dma_wait3A_1069, %mul3A_1008, %dma_wait3A_1070] : memref<2x16x1024x1024xf32, #tpu.memory_space<hbm>> -> memref<1x8x64x64xf32, #tpu.memory_space<hbm>>
    %dma_wait3A_1072 = tpu.memref_squeeze %dma_wait3A_1071 : memref<1x8x64x64xf32, #tpu.memory_space<hbm>> -> memref<8x64x64xf32, #tpu.memory_space<hbm>>
    tpu.wait_dma2 semaphore(%arg16 : memref<!tpu.dma_semaphore, #tpu.memory_space<semaphore_mem>>) src(%arg10 : memref<8x64x64xf32, #tpu.memory_space<vmem>>) dst(%dma_wait3A_1072 : memref<8x64x64xf32, #tpu.memory_space<hbm>>)
    %eq3A_1073 = arith.constant 11 : i32
    %eq3A_1074 = vector.broadcast %eq3A_1073 : i32 to vector<16xi32>
    %eq3A_1075 = arith.cmpi eq, %iota3A, %eq3A_1074 : vector<16xi32>
    %jit3A_1076 = arith.constant 0 : i32
    %broadcast_in_dim3A_1077 = vector.broadcast %jit3A_1076 : i32 to vector<16xi32>
    %select_n3A_1078 = arith.select %eq3A_1075, %sub3A_7, %broadcast_in_dim3A_1077 : vector<16xi1>, vector<16xi32>
    %reduce_sum3A_1079 = arith.constant true
    %reduce_sum3A_1080 = vector.broadcast %reduce_sum3A_1079 : i1 to vector<16xi1>
    %reduce_sum3A_1081 = tpu.scan <sum>, %select_n3A_1078 masked %reduce_sum3A_1080 : vector<16xi32>, vector<16xi1> -> vector<16xi32>
    %reduce_sum3A_1082 = vector.extract %reduce_sum3A_1081[15] : i32 from vector<16xi32>
    %dma_start3A_1083 = arith.constant 8 : i32
    %dma_start3A_1084 = arith.constant 0 : i32
    %dma_start3A_1085 = arith.constant 0 : i32
    %dma_start3A_1086 = tpu.memref_slice %arg2[%reduce_sum3A_1082, %dma_start3A_1083, %dma_start3A_1084, %dma_start3A_1085] : memref<104x16x64x64xf32, #tpu.memory_space<hbm>> -> memref<1x8x64x64xf32, #tpu.memory_space<hbm>>
    %dma_start3A_1087 = tpu.memref_squeeze %dma_start3A_1086 : memref<1x8x64x64xf32, #tpu.memory_space<hbm>> -> memref<8x64x64xf32, #tpu.memory_space<hbm>>
    %dma_start3A_1088 = arith.constant 8 : i32
    %dma_start3A_1089 = arith.constant 0 : i32
    %dma_start3A_1090 = arith.constant 0 : i32
    %dma_start3A_1091 = tpu.memref_slice %arg2[%reduce_sum3A_1082, %dma_start3A_1088, %dma_start3A_1089, %dma_start3A_1090] : memref<104x16x64x64xf32, #tpu.memory_space<hbm>> -> memref<1x8x64x64xf32, #tpu.memory_space<hbm>>
    %dma_start3A_1092 = tpu.memref_squeeze %dma_start3A_1091 : memref<1x8x64x64xf32, #tpu.memory_space<hbm>> -> memref<8x64x64xf32, #tpu.memory_space<hbm>>
    tpu.enqueue_dma source(%dma_start3A_1092 : memref<8x64x64xf32, #tpu.memory_space<hbm>>) target(%arg10 : memref<8x64x64xf32, #tpu.memory_space<vmem>>) target_semaphore(%arg13 : memref<!tpu.dma_semaphore, #tpu.memory_space<semaphore_mem>>)
    %dma_wait3A_1093 = arith.constant 0 : i32
    %dma_wait3A_1094 = arith.constant 0 : i32
    %dma_wait3A_1095 = arith.constant 0 : i32
    %dma_wait3A_1096 = tpu.memref_slice %arg2[%reduce_sum3A_1034, %dma_wait3A_1093, %dma_wait3A_1094, %dma_wait3A_1095] : memref<104x16x64x64xf32, #tpu.memory_space<hbm>> -> memref<1x8x64x64xf32, #tpu.memory_space<hbm>>
    %dma_wait3A_1097 = tpu.memref_squeeze %dma_wait3A_1096 : memref<1x8x64x64xf32, #tpu.memory_space<hbm>> -> memref<8x64x64xf32, #tpu.memory_space<hbm>>
    %dma_wait3A_1098 = arith.constant 0 : i32
    %dma_wait3A_1099 = arith.constant 0 : i32
    %dma_wait3A_1100 = arith.constant 0 : i32
    %dma_wait3A_1101 = tpu.memref_slice %arg2[%reduce_sum3A_1034, %dma_wait3A_1098, %dma_wait3A_1099, %dma_wait3A_1100] : memref<104x16x64x64xf32, #tpu.memory_space<hbm>> -> memref<1x8x64x64xf32, #tpu.memory_space<hbm>>
    %dma_wait3A_1102 = tpu.memref_squeeze %dma_wait3A_1101 : memref<1x8x64x64xf32, #tpu.memory_space<hbm>> -> memref<8x64x64xf32, #tpu.memory_space<hbm>>
    tpu.wait_dma2 semaphore(%arg12 : memref<!tpu.dma_semaphore, #tpu.memory_space<semaphore_mem>>) src(%dma_wait3A_1102 : memref<8x64x64xf32, #tpu.memory_space<hbm>>) dst(%arg9 : memref<8x64x64xf32, #tpu.memory_space<vmem>>)
    %mul3A_1103 = arith.constant 64 : i32
    %mul3A_1104 = arith.muli %arg1, %mul3A_1103 : i32
    %dma_start3A_1105 = arith.constant 0 : i32
    %dma_start3A_1106 = arith.constant 704 : i32
    %dma_start3A_1107 = tpu.memref_slice %arg5[%arg0, %dma_start3A_1105, %mul3A_1104, %dma_start3A_1106] : memref<2x16x1024x1024xf32, #tpu.memory_space<hbm>> -> memref<1x8x64x64xf32, #tpu.memory_space<hbm>>
    %dma_start3A_1108 = tpu.memref_squeeze %dma_start3A_1107 : memref<1x8x64x64xf32, #tpu.memory_space<hbm>> -> memref<8x64x64xf32, #tpu.memory_space<hbm>>
    %dma_start3A_1109 = arith.constant 0 : i32
    %dma_start3A_1110 = arith.constant 704 : i32
    %dma_start3A_1111 = tpu.memref_slice %arg5[%arg0, %dma_start3A_1109, %mul3A_1104, %dma_start3A_1110] : memref<2x16x1024x1024xf32, #tpu.memory_space<hbm>> -> memref<1x8x64x64xf32, #tpu.memory_space<hbm>>
    %dma_start3A_1112 = tpu.memref_squeeze %dma_start3A_1111 : memref<1x8x64x64xf32, #tpu.memory_space<hbm>> -> memref<8x64x64xf32, #tpu.memory_space<hbm>>
    tpu.enqueue_dma source(%arg9 : memref<8x64x64xf32, #tpu.memory_space<vmem>>) target(%dma_start3A_1112 : memref<8x64x64xf32, #tpu.memory_space<hbm>>) target_semaphore(%arg15 : memref<!tpu.dma_semaphore, #tpu.memory_space<semaphore_mem>>)
    %dma_wait3A_1113 = arith.constant 8 : i32
    %dma_wait3A_1114 = arith.constant 640 : i32
    %dma_wait3A_1115 = tpu.memref_slice %arg5[%arg0, %dma_wait3A_1113, %mul3A_1056, %dma_wait3A_1114] : memref<2x16x1024x1024xf32, #tpu.memory_space<hbm>> -> memref<1x8x64x64xf32, #tpu.memory_space<hbm>>
    %dma_wait3A_1116 = tpu.memref_squeeze %dma_wait3A_1115 : memref<1x8x64x64xf32, #tpu.memory_space<hbm>> -> memref<8x64x64xf32, #tpu.memory_space<hbm>>
    %dma_wait3A_1117 = arith.constant 8 : i32
    %dma_wait3A_1118 = arith.constant 640 : i32
    %dma_wait3A_1119 = tpu.memref_slice %arg5[%arg0, %dma_wait3A_1117, %mul3A_1056, %dma_wait3A_1118] : memref<2x16x1024x1024xf32, #tpu.memory_space<hbm>> -> memref<1x8x64x64xf32, #tpu.memory_space<hbm>>
    %dma_wait3A_1120 = tpu.memref_squeeze %dma_wait3A_1119 : memref<1x8x64x64xf32, #tpu.memory_space<hbm>> -> memref<8x64x64xf32, #tpu.memory_space<hbm>>
    tpu.wait_dma2 semaphore(%arg14 : memref<!tpu.dma_semaphore, #tpu.memory_space<semaphore_mem>>) src(%arg8 : memref<8x64x64xf32, #tpu.memory_space<vmem>>) dst(%dma_wait3A_1120 : memref<8x64x64xf32, #tpu.memory_space<hbm>>)
    %eq3A_1121 = arith.constant 12 : i32
    %eq3A_1122 = vector.broadcast %eq3A_1121 : i32 to vector<16xi32>
    %eq3A_1123 = arith.cmpi eq, %iota3A, %eq3A_1122 : vector<16xi32>
    %jit3A_1124 = arith.constant 0 : i32
    %broadcast_in_dim3A_1125 = vector.broadcast %jit3A_1124 : i32 to vector<16xi32>
    %select_n3A_1126 = arith.select %eq3A_1123, %sub3A_7, %broadcast_in_dim3A_1125 : vector<16xi1>, vector<16xi32>
    %reduce_sum3A_1127 = arith.constant true
    %reduce_sum3A_1128 = vector.broadcast %reduce_sum3A_1127 : i1 to vector<16xi1>
    %reduce_sum3A_1129 = tpu.scan <sum>, %select_n3A_1126 masked %reduce_sum3A_1128 : vector<16xi32>, vector<16xi1> -> vector<16xi32>
    %reduce_sum3A_1130 = vector.extract %reduce_sum3A_1129[15] : i32 from vector<16xi32>
    %dma_start3A_1131 = arith.constant 0 : i32
    %dma_start3A_1132 = arith.constant 0 : i32
    %dma_start3A_1133 = arith.constant 0 : i32
    %dma_start3A_1134 = tpu.memref_slice %arg2[%reduce_sum3A_1130, %dma_start3A_1131, %dma_start3A_1132, %dma_start3A_1133] : memref<104x16x64x64xf32, #tpu.memory_space<hbm>> -> memref<1x8x64x64xf32, #tpu.memory_space<hbm>>
    %dma_start3A_1135 = tpu.memref_squeeze %dma_start3A_1134 : memref<1x8x64x64xf32, #tpu.memory_space<hbm>> -> memref<8x64x64xf32, #tpu.memory_space<hbm>>
    %dma_start3A_1136 = arith.constant 0 : i32
    %dma_start3A_1137 = arith.constant 0 : i32
    %dma_start3A_1138 = arith.constant 0 : i32
    %dma_start3A_1139 = tpu.memref_slice %arg2[%reduce_sum3A_1130, %dma_start3A_1136, %dma_start3A_1137, %dma_start3A_1138] : memref<104x16x64x64xf32, #tpu.memory_space<hbm>> -> memref<1x8x64x64xf32, #tpu.memory_space<hbm>>
    %dma_start3A_1140 = tpu.memref_squeeze %dma_start3A_1139 : memref<1x8x64x64xf32, #tpu.memory_space<hbm>> -> memref<8x64x64xf32, #tpu.memory_space<hbm>>
    tpu.enqueue_dma source(%dma_start3A_1140 : memref<8x64x64xf32, #tpu.memory_space<hbm>>) target(%arg8 : memref<8x64x64xf32, #tpu.memory_space<vmem>>) target_semaphore(%arg11 : memref<!tpu.dma_semaphore, #tpu.memory_space<semaphore_mem>>)
    %dma_wait3A_1141 = arith.constant 8 : i32
    %dma_wait3A_1142 = arith.constant 0 : i32
    %dma_wait3A_1143 = arith.constant 0 : i32
    %dma_wait3A_1144 = tpu.memref_slice %arg2[%reduce_sum3A_1082, %dma_wait3A_1141, %dma_wait3A_1142, %dma_wait3A_1143] : memref<104x16x64x64xf32, #tpu.memory_space<hbm>> -> memref<1x8x64x64xf32, #tpu.memory_space<hbm>>
    %dma_wait3A_1145 = tpu.memref_squeeze %dma_wait3A_1144 : memref<1x8x64x64xf32, #tpu.memory_space<hbm>> -> memref<8x64x64xf32, #tpu.memory_space<hbm>>
    %dma_wait3A_1146 = arith.constant 8 : i32
    %dma_wait3A_1147 = arith.constant 0 : i32
    %dma_wait3A_1148 = arith.constant 0 : i32
    %dma_wait3A_1149 = tpu.memref_slice %arg2[%reduce_sum3A_1082, %dma_wait3A_1146, %dma_wait3A_1147, %dma_wait3A_1148] : memref<104x16x64x64xf32, #tpu.memory_space<hbm>> -> memref<1x8x64x64xf32, #tpu.memory_space<hbm>>
    %dma_wait3A_1150 = tpu.memref_squeeze %dma_wait3A_1149 : memref<1x8x64x64xf32, #tpu.memory_space<hbm>> -> memref<8x64x64xf32, #tpu.memory_space<hbm>>
    tpu.wait_dma2 semaphore(%arg13 : memref<!tpu.dma_semaphore, #tpu.memory_space<semaphore_mem>>) src(%dma_wait3A_1150 : memref<8x64x64xf32, #tpu.memory_space<hbm>>) dst(%arg10 : memref<8x64x64xf32, #tpu.memory_space<vmem>>)
    %mul3A_1151 = arith.constant 64 : i32
    %mul3A_1152 = arith.muli %arg1, %mul3A_1151 : i32
    %dma_start3A_1153 = arith.constant 8 : i32
    %dma_start3A_1154 = arith.constant 704 : i32
    %dma_start3A_1155 = tpu.memref_slice %arg5[%arg0, %dma_start3A_1153, %mul3A_1152, %dma_start3A_1154] : memref<2x16x1024x1024xf32, #tpu.memory_space<hbm>> -> memref<1x8x64x64xf32, #tpu.memory_space<hbm>>
    %dma_start3A_1156 = tpu.memref_squeeze %dma_start3A_1155 : memref<1x8x64x64xf32, #tpu.memory_space<hbm>> -> memref<8x64x64xf32, #tpu.memory_space<hbm>>
    %dma_start3A_1157 = arith.constant 8 : i32
    %dma_start3A_1158 = arith.constant 704 : i32
    %dma_start3A_1159 = tpu.memref_slice %arg5[%arg0, %dma_start3A_1157, %mul3A_1152, %dma_start3A_1158] : memref<2x16x1024x1024xf32, #tpu.memory_space<hbm>> -> memref<1x8x64x64xf32, #tpu.memory_space<hbm>>
    %dma_start3A_1160 = tpu.memref_squeeze %dma_start3A_1159 : memref<1x8x64x64xf32, #tpu.memory_space<hbm>> -> memref<8x64x64xf32, #tpu.memory_space<hbm>>
    tpu.enqueue_dma source(%arg10 : memref<8x64x64xf32, #tpu.memory_space<vmem>>) target(%dma_start3A_1160 : memref<8x64x64xf32, #tpu.memory_space<hbm>>) target_semaphore(%arg16 : memref<!tpu.dma_semaphore, #tpu.memory_space<semaphore_mem>>)
    %dma_wait3A_1161 = arith.constant 0 : i32
    %dma_wait3A_1162 = arith.constant 704 : i32
    %dma_wait3A_1163 = tpu.memref_slice %arg5[%arg0, %dma_wait3A_1161, %mul3A_1104, %dma_wait3A_1162] : memref<2x16x1024x1024xf32, #tpu.memory_space<hbm>> -> memref<1x8x64x64xf32, #tpu.memory_space<hbm>>
    %dma_wait3A_1164 = tpu.memref_squeeze %dma_wait3A_1163 : memref<1x8x64x64xf32, #tpu.memory_space<hbm>> -> memref<8x64x64xf32, #tpu.memory_space<hbm>>
    %dma_wait3A_1165 = arith.constant 0 : i32
    %dma_wait3A_1166 = arith.constant 704 : i32
    %dma_wait3A_1167 = tpu.memref_slice %arg5[%arg0, %dma_wait3A_1165, %mul3A_1104, %dma_wait3A_1166] : memref<2x16x1024x1024xf32, #tpu.memory_space<hbm>> -> memref<1x8x64x64xf32, #tpu.memory_space<hbm>>
    %dma_wait3A_1168 = tpu.memref_squeeze %dma_wait3A_1167 : memref<1x8x64x64xf32, #tpu.memory_space<hbm>> -> memref<8x64x64xf32, #tpu.memory_space<hbm>>
    tpu.wait_dma2 semaphore(%arg15 : memref<!tpu.dma_semaphore, #tpu.memory_space<semaphore_mem>>) src(%arg9 : memref<8x64x64xf32, #tpu.memory_space<vmem>>) dst(%dma_wait3A_1168 : memref<8x64x64xf32, #tpu.memory_space<hbm>>)
    %eq3A_1169 = arith.constant 12 : i32
    %eq3A_1170 = vector.broadcast %eq3A_1169 : i32 to vector<16xi32>
    %eq3A_1171 = arith.cmpi eq, %iota3A, %eq3A_1170 : vector<16xi32>
    %jit3A_1172 = arith.constant 0 : i32
    %broadcast_in_dim3A_1173 = vector.broadcast %jit3A_1172 : i32 to vector<16xi32>
    %select_n3A_1174 = arith.select %eq3A_1171, %sub3A_7, %broadcast_in_dim3A_1173 : vector<16xi1>, vector<16xi32>
    %reduce_sum3A_1175 = arith.constant true
    %reduce_sum3A_1176 = vector.broadcast %reduce_sum3A_1175 : i1 to vector<16xi1>
    %reduce_sum3A_1177 = tpu.scan <sum>, %select_n3A_1174 masked %reduce_sum3A_1176 : vector<16xi32>, vector<16xi1> -> vector<16xi32>
    %reduce_sum3A_1178 = vector.extract %reduce_sum3A_1177[15] : i32 from vector<16xi32>
    %dma_start3A_1179 = arith.constant 8 : i32
    %dma_start3A_1180 = arith.constant 0 : i32
    %dma_start3A_1181 = arith.constant 0 : i32
    %dma_start3A_1182 = tpu.memref_slice %arg2[%reduce_sum3A_1178, %dma_start3A_1179, %dma_start3A_1180, %dma_start3A_1181] : memref<104x16x64x64xf32, #tpu.memory_space<hbm>> -> memref<1x8x64x64xf32, #tpu.memory_space<hbm>>
    %dma_start3A_1183 = tpu.memref_squeeze %dma_start3A_1182 : memref<1x8x64x64xf32, #tpu.memory_space<hbm>> -> memref<8x64x64xf32, #tpu.memory_space<hbm>>
    %dma_start3A_1184 = arith.constant 8 : i32
    %dma_start3A_1185 = arith.constant 0 : i32
    %dma_start3A_1186 = arith.constant 0 : i32
    %dma_start3A_1187 = tpu.memref_slice %arg2[%reduce_sum3A_1178, %dma_start3A_1184, %dma_start3A_1185, %dma_start3A_1186] : memref<104x16x64x64xf32, #tpu.memory_space<hbm>> -> memref<1x8x64x64xf32, #tpu.memory_space<hbm>>
    %dma_start3A_1188 = tpu.memref_squeeze %dma_start3A_1187 : memref<1x8x64x64xf32, #tpu.memory_space<hbm>> -> memref<8x64x64xf32, #tpu.memory_space<hbm>>
    tpu.enqueue_dma source(%dma_start3A_1188 : memref<8x64x64xf32, #tpu.memory_space<hbm>>) target(%arg9 : memref<8x64x64xf32, #tpu.memory_space<vmem>>) target_semaphore(%arg12 : memref<!tpu.dma_semaphore, #tpu.memory_space<semaphore_mem>>)
    %dma_wait3A_1189 = arith.constant 0 : i32
    %dma_wait3A_1190 = arith.constant 0 : i32
    %dma_wait3A_1191 = arith.constant 0 : i32
    %dma_wait3A_1192 = tpu.memref_slice %arg2[%reduce_sum3A_1130, %dma_wait3A_1189, %dma_wait3A_1190, %dma_wait3A_1191] : memref<104x16x64x64xf32, #tpu.memory_space<hbm>> -> memref<1x8x64x64xf32, #tpu.memory_space<hbm>>
    %dma_wait3A_1193 = tpu.memref_squeeze %dma_wait3A_1192 : memref<1x8x64x64xf32, #tpu.memory_space<hbm>> -> memref<8x64x64xf32, #tpu.memory_space<hbm>>
    %dma_wait3A_1194 = arith.constant 0 : i32
    %dma_wait3A_1195 = arith.constant 0 : i32
    %dma_wait3A_1196 = arith.constant 0 : i32
    %dma_wait3A_1197 = tpu.memref_slice %arg2[%reduce_sum3A_1130, %dma_wait3A_1194, %dma_wait3A_1195, %dma_wait3A_1196] : memref<104x16x64x64xf32, #tpu.memory_space<hbm>> -> memref<1x8x64x64xf32, #tpu.memory_space<hbm>>
    %dma_wait3A_1198 = tpu.memref_squeeze %dma_wait3A_1197 : memref<1x8x64x64xf32, #tpu.memory_space<hbm>> -> memref<8x64x64xf32, #tpu.memory_space<hbm>>
    tpu.wait_dma2 semaphore(%arg11 : memref<!tpu.dma_semaphore, #tpu.memory_space<semaphore_mem>>) src(%dma_wait3A_1198 : memref<8x64x64xf32, #tpu.memory_space<hbm>>) dst(%arg8 : memref<8x64x64xf32, #tpu.memory_space<vmem>>)
    %mul3A_1199 = arith.constant 64 : i32
    %mul3A_1200 = arith.muli %arg1, %mul3A_1199 : i32
    %dma_start3A_1201 = arith.constant 0 : i32
    %dma_start3A_1202 = arith.constant 768 : i32
    %dma_start3A_1203 = tpu.memref_slice %arg5[%arg0, %dma_start3A_1201, %mul3A_1200, %dma_start3A_1202] : memref<2x16x1024x1024xf32, #tpu.memory_space<hbm>> -> memref<1x8x64x64xf32, #tpu.memory_space<hbm>>
    %dma_start3A_1204 = tpu.memref_squeeze %dma_start3A_1203 : memref<1x8x64x64xf32, #tpu.memory_space<hbm>> -> memref<8x64x64xf32, #tpu.memory_space<hbm>>
    %dma_start3A_1205 = arith.constant 0 : i32
    %dma_start3A_1206 = arith.constant 768 : i32
    %dma_start3A_1207 = tpu.memref_slice %arg5[%arg0, %dma_start3A_1205, %mul3A_1200, %dma_start3A_1206] : memref<2x16x1024x1024xf32, #tpu.memory_space<hbm>> -> memref<1x8x64x64xf32, #tpu.memory_space<hbm>>
    %dma_start3A_1208 = tpu.memref_squeeze %dma_start3A_1207 : memref<1x8x64x64xf32, #tpu.memory_space<hbm>> -> memref<8x64x64xf32, #tpu.memory_space<hbm>>
    tpu.enqueue_dma source(%arg8 : memref<8x64x64xf32, #tpu.memory_space<vmem>>) target(%dma_start3A_1208 : memref<8x64x64xf32, #tpu.memory_space<hbm>>) target_semaphore(%arg14 : memref<!tpu.dma_semaphore, #tpu.memory_space<semaphore_mem>>)
    %dma_wait3A_1209 = arith.constant 8 : i32
    %dma_wait3A_1210 = arith.constant 704 : i32
    %dma_wait3A_1211 = tpu.memref_slice %arg5[%arg0, %dma_wait3A_1209, %mul3A_1152, %dma_wait3A_1210] : memref<2x16x1024x1024xf32, #tpu.memory_space<hbm>> -> memref<1x8x64x64xf32, #tpu.memory_space<hbm>>
    %dma_wait3A_1212 = tpu.memref_squeeze %dma_wait3A_1211 : memref<1x8x64x64xf32, #tpu.memory_space<hbm>> -> memref<8x64x64xf32, #tpu.memory_space<hbm>>
    %dma_wait3A_1213 = arith.constant 8 : i32
    %dma_wait3A_1214 = arith.constant 704 : i32
    %dma_wait3A_1215 = tpu.memref_slice %arg5[%arg0, %dma_wait3A_1213, %mul3A_1152, %dma_wait3A_1214] : memref<2x16x1024x1024xf32, #tpu.memory_space<hbm>> -> memref<1x8x64x64xf32, #tpu.memory_space<hbm>>
    %dma_wait3A_1216 = tpu.memref_squeeze %dma_wait3A_1215 : memref<1x8x64x64xf32, #tpu.memory_space<hbm>> -> memref<8x64x64xf32, #tpu.memory_space<hbm>>
    tpu.wait_dma2 semaphore(%arg16 : memref<!tpu.dma_semaphore, #tpu.memory_space<semaphore_mem>>) src(%arg10 : memref<8x64x64xf32, #tpu.memory_space<vmem>>) dst(%dma_wait3A_1216 : memref<8x64x64xf32, #tpu.memory_space<hbm>>)
    %eq3A_1217 = arith.constant 13 : i32
    %eq3A_1218 = vector.broadcast %eq3A_1217 : i32 to vector<16xi32>
    %eq3A_1219 = arith.cmpi eq, %iota3A, %eq3A_1218 : vector<16xi32>
    %jit3A_1220 = arith.constant 0 : i32
    %broadcast_in_dim3A_1221 = vector.broadcast %jit3A_1220 : i32 to vector<16xi32>
    %select_n3A_1222 = arith.select %eq3A_1219, %sub3A_7, %broadcast_in_dim3A_1221 : vector<16xi1>, vector<16xi32>
    %reduce_sum3A_1223 = arith.constant true
    %reduce_sum3A_1224 = vector.broadcast %reduce_sum3A_1223 : i1 to vector<16xi1>
    %reduce_sum3A_1225 = tpu.scan <sum>, %select_n3A_1222 masked %reduce_sum3A_1224 : vector<16xi32>, vector<16xi1> -> vector<16xi32>
    %reduce_sum3A_1226 = vector.extract %reduce_sum3A_1225[15] : i32 from vector<16xi32>
    %dma_start3A_1227 = arith.constant 0 : i32
    %dma_start3A_1228 = arith.constant 0 : i32
    %dma_start3A_1229 = arith.constant 0 : i32
    %dma_start3A_1230 = tpu.memref_slice %arg2[%reduce_sum3A_1226, %dma_start3A_1227, %dma_start3A_1228, %dma_start3A_1229] : memref<104x16x64x64xf32, #tpu.memory_space<hbm>> -> memref<1x8x64x64xf32, #tpu.memory_space<hbm>>
    %dma_start3A_1231 = tpu.memref_squeeze %dma_start3A_1230 : memref<1x8x64x64xf32, #tpu.memory_space<hbm>> -> memref<8x64x64xf32, #tpu.memory_space<hbm>>
    %dma_start3A_1232 = arith.constant 0 : i32
    %dma_start3A_1233 = arith.constant 0 : i32
    %dma_start3A_1234 = arith.constant 0 : i32
    %dma_start3A_1235 = tpu.memref_slice %arg2[%reduce_sum3A_1226, %dma_start3A_1232, %dma_start3A_1233, %dma_start3A_1234] : memref<104x16x64x64xf32, #tpu.memory_space<hbm>> -> memref<1x8x64x64xf32, #tpu.memory_space<hbm>>
    %dma_start3A_1236 = tpu.memref_squeeze %dma_start3A_1235 : memref<1x8x64x64xf32, #tpu.memory_space<hbm>> -> memref<8x64x64xf32, #tpu.memory_space<hbm>>
    tpu.enqueue_dma source(%dma_start3A_1236 : memref<8x64x64xf32, #tpu.memory_space<hbm>>) target(%arg10 : memref<8x64x64xf32, #tpu.memory_space<vmem>>) target_semaphore(%arg13 : memref<!tpu.dma_semaphore, #tpu.memory_space<semaphore_mem>>)
    %dma_wait3A_1237 = arith.constant 8 : i32
    %dma_wait3A_1238 = arith.constant 0 : i32
    %dma_wait3A_1239 = arith.constant 0 : i32
    %dma_wait3A_1240 = tpu.memref_slice %arg2[%reduce_sum3A_1178, %dma_wait3A_1237, %dma_wait3A_1238, %dma_wait3A_1239] : memref<104x16x64x64xf32, #tpu.memory_space<hbm>> -> memref<1x8x64x64xf32, #tpu.memory_space<hbm>>
    %dma_wait3A_1241 = tpu.memref_squeeze %dma_wait3A_1240 : memref<1x8x64x64xf32, #tpu.memory_space<hbm>> -> memref<8x64x64xf32, #tpu.memory_space<hbm>>
    %dma_wait3A_1242 = arith.constant 8 : i32
    %dma_wait3A_1243 = arith.constant 0 : i32
    %dma_wait3A_1244 = arith.constant 0 : i32
    %dma_wait3A_1245 = tpu.memref_slice %arg2[%reduce_sum3A_1178, %dma_wait3A_1242, %dma_wait3A_1243, %dma_wait3A_1244] : memref<104x16x64x64xf32, #tpu.memory_space<hbm>> -> memref<1x8x64x64xf32, #tpu.memory_space<hbm>>
    %dma_wait3A_1246 = tpu.memref_squeeze %dma_wait3A_1245 : memref<1x8x64x64xf32, #tpu.memory_space<hbm>> -> memref<8x64x64xf32, #tpu.memory_space<hbm>>
    tpu.wait_dma2 semaphore(%arg12 : memref<!tpu.dma_semaphore, #tpu.memory_space<semaphore_mem>>) src(%dma_wait3A_1246 : memref<8x64x64xf32, #tpu.memory_space<hbm>>) dst(%arg9 : memref<8x64x64xf32, #tpu.memory_space<vmem>>)
    %mul3A_1247 = arith.constant 64 : i32
    %mul3A_1248 = arith.muli %arg1, %mul3A_1247 : i32
    %dma_start3A_1249 = arith.constant 8 : i32
    %dma_start3A_1250 = arith.constant 768 : i32
    %dma_start3A_1251 = tpu.memref_slice %arg5[%arg0, %dma_start3A_1249, %mul3A_1248, %dma_start3A_1250] : memref<2x16x1024x1024xf32, #tpu.memory_space<hbm>> -> memref<1x8x64x64xf32, #tpu.memory_space<hbm>>
    %dma_start3A_1252 = tpu.memref_squeeze %dma_start3A_1251 : memref<1x8x64x64xf32, #tpu.memory_space<hbm>> -> memref<8x64x64xf32, #tpu.memory_space<hbm>>
    %dma_start3A_1253 = arith.constant 8 : i32
    %dma_start3A_1254 = arith.constant 768 : i32
    %dma_start3A_1255 = tpu.memref_slice %arg5[%arg0, %dma_start3A_1253, %mul3A_1248, %dma_start3A_1254] : memref<2x16x1024x1024xf32, #tpu.memory_space<hbm>> -> memref<1x8x64x64xf32, #tpu.memory_space<hbm>>
    %dma_start3A_1256 = tpu.memref_squeeze %dma_start3A_1255 : memref<1x8x64x64xf32, #tpu.memory_space<hbm>> -> memref<8x64x64xf32, #tpu.memory_space<hbm>>
    tpu.enqueue_dma source(%arg9 : memref<8x64x64xf32, #tpu.memory_space<vmem>>) target(%dma_start3A_1256 : memref<8x64x64xf32, #tpu.memory_space<hbm>>) target_semaphore(%arg15 : memref<!tpu.dma_semaphore, #tpu.memory_space<semaphore_mem>>)
    %dma_wait3A_1257 = arith.constant 0 : i32
    %dma_wait3A_1258 = arith.constant 768 : i32
    %dma_wait3A_1259 = tpu.memref_slice %arg5[%arg0, %dma_wait3A_1257, %mul3A_1200, %dma_wait3A_1258] : memref<2x16x1024x1024xf32, #tpu.memory_space<hbm>> -> memref<1x8x64x64xf32, #tpu.memory_space<hbm>>
    %dma_wait3A_1260 = tpu.memref_squeeze %dma_wait3A_1259 : memref<1x8x64x64xf32, #tpu.memory_space<hbm>> -> memref<8x64x64xf32, #tpu.memory_space<hbm>>
    %dma_wait3A_1261 = arith.constant 0 : i32
    %dma_wait3A_1262 = arith.constant 768 : i32
    %dma_wait3A_1263 = tpu.memref_slice %arg5[%arg0, %dma_wait3A_1261, %mul3A_1200, %dma_wait3A_1262] : memref<2x16x1024x1024xf32, #tpu.memory_space<hbm>> -> memref<1x8x64x64xf32, #tpu.memory_space<hbm>>
    %dma_wait3A_1264 = tpu.memref_squeeze %dma_wait3A_1263 : memref<1x8x64x64xf32, #tpu.memory_space<hbm>> -> memref<8x64x64xf32, #tpu.memory_space<hbm>>
    tpu.wait_dma2 semaphore(%arg14 : memref<!tpu.dma_semaphore, #tpu.memory_space<semaphore_mem>>) src(%arg8 : memref<8x64x64xf32, #tpu.memory_space<vmem>>) dst(%dma_wait3A_1264 : memref<8x64x64xf32, #tpu.memory_space<hbm>>)
    %eq3A_1265 = arith.constant 13 : i32
    %eq3A_1266 = vector.broadcast %eq3A_1265 : i32 to vector<16xi32>
    %eq3A_1267 = arith.cmpi eq, %iota3A, %eq3A_1266 : vector<16xi32>
    %jit3A_1268 = arith.constant 0 : i32
    %broadcast_in_dim3A_1269 = vector.broadcast %jit3A_1268 : i32 to vector<16xi32>
    %select_n3A_1270 = arith.select %eq3A_1267, %sub3A_7, %broadcast_in_dim3A_1269 : vector<16xi1>, vector<16xi32>
    %reduce_sum3A_1271 = arith.constant true
    %reduce_sum3A_1272 = vector.broadcast %reduce_sum3A_1271 : i1 to vector<16xi1>
    %reduce_sum3A_1273 = tpu.scan <sum>, %select_n3A_1270 masked %reduce_sum3A_1272 : vector<16xi32>, vector<16xi1> -> vector<16xi32>
    %reduce_sum3A_1274 = vector.extract %reduce_sum3A_1273[15] : i32 from vector<16xi32>
    %dma_start3A_1275 = arith.constant 8 : i32
    %dma_start3A_1276 = arith.constant 0 : i32
    %dma_start3A_1277 = arith.constant 0 : i32
    %dma_start3A_1278 = tpu.memref_slice %arg2[%reduce_sum3A_1274, %dma_start3A_1275, %dma_start3A_1276, %dma_start3A_1277] : memref<104x16x64x64xf32, #tpu.memory_space<hbm>> -> memref<1x8x64x64xf32, #tpu.memory_space<hbm>>
    %dma_start3A_1279 = tpu.memref_squeeze %dma_start3A_1278 : memref<1x8x64x64xf32, #tpu.memory_space<hbm>> -> memref<8x64x64xf32, #tpu.memory_space<hbm>>
    %dma_start3A_1280 = arith.constant 8 : i32
    %dma_start3A_1281 = arith.constant 0 : i32
    %dma_start3A_1282 = arith.constant 0 : i32
    %dma_start3A_1283 = tpu.memref_slice %arg2[%reduce_sum3A_1274, %dma_start3A_1280, %dma_start3A_1281, %dma_start3A_1282] : memref<104x16x64x64xf32, #tpu.memory_space<hbm>> -> memref<1x8x64x64xf32, #tpu.memory_space<hbm>>
    %dma_start3A_1284 = tpu.memref_squeeze %dma_start3A_1283 : memref<1x8x64x64xf32, #tpu.memory_space<hbm>> -> memref<8x64x64xf32, #tpu.memory_space<hbm>>
    tpu.enqueue_dma source(%dma_start3A_1284 : memref<8x64x64xf32, #tpu.memory_space<hbm>>) target(%arg8 : memref<8x64x64xf32, #tpu.memory_space<vmem>>) target_semaphore(%arg11 : memref<!tpu.dma_semaphore, #tpu.memory_space<semaphore_mem>>)
    %dma_wait3A_1285 = arith.constant 0 : i32
    %dma_wait3A_1286 = arith.constant 0 : i32
    %dma_wait3A_1287 = arith.constant 0 : i32
    %dma_wait3A_1288 = tpu.memref_slice %arg2[%reduce_sum3A_1226, %dma_wait3A_1285, %dma_wait3A_1286, %dma_wait3A_1287] : memref<104x16x64x64xf32, #tpu.memory_space<hbm>> -> memref<1x8x64x64xf32, #tpu.memory_space<hbm>>
    %dma_wait3A_1289 = tpu.memref_squeeze %dma_wait3A_1288 : memref<1x8x64x64xf32, #tpu.memory_space<hbm>> -> memref<8x64x64xf32, #tpu.memory_space<hbm>>
    %dma_wait3A_1290 = arith.constant 0 : i32
    %dma_wait3A_1291 = arith.constant 0 : i32
    %dma_wait3A_1292 = arith.constant 0 : i32
    %dma_wait3A_1293 = tpu.memref_slice %arg2[%reduce_sum3A_1226, %dma_wait3A_1290, %dma_wait3A_1291, %dma_wait3A_1292] : memref<104x16x64x64xf32, #tpu.memory_space<hbm>> -> memref<1x8x64x64xf32, #tpu.memory_space<hbm>>
    %dma_wait3A_1294 = tpu.memref_squeeze %dma_wait3A_1293 : memref<1x8x64x64xf32, #tpu.memory_space<hbm>> -> memref<8x64x64xf32, #tpu.memory_space<hbm>>
    tpu.wait_dma2 semaphore(%arg13 : memref<!tpu.dma_semaphore, #tpu.memory_space<semaphore_mem>>) src(%dma_wait3A_1294 : memref<8x64x64xf32, #tpu.memory_space<hbm>>) dst(%arg10 : memref<8x64x64xf32, #tpu.memory_space<vmem>>)
    %mul3A_1295 = arith.constant 64 : i32
    %mul3A_1296 = arith.muli %arg1, %mul3A_1295 : i32
    %dma_start3A_1297 = arith.constant 0 : i32
    %dma_start3A_1298 = arith.constant 832 : i32
    %dma_start3A_1299 = tpu.memref_slice %arg5[%arg0, %dma_start3A_1297, %mul3A_1296, %dma_start3A_1298] : memref<2x16x1024x1024xf32, #tpu.memory_space<hbm>> -> memref<1x8x64x64xf32, #tpu.memory_space<hbm>>
    %dma_start3A_1300 = tpu.memref_squeeze %dma_start3A_1299 : memref<1x8x64x64xf32, #tpu.memory_space<hbm>> -> memref<8x64x64xf32, #tpu.memory_space<hbm>>
    %dma_start3A_1301 = arith.constant 0 : i32
    %dma_start3A_1302 = arith.constant 832 : i32
    %dma_start3A_1303 = tpu.memref_slice %arg5[%arg0, %dma_start3A_1301, %mul3A_1296, %dma_start3A_1302] : memref<2x16x1024x1024xf32, #tpu.memory_space<hbm>> -> memref<1x8x64x64xf32, #tpu.memory_space<hbm>>
    %dma_start3A_1304 = tpu.memref_squeeze %dma_start3A_1303 : memref<1x8x64x64xf32, #tpu.memory_space<hbm>> -> memref<8x64x64xf32, #tpu.memory_space<hbm>>
    tpu.enqueue_dma source(%arg10 : memref<8x64x64xf32, #tpu.memory_space<vmem>>) target(%dma_start3A_1304 : memref<8x64x64xf32, #tpu.memory_space<hbm>>) target_semaphore(%arg16 : memref<!tpu.dma_semaphore, #tpu.memory_space<semaphore_mem>>)
    %dma_wait3A_1305 = arith.constant 8 : i32
    %dma_wait3A_1306 = arith.constant 768 : i32
    %dma_wait3A_1307 = tpu.memref_slice %arg5[%arg0, %dma_wait3A_1305, %mul3A_1248, %dma_wait3A_1306] : memref<2x16x1024x1024xf32, #tpu.memory_space<hbm>> -> memref<1x8x64x64xf32, #tpu.memory_space<hbm>>
    %dma_wait3A_1308 = tpu.memref_squeeze %dma_wait3A_1307 : memref<1x8x64x64xf32, #tpu.memory_space<hbm>> -> memref<8x64x64xf32, #tpu.memory_space<hbm>>
    %dma_wait3A_1309 = arith.constant 8 : i32
    %dma_wait3A_1310 = arith.constant 768 : i32
    %dma_wait3A_1311 = tpu.memref_slice %arg5[%arg0, %dma_wait3A_1309, %mul3A_1248, %dma_wait3A_1310] : memref<2x16x1024x1024xf32, #tpu.memory_space<hbm>> -> memref<1x8x64x64xf32, #tpu.memory_space<hbm>>
    %dma_wait3A_1312 = tpu.memref_squeeze %dma_wait3A_1311 : memref<1x8x64x64xf32, #tpu.memory_space<hbm>> -> memref<8x64x64xf32, #tpu.memory_space<hbm>>
    tpu.wait_dma2 semaphore(%arg15 : memref<!tpu.dma_semaphore, #tpu.memory_space<semaphore_mem>>) src(%arg9 : memref<8x64x64xf32, #tpu.memory_space<vmem>>) dst(%dma_wait3A_1312 : memref<8x64x64xf32, #tpu.memory_space<hbm>>)
    %eq3A_1313 = arith.constant 14 : i32
    %eq3A_1314 = vector.broadcast %eq3A_1313 : i32 to vector<16xi32>
    %eq3A_1315 = arith.cmpi eq, %iota3A, %eq3A_1314 : vector<16xi32>
    %jit3A_1316 = arith.constant 0 : i32
    %broadcast_in_dim3A_1317 = vector.broadcast %jit3A_1316 : i32 to vector<16xi32>
    %select_n3A_1318 = arith.select %eq3A_1315, %sub3A_7, %broadcast_in_dim3A_1317 : vector<16xi1>, vector<16xi32>
    %reduce_sum3A_1319 = arith.constant true
    %reduce_sum3A_1320 = vector.broadcast %reduce_sum3A_1319 : i1 to vector<16xi1>
    %reduce_sum3A_1321 = tpu.scan <sum>, %select_n3A_1318 masked %reduce_sum3A_1320 : vector<16xi32>, vector<16xi1> -> vector<16xi32>
    %reduce_sum3A_1322 = vector.extract %reduce_sum3A_1321[15] : i32 from vector<16xi32>
    %dma_start3A_1323 = arith.constant 0 : i32
    %dma_start3A_1324 = arith.constant 0 : i32
    %dma_start3A_1325 = arith.constant 0 : i32
    %dma_start3A_1326 = tpu.memref_slice %arg2[%reduce_sum3A_1322, %dma_start3A_1323, %dma_start3A_1324, %dma_start3A_1325] : memref<104x16x64x64xf32, #tpu.memory_space<hbm>> -> memref<1x8x64x64xf32, #tpu.memory_space<hbm>>
    %dma_start3A_1327 = tpu.memref_squeeze %dma_start3A_1326 : memref<1x8x64x64xf32, #tpu.memory_space<hbm>> -> memref<8x64x64xf32, #tpu.memory_space<hbm>>
    %dma_start3A_1328 = arith.constant 0 : i32
    %dma_start3A_1329 = arith.constant 0 : i32
    %dma_start3A_1330 = arith.constant 0 : i32
    %dma_start3A_1331 = tpu.memref_slice %arg2[%reduce_sum3A_1322, %dma_start3A_1328, %dma_start3A_1329, %dma_start3A_1330] : memref<104x16x64x64xf32, #tpu.memory_space<hbm>> -> memref<1x8x64x64xf32, #tpu.memory_space<hbm>>
    %dma_start3A_1332 = tpu.memref_squeeze %dma_start3A_1331 : memref<1x8x64x64xf32, #tpu.memory_space<hbm>> -> memref<8x64x64xf32, #tpu.memory_space<hbm>>
    tpu.enqueue_dma source(%dma_start3A_1332 : memref<8x64x64xf32, #tpu.memory_space<hbm>>) target(%arg9 : memref<8x64x64xf32, #tpu.memory_space<vmem>>) target_semaphore(%arg12 : memref<!tpu.dma_semaphore, #tpu.memory_space<semaphore_mem>>)
    %dma_wait3A_1333 = arith.constant 8 : i32
    %dma_wait3A_1334 = arith.constant 0 : i32
    %dma_wait3A_1335 = arith.constant 0 : i32
    %dma_wait3A_1336 = tpu.memref_slice %arg2[%reduce_sum3A_1274, %dma_wait3A_1333, %dma_wait3A_1334, %dma_wait3A_1335] : memref<104x16x64x64xf32, #tpu.memory_space<hbm>> -> memref<1x8x64x64xf32, #tpu.memory_space<hbm>>
    %dma_wait3A_1337 = tpu.memref_squeeze %dma_wait3A_1336 : memref<1x8x64x64xf32, #tpu.memory_space<hbm>> -> memref<8x64x64xf32, #tpu.memory_space<hbm>>
    %dma_wait3A_1338 = arith.constant 8 : i32
    %dma_wait3A_1339 = arith.constant 0 : i32
    %dma_wait3A_1340 = arith.constant 0 : i32
    %dma_wait3A_1341 = tpu.memref_slice %arg2[%reduce_sum3A_1274, %dma_wait3A_1338, %dma_wait3A_1339, %dma_wait3A_1340] : memref<104x16x64x64xf32, #tpu.memory_space<hbm>> -> memref<1x8x64x64xf32, #tpu.memory_space<hbm>>
    %dma_wait3A_1342 = tpu.memref_squeeze %dma_wait3A_1341 : memref<1x8x64x64xf32, #tpu.memory_space<hbm>> -> memref<8x64x64xf32, #tpu.memory_space<hbm>>
    tpu.wait_dma2 semaphore(%arg11 : memref<!tpu.dma_semaphore, #tpu.memory_space<semaphore_mem>>) src(%dma_wait3A_1342 : memref<8x64x64xf32, #tpu.memory_space<hbm>>) dst(%arg8 : memref<8x64x64xf32, #tpu.memory_space<vmem>>)
    %mul3A_1343 = arith.constant 64 : i32
    %mul3A_1344 = arith.muli %arg1, %mul3A_1343 : i32
    %dma_start3A_1345 = arith.constant 8 : i32
    %dma_start3A_1346 = arith.constant 832 : i32
    %dma_start3A_1347 = tpu.memref_slice %arg5[%arg0, %dma_start3A_1345, %mul3A_1344, %dma_start3A_1346] : memref<2x16x1024x1024xf32, #tpu.memory_space<hbm>> -> memref<1x8x64x64xf32, #tpu.memory_space<hbm>>
    %dma_start3A_1348 = tpu.memref_squeeze %dma_start3A_1347 : memref<1x8x64x64xf32, #tpu.memory_space<hbm>> -> memref<8x64x64xf32, #tpu.memory_space<hbm>>
    %dma_start3A_1349 = arith.constant 8 : i32
    %dma_start3A_1350 = arith.constant 832 : i32
    %dma_start3A_1351 = tpu.memref_slice %arg5[%arg0, %dma_start3A_1349, %mul3A_1344, %dma_start3A_1350] : memref<2x16x1024x1024xf32, #tpu.memory_space<hbm>> -> memref<1x8x64x64xf32, #tpu.memory_space<hbm>>
    %dma_start3A_1352 = tpu.memref_squeeze %dma_start3A_1351 : memref<1x8x64x64xf32, #tpu.memory_space<hbm>> -> memref<8x64x64xf32, #tpu.memory_space<hbm>>
    tpu.enqueue_dma source(%arg8 : memref<8x64x64xf32, #tpu.memory_space<vmem>>) target(%dma_start3A_1352 : memref<8x64x64xf32, #tpu.memory_space<hbm>>) target_semaphore(%arg14 : memref<!tpu.dma_semaphore, #tpu.memory_space<semaphore_mem>>)
    %dma_wait3A_1353 = arith.constant 0 : i32
    %dma_wait3A_1354 = arith.constant 832 : i32
    %dma_wait3A_1355 = tpu.memref_slice %arg5[%arg0, %dma_wait3A_1353, %mul3A_1296, %dma_wait3A_1354] : memref<2x16x1024x1024xf32, #tpu.memory_space<hbm>> -> memref<1x8x64x64xf32, #tpu.memory_space<hbm>>
    %dma_wait3A_1356 = tpu.memref_squeeze %dma_wait3A_1355 : memref<1x8x64x64xf32, #tpu.memory_space<hbm>> -> memref<8x64x64xf32, #tpu.memory_space<hbm>>
    %dma_wait3A_1357 = arith.constant 0 : i32
    %dma_wait3A_1358 = arith.constant 832 : i32
    %dma_wait3A_1359 = tpu.memref_slice %arg5[%arg0, %dma_wait3A_1357, %mul3A_1296, %dma_wait3A_1358] : memref<2x16x1024x1024xf32, #tpu.memory_space<hbm>> -> memref<1x8x64x64xf32, #tpu.memory_space<hbm>>
    %dma_wait3A_1360 = tpu.memref_squeeze %dma_wait3A_1359 : memref<1x8x64x64xf32, #tpu.memory_space<hbm>> -> memref<8x64x64xf32, #tpu.memory_space<hbm>>
    tpu.wait_dma2 semaphore(%arg16 : memref<!tpu.dma_semaphore, #tpu.memory_space<semaphore_mem>>) src(%arg10 : memref<8x64x64xf32, #tpu.memory_space<vmem>>) dst(%dma_wait3A_1360 : memref<8x64x64xf32, #tpu.memory_space<hbm>>)
    %eq3A_1361 = arith.constant 14 : i32
    %eq3A_1362 = vector.broadcast %eq3A_1361 : i32 to vector<16xi32>
    %eq3A_1363 = arith.cmpi eq, %iota3A, %eq3A_1362 : vector<16xi32>
    %jit3A_1364 = arith.constant 0 : i32
    %broadcast_in_dim3A_1365 = vector.broadcast %jit3A_1364 : i32 to vector<16xi32>
    %select_n3A_1366 = arith.select %eq3A_1363, %sub3A_7, %broadcast_in_dim3A_1365 : vector<16xi1>, vector<16xi32>
    %reduce_sum3A_1367 = arith.constant true
    %reduce_sum3A_1368 = vector.broadcast %reduce_sum3A_1367 : i1 to vector<16xi1>
    %reduce_sum3A_1369 = tpu.scan <sum>, %select_n3A_1366 masked %reduce_sum3A_1368 : vector<16xi32>, vector<16xi1> -> vector<16xi32>
    %reduce_sum3A_1370 = vector.extract %reduce_sum3A_1369[15] : i32 from vector<16xi32>
    %dma_start3A_1371 = arith.constant 8 : i32
    %dma_start3A_1372 = arith.constant 0 : i32
    %dma_start3A_1373 = arith.constant 0 : i32
    %dma_start3A_1374 = tpu.memref_slice %arg2[%reduce_sum3A_1370, %dma_start3A_1371, %dma_start3A_1372, %dma_start3A_1373] : memref<104x16x64x64xf32, #tpu.memory_space<hbm>> -> memref<1x8x64x64xf32, #tpu.memory_space<hbm>>
    %dma_start3A_1375 = tpu.memref_squeeze %dma_start3A_1374 : memref<1x8x64x64xf32, #tpu.memory_space<hbm>> -> memref<8x64x64xf32, #tpu.memory_space<hbm>>
    %dma_start3A_1376 = arith.constant 8 : i32
    %dma_start3A_1377 = arith.constant 0 : i32
    %dma_start3A_1378 = arith.constant 0 : i32
    %dma_start3A_1379 = tpu.memref_slice %arg2[%reduce_sum3A_1370, %dma_start3A_1376, %dma_start3A_1377, %dma_start3A_1378] : memref<104x16x64x64xf32, #tpu.memory_space<hbm>> -> memref<1x8x64x64xf32, #tpu.memory_space<hbm>>
    %dma_start3A_1380 = tpu.memref_squeeze %dma_start3A_1379 : memref<1x8x64x64xf32, #tpu.memory_space<hbm>> -> memref<8x64x64xf32, #tpu.memory_space<hbm>>
    tpu.enqueue_dma source(%dma_start3A_1380 : memref<8x64x64xf32, #tpu.memory_space<hbm>>) target(%arg10 : memref<8x64x64xf32, #tpu.memory_space<vmem>>) target_semaphore(%arg13 : memref<!tpu.dma_semaphore, #tpu.memory_space<semaphore_mem>>)
    %dma_wait3A_1381 = arith.constant 0 : i32
    %dma_wait3A_1382 = arith.constant 0 : i32
    %dma_wait3A_1383 = arith.constant 0 : i32
    %dma_wait3A_1384 = tpu.memref_slice %arg2[%reduce_sum3A_1322, %dma_wait3A_1381, %dma_wait3A_1382, %dma_wait3A_1383] : memref<104x16x64x64xf32, #tpu.memory_space<hbm>> -> memref<1x8x64x64xf32, #tpu.memory_space<hbm>>
    %dma_wait3A_1385 = tpu.memref_squeeze %dma_wait3A_1384 : memref<1x8x64x64xf32, #tpu.memory_space<hbm>> -> memref<8x64x64xf32, #tpu.memory_space<hbm>>
    %dma_wait3A_1386 = arith.constant 0 : i32
    %dma_wait3A_1387 = arith.constant 0 : i32
    %dma_wait3A_1388 = arith.constant 0 : i32
    %dma_wait3A_1389 = tpu.memref_slice %arg2[%reduce_sum3A_1322, %dma_wait3A_1386, %dma_wait3A_1387, %dma_wait3A_1388] : memref<104x16x64x64xf32, #tpu.memory_space<hbm>> -> memref<1x8x64x64xf32, #tpu.memory_space<hbm>>
    %dma_wait3A_1390 = tpu.memref_squeeze %dma_wait3A_1389 : memref<1x8x64x64xf32, #tpu.memory_space<hbm>> -> memref<8x64x64xf32, #tpu.memory_space<hbm>>
    tpu.wait_dma2 semaphore(%arg12 : memref<!tpu.dma_semaphore, #tpu.memory_space<semaphore_mem>>) src(%dma_wait3A_1390 : memref<8x64x64xf32, #tpu.memory_space<hbm>>) dst(%arg9 : memref<8x64x64xf32, #tpu.memory_space<vmem>>)
    %mul3A_1391 = arith.constant 64 : i32
    %mul3A_1392 = arith.muli %arg1, %mul3A_1391 : i32
    %dma_start3A_1393 = arith.constant 0 : i32
    %dma_start3A_1394 = arith.constant 896 : i32
    %dma_start3A_1395 = tpu.memref_slice %arg5[%arg0, %dma_start3A_1393, %mul3A_1392, %dma_start3A_1394] : memref<2x16x1024x1024xf32, #tpu.memory_space<hbm>> -> memref<1x8x64x64xf32, #tpu.memory_space<hbm>>
    %dma_start3A_1396 = tpu.memref_squeeze %dma_start3A_1395 : memref<1x8x64x64xf32, #tpu.memory_space<hbm>> -> memref<8x64x64xf32, #tpu.memory_space<hbm>>
    %dma_start3A_1397 = arith.constant 0 : i32
    %dma_start3A_1398 = arith.constant 896 : i32
    %dma_start3A_1399 = tpu.memref_slice %arg5[%arg0, %dma_start3A_1397, %mul3A_1392, %dma_start3A_1398] : memref<2x16x1024x1024xf32, #tpu.memory_space<hbm>> -> memref<1x8x64x64xf32, #tpu.memory_space<hbm>>
    %dma_start3A_1400 = tpu.memref_squeeze %dma_start3A_1399 : memref<1x8x64x64xf32, #tpu.memory_space<hbm>> -> memref<8x64x64xf32, #tpu.memory_space<hbm>>
    tpu.enqueue_dma source(%arg9 : memref<8x64x64xf32, #tpu.memory_space<vmem>>) target(%dma_start3A_1400 : memref<8x64x64xf32, #tpu.memory_space<hbm>>) target_semaphore(%arg15 : memref<!tpu.dma_semaphore, #tpu.memory_space<semaphore_mem>>)
    %dma_wait3A_1401 = arith.constant 8 : i32
    %dma_wait3A_1402 = arith.constant 832 : i32
    %dma_wait3A_1403 = tpu.memref_slice %arg5[%arg0, %dma_wait3A_1401, %mul3A_1344, %dma_wait3A_1402] : memref<2x16x1024x1024xf32, #tpu.memory_space<hbm>> -> memref<1x8x64x64xf32, #tpu.memory_space<hbm>>
    %dma_wait3A_1404 = tpu.memref_squeeze %dma_wait3A_1403 : memref<1x8x64x64xf32, #tpu.memory_space<hbm>> -> memref<8x64x64xf32, #tpu.memory_space<hbm>>
    %dma_wait3A_1405 = arith.constant 8 : i32
    %dma_wait3A_1406 = arith.constant 832 : i32
    %dma_wait3A_1407 = tpu.memref_slice %arg5[%arg0, %dma_wait3A_1405, %mul3A_1344, %dma_wait3A_1406] : memref<2x16x1024x1024xf32, #tpu.memory_space<hbm>> -> memref<1x8x64x64xf32, #tpu.memory_space<hbm>>
    %dma_wait3A_1408 = tpu.memref_squeeze %dma_wait3A_1407 : memref<1x8x64x64xf32, #tpu.memory_space<hbm>> -> memref<8x64x64xf32, #tpu.memory_space<hbm>>
    tpu.wait_dma2 semaphore(%arg14 : memref<!tpu.dma_semaphore, #tpu.memory_space<semaphore_mem>>) src(%arg8 : memref<8x64x64xf32, #tpu.memory_space<vmem>>) dst(%dma_wait3A_1408 : memref<8x64x64xf32, #tpu.memory_space<hbm>>)
    %eq3A_1409 = arith.constant 15 : i32
    %eq3A_1410 = vector.broadcast %eq3A_1409 : i32 to vector<16xi32>
    %eq3A_1411 = arith.cmpi eq, %iota3A, %eq3A_1410 : vector<16xi32>
    %jit3A_1412 = arith.constant 0 : i32
    %broadcast_in_dim3A_1413 = vector.broadcast %jit3A_1412 : i32 to vector<16xi32>
    %select_n3A_1414 = arith.select %eq3A_1411, %sub3A_7, %broadcast_in_dim3A_1413 : vector<16xi1>, vector<16xi32>
    %reduce_sum3A_1415 = arith.constant true
    %reduce_sum3A_1416 = vector.broadcast %reduce_sum3A_1415 : i1 to vector<16xi1>
    %reduce_sum3A_1417 = tpu.scan <sum>, %select_n3A_1414 masked %reduce_sum3A_1416 : vector<16xi32>, vector<16xi1> -> vector<16xi32>
    %reduce_sum3A_1418 = vector.extract %reduce_sum3A_1417[15] : i32 from vector<16xi32>
    %dma_start3A_1419 = arith.constant 0 : i32
    %dma_start3A_1420 = arith.constant 0 : i32
    %dma_start3A_1421 = arith.constant 0 : i32
    %dma_start3A_1422 = tpu.memref_slice %arg2[%reduce_sum3A_1418, %dma_start3A_1419, %dma_start3A_1420, %dma_start3A_1421] : memref<104x16x64x64xf32, #tpu.memory_space<hbm>> -> memref<1x8x64x64xf32, #tpu.memory_space<hbm>>
    %dma_start3A_1423 = tpu.memref_squeeze %dma_start3A_1422 : memref<1x8x64x64xf32, #tpu.memory_space<hbm>> -> memref<8x64x64xf32, #tpu.memory_space<hbm>>
    %dma_start3A_1424 = arith.constant 0 : i32
    %dma_start3A_1425 = arith.constant 0 : i32
    %dma_start3A_1426 = arith.constant 0 : i32
    %dma_start3A_1427 = tpu.memref_slice %arg2[%reduce_sum3A_1418, %dma_start3A_1424, %dma_start3A_1425, %dma_start3A_1426] : memref<104x16x64x64xf32, #tpu.memory_space<hbm>> -> memref<1x8x64x64xf32, #tpu.memory_space<hbm>>
    %dma_start3A_1428 = tpu.memref_squeeze %dma_start3A_1427 : memref<1x8x64x64xf32, #tpu.memory_space<hbm>> -> memref<8x64x64xf32, #tpu.memory_space<hbm>>
    tpu.enqueue_dma source(%dma_start3A_1428 : memref<8x64x64xf32, #tpu.memory_space<hbm>>) target(%arg8 : memref<8x64x64xf32, #tpu.memory_space<vmem>>) target_semaphore(%arg11 : memref<!tpu.dma_semaphore, #tpu.memory_space<semaphore_mem>>)
    %dma_wait3A_1429 = arith.constant 8 : i32
    %dma_wait3A_1430 = arith.constant 0 : i32
    %dma_wait3A_1431 = arith.constant 0 : i32
    %dma_wait3A_1432 = tpu.memref_slice %arg2[%reduce_sum3A_1370, %dma_wait3A_1429, %dma_wait3A_1430, %dma_wait3A_1431] : memref<104x16x64x64xf32, #tpu.memory_space<hbm>> -> memref<1x8x64x64xf32, #tpu.memory_space<hbm>>
    %dma_wait3A_1433 = tpu.memref_squeeze %dma_wait3A_1432 : memref<1x8x64x64xf32, #tpu.memory_space<hbm>> -> memref<8x64x64xf32, #tpu.memory_space<hbm>>
    %dma_wait3A_1434 = arith.constant 8 : i32
    %dma_wait3A_1435 = arith.constant 0 : i32
    %dma_wait3A_1436 = arith.constant 0 : i32
    %dma_wait3A_1437 = tpu.memref_slice %arg2[%reduce_sum3A_1370, %dma_wait3A_1434, %dma_wait3A_1435, %dma_wait3A_1436] : memref<104x16x64x64xf32, #tpu.memory_space<hbm>> -> memref<1x8x64x64xf32, #tpu.memory_space<hbm>>
    %dma_wait3A_1438 = tpu.memref_squeeze %dma_wait3A_1437 : memref<1x8x64x64xf32, #tpu.memory_space<hbm>> -> memref<8x64x64xf32, #tpu.memory_space<hbm>>
    tpu.wait_dma2 semaphore(%arg13 : memref<!tpu.dma_semaphore, #tpu.memory_space<semaphore_mem>>) src(%dma_wait3A_1438 : memref<8x64x64xf32, #tpu.memory_space<hbm>>) dst(%arg10 : memref<8x64x64xf32, #tpu.memory_space<vmem>>)
    %mul3A_1439 = arith.constant 64 : i32
    %mul3A_1440 = arith.muli %arg1, %mul3A_1439 : i32
    %dma_start3A_1441 = arith.constant 8 : i32
    %dma_start3A_1442 = arith.constant 896 : i32
    %dma_start3A_1443 = tpu.memref_slice %arg5[%arg0, %dma_start3A_1441, %mul3A_1440, %dma_start3A_1442] : memref<2x16x1024x1024xf32, #tpu.memory_space<hbm>> -> memref<1x8x64x64xf32, #tpu.memory_space<hbm>>
    %dma_start3A_1444 = tpu.memref_squeeze %dma_start3A_1443 : memref<1x8x64x64xf32, #tpu.memory_space<hbm>> -> memref<8x64x64xf32, #tpu.memory_space<hbm>>
    %dma_start3A_1445 = arith.constant 8 : i32
    %dma_start3A_1446 = arith.constant 896 : i32
    %dma_start3A_1447 = tpu.memref_slice %arg5[%arg0, %dma_start3A_1445, %mul3A_1440, %dma_start3A_1446] : memref<2x16x1024x1024xf32, #tpu.memory_space<hbm>> -> memref<1x8x64x64xf32, #tpu.memory_space<hbm>>
    %dma_start3A_1448 = tpu.memref_squeeze %dma_start3A_1447 : memref<1x8x64x64xf32, #tpu.memory_space<hbm>> -> memref<8x64x64xf32, #tpu.memory_space<hbm>>
    tpu.enqueue_dma source(%arg10 : memref<8x64x64xf32, #tpu.memory_space<vmem>>) target(%dma_start3A_1448 : memref<8x64x64xf32, #tpu.memory_space<hbm>>) target_semaphore(%arg16 : memref<!tpu.dma_semaphore, #tpu.memory_space<semaphore_mem>>)
    %dma_wait3A_1449 = arith.constant 0 : i32
    %dma_wait3A_1450 = arith.constant 896 : i32
    %dma_wait3A_1451 = tpu.memref_slice %arg5[%arg0, %dma_wait3A_1449, %mul3A_1392, %dma_wait3A_1450] : memref<2x16x1024x1024xf32, #tpu.memory_space<hbm>> -> memref<1x8x64x64xf32, #tpu.memory_space<hbm>>
    %dma_wait3A_1452 = tpu.memref_squeeze %dma_wait3A_1451 : memref<1x8x64x64xf32, #tpu.memory_space<hbm>> -> memref<8x64x64xf32, #tpu.memory_space<hbm>>
    %dma_wait3A_1453 = arith.constant 0 : i32
    %dma_wait3A_1454 = arith.constant 896 : i32
    %dma_wait3A_1455 = tpu.memref_slice %arg5[%arg0, %dma_wait3A_1453, %mul3A_1392, %dma_wait3A_1454] : memref<2x16x1024x1024xf32, #tpu.memory_space<hbm>> -> memref<1x8x64x64xf32, #tpu.memory_space<hbm>>
    %dma_wait3A_1456 = tpu.memref_squeeze %dma_wait3A_1455 : memref<1x8x64x64xf32, #tpu.memory_space<hbm>> -> memref<8x64x64xf32, #tpu.memory_space<hbm>>
    tpu.wait_dma2 semaphore(%arg15 : memref<!tpu.dma_semaphore, #tpu.memory_space<semaphore_mem>>) src(%arg9 : memref<8x64x64xf32, #tpu.memory_space<vmem>>) dst(%dma_wait3A_1456 : memref<8x64x64xf32, #tpu.memory_space<hbm>>)
    %eq3A_1457 = arith.constant 15 : i32
    %eq3A_1458 = vector.broadcast %eq3A_1457 : i32 to vector<16xi32>
    %eq3A_1459 = arith.cmpi eq, %iota3A, %eq3A_1458 : vector<16xi32>
    %jit3A_1460 = arith.constant 0 : i32
    %broadcast_in_dim3A_1461 = vector.broadcast %jit3A_1460 : i32 to vector<16xi32>
    %select_n3A_1462 = arith.select %eq3A_1459, %sub3A_7, %broadcast_in_dim3A_1461 : vector<16xi1>, vector<16xi32>
    %reduce_sum3A_1463 = arith.constant true
    %reduce_sum3A_1464 = vector.broadcast %reduce_sum3A_1463 : i1 to vector<16xi1>
    %reduce_sum3A_1465 = tpu.scan <sum>, %select_n3A_1462 masked %reduce_sum3A_1464 : vector<16xi32>, vector<16xi1> -> vector<16xi32>
    %reduce_sum3A_1466 = vector.extract %reduce_sum3A_1465[15] : i32 from vector<16xi32>
    %dma_start3A_1467 = arith.constant 8 : i32
    %dma_start3A_1468 = arith.constant 0 : i32
    %dma_start3A_1469 = arith.constant 0 : i32
    %dma_start3A_1470 = tpu.memref_slice %arg2[%reduce_sum3A_1466, %dma_start3A_1467, %dma_start3A_1468, %dma_start3A_1469] : memref<104x16x64x64xf32, #tpu.memory_space<hbm>> -> memref<1x8x64x64xf32, #tpu.memory_space<hbm>>
    %dma_start3A_1471 = tpu.memref_squeeze %dma_start3A_1470 : memref<1x8x64x64xf32, #tpu.memory_space<hbm>> -> memref<8x64x64xf32, #tpu.memory_space<hbm>>
    %dma_start3A_1472 = arith.constant 8 : i32
    %dma_start3A_1473 = arith.constant 0 : i32
    %dma_start3A_1474 = arith.constant 0 : i32
    %dma_start3A_1475 = tpu.memref_slice %arg2[%reduce_sum3A_1466, %dma_start3A_1472, %dma_start3A_1473, %dma_start3A_1474] : memref<104x16x64x64xf32, #tpu.memory_space<hbm>> -> memref<1x8x64x64xf32, #tpu.memory_space<hbm>>
    %dma_start3A_1476 = tpu.memref_squeeze %dma_start3A_1475 : memref<1x8x64x64xf32, #tpu.memory_space<hbm>> -> memref<8x64x64xf32, #tpu.memory_space<hbm>>
    tpu.enqueue_dma source(%dma_start3A_1476 : memref<8x64x64xf32, #tpu.memory_space<hbm>>) target(%arg9 : memref<8x64x64xf32, #tpu.memory_space<vmem>>) target_semaphore(%arg12 : memref<!tpu.dma_semaphore, #tpu.memory_space<semaphore_mem>>)
    %dma_wait3A_1477 = arith.constant 0 : i32
    %dma_wait3A_1478 = arith.constant 0 : i32
    %dma_wait3A_1479 = arith.constant 0 : i32
    %dma_wait3A_1480 = tpu.memref_slice %arg2[%reduce_sum3A_1418, %dma_wait3A_1477, %dma_wait3A_1478, %dma_wait3A_1479] : memref<104x16x64x64xf32, #tpu.memory_space<hbm>> -> memref<1x8x64x64xf32, #tpu.memory_space<hbm>>
    %dma_wait3A_1481 = tpu.memref_squeeze %dma_wait3A_1480 : memref<1x8x64x64xf32, #tpu.memory_space<hbm>> -> memref<8x64x64xf32, #tpu.memory_space<hbm>>
    %dma_wait3A_1482 = arith.constant 0 : i32
    %dma_wait3A_1483 = arith.constant 0 : i32
    %dma_wait3A_1484 = arith.constant 0 : i32
    %dma_wait3A_1485 = tpu.memref_slice %arg2[%reduce_sum3A_1418, %dma_wait3A_1482, %dma_wait3A_1483, %dma_wait3A_1484] : memref<104x16x64x64xf32, #tpu.memory_space<hbm>> -> memref<1x8x64x64xf32, #tpu.memory_space<hbm>>
    %dma_wait3A_1486 = tpu.memref_squeeze %dma_wait3A_1485 : memref<1x8x64x64xf32, #tpu.memory_space<hbm>> -> memref<8x64x64xf32, #tpu.memory_space<hbm>>
    tpu.wait_dma2 semaphore(%arg11 : memref<!tpu.dma_semaphore, #tpu.memory_space<semaphore_mem>>) src(%dma_wait3A_1486 : memref<8x64x64xf32, #tpu.memory_space<hbm>>) dst(%arg8 : memref<8x64x64xf32, #tpu.memory_space<vmem>>)
    %mul3A_1487 = arith.constant 64 : i32
    %mul3A_1488 = arith.muli %arg1, %mul3A_1487 : i32
    %dma_start3A_1489 = arith.constant 0 : i32
    %dma_start3A_1490 = arith.constant 960 : i32
    %dma_start3A_1491 = tpu.memref_slice %arg5[%arg0, %dma_start3A_1489, %mul3A_1488, %dma_start3A_1490] : memref<2x16x1024x1024xf32, #tpu.memory_space<hbm>> -> memref<1x8x64x64xf32, #tpu.memory_space<hbm>>
    %dma_start3A_1492 = tpu.memref_squeeze %dma_start3A_1491 : memref<1x8x64x64xf32, #tpu.memory_space<hbm>> -> memref<8x64x64xf32, #tpu.memory_space<hbm>>
    %dma_start3A_1493 = arith.constant 0 : i32
    %dma_start3A_1494 = arith.constant 960 : i32
    %dma_start3A_1495 = tpu.memref_slice %arg5[%arg0, %dma_start3A_1493, %mul3A_1488, %dma_start3A_1494] : memref<2x16x1024x1024xf32, #tpu.memory_space<hbm>> -> memref<1x8x64x64xf32, #tpu.memory_space<hbm>>
    %dma_start3A_1496 = tpu.memref_squeeze %dma_start3A_1495 : memref<1x8x64x64xf32, #tpu.memory_space<hbm>> -> memref<8x64x64xf32, #tpu.memory_space<hbm>>
    tpu.enqueue_dma source(%arg8 : memref<8x64x64xf32, #tpu.memory_space<vmem>>) target(%dma_start3A_1496 : memref<8x64x64xf32, #tpu.memory_space<hbm>>) target_semaphore(%arg14 : memref<!tpu.dma_semaphore, #tpu.memory_space<semaphore_mem>>)
    %dma_wait3A_1497 = arith.constant 8 : i32
    %dma_wait3A_1498 = arith.constant 0 : i32
    %dma_wait3A_1499 = arith.constant 0 : i32
    %dma_wait3A_1500 = tpu.memref_slice %arg2[%reduce_sum3A_1466, %dma_wait3A_1497, %dma_wait3A_1498, %dma_wait3A_1499] : memref<104x16x64x64xf32, #tpu.memory_space<hbm>> -> memref<1x8x64x64xf32, #tpu.memory_space<hbm>>
    %dma_wait3A_1501 = tpu.memref_squeeze %dma_wait3A_1500 : memref<1x8x64x64xf32, #tpu.memory_space<hbm>> -> memref<8x64x64xf32, #tpu.memory_space<hbm>>
    %dma_wait3A_1502 = arith.constant 8 : i32
    %dma_wait3A_1503 = arith.constant 0 : i32
    %dma_wait3A_1504 = arith.constant 0 : i32
    %dma_wait3A_1505 = tpu.memref_slice %arg2[%reduce_sum3A_1466, %dma_wait3A_1502, %dma_wait3A_1503, %dma_wait3A_1504] : memref<104x16x64x64xf32, #tpu.memory_space<hbm>> -> memref<1x8x64x64xf32, #tpu.memory_space<hbm>>
    %dma_wait3A_1506 = tpu.memref_squeeze %dma_wait3A_1505 : memref<1x8x64x64xf32, #tpu.memory_space<hbm>> -> memref<8x64x64xf32, #tpu.memory_space<hbm>>
    tpu.wait_dma2 semaphore(%arg12 : memref<!tpu.dma_semaphore, #tpu.memory_space<semaphore_mem>>) src(%dma_wait3A_1506 : memref<8x64x64xf32, #tpu.memory_space<hbm>>) dst(%arg9 : memref<8x64x64xf32, #tpu.memory_space<vmem>>)
    %mul3A_1507 = arith.constant 64 : i32
    %mul3A_1508 = arith.muli %arg1, %mul3A_1507 : i32
    %dma_start3A_1509 = arith.constant 8 : i32
    %dma_start3A_1510 = arith.constant 960 : i32
    %dma_start3A_1511 = tpu.memref_slice %arg5[%arg0, %dma_start3A_1509, %mul3A_1508, %dma_start3A_1510] : memref<2x16x1024x1024xf32, #tpu.memory_space<hbm>> -> memref<1x8x64x64xf32, #tpu.memory_space<hbm>>
    %dma_start3A_1512 = tpu.memref_squeeze %dma_start3A_1511 : memref<1x8x64x64xf32, #tpu.memory_space<hbm>> -> memref<8x64x64xf32, #tpu.memory_space<hbm>>
    %dma_start3A_1513 = arith.constant 8 : i32
    %dma_start3A_1514 = arith.constant 960 : i32
    %dma_start3A_1515 = tpu.memref_slice %arg5[%arg0, %dma_start3A_1513, %mul3A_1508, %dma_start3A_1514] : memref<2x16x1024x1024xf32, #tpu.memory_space<hbm>> -> memref<1x8x64x64xf32, #tpu.memory_space<hbm>>
    %dma_start3A_1516 = tpu.memref_squeeze %dma_start3A_1515 : memref<1x8x64x64xf32, #tpu.memory_space<hbm>> -> memref<8x64x64xf32, #tpu.memory_space<hbm>>
    tpu.enqueue_dma source(%arg9 : memref<8x64x64xf32, #tpu.memory_space<vmem>>) target(%dma_start3A_1516 : memref<8x64x64xf32, #tpu.memory_space<hbm>>) target_semaphore(%arg15 : memref<!tpu.dma_semaphore, #tpu.memory_space<semaphore_mem>>)
    %dma_wait3A_1517 = arith.constant 8 : i32
    %dma_wait3A_1518 = arith.constant 896 : i32
    %dma_wait3A_1519 = tpu.memref_slice %arg5[%arg0, %dma_wait3A_1517, %mul3A_1440, %dma_wait3A_1518] : memref<2x16x1024x1024xf32, #tpu.memory_space<hbm>> -> memref<1x8x64x64xf32, #tpu.memory_space<hbm>>
    %dma_wait3A_1520 = tpu.memref_squeeze %dma_wait3A_1519 : memref<1x8x64x64xf32, #tpu.memory_space<hbm>> -> memref<8x64x64xf32, #tpu.memory_space<hbm>>
    %dma_wait3A_1521 = arith.constant 8 : i32
    %dma_wait3A_1522 = arith.constant 896 : i32
    %dma_wait3A_1523 = tpu.memref_slice %arg5[%arg0, %dma_wait3A_1521, %mul3A_1440, %dma_wait3A_1522] : memref<2x16x1024x1024xf32, #tpu.memory_space<hbm>> -> memref<1x8x64x64xf32, #tpu.memory_space<hbm>>
    %dma_wait3A_1524 = tpu.memref_squeeze %dma_wait3A_1523 : memref<1x8x64x64xf32, #tpu.memory_space<hbm>> -> memref<8x64x64xf32, #tpu.memory_space<hbm>>
    tpu.wait_dma2 semaphore(%arg16 : memref<!tpu.dma_semaphore, #tpu.memory_space<semaphore_mem>>) src(%arg10 : memref<8x64x64xf32, #tpu.memory_space<vmem>>) dst(%dma_wait3A_1524 : memref<8x64x64xf32, #tpu.memory_space<hbm>>)
    %dma_wait3A_1525 = arith.constant 0 : i32
    %dma_wait3A_1526 = arith.constant 960 : i32
    %dma_wait3A_1527 = tpu.memref_slice %arg5[%arg0, %dma_wait3A_1525, %mul3A_1488, %dma_wait3A_1526] : memref<2x16x1024x1024xf32, #tpu.memory_space<hbm>> -> memref<1x8x64x64xf32, #tpu.memory_space<hbm>>
    %dma_wait3A_1528 = tpu.memref_squeeze %dma_wait3A_1527 : memref<1x8x64x64xf32, #tpu.memory_space<hbm>> -> memref<8x64x64xf32, #tpu.memory_space<hbm>>
    %dma_wait3A_1529 = arith.constant 0 : i32
    %dma_wait3A_1530 = arith.constant 960 : i32
    %dma_wait3A_1531 = tpu.memref_slice %arg5[%arg0, %dma_wait3A_1529, %mul3A_1488, %dma_wait3A_1530] : memref<2x16x1024x1024xf32, #tpu.memory_space<hbm>> -> memref<1x8x64x64xf32, #tpu.memory_space<hbm>>
    %dma_wait3A_1532 = tpu.memref_squeeze %dma_wait3A_1531 : memref<1x8x64x64xf32, #tpu.memory_space<hbm>> -> memref<8x64x64xf32, #tpu.memory_space<hbm>>
    tpu.wait_dma2 semaphore(%arg14 : memref<!tpu.dma_semaphore, #tpu.memory_space<semaphore_mem>>) src(%arg8 : memref<8x64x64xf32, #tpu.memory_space<vmem>>) dst(%dma_wait3A_1532 : memref<8x64x64xf32, #tpu.memory_space<hbm>>)
    %dma_wait3A_1533 = arith.constant 8 : i32
    %dma_wait3A_1534 = arith.constant 960 : i32
    %dma_wait3A_1535 = tpu.memref_slice %arg5[%arg0, %dma_wait3A_1533, %mul3A_1508, %dma_wait3A_1534] : memref<2x16x1024x1024xf32, #tpu.memory_space<hbm>> -> memref<1x8x64x64xf32, #tpu.memory_space<hbm>>
    %dma_wait3A_1536 = tpu.memref_squeeze %dma_wait3A_1535 : memref<1x8x64x64xf32, #tpu.memory_space<hbm>> -> memref<8x64x64xf32, #tpu.memory_space<hbm>>
    %dma_wait3A_1537 = arith.constant 8 : i32
    %dma_wait3A_1538 = arith.constant 960 : i32
    %dma_wait3A_1539 = tpu.memref_slice %arg5[%arg0, %dma_wait3A_1537, %mul3A_1508, %dma_wait3A_1538] : memref<2x16x1024x1024xf32, #tpu.memory_space<hbm>> -> memref<1x8x64x64xf32, #tpu.memory_space<hbm>>
    %dma_wait3A_1540 = tpu.memref_squeeze %dma_wait3A_1539 : memref<1x8x64x64xf32, #tpu.memory_space<hbm>> -> memref<8x64x64xf32, #tpu.memory_space<hbm>>
    tpu.wait_dma2 semaphore(%arg15 : memref<!tpu.dma_semaphore, #tpu.memory_space<semaphore_mem>>) src(%arg9 : memref<8x64x64xf32, #tpu.memory_space<vmem>>) dst(%dma_wait3A_1540 : memref<8x64x64xf32, #tpu.memory_space<hbm>>)
    return
  }
}

module attributes {stable_mosaic.version = 14 : i64} {
  func.func @_blk_body(%arg0: i32, %arg1: memref<8x8x256xf32, #tpu.memory_space<vmem>>, %arg2: memref<512x8xf32, #tpu.memory_space<vmem>>, %arg3: memref<16x512xf32, #tpu.memory_space<vmem>>, %arg4: memref<256x4096xf32, #tpu.memory_space<vmem>>, %arg5: memref<8x16x4096xf32, #tpu.memory_space<vmem>>) attributes {dimension_semantics = [#tpu.dimension_semantics<arbitrary>], iteration_bounds = array<i64: 13>, scalar_prefetch = 0 : i64, scratch_operands = 0 : i64, tpu.core_type = #tpu.core_type<tc>, window_params = [{transform_indices = @transform_0, window_bounds = array<i64: 8, 8, 256>}, {pipeline_mode = #tpu.pipeline_mode<synchronous>, transform_indices = @transform_1, window_bounds = array<i64: 512, 8>}, {pipeline_mode = #tpu.pipeline_mode<synchronous>, transform_indices = @transform_2, window_bounds = array<i64: 16, 512>}, {pipeline_mode = #tpu.pipeline_mode<synchronous>, transform_indices = @transform_3, window_bounds = array<i64: 256, 4096>}, {transform_indices = @transform_4, window_bounds = array<i64: 8, 16, 4096>}]} {
    %get3A = arith.constant 0 : index
    %get3A_0 = arith.constant 0 : index
    %get3A_1 = vector.load %arg2[%get3A, %get3A_0] : memref<512x8xf32, #tpu.memory_space<vmem>>, vector<512x8xf32>
    %get3A_2 = arith.constant 0 : index
    %get3A_3 = arith.constant 0 : index
    %get3A_4 = arith.constant 0 : index
    %get3A_5 = vector.load %arg1[%get3A_2, %get3A_3, %get3A_4] : memref<8x8x256xf32, #tpu.memory_space<vmem>>, vector<1x8x256xf32>
    %get3A_6 = vector.shape_cast %get3A_5 : vector<1x8x256xf32> to vector<8x256xf32>
    %dot_general3A = arith.constant dense<0.000000e+00> : vector<512x256xf32>
    %dot_general3A_7 = tpu.matmul %get3A_1, %get3A_6, %dot_general3A {dimension_numbers = #tpu.dot_dimension_numbers<[1], [0], [0], [1], [0, 0, 1, 1], [], []>, transpose_lhs_hint = false} : vector<512x8xf32>, vector<8x256xf32>, vector<512x256xf32> -> vector<512x256xf32>
    %max3A = arith.constant 0.000000e+00 : f32
    %max3A_8 = vector.broadcast %max3A : f32 to vector<512x256xf32>
    %max3A_9 = arith.maximumf %dot_general3A_7, %max3A_8 : vector<512x256xf32>
    %get3A_10 = arith.constant 0 : index
    %get3A_11 = arith.constant 0 : index
    %get3A_12 = vector.load %arg3[%get3A_10, %get3A_11] : memref<16x512xf32, #tpu.memory_space<vmem>>, vector<16x512xf32>
    %dot_general3A_13 = arith.constant dense<0.000000e+00> : vector<16x256xf32>
    %dot_general3A_14 = tpu.matmul %get3A_12, %max3A_9, %dot_general3A_13 {dimension_numbers = #tpu.dot_dimension_numbers<[1], [0], [0], [1], [0, 0, 1, 1], [], []>, transpose_lhs_hint = false} : vector<16x512xf32>, vector<512x256xf32>, vector<16x256xf32> -> vector<16x256xf32>
    %get3A_15 = arith.constant 0 : index
    %get3A_16 = arith.constant 0 : index
    %get3A_17 = vector.load %arg2[%get3A_15, %get3A_16] : memref<512x8xf32, #tpu.memory_space<vmem>>, vector<512x8xf32>
    %get3A_18 = arith.constant 1 : index
    %get3A_19 = arith.constant 0 : index
    %get3A_20 = arith.constant 0 : index
    %get3A_21 = vector.load %arg1[%get3A_18, %get3A_19, %get3A_20] : memref<8x8x256xf32, #tpu.memory_space<vmem>>, vector<1x8x256xf32>
    %get3A_22 = vector.shape_cast %get3A_21 : vector<1x8x256xf32> to vector<8x256xf32>
    %dot_general3A_23 = arith.constant dense<0.000000e+00> : vector<512x256xf32>
    %dot_general3A_24 = tpu.matmul %get3A_17, %get3A_22, %dot_general3A_23 {dimension_numbers = #tpu.dot_dimension_numbers<[1], [0], [0], [1], [0, 0, 1, 1], [], []>, transpose_lhs_hint = false} : vector<512x8xf32>, vector<8x256xf32>, vector<512x256xf32> -> vector<512x256xf32>
    %max3A_25 = arith.constant 0.000000e+00 : f32
    %max3A_26 = vector.broadcast %max3A_25 : f32 to vector<512x256xf32>
    %max3A_27 = arith.maximumf %dot_general3A_24, %max3A_26 : vector<512x256xf32>
    %get3A_28 = arith.constant 0 : index
    %get3A_29 = arith.constant 0 : index
    %get3A_30 = vector.load %arg3[%get3A_28, %get3A_29] : memref<16x512xf32, #tpu.memory_space<vmem>>, vector<16x512xf32>
    %dot_general3A_31 = arith.constant dense<0.000000e+00> : vector<16x256xf32>
    %dot_general3A_32 = tpu.matmul %get3A_30, %max3A_27, %dot_general3A_31 {dimension_numbers = #tpu.dot_dimension_numbers<[1], [0], [0], [1], [0, 0, 1, 1], [], []>, transpose_lhs_hint = false} : vector<16x512xf32>, vector<512x256xf32>, vector<16x256xf32> -> vector<16x256xf32>
    %get3A_33 = arith.constant 0 : index
    %get3A_34 = arith.constant 0 : index
    %get3A_35 = vector.load %arg2[%get3A_33, %get3A_34] : memref<512x8xf32, #tpu.memory_space<vmem>>, vector<512x8xf32>
    %get3A_36 = arith.constant 2 : index
    %get3A_37 = arith.constant 0 : index
    %get3A_38 = arith.constant 0 : index
    %get3A_39 = vector.load %arg1[%get3A_36, %get3A_37, %get3A_38] : memref<8x8x256xf32, #tpu.memory_space<vmem>>, vector<1x8x256xf32>
    %get3A_40 = vector.shape_cast %get3A_39 : vector<1x8x256xf32> to vector<8x256xf32>
    %dot_general3A_41 = arith.constant dense<0.000000e+00> : vector<512x256xf32>
    %dot_general3A_42 = tpu.matmul %get3A_35, %get3A_40, %dot_general3A_41 {dimension_numbers = #tpu.dot_dimension_numbers<[1], [0], [0], [1], [0, 0, 1, 1], [], []>, transpose_lhs_hint = false} : vector<512x8xf32>, vector<8x256xf32>, vector<512x256xf32> -> vector<512x256xf32>
    %max3A_43 = arith.constant 0.000000e+00 : f32
    %max3A_44 = vector.broadcast %max3A_43 : f32 to vector<512x256xf32>
    %max3A_45 = arith.maximumf %dot_general3A_42, %max3A_44 : vector<512x256xf32>
    %get3A_46 = arith.constant 0 : index
    %get3A_47 = arith.constant 0 : index
    %get3A_48 = vector.load %arg3[%get3A_46, %get3A_47] : memref<16x512xf32, #tpu.memory_space<vmem>>, vector<16x512xf32>
    %dot_general3A_49 = arith.constant dense<0.000000e+00> : vector<16x256xf32>
    %dot_general3A_50 = tpu.matmul %get3A_48, %max3A_45, %dot_general3A_49 {dimension_numbers = #tpu.dot_dimension_numbers<[1], [0], [0], [1], [0, 0, 1, 1], [], []>, transpose_lhs_hint = false} : vector<16x512xf32>, vector<512x256xf32>, vector<16x256xf32> -> vector<16x256xf32>
    %get3A_51 = arith.constant 0 : index
    %get3A_52 = arith.constant 0 : index
    %get3A_53 = vector.load %arg2[%get3A_51, %get3A_52] : memref<512x8xf32, #tpu.memory_space<vmem>>, vector<512x8xf32>
    %get3A_54 = arith.constant 3 : index
    %get3A_55 = arith.constant 0 : index
    %get3A_56 = arith.constant 0 : index
    %get3A_57 = vector.load %arg1[%get3A_54, %get3A_55, %get3A_56] : memref<8x8x256xf32, #tpu.memory_space<vmem>>, vector<1x8x256xf32>
    %get3A_58 = vector.shape_cast %get3A_57 : vector<1x8x256xf32> to vector<8x256xf32>
    %dot_general3A_59 = arith.constant dense<0.000000e+00> : vector<512x256xf32>
    %dot_general3A_60 = tpu.matmul %get3A_53, %get3A_58, %dot_general3A_59 {dimension_numbers = #tpu.dot_dimension_numbers<[1], [0], [0], [1], [0, 0, 1, 1], [], []>, transpose_lhs_hint = false} : vector<512x8xf32>, vector<8x256xf32>, vector<512x256xf32> -> vector<512x256xf32>
    %max3A_61 = arith.constant 0.000000e+00 : f32
    %max3A_62 = vector.broadcast %max3A_61 : f32 to vector<512x256xf32>
    %max3A_63 = arith.maximumf %dot_general3A_60, %max3A_62 : vector<512x256xf32>
    %get3A_64 = arith.constant 0 : index
    %get3A_65 = arith.constant 0 : index
    %get3A_66 = vector.load %arg3[%get3A_64, %get3A_65] : memref<16x512xf32, #tpu.memory_space<vmem>>, vector<16x512xf32>
    %dot_general3A_67 = arith.constant dense<0.000000e+00> : vector<16x256xf32>
    %dot_general3A_68 = tpu.matmul %get3A_66, %max3A_63, %dot_general3A_67 {dimension_numbers = #tpu.dot_dimension_numbers<[1], [0], [0], [1], [0, 0, 1, 1], [], []>, transpose_lhs_hint = false} : vector<16x512xf32>, vector<512x256xf32>, vector<16x256xf32> -> vector<16x256xf32>
    %get3A_69 = arith.constant 0 : index
    %get3A_70 = arith.constant 0 : index
    %get3A_71 = vector.load %arg2[%get3A_69, %get3A_70] : memref<512x8xf32, #tpu.memory_space<vmem>>, vector<512x8xf32>
    %get3A_72 = arith.constant 4 : index
    %get3A_73 = arith.constant 0 : index
    %get3A_74 = arith.constant 0 : index
    %get3A_75 = vector.load %arg1[%get3A_72, %get3A_73, %get3A_74] : memref<8x8x256xf32, #tpu.memory_space<vmem>>, vector<1x8x256xf32>
    %get3A_76 = vector.shape_cast %get3A_75 : vector<1x8x256xf32> to vector<8x256xf32>
    %dot_general3A_77 = arith.constant dense<0.000000e+00> : vector<512x256xf32>
    %dot_general3A_78 = tpu.matmul %get3A_71, %get3A_76, %dot_general3A_77 {dimension_numbers = #tpu.dot_dimension_numbers<[1], [0], [0], [1], [0, 0, 1, 1], [], []>, transpose_lhs_hint = false} : vector<512x8xf32>, vector<8x256xf32>, vector<512x256xf32> -> vector<512x256xf32>
    %max3A_79 = arith.constant 0.000000e+00 : f32
    %max3A_80 = vector.broadcast %max3A_79 : f32 to vector<512x256xf32>
    %max3A_81 = arith.maximumf %dot_general3A_78, %max3A_80 : vector<512x256xf32>
    %get3A_82 = arith.constant 0 : index
    %get3A_83 = arith.constant 0 : index
    %get3A_84 = vector.load %arg3[%get3A_82, %get3A_83] : memref<16x512xf32, #tpu.memory_space<vmem>>, vector<16x512xf32>
    %dot_general3A_85 = arith.constant dense<0.000000e+00> : vector<16x256xf32>
    %dot_general3A_86 = tpu.matmul %get3A_84, %max3A_81, %dot_general3A_85 {dimension_numbers = #tpu.dot_dimension_numbers<[1], [0], [0], [1], [0, 0, 1, 1], [], []>, transpose_lhs_hint = false} : vector<16x512xf32>, vector<512x256xf32>, vector<16x256xf32> -> vector<16x256xf32>
    %get3A_87 = arith.constant 0 : index
    %get3A_88 = arith.constant 0 : index
    %get3A_89 = vector.load %arg2[%get3A_87, %get3A_88] : memref<512x8xf32, #tpu.memory_space<vmem>>, vector<512x8xf32>
    %get3A_90 = arith.constant 5 : index
    %get3A_91 = arith.constant 0 : index
    %get3A_92 = arith.constant 0 : index
    %get3A_93 = vector.load %arg1[%get3A_90, %get3A_91, %get3A_92] : memref<8x8x256xf32, #tpu.memory_space<vmem>>, vector<1x8x256xf32>
    %get3A_94 = vector.shape_cast %get3A_93 : vector<1x8x256xf32> to vector<8x256xf32>
    %dot_general3A_95 = arith.constant dense<0.000000e+00> : vector<512x256xf32>
    %dot_general3A_96 = tpu.matmul %get3A_89, %get3A_94, %dot_general3A_95 {dimension_numbers = #tpu.dot_dimension_numbers<[1], [0], [0], [1], [0, 0, 1, 1], [], []>, transpose_lhs_hint = false} : vector<512x8xf32>, vector<8x256xf32>, vector<512x256xf32> -> vector<512x256xf32>
    %max3A_97 = arith.constant 0.000000e+00 : f32
    %max3A_98 = vector.broadcast %max3A_97 : f32 to vector<512x256xf32>
    %max3A_99 = arith.maximumf %dot_general3A_96, %max3A_98 : vector<512x256xf32>
    %get3A_100 = arith.constant 0 : index
    %get3A_101 = arith.constant 0 : index
    %get3A_102 = vector.load %arg3[%get3A_100, %get3A_101] : memref<16x512xf32, #tpu.memory_space<vmem>>, vector<16x512xf32>
    %dot_general3A_103 = arith.constant dense<0.000000e+00> : vector<16x256xf32>
    %dot_general3A_104 = tpu.matmul %get3A_102, %max3A_99, %dot_general3A_103 {dimension_numbers = #tpu.dot_dimension_numbers<[1], [0], [0], [1], [0, 0, 1, 1], [], []>, transpose_lhs_hint = false} : vector<16x512xf32>, vector<512x256xf32>, vector<16x256xf32> -> vector<16x256xf32>
    %get3A_105 = arith.constant 0 : index
    %get3A_106 = arith.constant 0 : index
    %get3A_107 = vector.load %arg2[%get3A_105, %get3A_106] : memref<512x8xf32, #tpu.memory_space<vmem>>, vector<512x8xf32>
    %get3A_108 = arith.constant 6 : index
    %get3A_109 = arith.constant 0 : index
    %get3A_110 = arith.constant 0 : index
    %get3A_111 = vector.load %arg1[%get3A_108, %get3A_109, %get3A_110] : memref<8x8x256xf32, #tpu.memory_space<vmem>>, vector<1x8x256xf32>
    %get3A_112 = vector.shape_cast %get3A_111 : vector<1x8x256xf32> to vector<8x256xf32>
    %dot_general3A_113 = arith.constant dense<0.000000e+00> : vector<512x256xf32>
    %dot_general3A_114 = tpu.matmul %get3A_107, %get3A_112, %dot_general3A_113 {dimension_numbers = #tpu.dot_dimension_numbers<[1], [0], [0], [1], [0, 0, 1, 1], [], []>, transpose_lhs_hint = false} : vector<512x8xf32>, vector<8x256xf32>, vector<512x256xf32> -> vector<512x256xf32>
    %max3A_115 = arith.constant 0.000000e+00 : f32
    %max3A_116 = vector.broadcast %max3A_115 : f32 to vector<512x256xf32>
    %max3A_117 = arith.maximumf %dot_general3A_114, %max3A_116 : vector<512x256xf32>
    %get3A_118 = arith.constant 0 : index
    %get3A_119 = arith.constant 0 : index
    %get3A_120 = vector.load %arg3[%get3A_118, %get3A_119] : memref<16x512xf32, #tpu.memory_space<vmem>>, vector<16x512xf32>
    %dot_general3A_121 = arith.constant dense<0.000000e+00> : vector<16x256xf32>
    %dot_general3A_122 = tpu.matmul %get3A_120, %max3A_117, %dot_general3A_121 {dimension_numbers = #tpu.dot_dimension_numbers<[1], [0], [0], [1], [0, 0, 1, 1], [], []>, transpose_lhs_hint = false} : vector<16x512xf32>, vector<512x256xf32>, vector<16x256xf32> -> vector<16x256xf32>
    %get3A_123 = arith.constant 0 : index
    %get3A_124 = arith.constant 0 : index
    %get3A_125 = vector.load %arg2[%get3A_123, %get3A_124] : memref<512x8xf32, #tpu.memory_space<vmem>>, vector<512x8xf32>
    %get3A_126 = arith.constant 7 : index
    %get3A_127 = arith.constant 0 : index
    %get3A_128 = arith.constant 0 : index
    %get3A_129 = vector.load %arg1[%get3A_126, %get3A_127, %get3A_128] : memref<8x8x256xf32, #tpu.memory_space<vmem>>, vector<1x8x256xf32>
    %get3A_130 = vector.shape_cast %get3A_129 : vector<1x8x256xf32> to vector<8x256xf32>
    %dot_general3A_131 = arith.constant dense<0.000000e+00> : vector<512x256xf32>
    %dot_general3A_132 = tpu.matmul %get3A_125, %get3A_130, %dot_general3A_131 {dimension_numbers = #tpu.dot_dimension_numbers<[1], [0], [0], [1], [0, 0, 1, 1], [], []>, transpose_lhs_hint = false} : vector<512x8xf32>, vector<8x256xf32>, vector<512x256xf32> -> vector<512x256xf32>
    %max3A_133 = arith.constant 0.000000e+00 : f32
    %max3A_134 = vector.broadcast %max3A_133 : f32 to vector<512x256xf32>
    %max3A_135 = arith.maximumf %dot_general3A_132, %max3A_134 : vector<512x256xf32>
    %get3A_136 = arith.constant 0 : index
    %get3A_137 = arith.constant 0 : index
    %get3A_138 = vector.load %arg3[%get3A_136, %get3A_137] : memref<16x512xf32, #tpu.memory_space<vmem>>, vector<16x512xf32>
    %dot_general3A_139 = arith.constant dense<0.000000e+00> : vector<16x256xf32>
    %dot_general3A_140 = tpu.matmul %get3A_138, %max3A_135, %dot_general3A_139 {dimension_numbers = #tpu.dot_dimension_numbers<[1], [0], [0], [1], [0, 0, 1, 1], [], []>, transpose_lhs_hint = false} : vector<16x512xf32>, vector<512x256xf32>, vector<16x256xf32> -> vector<16x256xf32>
    %concatenate3A = tpu.concatenate %dot_general3A_14, %dot_general3A_32, %dot_general3A_50, %dot_general3A_68, %dot_general3A_86, %dot_general3A_104, %dot_general3A_122, %dot_general3A_140 in 0 : vector<16x256xf32>, vector<16x256xf32>, vector<16x256xf32>, vector<16x256xf32>, vector<16x256xf32>, vector<16x256xf32>, vector<16x256xf32>, vector<16x256xf32> -> vector<128x256xf32>
    %get3A_141 = arith.constant 0 : index
    %get3A_142 = arith.constant 0 : index
    %get3A_143 = vector.load %arg4[%get3A_141, %get3A_142] : memref<256x4096xf32, #tpu.memory_space<vmem>>, vector<256x4096xf32>
    %dot_general3A_144 = arith.constant dense<0.000000e+00> : vector<128x4096xf32>
    %dot_general3A_145 = tpu.matmul %concatenate3A, %get3A_143, %dot_general3A_144 {dimension_numbers = #tpu.dot_dimension_numbers<[1], [0], [0], [1], [0, 0, 1, 1], [], []>, transpose_lhs_hint = false} : vector<128x256xf32>, vector<256x4096xf32>, vector<128x4096xf32> -> vector<128x4096xf32>
    %logistic3A = arith.negf %dot_general3A_145 : vector<128x4096xf32>
    %logistic3A_146 = math.exp %logistic3A : vector<128x4096xf32>
    %logistic3A_147 = arith.constant 1.000000e+00 : f32
    %logistic3A_148 = vector.broadcast %logistic3A_147 : f32 to vector<128x4096xf32>
    %logistic3A_149 = arith.addf %logistic3A_148, %logistic3A_146 : vector<128x4096xf32>
    %logistic3A_150 = arith.divf %logistic3A_148, %logistic3A_149 : vector<128x4096xf32>
    %mul3A = arith.constant 1.600000e+01 : f32
    %mul3A_151 = vector.broadcast %mul3A : f32 to vector<128x4096xf32>
    %mul3A_152 = arith.mulf %mul3A_151, %logistic3A_150 : vector<128x4096xf32>
    %reshape3A = vector.shape_cast %mul3A_152 : vector<128x4096xf32> to vector<8x16x4096xf32>
    %swap3A = arith.constant 0 : index
    %swap3A_153 = arith.constant 0 : index
    %swap3A_154 = arith.constant 0 : index
    %swap3A_155 = vector.load %arg5[%swap3A, %swap3A_153, %swap3A_154] : memref<8x16x4096xf32, #tpu.memory_space<vmem>>, vector<8x16x4096xf32>
    tpu.vector_store %arg5[%swap3A, %swap3A_153, %swap3A_154], %reshape3A {strides = array<i32>} : memref<8x16x4096xf32, #tpu.memory_space<vmem>>, vector<8x16x4096xf32>,
    return
  }
  func.func @transform_0(%arg0: i32) -> (i32, i32, i32) {
    %c0_i32 = arith.constant 0 : i32
    %c0_i32_0 = arith.constant 0 : i32
    %c0_i32_1 = arith.constant 0 : i32
    return %arg0, %c0_i32, %c0_i32_0 : i32, i32, i32
  }
  func.func @transform_1(%arg0: i32) -> (i32, i32) {
    %c0_i32 = arith.constant 0 : i32
    %c0_i32_0 = arith.constant 0 : i32
    %c0_i32_1 = arith.constant 0 : i32
    return %c0_i32, %c0_i32_0 : i32, i32
  }
  func.func @transform_2(%arg0: i32) -> (i32, i32) {
    %c0_i32 = arith.constant 0 : i32
    %c0_i32_0 = arith.constant 0 : i32
    %c0_i32_1 = arith.constant 0 : i32
    return %c0_i32, %c0_i32_0 : i32, i32
  }
  func.func @transform_3(%arg0: i32) -> (i32, i32) {
    %c0_i32 = arith.constant 0 : i32
    %c0_i32_0 = arith.constant 0 : i32
    %c0_i32_1 = arith.constant 0 : i32
    return %c0_i32, %c0_i32_0 : i32, i32
  }
  func.func @transform_4(%arg0: i32) -> (i32, i32, i32) {
    %c0_i32 = arith.constant 0 : i32
    %c0_i32_0 = arith.constant 0 : i32
    %c0_i32_1 = arith.constant 0 : i32
    return %arg0, %c0_i32, %c0_i32_0 : i32, i32, i32
  }
}

</mosaic_0001>

<sc_bundles>
// kernel: kernel.4.cloned.1.call-start
scs
__scs_entry_jumppad:
0x0: {  	(pc) =	sbr.rel $0x88, $3  }
0x1: {  	(tag) =	ssettag $0x0;
	lr =	simm.s32 $0x1  }
0x2: {  	[smem:$0x3F9C] =	sst lr;
	_ =	strace $0xD0000000  }
0x3: {  	_ = 	snop  }
0x4: {  	_ = 	snop  }
0x5: {  	_ = 	snop  }
0x6: {  	_ = 	snop  }
0x7: {  	_ = 	snop  }
__scs_overlays_trampoline_lowered:
0x8: {  	[smem:$0x3FAB] =	sst s0  }
0x9: {  	[smem:$0x3FAC] =	sst s1  }
0xa: {  	[smem:$0x3FAD] =	sst s2  }
0xb: {  	[smem:$0x3FAE] =	sst s3  }
0xc: {  	[smem:$0x3FAF] =	sst s4  }
0xd: {  	[smem:$0x3FB0] =	sst s5  }
0xe: {  	[smem:$0x3FB1] =	sst s6  }
0xf: {  	[smem:$0x3FB2] =	sst s7  }
0x10: {  	[smem:$0x3FB3] =	sst s8  }
0x11: {  	[smem:$0x3FB4] =	sst s9;
	s0 =	simm.s32 @!p0 $0x0  }
0x12: {  	s1 =	sld [smem:$0x3F9A];
	s0 =	simm.s32 @p0 $0x1  }
0x13: {  	[smem:$0x3FB5] =	sst s0;
	s0 =	simm.s32 @!p1 $0x0  }
0x14: {  	s2 =	sld [smem:$0x3F99];
	s0 =	simm.s32 @p1 $0x1  }
0x15: {  	[smem:$0x3FB6] =	sst s0;
	s0 =	simm.s32 @!p2 $0x0  }
0x16: {  	s3 =	sld [smem:$0x3FDB];
	s0 =	simm.s32 @p2 $0x1  }
0x17: {  	s4 =	simm.s32 $0x1BF5;
	[smem:$0x3FB8] =	sst s0  }
0x18: {  	s0 =	sld [smem:$0x3F9B];
	_ =	swait.ge [sflag:s4], $0x0  }
0x19: {  	s7 =	sld [smem:$0x3F9C]  }
0x1a: {  	s8 =	sadd.s32 $0xFFFFE003, lr  }
0x1b: {  	s9 =	sadd.s32 $0xFFFFFEF7, lr;
	s5 =	simm.s32 $0xFFFFFFFF;
	p2 =	slt.u32 s8, $0xFFFFF086  }
0x1c: {  	p1 =	slt.u32 s9, $0xF7A;
	s5 =	simm.s32 @!p2 $0x0  }
0x1d: {  	s5 =	simm.s32 @p1 $0x1;
	p0 =	seq.s32 s7, s2  }
0x1e: {  	s7 =	smul.u32 @!p0 $0xF7A, s2;
	p2 =	seq.s32 @!p0 s5, $0x0  }
0x1f: {  	s9 =	smul.u32 $0xF7A, s1;
	s8 =	simm.s32 @!p0 $0x1BF5;
	p2 =	por !p2, p0  }
0x20: {  	[sflag:s8] =	ssyncset.s32 @!p0 $0xFFFFF086;
	s6 =	sadd.s32 @!p0 s3, s7;
	s7 =	simm.s32 @!p0 $0x108  }
0x21: {  	s3 =	sadd.s32 s3, s9;
	s6 =	sadd.s32 @!p0 $0x88, s6;
	s7 =	simm.s32 @p2 $0x1082  }
0x22: {  	[simem:s7], [sflag:s8] =	dma.local @!p0 [hbm:s6], $0xF7A  }
0x23: {  	s9 =	sor.u32 $0xD0000000, s2;
	s6 =	simm.s32 $0x108;
	_ =	swait.ge @!p0 [sflag:s8], $0x0  }
0x24: {  	s3 =	sadd.s32 $0x88, s3;
	s6 =	simm.s32 @!p1 $0x1082;
	[sflag:s4] =	ssyncset.s32 $0xFFFFF086  }
0x25: {  	[simem:s6], [sflag:s4] =	dma.local [hbm:s3], $0xF7A  }
0x26: {  	[smem:$0x3F9C] =	sst s1;
	(tag) =	ssettag s2;
	_ =	strace s9  }
0x27: {  	s1 =	sld [smem:$0x3FAC]  }
0x28: {  	s2 =	sld [smem:$0x3FAD]  }
0x29: {  	s4 =	sld [smem:$0x3FAF]  }
0x2a: {  	p0 =	seq.s32 s5, $0x0;
	s5 =	sld [smem:$0x3FB0]  }
0x2b: {  	s6 =	sld [smem:$0x3FB1]  }
0x2c: {  	s7 =	sld [smem:$0x3FB2]  }
0x2d: {  	s3 =	simm.s32 $0x108;
	s8 =	sld [smem:$0x3FB3]  }
0x2e: {  	s3 =	simm.s32 @!p0 $0x1082;
	s9 =	sld [smem:$0x3FB4]  }
0x2f: {  	lr =	sadd.s32 s0, s3;
	s0 =	sld [smem:$0x3FAB]  }
0x30: {  	s3 =	sld [smem:$0x3FAE]  }
0x31: {  	[smem:$0x3FB7] =	sst s10  }
0x32: {  	s10 =	sld [smem:$0x3FB5];
	_ =	sdelay $0x3  }
0x33: {  	p0 =	seq.s32 s10, $0x1;
	s10 =	sld [smem:$0x3FB7];
	_ =	sdelay $0x3  }
0x34: {  	[smem:$0x3FB7] =	sst s10  }
0x35: {  	s10 =	sld [smem:$0x3FB6];
	_ =	sdelay $0x3  }
0x36: {  	p1 =	seq.s32 s10, $0x1;
	s10 =	sld [smem:$0x3FB7];
	_ =	sdelay $0x3  }
0x37: {  	[smem:$0x3FB7] =	sst s10  }
0x38: {  	s10 =	sld [smem:$0x3FB8]  }
0x39: {  	_ = 	snop;
	(pc) =	sbr.ind lr, $3  }
0x3a: {  	_ = 	snop  }
0x3b: {  	_ = 	snop  }
0x3c: {  	p2 =	seq.s32 s10, $0x1;
	s10 =	sld [smem:$0x3FB7]  }
0x3d: {  	_ =	shalt  }
0x3e: {  	_ =	shalt  }
0x3f: {  	_ =	shalt  }
0x40: {  	_ =	shalt  }
0x41: {  	_ =	shalt  }
0x42: {  	_ =	shalt  }
0x43: {  	_ =	shalt  }
0x44: {  	_ =	shalt  }
0x45: {  	_ =	shalt  }
0x46: {  	_ =	shalt  }
0x47: {  	_ =	shalt  }
0x48: {  	_ =	shalt  }
0x49: {  	_ =	shalt  }
0x4a: {  	_ =	shalt  }
0x4b: {  	_ =	shalt  }
0x4c: {  	_ =	shalt  }
0x4d: {  	_ =	shalt  }
0x4e: {  	_ =	shalt  }
0x4f: {  	_ =	shalt  }
0x50: {  	_ =	shalt  }
0x51: {  	_ =	shalt  }
0x52: {  	_ =	shalt  }
0x53: {  	_ =	shalt  }
0x54: {  	_ =	shalt  }
0x55: {  	_ =	shalt  }
0x56: {  	_ =	shalt  }
0x57: {  	_ =	shalt  }
0x58: {  	_ =	shalt  }
0x59: {  	_ =	shalt  }
0x5a: {  	_ =	shalt  }
0x5b: {  	_ =	shalt  }
0x5c: {  	_ =	shalt  }
0x5d: {  	_ =	shalt  }
0x5e: {  	_ =	shalt  }
0x5f: {  	_ =	shalt  }
0x60: {  	_ =	shalt  }
0x61: {  	_ =	shalt  }
0x62: {  	_ =	shalt  }
0x63: {  	_ =	shalt  }
0x64: {  	_ =	shalt  }
0x65: {  	_ =	shalt  }
0x66: {  	_ =	shalt  }
0x67: {  	_ =	shalt  }
0x68: {  	_ =	shalt  }
0x69: {  	_ =	shalt  }
0x6a: {  	_ =	shalt  }
0x6b: {  	_ =	shalt  }
0x6c: {  	_ =	shalt  }
0x6d: {  	_ =	shalt  }
0x6e: {  	_ =	shalt  }
0x6f: {  	_ =	shalt  }
0x70: {  	_ =	shalt  }
0x71: {  	_ =	shalt  }
0x72: {  	_ =	shalt  }
0x73: {  	_ =	shalt  }
0x74: {  	_ =	shalt  }
0x75: {  	_ =	shalt  }
0x76: {  	_ =	shalt  }
0x77: {  	_ =	shalt  }
0x78: {  	_ =	shalt  }
0x79: {  	_ =	shalt  }
0x7a: {  	_ =	shalt  }
0x7b: {  	_ =	shalt  }
0x7c: {  	_ =	shalt  }
0x7d: {  	_ =	shalt  }
0x7e: {  	_ =	shalt  }
0x7f: {  	_ =	shalt  }
0x80: {  	_ =	shalt  }
0x81: {  	_ =	shalt  }
0x82: {  	_ =	shalt  }
0x83: {  	_ =	shalt  }
0x84: {  	_ =	shalt  }
0x85: {  	_ =	shalt  }
0x86: {  	_ =	shalt  }
0x87: {  	_ =	shalt  }
.Lfunc_end0:
.L_simem_size_0:
called_computation_lowered:
.L_overlay_start_0:
0x88: {  	s2 =	sld [smem:$0x3FD9]  }
0x89: {  	s3 =	sld [smem:$0x3FFE];
	_ =	sdelay $0x1  }
0x8a: {  	s1 =	srdreg.scid  }
0x8b: {  	s0 =	sand.u32 $0x1, s1  }
0x8c: {  	s16 =	sshll.u32 s0, $0xA;
	s2 =	sadd.s32 s3, s2  }
0x8d: {  	s2 =	sadd.s32 s2, s16  }
0x8e: {  	[smem:$0x3FC3] =	sst s2  }
0x8f: {  	_ = 	snop  }
0x90: {  	(tm) =	ssettm $0x1  }
0x91: {  	s17 =	sld [smem:$0x3FFB];
	_ =	sdelay $0x3  }
0x92: {  	_ =	strace s17  }
0x93: {  	s2 =	sld [smem:$0x3FFC];
	_ =	sdelay $0x3  }
0x94: {  	_ =	strace s2  }
0x95: {  	s2 =	sld [smem:$0x3FFD];
	_ =	sdelay $0x3  }
0x96: {  	_ =	strace s2  }
0x97: {  	_ =	strace $0x8FFFFFFF  }
0x98: {  	s18 =	sld [smem:$0x3FDB];
	_ =	sdelay $0x1  }
0x99: {  	s19 =	simm.s32 $_scs_section_size  }
0x9a: {  	s4 =	simm.s32 $_size__tile_overlayer_lowered;
	s5 =	simm.s32 $_tile_overlayer_lowered  }
0x9b: {  	s22 =	simm.s32 $0x1BFF;
	s21 =	sshll.u32 s5, $0x1;
	s2 =	sadd.s32 s19, s18  }
0x9c: {  	s6 =	simm.s32 $0x0;
	s20 =	sshll.u32 s4, $0x1;
	s4 =	sadd.s32 s21, s2  }
0x9d: {  	[timem:s6], [sflag:s22] =	dma.local [hbm:s4], s20  }
0x9e: {  	_ =	swait.ge [sflag:s22], s20  }
0x9f: {  	s3 =	ssub.s32 $0x0, s20;
	[sflag:s22] =	ssyncset.done $0x0  }
0xa0: {  	[sflag:s22] =	ssyncadd.s32 s3;
	_ =	sdelay $0x1  }
0xa1: {  	s23 =	simm.s32 $0x1B8B  }
0xa2: {  	_ =	swait.ge [sflag:s23], $0x1  }
0xa3: {  	[sflag:s23] =	ssyncset.done $0x0  }
0xa4: {  	s25 =	simm.s32 $0x1B8E;
	s24 =	sld [smem:$0x3FFE];
	[sflag:s23] =	ssyncadd.s32 $0xFFFFFFFF  }
0xa5: {  	s26 =	simm.s32 $execute0_lowered;
	[smem:$0x3FD2] =	sst s25  }
0xa6: {  	s4 =	sshll.u32 s26, $0x1;
	_ =	strace $0x80000046;
	[dreg:$0x1] =	wrdreg $0xFFFFFFFF  }
0xa7: {  	s28 =	simm.s32 $_size_execute0_lowered;
	s2 =	sadd.s32 s2, s4;
	[dreg:$0x0] =	wrdreg $0x0  }
0xa8: {  	s4 =	sshll.u32 s28, $0x1;
	[dreg:$0x2] =	wrdreg s2  }
0xa9: {  	[dreg:$0x3] =	wrdreg s4  }
0xaa: {  	[dreg:$0x4] =	wrdreg $0xC0  }
0xab: {  	_ =	task [dreg:s6], $0x5FFFF  }
0xac: {  	[dreg:$0x1] =	wrdreg $0xFFFFFFFF  }
0xad: {  	[dreg:$0x0] =	wrdreg $0x60  }
0xae: {  	[dreg:$0x2] =	wrdreg s24  }
0xaf: {  	[dreg:$0x3] =	wrdreg $0x9  }
0xb0: {  	_ =	task.clear_ibuf [dreg:s6], $0x4FFFF;
	_ =	strace $0x90000046  }
0xb1: {  	s29 =	simm.s32 $0x9;
	_ =	strace $0x80000048  }
0xb2: {  	_ =	swait.ge [sflag:s29], $0x1  }
0xb3: {  	[sflag:s29] =	ssyncadd.s32 $0xFFFFFFFF  }
0xb4: {  	_ =	strace $0x90000048  }
0xb5: {  	_ =	sfence  }
0xb6: {  	s30 =	sld [smem:$0x0];
	_ =	sdelay $0x2  }
0xb7: {  	s31 =	sshll.u32 s1, $0xD;
	s1 =	sshrl.u32 s1, $0x2  }
0xb8: {  	s3 =	sand.u32 $0x4000, s31;
	s1 =	sadd.s32 s1, s30  }
0xb9: {  	s0 =	sor.u32 s3, s0;
	s1 =	sshll.u32 s1, $0x11  }
0xba: {  	s0 =	sor.u32 s1, s0  }
0xbb: {  	s0 =	sadd.s32 $0x8F2B, s0  }
0xbc: {  	[sflag:s0] =	ssyncadd.remote.s32 $0x1  }
0xbd: {  	_ =	sfence.sel $0xFFFF  }
0xbe: {  	[dreg:$0x0] =	wrdreg $0xFFFFFFFF;
	(pc) =	sbr.abs _section_cstart, $3  }
0xbf: {  	[dreg:$0x1] =	wrdreg $0xFFFFFFFF  }
0xc0: {  	_ =	task.clear_ibuf [dreg:s6], $0x2FFFF;
	_ =	strace $0x9FFFFFFF  }
0xc1: {  	(tm) =	ssettm $0x7FFFFFFF  }
tec
execute0_lowered:
.L_overlay_start_1:
0x0: {  	(tag) =	ssettag $0x1  }
0x1: {  	s1 =	srdreg.scid  }
0x2: {  	s0 =	rddreg [dreg:$0x0];
	s7 =	simm.s32 $0x0;
	s1 =	sand.u32 $0x1, s1  }
0x3: {  	s2 =	stileid.u32;
	[smem:$0x7FF] =	sst s7;
	s3 =	sshll.u32 s1, $0x1  }
0x4: {  	s5 =	sshll.u32 s2, $0xD;
	s4 =	sshll.u32 s1, $0x15;
	s3 =	sadd.s32 s3, s0  }
0x5: {  	_ =	strace $0x80000047;
	s4 =	sor.u32 s5, s4;
	s9 =	sadd.s32 $0x600, s3  }
0x6: {  	s6 =	sadd.s32 s4, s0;
	s3 =	sadd.s32 $0x800, s3;
	[dreg:$0x2] =	wrdreg s9  }
0x7: {  	s10 =	sadd.s32 $0x1D0A00, s6;
	[dreg:$0x3] =	wrdreg s3  }
0x8: {  	s11 =	sadd.s32 $0xD0A00, s6;
	[smem:$0x7F7] =	sst s10  }
0x9: {  	s12 =	sadd.s32 $0xD0A08, s6;
	[smem:$0x7F8] =	sst s11  }
0xa: {  	s13 =	sadd.s32 $0x1D0A08, s6;
	[smem:$0x7F9] =	sst s12  }
0xb: {  	s14 =	sadd.s32 $0xD0A10, s6;
	[smem:$0x7FA] =	sst s13  }
0xc: {  	s15 =	sadd.s32 $0x1D0A10, s6;
	[smem:$0x7FB] =	sst s14  }
0xd: {  	s16 =	sadd.s32 $0xD0A18, s6;
	[smem:$0x7FC] =	sst s15  }
0xe: {  	s17 =	sadd.s32 $0x1D0A18, s6;
	[smem:$0x7FD] =	sst s16  }
0xf: {  	s18 =	sadd.s32 $0x1D0A20, s6;
	[dreg:$0x1f] =	wrdreg s17  }
0x10: {  	s19 =	sadd.s32 $0xD0A20, s6;
	[dreg:$0x1d] =	wrdreg s18  }
0x11: {  	s20 =	sadd.s32 $0xD0A28, s6;
	[dreg:$0x1e] =	wrdreg s19  }
0x12: {  	s22 =	sadd.s32 $0x1D0A28, s6;
	[dreg:$0x1c] =	wrdreg s20  }
0x13: {  	s24 =	sadd.s32 $0xD0A30, s6;
	[dreg:$0x1b] =	wrdreg s22  }
0x14: {  	s25 =	sadd.s32 $0x1D0A30, s6;
	[dreg:$0x1a] =	wrdreg s24  }
0x15: {  	p0 =	por $0x0, $0x0;
	s26 =	sadd.s32 $0xD0A38, s6;
	[dreg:$0x19] =	wrdreg s25  }
0x16: {  	s1 =	ssub.s32 $0x2, s1;
	s4 =	sadd.s32 $0x1D0A38, s6;
	[dreg:$0x18] =	wrdreg s26  }
0x17: {  	s8 =	sshrl.u32 s1, $0x1;
	s5 =	sadd.s32 $0x1D0A40, s6;
	[dreg:$0x17] =	wrdreg s4  }
0x18: {  	s1 =	ssub.s32 s1, s8;
	s8 =	sadd.s32 $0xD0A40, s6;
	[dreg:$0x15] =	wrdreg s5  }
0x19: {  	s28 =	simm.s32 $0x1;
	s9 =	sadd.s32 $0xD0A48, s6;
	[dreg:$0x16] =	wrdreg s8  }
0x1a: {  	s29 =	simm.s32 $0x4020;
	[dreg:$0x14] =	wrdreg s9;
	s10 =	sadd.s32 $0x1D0A48, s6  }
0x1b: {  	s31 =	simm.s32 $0xD020;
	s11 =	sadd.s32 $0xD0A50, s6;
	[dreg:$0x13] =	wrdreg s10  }
0x1c: {  	s30 =	simm.s32 $0x3;
	s12 =	sadd.s32 $0x1D0A50, s6;
	[dreg:$0x12] =	wrdreg s11  }
0x1d: {  	s23 =	sadd.s32 $0xA00, s0;
	s13 =	sadd.s32 $0xD0A58, s6;
	[dreg:$0x11] =	wrdreg s12  }
0x1e: {  	s21 =	sadd.s32 $0x1A00, s0;
	s14 =	sadd.s32 $0x1D0A58, s6;
	[dreg:$0x10] =	wrdreg s13  }
0x1f: {  	v0 =	vmov s2;
	s2 =	simm.s32 $0x5;
	s15 =	sadd.s32 $0xD0A60, s6;
	[dreg:$0xf] =	wrdreg s14  }
0x20: {  	s0 =	simm.s32 $0xF020;
	s16 =	simm.s32 $0x10;
	[dreg:$0xe] =	wrdreg s15  }
0x21: {  	s3 =	simm.s32 $0x11020;
	s17 =	sadd.s32 $0x1D0A60, s6;
	[dreg:$0x4] =	wrdreg s16  }
0x22: {  	s18 =	sadd.s32 $0x1D0A68, s6;
	s19 =	sadd.s32 $0xD0A68, s6;
	[dreg:$0xd] =	wrdreg s17  }
0x23: {  	s20 =	sadd.s32 $0xD0A70, s6;
	s22 =	sadd.s32 $0x1D0A70, s6;
	[dreg:$0xa] =	wrdreg s18  }
0x24: {  	s24 =	sadd.s32 $0xD0A78, s6;
	s25 =	sadd.s32 $0x1D0A78, s6;
	[dreg:$0xc] =	wrdreg s19  }
0x25: {  	s26 =	smax.u32 s1, $0x1;
	s5 =	simm.s32 $0x40;
	[dreg:$0x8] =	wrdreg s20  }
0x26: {  	s6 =	simm.s32 $0x400;
	s1 =	simm.s32 $0xB020;
	[dreg:$0x7] =	wrdreg s22  }
0x27: {  	v1 =	vlaneseq.u32;
	vm12 =	vmmov $0x1;
	s9 =	simm.s32 $0xE020;
	[dreg:$0x6] =	wrdreg s24;
	p1 =	sne.s32 s26, $0x1  }
.Ltmp0:
0x28: {  	vm2 =	vcmask $0x308;
	vm15 =	vcmask $0x70C;
	vm11 =	vcmask $0xB10;
	[dreg:$0x5] =	wrdreg s25;
	s4 =	sadd.s32 $0xFFFFFFFF, s26;
	(pc) =	sbr.rel @!p1 .LBB2_5-.Ltmp0, $4  }
0x29: {  	vm14 =	vcmask $0xF14;
	vm13 =	vcmask $0x1318;
	vm9 =	vcmask $0x171C;
	s24 =	simm.s32 $0x7;
	s17 =	simm.s32 $0x20;
	s14 =	simm.s32 $0x8020  }
0x2a: {  	vm10 =	vcmask $0x1B20;
	vm6 =	vcmask $0x1F24;
	vm4 =	vcmask $0x2328;
	s20 =	simm.s32 $0x1020;
	s19 =	simm.s32 $0x2020;
	s22 =	simm.s32 $0x6020  }
0x2b: {  	vm8 =	vcmask $0x272C;
	vm7 =	vcmask $0x2B30;
	vm3 =	vcmask $0x2F34;
	s12 =	simm.s32 $0x7020;
	s13 =	simm.s32 $0x10020;
	s16 =	simm.s32 $0x2  }
0x2c: {  	vm5 =	vcmask $0x3338;
	vm0 =	vmmov $0x7fff;
	vm1 =	veq.s32 v0, v1;
	s11 =	simm.s32 $0xA020;
	s10 =	simm.s32 $0x4;
	s18 =	simm.s32 $0x12020  }
0x2d: {  	s8 =	rddreg [dreg:$0x2]  }
0x2e: {  	[tilespmem:s7], [sflag:$0x7] =	stream.linear.gather [hbm4b:s8+s7], $0x10, $0x38;
	[tilespmem:$0x18020] =	vst v63  }
0x2f: {  	_ =	swait.ge [sflag:s24], $0x10  }
0x30: {  	s13 =	rddreg [dreg:$0x3];
	[sflag:s24] =	ssyncset.done $0x0  }
0x31: {  	s11 =	rddreg [dreg:$0x4];
	[sflag:s24] =	ssyncadd.s32 $0xFFFFFFF0  }
0x32: {  	[tilespmem:s11], [sflag:$0x7] =	stream.linear.gather [hbm4b:s13+s7], $0x10, $0x38;
	[tilespmem:$0x18020] =	vst v63  }
0x33: {  	_ =	swait.ge [sflag:s24], $0x10  }
0x34: {  	[sflag:s24] =	ssyncset.done $0x0  }
0x35: {  	[sflag:s24] =	ssyncadd.s32 $0xFFFFFFF0  }
0x36: {  	v0 =	vld [tilespmem:$0x10];
	_ =	sdelay $0x4  }
0x37: {  	v0 =	vnsel vm1, $0x0, v0  }
0x38: {  	(xrf0) =	vadd.scan.msk.s32 $0xffff, v0;
	_ =	sdelay $0x3  }
0x39: {  	v36 =	vld [tilespmem:$0x0];
	_ =	sdelay $0x1  }
0x3a: {  	v1, _, _ =	vpop (xrf0)  }
0x3b: {  	v1 =	vbroadcast v1, $0xF;
	_ =	sdelay $0x1  }
0x3c: {  	v0 =	vsub.s32 v1, v36  }
0x3d: {  	v1 =	vnsel vm12, $0x0, v0  }
0x3e: {  	(xrf0) =	vadd.scan.msk.s32 $0xffff, v1  }
0x3f: {  	v37 =	vsel vm2, $0x0, v0  }
0x40: {  	v2 =	vsel vm15, $0x0, v0;
	(xrf0) =	vadd.scan.msk.s32 $0xffff, v37  }
0x41: {  	(xrf0) =	vadd.scan.msk.s32 $0xffff, v2  }
0x42: {  	v38 =	vsel vm11, $0x0, v0  }
0x43: {  	(xrf0) =	vadd.scan.msk.s32 $0xffff, v38  }
0x44: {  	v39, _, _ =	vpop (xrf0)  }
0x45: {  	(v2sf) =	vpush v39, $0xF  }
0x46: {  	v41, _, _ =	vpop (xrf0)  }
0x47: {  	(v2sf) =	vpush v41, $0xF;
	v42, _, _ =	vpop (xrf0)  }
0x48: {  	v40 =	vsel vm14, $0x0, v0;
	(v2sf) =	vpush v42, $0xF  }
0x49: {  	v43 =	vsel vm13, $0x0, v0;
	(xrf0) =	vadd.scan.msk.s32 $0xffff, v40;
	v44, _, _ =	vpop (xrf0)  }
0x4a: {  	v45 =	vsel vm9, $0x0, v0;
	(xrf0) =	vadd.scan.msk.s32 $0xffff, v43;
	(v2sf) =	vpush v44, $0xF  }
0x4b: {  	v46 =	vsel vm10, $0x0, v0;
	(xrf0) =	vadd.scan.msk.s32 $0xffff, v45  }
0x4c: {  	v47 =	vsel vm6, $0x0, v0;
	(xrf0) =	vadd.scan.msk.s32 $0xffff, v46  }
0x4d: {  	v48 =	vsel vm4, $0x0, v0;
	(xrf0) =	vadd.scan.msk.s32 $0xffff, v47  }
0x4e: {  	v3 =	vsel vm8, $0x0, v0;
	(xrf0) =	vadd.scan.msk.s32 $0xffff, v48  }
0x4f: {  	v50 =	vsel vm7, $0x0, v0;
	v49, _, _ =	vpop (xrf0);
	(xrf0) =	vadd.scan.msk.s32 $0xffff, v3  }
0x50: {  	v52 =	vsel vm3, $0x0, v0;
	v51, _, _ =	vpop (xrf0);
	(xrf0) =	vadd.scan.msk.s32 $0xffff, v50  }
0x51: {  	v53 =	vsel vm5, $0x0, v0;
	vm2 =	vcmask $0x373C;
	v54, _, _ =	vpop (xrf0);
	(xrf0) =	vadd.scan.msk.s32 $0xffff, v52  }
0x52: {  	v55 =	vsel vm2, $0x0, v0;
	(v2sf) =	vpush v49, $0xF;
	v4, _, _ =	vpop (xrf0);
	(xrf0) =	vadd.scan.msk.s32 $0xffff, v53  }
0x53: {  	v0 =	vsel vm0, $0x0, v0;
	(v2sf) =	vpush v51, $0xF;
	v56, _, _ =	vpop (xrf0);
	(xrf0) =	vadd.scan.msk.s32 $0xffff, v55  }
0x54: {  	v57, _, _ =	vpop (xrf0);
	(xrf0) =	vadd.scan.msk.s32 $0xffff, v0;
	s15 =	spop (v2sf)  }
0x55: {  	(v2sf) =	vpush v54, $0xF;
	v58, _, _ =	vpop (xrf0);
	s8 =	sshll.u32 s15, $0xD  }
0x56: {  	(v2sf) =	vpush v4, $0xF;
	v59, _, _ =	vpop (xrf0);
	s11 =	spop (v2sf);
	s8 =	sand.u32 $0x1FFFE000, s8  }
0x57: {  	v60, _, _ =	vpop (xrf0);
	(v2sf) =	vpush v56, $0xF;
	s0 =	spop (v2sf);
	s12 =	sadd.s32 s23, s8  }
0x58: {  	v61, _, _ =	vpop (xrf0);
	(v2sf) =	vpush v57, $0xF;
	[tilespmem:s17], [sflag:$0x1] =	stream.linear.gather [hbm4b:s12+s7], $0x8000, $0x38;
	[tilespmem:$0x18020] =	vst v63  }
0x59: {  	v62, _, _ =	vpop (xrf0);
	(v2sf) =	vpush v58, $0xF;
	s8 =	sadd.s32 s8, s21;
	s24 =	spop (v2sf)  }
0x5a: {  	v63, _, _ =	vpop (xrf0);
	(v2sf) =	vpush v59, $0xF;
	[tilespmem:s14], [sflag:$0x2] =	stream.linear.gather [hbm4b:s8+s7], $0x8000, $0x38;
	[tilespmem:$0x18020] =	vst v63  }
0x5b: {  	_ =	swait.ge [sflag:s28], $0x8000  }
0x5c: {  	s2 =	sld [smem:$0x7F8]  }
0x5d: {  	[dreg:$0xb] =	wrdreg s23;
	[sflag:s28] =	ssyncset.done $0x0  }
0x5e: {  	[dreg:$0x9] =	wrdreg s21;
	[sflag:s28] =	ssyncadd.s32 $0xFFFF8000  }
0x5f: {  	[hbm4b:s2+s5] =	stream.strided.scatter [tilespmem:s17], [sflag:$0x4], $0x1000, s6, s5, $0x38;
	[tilespmem:$0x18020] =	vst v63  }
0x60: {  	[smem:$0x7F6] =	sst s4;
	s1 =	sadd.s32 $0x20000, s2  }
0x61: {  	s23 =	spop (v2sf);
	s17 =	sadd.s32 $0x40000, s2;
	[smem:$0x70D] =	sst s1  }
0x62: {  	s21 =	spop (v2sf);
	s8 =	sadd.s32 $0x80000, s2;
	[smem:$0x70E] =	sst s17  }
0x63: {  	[hbm4b:s1+s5] =	stream.strided.scatter [tilespmem:s20], [sflag:$0x4], $0x1000, s6, s5, $0x38;
	[tilespmem:$0x18020] =	vst v63  }
0x64: {  	(v2sf) =	vpush v60, $0xF;
	s14 =	sadd.s32 $0xA0000, s2;
	[smem:$0x710] =	sst s8;
	s20 =	spop (v2sf)  }
0x65: {  	[smem:$0x711] =	sst s14;
	s25 =	spop (v2sf)  }
0x66: {  	[hbm4b:s17+s5] =	stream.strided.scatter [tilespmem:s19], [sflag:$0x4], $0x1000, s6, s5, $0x38;
	[tilespmem:$0x18020] =	vst v63  }
0x67: {  	s19 =	sadd.s32 $0x60000, s2;
	[smem:$0x768] =	sst s25  }
0x68: {  	s12 =	spop (v2sf);
	[smem:$0x70F] =	sst s19  }
0x69: {  	s9 =	simm.s32 $0x7020;
	[smem:$0x777] =	sst s12  }
0x6a: {  	s26 =	simm.s32 $0x3020;
	s15 =	spop (v2sf);
	s12 =	rddreg [dreg:$0xb]  }
0x6b: {  	(v2sf) =	vpush v61, $0xF;
	[hbm4b:s19+s5] =	stream.strided.scatter [tilespmem:s26], [sflag:$0x4], $0x1000, s6, s5, $0x38;
	[tilespmem:$0x18020] =	vst v63  }
0x6c: {  	s31 =	simm.s32 $0x10020;
	[smem:$0x786] =	sst s15;
	s26 =	spop (v2sf)  }
0x6d: {  	s13 =	simm.s32 $0x4020;
	s19 =	sadd.s32 $0xC0000, s2;
	[smem:$0x795] =	sst s26  }
0x6e: {  	[hbm4b:s8+s5] =	stream.strided.scatter [tilespmem:s13], [sflag:$0x4], $0x1000, s6, s5, $0x38;
	[tilespmem:$0x18020] =	vst v63  }
0x6f: {  	s17 =	simm.s32 $0x5020;
	s2 =	sadd.s32 $0xE0000, s2;
	[smem:$0x712] =	sst s19  }
0x70: {  	[hbm4b:s14+s5] =	stream.strided.scatter [tilespmem:s17], [sflag:$0x4], $0x1000, s6, s5, $0x38;
	[tilespmem:$0x18020] =	vst v63  }
0x71: {  	s25 =	sshll.u32 s11, $0xD;
	s11 =	spop (v2sf);
	[smem:$0x713] =	sst s2  }
0x72: {  	[hbm4b:s19+s5] =	stream.strided.scatter [tilespmem:s22], [sflag:$0x4], $0x1000, s6, s5, $0x38;
	[tilespmem:$0x18020] =	vst v63  }
0x73: {  	s26 =	sand.u32 $0x1FFFE000, s25;
	[smem:$0x7A4] =	sst s11;
	s14 =	spop (v2sf)  }
0x74: {  	[hbm4b:s2+s5] =	stream.strided.scatter [tilespmem:s9], [sflag:$0x4], $0x1000, s6, s5, $0x38;
	[tilespmem:$0x18020] =	vst v63  }
0x75: {  	(v2sf) =	vpush v62, $0xF;
	s8 =	sadd.s32 s12, s26;
	[smem:$0x7B3] =	sst s14;
	s9 =	simm.s32 $0x0  }
0x76: {  	(v2sf) =	vpush v63, $0xF;
	[tilespmem:s31], [sflag:$0x3] =	stream.linear.gather [hbm4b:s8+s9], $0x8000, $0x38;
	[tilespmem:$0x18020] =	vst v63  }
0x77: {  	_ =	swait.ge [sflag:s16], $0x8000  }
0x78: {  	s7 =	sld [smem:$0x7F7]  }
0x79: {  	[sflag:s16] =	ssyncset.done $0x0  }
0x7a: {  	s22 =	simm.s32 $0x8020;
	[sflag:s16] =	ssyncadd.s32 $0xFFFF8000;
	s8 =	spop (v2sf)  }
0x7b: {  	[hbm4b:s7+s5] =	stream.strided.scatter [tilespmem:s22], [sflag:$0x5], $0x1000, s6, s5, $0x38;
	[tilespmem:$0x18020] =	vst v63  }
0x7c: {  	[smem:$0x7C2] =	sst s8;
	s17 =	sadd.s32 $0x20000, s7  }
0x7d: {  	s25 =	sadd.s32 $0x40000, s7;
	[smem:$0x714] =	sst s17  }
0x7e: {  	s11 =	sadd.s32 $0x60000, s7;
	[smem:$0x715] =	sst s25  }
0x7f: {  	s19 =	simm.s32 $0x9020;
	s14 =	sadd.s32 $0x80000, s7;
	[smem:$0x716] =	sst s11  }
0x80: {  	[hbm4b:s17+s5] =	stream.strided.scatter [tilespmem:s19], [sflag:$0x5], $0x1000, s6, s5, $0x38;
	[tilespmem:$0x18020] =	vst v63  }
0x81: {  	s4 =	simm.s32 $0xA020;
	[smem:$0x717] =	sst s14;
	s17 =	sadd.s32 $0xA0000, s7  }
0x82: {  	[hbm4b:s25+s5] =	stream.strided.scatter [tilespmem:s4], [sflag:$0x5], $0x1000, s6, s5, $0x38;
	[tilespmem:$0x18020] =	vst v63  }
0x83: {  	s12 =	simm.s32 $0xB020;
	[smem:$0x718] =	sst s17;
	s25 =	sadd.s32 $0xC0000, s7  }
0x84: {  	[hbm4b:s11+s5] =	stream.strided.scatter [tilespmem:s12], [sflag:$0x5], $0x1000, s6, s5, $0x38;
	[tilespmem:$0x18020] =	vst v63  }
0x85: {  	s16 =	simm.s32 $0xC020;
	s7 =	sadd.s32 $0xE0000, s7;
	[smem:$0x719] =	sst s25  }
0x86: {  	[hbm4b:s14+s5] =	stream.strided.scatter [tilespmem:s16], [sflag:$0x5], $0x1000, s6, s5, $0x38;
	[tilespmem:$0x18020] =	vst v63  }
0x87: {  	s19 =	simm.s32 $0xD020;
	[smem:$0x71A] =	sst s7;
	s12 =	spop (v2sf)  }
0x88: {  	[hbm4b:s17+s5] =	stream.strided.scatter [tilespmem:s19], [sflag:$0x5], $0x1000, s6, s5, $0x38;
	[tilespmem:$0x18020] =	vst v63  }
0x89: {  	s4 =	simm.s32 $0xE020;
	[smem:$0x7D1] =	sst s12;
	s14 =	spop (v2sf)  }
0x8a: {  	[hbm4b:s25+s5] =	stream.strided.scatter [tilespmem:s4], [sflag:$0x5], $0x1000, s6, s5, $0x38;
	[tilespmem:$0x18020] =	vst v63  }
0x8b: {  	s28 =	simm.s32 $0xF020;
	[smem:$0x7E0] =	sst s14  }
0x8c: {  	[hbm4b:s7+s5] =	stream.strided.scatter [tilespmem:s28], [sflag:$0x5], $0x1000, s6, s5, $0x38;
	[tilespmem:$0x18020] =	vst v63  }
0x8d: {  	_ =	swait.ge [sflag:s10], $0x8000  }
0x8e: {  	[sflag:s10] =	ssyncset.done $0x0;
	s16 =	rddreg [dreg:$0x9]  }
0x8f: {  	s1 =	simm.s32 $0x20;
	s26 =	sadd.s32 s26, s16;
	[sflag:s10] =	ssyncadd.s32 $0xFFFF8000  }
0x90: {  	[tilespmem:s1], [sflag:$0x1] =	stream.linear.gather [hbm4b:s26+s9], $0x8000, $0x38;
	[tilespmem:$0x18020] =	vst v63  }
0x91: {  	_ =	swait.ge [sflag:s30], $0x8000  }
0x92: {  	s8 =	sld [smem:$0x7F9]  }
0x93: {  	[sflag:s30] =	ssyncset.done $0x0  }
0x94: {  	[sflag:s30] =	ssyncadd.s32 $0xFFFF8000  }
0x95: {  	[hbm4b:s8+s5] =	stream.strided.scatter [tilespmem:s31], [sflag:$0x6], $0x1000, s6, s5, $0x38;
	[tilespmem:$0x18020] =	vst v63  }
0x96: {  	s17 =	sadd.s32 $0x20000, s8  }
0x97: {  	s19 =	sadd.s32 $0x40000, s8;
	[smem:$0x71B] =	sst s17  }
0x98: {  	[hbm4b:s17+s5] =	stream.strided.scatter [tilespmem:s3], [sflag:$0x6], $0x1000, s6, s5, $0x38;
	[tilespmem:$0x18020] =	vst v63  }
0x99: {  	s25 =	sadd.s32 $0x60000, s8;
	[smem:$0x71C] =	sst s19  }
0x9a: {  	[hbm4b:s19+s5] =	stream.strided.scatter [tilespmem:s18], [sflag:$0x6], $0x1000, s6, s5, $0x38;
	[tilespmem:$0x18020] =	vst v63  }
0x9b: {  	s26 =	simm.s32 $0x13020;
	s4 =	sadd.s32 $0x80000, s8;
	[smem:$0x71D] =	sst s25  }
0x9c: {  	[hbm4b:s25+s5] =	stream.strided.scatter [tilespmem:s26], [sflag:$0x6], $0x1000, s6, s5, $0x38;
	[tilespmem:$0x18020] =	vst v63  }
0x9d: {  	s7 =	simm.s32 $0x14020;
	s12 =	sadd.s32 $0xA0000, s8;
	[smem:$0x71E] =	sst s4  }
0x9e: {  	[hbm4b:s4+s5] =	stream.strided.scatter [tilespmem:s7], [sflag:$0x6], $0x1000, s6, s5, $0x38;
	[tilespmem:$0x18020] =	vst v63  }
0x9f: {  	s16 =	simm.s32 $0x15020;
	[smem:$0x71F] =	sst s12;
	s18 =	sadd.s32 $0xC0000, s8  }
0xa0: {  	[hbm4b:s12+s5] =	stream.strided.scatter [tilespmem:s16], [sflag:$0x6], $0x1000, s6, s5, $0x38;
	[tilespmem:$0x18020] =	vst v63  }
0xa1: {  	s8 =	sadd.s32 $0xE0000, s8;
	[smem:$0x720] =	sst s18;
	s25 =	simm.s32 $0x16020  }
0xa2: {  	[hbm4b:s18+s5] =	stream.strided.scatter [tilespmem:s25], [sflag:$0x6], $0x1000, s6, s5, $0x38;
	[tilespmem:$0x18020] =	vst v63  }
0xa3: {  	s2 =	simm.s32 $0x5;
	[smem:$0x721] =	sst s8;
	s26 =	simm.s32 $0x17020  }
0xa4: {  	[hbm4b:s8+s5] =	stream.strided.scatter [tilespmem:s26], [sflag:$0x6], $0x1000, s6, s5, $0x38;
	[tilespmem:$0x18020] =	vst v63  }
0xa5: {  	s25 =	sshll.u32 s0, $0xD;
	_ =	swait.ge [sflag:s2], $0x8000  }
0xa6: {  	s25 =	sand.u32 $0x1FFFE000, s25;
	[sflag:s2] =	ssyncset.done $0x0;
	s0 =	rddreg [dreg:$0xb]  }
0xa7: {  	s30 =	simm.s32 $0x1;
	[sflag:s2] =	ssyncadd.s32 $0xFFFF8000;
	s8 =	sadd.s32 s0, s25  }
0xa8: {  	[tilespmem:s22], [sflag:$0x2] =	stream.linear.gather [hbm4b:s8+s9], $0x8000, $0x38;
	[tilespmem:$0x18020] =	vst v63  }
0xa9: {  	_ =	swait.ge [sflag:s30], $0x8000  }
0xaa: {  	s8 =	sld [smem:$0x7FA]  }
0xab: {  	[sflag:s30] =	ssyncset.done $0x0  }
0xac: {  	[sflag:s30] =	ssyncadd.s32 $0xFFFF8000  }
0xad: {  	[hbm4b:s8+s5] =	stream.strided.scatter [tilespmem:s1], [sflag:$0x4], $0x1000, s6, s5, $0x38;
	[tilespmem:$0x18020] =	vst v63  }
0xae: {  	s0 =	simm.s32 $0x1020;
	s18 =	sadd.s32 $0x20000, s8  }
0xaf: {  	[hbm4b:s18+s5] =	stream.strided.scatter [tilespmem:s0], [sflag:$0x4], $0x1000, s6, s5, $0x38;
	[tilespmem:$0x18020] =	vst v63  }
0xb0: {  	s29 =	simm.s32 $0x2020;
	[smem:$0x722] =	sst s18;
	s0 =	sadd.s32 $0x40000, s8  }
0xb1: {  	[hbm4b:s0+s5] =	stream.strided.scatter [tilespmem:s29], [sflag:$0x4], $0x1000, s6, s5, $0x38;
	[tilespmem:$0x18020] =	vst v63  }
0xb2: {  	s18 =	sadd.s32 $0x60000, s8;
	[smem:$0x723] =	sst s0;
	s0 =	simm.s32 $0x3020  }
0xb3: {  	[hbm4b:s18+s5] =	stream.strided.scatter [tilespmem:s0], [sflag:$0x4], $0x1000, s6, s5, $0x38;
	[tilespmem:$0x18020] =	vst v63  }
0xb4: {  	[smem:$0x724] =	sst s18;
	s0 =	sadd.s32 $0x80000, s8  }
0xb5: {  	s18 =	sadd.s32 $0xA0000, s8;
	[smem:$0x725] =	sst s0  }
0xb6: {  	[hbm4b:s0+s5] =	stream.strided.scatter [tilespmem:s13], [sflag:$0x4], $0x1000, s6, s5, $0x38;
	[tilespmem:$0x18020] =	vst v63  }
0xb7: {  	s26 =	simm.s32 $0x5020;
	[smem:$0x726] =	sst s18;
	s13 =	sadd.s32 $0xC0000, s8  }
0xb8: {  	[hbm4b:s18+s5] =	stream.strided.scatter [tilespmem:s26], [sflag:$0x4], $0x1000, s6, s5, $0x38;
	[tilespmem:$0x18020] =	vst v63  }
0xb9: {  	s8 =	sadd.s32 $0xE0000, s8;
	[smem:$0x727] =	sst s13;
	s18 =	simm.s32 $0x6020  }
0xba: {  	[hbm4b:s13+s5] =	stream.strided.scatter [tilespmem:s18], [sflag:$0x4], $0x1000, s6, s5, $0x38;
	[tilespmem:$0x18020] =	vst v63  }
0xbb: {  	s15 =	simm.s32 $0x7020;
	[smem:$0x728] =	sst s8;
	s26 =	simm.s32 $0x6  }
0xbc: {  	[hbm4b:s8+s5] =	stream.strided.scatter [tilespmem:s15], [sflag:$0x4], $0x1000, s6, s5, $0x38;
	[tilespmem:$0x18020] =	vst v63  }
0xbd: {  	_ =	swait.ge [sflag:s26], $0x8000  }
0xbe: {  	[sflag:s26] =	ssyncset.done $0x0;
	s13 =	rddreg [dreg:$0x9]  }
0xbf: {  	s28 =	simm.s32 $0x2;
	s25 =	sadd.s32 s25, s13;
	[sflag:s26] =	ssyncadd.s32 $0xFFFF8000  }
0xc0: {  	[tilespmem:s31], [sflag:$0x3] =	stream.linear.gather [hbm4b:s25+s9], $0x8000, $0x38;
	[tilespmem:$0x18020] =	vst v63  }
0xc1: {  	_ =	swait.ge [sflag:s28], $0x8000  }
0xc2: {  	s8 =	sld [smem:$0x7FB]  }
0xc3: {  	[sflag:s28] =	ssyncset.done $0x0  }
0xc4: {  	[sflag:s28] =	ssyncadd.s32 $0xFFFF8000  }
0xc5: {  	[hbm4b:s8+s5] =	stream.strided.scatter [tilespmem:s22], [sflag:$0x5], $0x1000, s6, s5, $0x38;
	[tilespmem:$0x18020] =	vst v63  }
0xc6: {  	s18 =	sadd.s32 $0x20000, s8  }
0xc7: {  	s25 =	simm.s32 $0x9020;
	s13 =	sadd.s32 $0x40000, s8;
	[smem:$0x729] =	sst s18  }
0xc8: {  	[hbm4b:s18+s5] =	stream.strided.scatter [tilespmem:s25], [sflag:$0x5], $0x1000, s6, s5, $0x38;
	[tilespmem:$0x18020] =	vst v63  }
0xc9: {  	[smem:$0x72A] =	sst s13;
	s18 =	simm.s32 $0xA020;
	s25 =	sadd.s32 $0x60000, s8  }
0xca: {  	[hbm4b:s13+s5] =	stream.strided.scatter [tilespmem:s18], [sflag:$0x5], $0x1000, s6, s5, $0x38;
	[tilespmem:$0x18020] =	vst v63  }
0xcb: {  	[smem:$0x72B] =	sst s25;
	s13 =	simm.s32 $0xB020;
	s18 =	sadd.s32 $0x80000, s8  }
0xcc: {  	[hbm4b:s25+s5] =	stream.strided.scatter [tilespmem:s13], [sflag:$0x5], $0x1000, s6, s5, $0x38;
	[tilespmem:$0x18020] =	vst v63  }
0xcd: {  	[smem:$0x72C] =	sst s18;
	s25 =	simm.s32 $0xC020;
	s13 =	sadd.s32 $0xA0000, s8  }
0xce: {  	[hbm4b:s18+s5] =	stream.strided.scatter [tilespmem:s25], [sflag:$0x5], $0x1000, s6, s5, $0x38;
	[tilespmem:$0x18020] =	vst v63  }
0xcf: {  	[smem:$0x72D] =	sst s13;
	s18 =	simm.s32 $0xD020;
	s25 =	sadd.s32 $0xC0000, s8  }
0xd0: {  	[hbm4b:s13+s5] =	stream.strided.scatter [tilespmem:s18], [sflag:$0x5], $0x1000, s6, s5, $0x38;
	[tilespmem:$0x18020] =	vst v63  }
0xd1: {  	[smem:$0x72E] =	sst s25;
	s13 =	simm.s32 $0xE020;
	s18 =	sadd.s32 $0xE0000, s8  }
0xd2: {  	[hbm4b:s25+s5] =	stream.strided.scatter [tilespmem:s13], [sflag:$0x5], $0x1000, s6, s5, $0x38;
	[tilespmem:$0x18020] =	vst v63  }
0xd3: {  	s11 =	simm.s32 $0xF020;
	s16 =	simm.s32 $0x4;
	[smem:$0x72F] =	sst s18  }
0xd4: {  	[hbm4b:s18+s5] =	stream.strided.scatter [tilespmem:s11], [sflag:$0x5], $0x1000, s6, s5, $0x38;
	[tilespmem:$0x18020] =	vst v63  }
0xd5: {  	s24 =	sshll.u32 s24, $0xD;
	_ =	swait.ge [sflag:s16], $0x8000  }
0xd6: {  	s24 =	sand.u32 $0x1FFFE000, s24;
	[sflag:s16] =	ssyncset.done $0x0;
	s25 =	rddreg [dreg:$0xb]  }
0xd7: {  	s3 =	simm.s32 $0x3;
	[sflag:s16] =	ssyncadd.s32 $0xFFFF8000;
	s8 =	sadd.s32 s25, s24  }
0xd8: {  	[tilespmem:s1], [sflag:$0x1] =	stream.linear.gather [hbm4b:s8+s9], $0x8000, $0x38;
	[tilespmem:$0x18020] =	vst v63  }
0xd9: {  	_ =	swait.ge [sflag:s3], $0x8000  }
0xda: {  	s0 =	sld [smem:$0x7FC]  }
0xdb: {  	[sflag:s3] =	ssyncset.done $0x0  }
0xdc: {  	[sflag:s3] =	ssyncadd.s32 $0xFFFF8000  }
0xdd: {  	[hbm4b:s0+s5] =	stream.strided.scatter [tilespmem:s31], [sflag:$0x6], $0x1000, s6, s5, $0x38;
	[tilespmem:$0x18020] =	vst v63  }
0xde: {  	s11 =	sadd.s32 $0x20000, s0  }
0xdf: {  	s4 =	simm.s32 $0x11020;
	s13 =	sadd.s32 $0x40000, s0;
	[smem:$0x730] =	sst s11  }
0xe0: {  	[hbm4b:s11+s5] =	stream.strided.scatter [tilespmem:s4], [sflag:$0x6], $0x1000, s6, s5, $0x38;
	[tilespmem:$0x18020] =	vst v63  }
0xe1: {  	s7 =	simm.s32 $0x12020;
	s18 =	sadd.s32 $0x60000, s0;
	[smem:$0x731] =	sst s13  }
0xe2: {  	[hbm4b:s13+s5] =	stream.strided.scatter [tilespmem:s7], [sflag:$0x6], $0x1000, s6, s5, $0x38;
	[tilespmem:$0x18020] =	vst v63  }
0xe3: {  	s14 =	simm.s32 $0x13020;
	[smem:$0x732] =	sst s18;
	s11 =	sadd.s32 $0x80000, s0  }
0xe4: {  	[hbm4b:s18+s5] =	stream.strided.scatter [tilespmem:s14], [sflag:$0x6], $0x1000, s6, s5, $0x38;
	[tilespmem:$0x18020] =	vst v63  }
0xe5: {  	s17 =	simm.s32 $0x14020;
	[smem:$0x733] =	sst s11;
	s13 =	sadd.s32 $0xA0000, s0  }
0xe6: {  	[hbm4b:s11+s5] =	stream.strided.scatter [tilespmem:s17], [sflag:$0x6], $0x1000, s6, s5, $0x38;
	[tilespmem:$0x18020] =	vst v63  }
0xe7: {  	s19 =	simm.s32 $0x15020;
	[smem:$0x734] =	sst s13;
	s18 =	sadd.s32 $0xC0000, s0  }
0xe8: {  	[hbm4b:s13+s5] =	stream.strided.scatter [tilespmem:s19], [sflag:$0x6], $0x1000, s6, s5, $0x38;
	[tilespmem:$0x18020] =	vst v63  }
0xe9: {  	s12 =	simm.s32 $0x16020;
	s0 =	sadd.s32 $0xE0000, s0;
	[smem:$0x735] =	sst s18  }
0xea: {  	[hbm4b:s18+s5] =	stream.strided.scatter [tilespmem:s12], [sflag:$0x6], $0x1000, s6, s5, $0x38;
	[tilespmem:$0x18020] =	vst v63  }
0xeb: {  	s10 =	simm.s32 $0x17020;
	[smem:$0x736] =	sst s0  }
0xec: {  	[hbm4b:s0+s5] =	stream.strided.scatter [tilespmem:s10], [sflag:$0x6], $0x1000, s6, s5, $0x38;
	[tilespmem:$0x18020] =	vst v63  }
0xed: {  	_ =	swait.ge [sflag:s2], $0x8000  }
0xee: {  	[sflag:s2] =	ssyncset.done $0x0;
	s8 =	rddreg [dreg:$0x9]  }
0xef: {  	s24 =	sadd.s32 s24, s8;
	[sflag:s2] =	ssyncadd.s32 $0xFFFF8000  }
0xf0: {  	[tilespmem:s22], [sflag:$0x2] =	stream.linear.gather [hbm4b:s24+s9], $0x8000, $0x38;
	[tilespmem:$0x18020] =	vst v63  }
0xf1: {  	_ =	swait.ge [sflag:s30], $0x8000  }
0xf2: {  	s8 =	sld [smem:$0x7FD]  }
0xf3: {  	[sflag:s30] =	ssyncset.done $0x0  }
0xf4: {  	[sflag:s30] =	ssyncadd.s32 $0xFFFF8000  }
0xf5: {  	[hbm4b:s8+s5] =	stream.strided.scatter [tilespmem:s1], [sflag:$0x4], $0x1000, s6, s5, $0x38;
	[tilespmem:$0x18020] =	vst v63  }
0xf6: {  	s11 =	sadd.s32 $0x20000, s8  }
0xf7: {  	s13 =	simm.s32 $0x1020;
	s24 =	sadd.s32 $0x40000, s8;
	[smem:$0x737] =	sst s11  }
0xf8: {  	[hbm4b:s11+s5] =	stream.strided.scatter [tilespmem:s13], [sflag:$0x4], $0x1000, s6, s5, $0x38;
	[tilespmem:$0x18020] =	vst v63  }
0xf9: {  	s18 =	sadd.s32 $0x80000, s8;
	[smem:$0x738] =	sst s24  }
0xfa: {  	[hbm4b:s24+s5] =	stream.strided.scatter [tilespmem:s29], [sflag:$0x4], $0x1000, s6, s5, $0x38;
	[tilespmem:$0x18020] =	vst v63  }
0xfb: {  	[smem:$0x73A] =	sst s18;
	s11 =	sadd.s32 $0x60000, s8;
	s13 =	simm.s32 $0x3020  }
0xfc: {  	[hbm4b:s11+s5] =	stream.strided.scatter [tilespmem:s13], [sflag:$0x4], $0x1000, s6, s5, $0x38;
	[tilespmem:$0x18020] =	vst v63  }
0xfd: {  	s25 =	simm.s32 $0x4020;
	[smem:$0x739] =	sst s11;
	s24 =	sadd.s32 $0xA0000, s8  }
0xfe: {  	[hbm4b:s18+s5] =	stream.strided.scatter [tilespmem:s25], [sflag:$0x4], $0x1000, s6, s5, $0x38;
	[tilespmem:$0x18020] =	vst v63  }
0xff: {  	[smem:$0x73B] =	sst s24;
	s11 =	simm.s32 $0x5020;
	s13 =	sadd.s32 $0xC0000, s8  }
0x100: {  	[hbm4b:s24+s5] =	stream.strided.scatter [tilespmem:s11], [sflag:$0x4], $0x1000, s6, s5, $0x38;
	[tilespmem:$0x18020] =	vst v63  }
0x101: {  	[smem:$0x73C] =	sst s13;
	s18 =	simm.s32 $0x6020;
	s11 =	sadd.s32 $0xE0000, s8  }
0x102: {  	[hbm4b:s13+s5] =	stream.strided.scatter [tilespmem:s18], [sflag:$0x4], $0x1000, s6, s5, $0x38;
	[tilespmem:$0x18020] =	vst v63  }
0x103: {  	[smem:$0x73D] =	sst s11  }
0x104: {  	[hbm4b:s11+s5] =	stream.strided.scatter [tilespmem:s15], [sflag:$0x4], $0x1000, s6, s5, $0x38;
	[tilespmem:$0x18020] =	vst v63  }
0x105: {  	s23 =	sshll.u32 s23, $0xD;
	_ =	swait.ge [sflag:s26], $0x8000  }
0x106: {  	s23 =	sand.u32 $0x1FFFE000, s23;
	[sflag:s26] =	ssyncset.done $0x0;
	s13 =	rddreg [dreg:$0xb]  }
0x107: {  	[sflag:s26] =	ssyncadd.s32 $0xFFFF8000;
	s15 =	sadd.s32 s13, s23  }
0x108: {  	[tilespmem:s31], [sflag:$0x3] =	stream.linear.gather [hbm4b:s15+s9], $0x8000, $0x38;
	[tilespmem:$0x18020] =	vst v63  }
0x109: {  	_ =	swait.ge [sflag:s28], $0x8000  }
0x10a: {  	[sflag:s28] =	ssyncset.done $0x0;
	s8 =	rddreg [dreg:$0x1f]  }
0x10b: {  	[sflag:s28] =	ssyncadd.s32 $0xFFFF8000;
	s18 =	sadd.s32 $0x20000, s8  }
0x10c: {  	[hbm4b:s8+s5] =	stream.strided.scatter [tilespmem:s22], [sflag:$0x5], $0x1000, s6, s5, $0x38;
	[tilespmem:$0x18020] =	vst v63  }
0x10d: {  	s24 =	simm.s32 $0x9020;
	s0 =	sadd.s32 $0x40000, s8;
	[smem:$0x73E] =	sst s18  }
0x10e: {  	[hbm4b:s18+s5] =	stream.strided.scatter [tilespmem:s24], [sflag:$0x5], $0x1000, s6, s5, $0x38;
	[tilespmem:$0x18020] =	vst v63  }
0x10f: {  	s11 =	simm.s32 $0xA020;
	s13 =	sadd.s32 $0x60000, s8;
	[smem:$0x73F] =	sst s0  }
0x110: {  	[hbm4b:s0+s5] =	stream.strided.scatter [tilespmem:s11], [sflag:$0x5], $0x1000, s6, s5, $0x38;
	[tilespmem:$0x18020] =	vst v63  }
0x111: {  	s15 =	simm.s32 $0xB020;
	[smem:$0x740] =	sst s13;
	s18 =	sadd.s32 $0x80000, s8  }
0x112: {  	[hbm4b:s13+s5] =	stream.strided.scatter [tilespmem:s15], [sflag:$0x5], $0x1000, s6, s5, $0x38;
	[tilespmem:$0x18020] =	vst v63  }
0x113: {  	s24 =	simm.s32 $0xC020;
	[smem:$0x741] =	sst s18;
	s11 =	sadd.s32 $0xA0000, s8  }
0x114: {  	[hbm4b:s18+s5] =	stream.strided.scatter [tilespmem:s24], [sflag:$0x5], $0x1000, s6, s5, $0x38;
	[tilespmem:$0x18020] =	vst v63  }
0x115: {  	[smem:$0x742] =	sst s11;
	s13 =	simm.s32 $0xD020;
	s15 =	sadd.s32 $0xC0000, s8  }
0x116: {  	[hbm4b:s11+s5] =	stream.strided.scatter [tilespmem:s13], [sflag:$0x5], $0x1000, s6, s5, $0x38;
	[tilespmem:$0x18020] =	vst v63  }
0x117: {  	[smem:$0x743] =	sst s15;
	s18 =	simm.s32 $0xE020;
	s24 =	sadd.s32 $0xE0000, s8  }
0x118: {  	[hbm4b:s15+s5] =	stream.strided.scatter [tilespmem:s18], [sflag:$0x5], $0x1000, s6, s5, $0x38;
	[tilespmem:$0x18020] =	vst v63  }
0x119: {  	[smem:$0x744] =	sst s24;
	s11 =	simm.s32 $0xF020  }
0x11a: {  	[hbm4b:s24+s5] =	stream.strided.scatter [tilespmem:s11], [sflag:$0x5], $0x1000, s6, s5, $0x38;
	[tilespmem:$0x18020] =	vst v63  }
0x11b: {  	_ =	swait.ge [sflag:s16], $0x8000  }
0x11c: {  	[sflag:s16] =	ssyncset.done $0x0;
	s8 =	rddreg [dreg:$0x9]  }
0x11d: {  	s23 =	sadd.s32 s23, s8;
	[sflag:s16] =	ssyncadd.s32 $0xFFFF8000  }
0x11e: {  	[tilespmem:s1], [sflag:$0x1] =	stream.linear.gather [hbm4b:s23+s9], $0x8000, $0x38;
	[tilespmem:$0x18020] =	vst v63  }
0x11f: {  	_ =	swait.ge [sflag:s3], $0x8000  }
0x120: {  	[sflag:s3] =	ssyncset.done $0x0;
	s13 =	rddreg [dreg:$0x1e]  }
0x121: {  	[sflag:s3] =	ssyncadd.s32 $0xFFFF8000;
	s15 =	sadd.s32 $0x20000, s13  }
0x122: {  	[hbm4b:s13+s5] =	stream.strided.scatter [tilespmem:s31], [sflag:$0x6], $0x1000, s6, s5, $0x38;
	[tilespmem:$0x18020] =	vst v63  }
0x123: {  	s18 =	sadd.s32 $0x40000, s13;
	[smem:$0x745] =	sst s15  }
0x124: {  	[hbm4b:s15+s5] =	stream.strided.scatter [tilespmem:s4], [sflag:$0x6], $0x1000, s6, s5, $0x38;
	[tilespmem:$0x18020] =	vst v63  }
0x125: {  	s23 =	sadd.s32 $0x60000, s13;
	[smem:$0x746] =	sst s18  }
0x126: {  	[hbm4b:s18+s5] =	stream.strided.scatter [tilespmem:s7], [sflag:$0x6], $0x1000, s6, s5, $0x38;
	[tilespmem:$0x18020] =	vst v63  }
0x127: {  	s24 =	sadd.s32 $0x80000, s13;
	[smem:$0x747] =	sst s23  }
0x128: {  	[hbm4b:s23+s5] =	stream.strided.scatter [tilespmem:s14], [sflag:$0x6], $0x1000, s6, s5, $0x38;
	[tilespmem:$0x18020] =	vst v63  }
0x129: {  	[smem:$0x748] =	sst s24;
	s4 =	sadd.s32 $0xA0000, s13  }
0x12a: {  	[hbm4b:s24+s5] =	stream.strided.scatter [tilespmem:s17], [sflag:$0x6], $0x1000, s6, s5, $0x38;
	[tilespmem:$0x18020] =	vst v63  }
0x12b: {  	[smem:$0x749] =	sst s4;
	s7 =	sadd.s32 $0xC0000, s13  }
0x12c: {  	[hbm4b:s4+s5] =	stream.strided.scatter [tilespmem:s19], [sflag:$0x6], $0x1000, s6, s5, $0x38;
	[tilespmem:$0x18020] =	vst v63  }
0x12d: {  	s0 =	sadd.s32 $0xE0000, s13;
	[smem:$0x74A] =	sst s7  }
0x12e: {  	[hbm4b:s7+s5] =	stream.strided.scatter [tilespmem:s12], [sflag:$0x6], $0x1000, s6, s5, $0x38;
	[tilespmem:$0x18020] =	vst v63  }
0x12f: {  	[smem:$0x74B] =	sst s0  }
0x130: {  	[hbm4b:s0+s5] =	stream.strided.scatter [tilespmem:s10], [sflag:$0x6], $0x1000, s6, s5, $0x38;
	[tilespmem:$0x18020] =	vst v63  }
0x131: {  	s21 =	sshll.u32 s21, $0xD;
	_ =	swait.ge [sflag:s2], $0x8000  }
0x132: {  	s21 =	sand.u32 $0x1FFFE000, s21;
	[sflag:s2] =	ssyncset.done $0x0;
	s10 =	rddreg [dreg:$0xb]  }
0x133: {  	[sflag:s2] =	ssyncadd.s32 $0xFFFF8000;
	s12 =	sadd.s32 s10, s21  }
0x134: {  	[tilespmem:s22], [sflag:$0x2] =	stream.linear.gather [hbm4b:s12+s9], $0x8000, $0x38;
	[tilespmem:$0x18020] =	vst v63  }
0x135: {  	s23 =	rddreg [dreg:$0xb];
	_ =	swait.ge [sflag:s30], $0x8000  }
0x136: {  	[sflag:s30] =	ssyncset.done $0x0;
	s13 =	rddreg [dreg:$0x1d]  }
0x137: {  	[sflag:s30] =	ssyncadd.s32 $0xFFFF8000;
	s14 =	sadd.s32 $0x20000, s13  }
0x138: {  	[hbm4b:s13+s5] =	stream.strided.scatter [tilespmem:s1], [sflag:$0x4], $0x1000, s6, s5, $0x38;
	[tilespmem:$0x18020] =	vst v63  }
0x139: {  	s15 =	simm.s32 $0x1020;
	s17 =	sadd.s32 $0x40000, s13;
	[smem:$0x74C] =	sst s14  }
0x13a: {  	[hbm4b:s14+s5] =	stream.strided.scatter [tilespmem:s15], [sflag:$0x4], $0x1000, s6, s5, $0x38;
	[tilespmem:$0x18020] =	vst v63  }
0x13b: {  	s18 =	sadd.s32 $0x60000, s13;
	[smem:$0x74D] =	sst s17  }
0x13c: {  	[hbm4b:s17+s5] =	stream.strided.scatter [tilespmem:s29], [sflag:$0x4], $0x1000, s6, s5, $0x38;
	[tilespmem:$0x18020] =	vst v63  }
0x13d: {  	s19 =	simm.s32 $0x3020;
	s24 =	sadd.s32 $0x80000, s13;
	[smem:$0x74E] =	sst s18  }
0x13e: {  	[hbm4b:s18+s5] =	stream.strided.scatter [tilespmem:s19], [sflag:$0x4], $0x1000, s6, s5, $0x38;
	[tilespmem:$0x18020] =	vst v63  }
0x13f: {  	s25 =	simm.s32 $0x4020;
	s4 =	sadd.s32 $0xA0000, s13;
	[smem:$0x74F] =	sst s24  }
0x140: {  	[hbm4b:s24+s5] =	stream.strided.scatter [tilespmem:s25], [sflag:$0x4], $0x1000, s6, s5, $0x38;
	[tilespmem:$0x18020] =	vst v63  }
0x141: {  	s7 =	simm.s32 $0x5020;
	s10 =	sadd.s32 $0xC0000, s13;
	[smem:$0x750] =	sst s4  }
0x142: {  	[hbm4b:s4+s5] =	stream.strided.scatter [tilespmem:s7], [sflag:$0x4], $0x1000, s6, s5, $0x38;
	[tilespmem:$0x18020] =	vst v63  }
0x143: {  	s12 =	simm.s32 $0x6020;
	[smem:$0x751] =	sst s10;
	s13 =	sadd.s32 $0xE0000, s13  }
0x144: {  	[hbm4b:s10+s5] =	stream.strided.scatter [tilespmem:s12], [sflag:$0x4], $0x1000, s6, s5, $0x38;
	[tilespmem:$0x18020] =	vst v63  }
0x145: {  	[smem:$0x752] =	sst s13;
	s4 =	simm.s32 $0x7020  }
0x146: {  	[hbm4b:s13+s5] =	stream.strided.scatter [tilespmem:s4], [sflag:$0x4], $0x1000, s6, s5, $0x38;
	[tilespmem:$0x18020] =	vst v63  }
0x147: {  	_ =	swait.ge [sflag:s26], $0x8000  }
0x148: {  	[sflag:s26] =	ssyncset.done $0x0;
	s14 =	rddreg [dreg:$0x9]  }
0x149: {  	s21 =	sadd.s32 s21, s14;
	[sflag:s26] =	ssyncadd.s32 $0xFFFF8000  }
0x14a: {  	[tilespmem:s31], [sflag:$0x3] =	stream.linear.gather [hbm4b:s21+s9], $0x8000, $0x38;
	[tilespmem:$0x18020] =	vst v63  }
0x14b: {  	_ =	swait.ge [sflag:s28], $0x8000  }
0x14c: {  	[sflag:s28] =	ssyncset.done $0x0;
	s8 =	rddreg [dreg:$0x1c]  }
0x14d: {  	[sflag:s28] =	ssyncadd.s32 $0xFFFF8000;
	s15 =	sadd.s32 $0x20000, s8  }
0x14e: {  	[hbm4b:s8+s5] =	stream.strided.scatter [tilespmem:s22], [sflag:$0x5], $0x1000, s6, s5, $0x38;
	[tilespmem:$0x18020] =	vst v63  }
0x14f: {  	s17 =	simm.s32 $0x9020;
	s18 =	sadd.s32 $0x40000, s8;
	[smem:$0x753] =	sst s15  }
0x150: {  	[hbm4b:s15+s5] =	stream.strided.scatter [tilespmem:s17], [sflag:$0x5], $0x1000, s6, s5, $0x38;
	[tilespmem:$0x18020] =	vst v63  }
0x151: {  	s19 =	simm.s32 $0xA020;
	s24 =	sadd.s32 $0x60000, s8;
	[smem:$0x754] =	sst s18  }
0x152: {  	[hbm4b:s18+s5] =	stream.strided.scatter [tilespmem:s19], [sflag:$0x5], $0x1000, s6, s5, $0x38;
	[tilespmem:$0x18020] =	vst v63  }
0x153: {  	s7 =	simm.s32 $0xB020;
	s10 =	sadd.s32 $0x80000, s8;
	[smem:$0x755] =	sst s24  }
0x154: {  	[hbm4b:s24+s5] =	stream.strided.scatter [tilespmem:s7], [sflag:$0x5], $0x1000, s6, s5, $0x38;
	[tilespmem:$0x18020] =	vst v63  }
0x155: {  	s12 =	simm.s32 $0xC020;
	s13 =	sadd.s32 $0xA0000, s8;
	[smem:$0x756] =	sst s10  }
0x156: {  	[hbm4b:s10+s5] =	stream.strided.scatter [tilespmem:s12], [sflag:$0x5], $0x1000, s6, s5, $0x38;
	[tilespmem:$0x18020] =	vst v63  }
0x157: {  	s14 =	simm.s32 $0xD020;
	[smem:$0x757] =	sst s13;
	s15 =	sadd.s32 $0xC0000, s8  }
0x158: {  	[hbm4b:s13+s5] =	stream.strided.scatter [tilespmem:s14], [sflag:$0x5], $0x1000, s6, s5, $0x38;
	[tilespmem:$0x18020] =	vst v63  }
0x159: {  	s17 =	simm.s32 $0xE020;
	[smem:$0x758] =	sst s15;
	s18 =	sadd.s32 $0xE0000, s8  }
0x15a: {  	[hbm4b:s15+s5] =	stream.strided.scatter [tilespmem:s17], [sflag:$0x5], $0x1000, s6, s5, $0x38;
	[tilespmem:$0x18020] =	vst v63  }
0x15b: {  	[smem:$0x759] =	sst s18  }
0x15c: {  	[hbm4b:s18+s5] =	stream.strided.scatter [tilespmem:s11], [sflag:$0x5], $0x1000, s6, s5, $0x38;
	[tilespmem:$0x18020] =	vst v63  }
0x15d: {  	s20 =	sshll.u32 s20, $0xD;
	_ =	swait.ge [sflag:s16], $0x8000  }
0x15e: {  	s20 =	sand.u32 $0x1FFFE000, s20;
	[sflag:s16] =	ssyncset.done $0x0  }
0x15f: {  	s19 =	sadd.s32 s23, s20;
	[sflag:s16] =	ssyncadd.s32 $0xFFFF8000  }
0x160: {  	[tilespmem:s1], [sflag:$0x1] =	stream.linear.gather [hbm4b:s19+s9], $0x8000, $0x38;
	[tilespmem:$0x18020] =	vst v63  }
0x161: {  	s21 =	rddreg [dreg:$0x9];
	_ =	swait.ge [sflag:s3], $0x8000  }
0x162: {  	[sflag:s3] =	ssyncset.done $0x0;
	s24 =	rddreg [dreg:$0x1b]  }
0x163: {  	[sflag:s3] =	ssyncadd.s32 $0xFFFF8000;
	s7 =	sadd.s32 $0x20000, s24  }
0x164: {  	[hbm4b:s24+s5] =	stream.strided.scatter [tilespmem:s31], [sflag:$0x6], $0x1000, s6, s5, $0x38;
	[tilespmem:$0x18020] =	vst v63  }
0x165: {  	s10 =	simm.s32 $0x11020;
	s11 =	sadd.s32 $0x40000, s24;
	[smem:$0x75A] =	sst s7  }
0x166: {  	[hbm4b:s7+s5] =	stream.strided.scatter [tilespmem:s10], [sflag:$0x6], $0x1000, s6, s5, $0x38;
	[tilespmem:$0x18020] =	vst v63  }
0x167: {  	s15 =	simm.s32 $0x12020;
	s12 =	sadd.s32 $0x60000, s24;
	[smem:$0x75B] =	sst s11  }
0x168: {  	[hbm4b:s11+s5] =	stream.strided.scatter [tilespmem:s15], [sflag:$0x6], $0x1000, s6, s5, $0x38;
	[tilespmem:$0x18020] =	vst v63  }
0x169: {  	s18 =	simm.s32 $0x13020;
	s13 =	sadd.s32 $0x80000, s24;
	[smem:$0x75C] =	sst s12  }
0x16a: {  	[hbm4b:s12+s5] =	stream.strided.scatter [tilespmem:s18], [sflag:$0x6], $0x1000, s6, s5, $0x38;
	[tilespmem:$0x18020] =	vst v63  }
0x16b: {  	s14 =	sadd.s32 $0xA0000, s24;
	[smem:$0x75D] =	sst s13;
	s7 =	simm.s32 $0x14020  }
0x16c: {  	[hbm4b:s13+s5] =	stream.strided.scatter [tilespmem:s7], [sflag:$0x6], $0x1000, s6, s5, $0x38;
	[tilespmem:$0x18020] =	vst v63  }
0x16d: {  	s19 =	sadd.s32 $0xC0000, s24;
	[smem:$0x75E] =	sst s14;
	s11 =	simm.s32 $0x15020  }
0x16e: {  	[hbm4b:s14+s5] =	stream.strided.scatter [tilespmem:s11], [sflag:$0x6], $0x1000, s6, s5, $0x38;
	[tilespmem:$0x18020] =	vst v63  }
0x16f: {  	s0 =	sadd.s32 $0xE0000, s24;
	[smem:$0x75F] =	sst s19;
	s13 =	simm.s32 $0x16020  }
0x170: {  	[hbm4b:s19+s5] =	stream.strided.scatter [tilespmem:s13], [sflag:$0x6], $0x1000, s6, s5, $0x38;
	[tilespmem:$0x18020] =	vst v63  }
0x171: {  	[smem:$0x760] =	sst s0;
	s14 =	simm.s32 $0x17020  }
0x172: {  	[hbm4b:s0+s5] =	stream.strided.scatter [tilespmem:s14], [sflag:$0x6], $0x1000, s6, s5, $0x38;
	[tilespmem:$0x18020] =	vst v63  }
0x173: {  	_ =	swait.ge [sflag:s2], $0x8000  }
0x174: {  	[sflag:s2] =	ssyncset.done $0x0  }
0x175: {  	s20 =	sadd.s32 s20, s21;
	[sflag:s2] =	ssyncadd.s32 $0xFFFF8000  }
0x176: {  	[tilespmem:s22], [sflag:$0x2] =	stream.linear.gather [hbm4b:s20+s9], $0x8000, $0x38;
	[tilespmem:$0x18020] =	vst v63  }
0x177: {  	_ =	swait.ge [sflag:s30], $0x8000  }
0x178: {  	[sflag:s30] =	ssyncset.done $0x0  }
0x179: {  	s8 =	rddreg [dreg:$0x1a];
	[sflag:s30] =	ssyncadd.s32 $0xFFFF8000  }
0x17a: {  	[hbm4b:s8+s5] =	stream.strided.scatter [tilespmem:s1], [sflag:$0x4], $0x1000, s6, s5, $0x38;
	[tilespmem:$0x18020] =	vst v63  }
0x17b: {  	s24 =	simm.s32 $0x1020;
	s20 =	sadd.s32 $0x20000, s8  }
0x17c: {  	[hbm4b:s20+s5] =	stream.strided.scatter [tilespmem:s24], [sflag:$0x4], $0x1000, s6, s5, $0x38;
	[tilespmem:$0x18020] =	vst v63  }
0x17d: {  	s12 =	sadd.s32 $0x40000, s8  }
0x17e: {  	[hbm4b:s12+s5] =	stream.strided.scatter [tilespmem:s29], [sflag:$0x4], $0x1000, s6, s5, $0x38;
	[tilespmem:$0x18020] =	vst v63  }
0x17f: {  	s19 =	sadd.s32 $0x60000, s8;
	[smem:$0x761] =	sst s20;
	s20 =	simm.s32 $0x3020  }
0x180: {  	[hbm4b:s19+s5] =	stream.strided.scatter [tilespmem:s20], [sflag:$0x4], $0x1000, s6, s5, $0x38;
	[tilespmem:$0x18020] =	vst v63  }
0x181: {  	[smem:$0x762] =	sst s12;
	s24 =	sadd.s32 $0x80000, s8  }
0x182: {  	[hbm4b:s24+s5] =	stream.strided.scatter [tilespmem:s25], [sflag:$0x4], $0x1000, s6, s5, $0x38;
	[tilespmem:$0x18020] =	vst v63  }
0x183: {  	[smem:$0x763] =	sst s19;
	s12 =	sadd.s32 $0xA0000, s8;
	s19 =	simm.s32 $0x5020  }
0x184: {  	[hbm4b:s12+s5] =	stream.strided.scatter [tilespmem:s19], [sflag:$0x4], $0x1000, s6, s5, $0x38;
	[tilespmem:$0x18020] =	vst v63  }
0x185: {  	[smem:$0x764] =	sst s24;
	s20 =	sadd.s32 $0xC0000, s8;
	s24 =	simm.s32 $0x6020  }
0x186: {  	[hbm4b:s20+s5] =	stream.strided.scatter [tilespmem:s24], [sflag:$0x4], $0x1000, s6, s5, $0x38;
	[tilespmem:$0x18020] =	vst v63  }
0x187: {  	[smem:$0x765] =	sst s12;
	s25 =	sadd.s32 $0xE0000, s8  }
0x188: {  	[hbm4b:s25+s5] =	stream.strided.scatter [tilespmem:s4], [sflag:$0x4], $0x1000, s6, s5, $0x38;
	[tilespmem:$0x18020] =	vst v63  }
0x189: {  	s4 =	sld [smem:$0x768]  }
0x18a: {  	[smem:$0x766] =	sst s20  }
0x18b: {  	[smem:$0x767] =	sst s25  }
0x18c: {  	_ =	swait.ge [sflag:s26], $0x8000;
	s8 =	sshll.u32 s4, $0xD  }
0x18d: {  	[sflag:s26] =	ssyncset.done $0x0;
	s19 =	sand.u32 $0x1FFFE000, s8  }
0x18e: {  	[sflag:s26] =	ssyncadd.s32 $0xFFFF8000;
	s12 =	sadd.s32 s23, s19  }
0x18f: {  	[tilespmem:s31], [sflag:$0x3] =	stream.linear.gather [hbm4b:s12+s9], $0x8000, $0x38;
	[tilespmem:$0x18020] =	vst v63  }
0x190: {  	_ =	swait.ge [sflag:s28], $0x8000  }
0x191: {  	[sflag:s28] =	ssyncset.done $0x0;
	s8 =	rddreg [dreg:$0x19]  }
0x192: {  	[sflag:s28] =	ssyncadd.s32 $0xFFFF8000;
	s24 =	sadd.s32 $0x20000, s8  }
0x193: {  	[hbm4b:s8+s5] =	stream.strided.scatter [tilespmem:s22], [sflag:$0x5], $0x1000, s6, s5, $0x38;
	[tilespmem:$0x18020] =	vst v63  }
0x194: {  	s25 =	simm.s32 $0x9020;
	s4 =	sadd.s32 $0x40000, s8;
	[smem:$0x769] =	sst s24  }
0x195: {  	[hbm4b:s24+s5] =	stream.strided.scatter [tilespmem:s25], [sflag:$0x5], $0x1000, s6, s5, $0x38;
	[tilespmem:$0x18020] =	vst v63  }
0x196: {  	s20 =	simm.s32 $0xA020;
	[smem:$0x76A] =	sst s4;
	s24 =	sadd.s32 $0x60000, s8  }
0x197: {  	[hbm4b:s4+s5] =	stream.strided.scatter [tilespmem:s20], [sflag:$0x5], $0x1000, s6, s5, $0x38;
	[tilespmem:$0x18020] =	vst v63  }
0x198: {  	s25 =	simm.s32 $0xB020;
	[smem:$0x76B] =	sst s24;
	s4 =	sadd.s32 $0x80000, s8  }
0x199: {  	[hbm4b:s24+s5] =	stream.strided.scatter [tilespmem:s25], [sflag:$0x5], $0x1000, s6, s5, $0x38;
	[tilespmem:$0x18020] =	vst v63  }
0x19a: {  	s12 =	simm.s32 $0xC020;
	s20 =	sadd.s32 $0xA0000, s8;
	[smem:$0x76C] =	sst s4  }
0x19b: {  	[hbm4b:s4+s5] =	stream.strided.scatter [tilespmem:s12], [sflag:$0x5], $0x1000, s6, s5, $0x38;
	[tilespmem:$0x18020] =	vst v63  }
0x19c: {  	[smem:$0x76D] =	sst s20;
	s24 =	simm.s32 $0xD020;
	s25 =	sadd.s32 $0xC0000, s8  }
0x19d: {  	[hbm4b:s20+s5] =	stream.strided.scatter [tilespmem:s24], [sflag:$0x5], $0x1000, s6, s5, $0x38;
	[tilespmem:$0x18020] =	vst v63  }
0x19e: {  	s8 =	sadd.s32 $0xE0000, s8;
	[smem:$0x76E] =	sst s25;
	s4 =	simm.s32 $0xE020  }
0x19f: {  	[hbm4b:s25+s5] =	stream.strided.scatter [tilespmem:s4], [sflag:$0x5], $0x1000, s6, s5, $0x38;
	[tilespmem:$0x18020] =	vst v63  }
0x1a0: {  	s17 =	simm.s32 $0xF020;
	[smem:$0x76F] =	sst s8  }
0x1a1: {  	[hbm4b:s8+s5] =	stream.strided.scatter [tilespmem:s17], [sflag:$0x5], $0x1000, s6, s5, $0x38;
	[tilespmem:$0x18020] =	vst v63  }
0x1a2: {  	_ =	swait.ge [sflag:s16], $0x8000  }
0x1a3: {  	[sflag:s16] =	ssyncset.done $0x0  }
0x1a4: {  	s19 =	sadd.s32 s19, s21;
	[sflag:s16] =	ssyncadd.s32 $0xFFFF8000  }
0x1a5: {  	[tilespmem:s1], [sflag:$0x1] =	stream.linear.gather [hbm4b:s19+s9], $0x8000, $0x38;
	[tilespmem:$0x18020] =	vst v63  }
0x1a6: {  	_ =	swait.ge [sflag:s3], $0x8000  }
0x1a7: {  	[sflag:s3] =	ssyncset.done $0x0;
	s0 =	rddreg [dreg:$0x18]  }
0x1a8: {  	s8 =	sld [smem:$0x777];
	[sflag:s3] =	ssyncadd.s32 $0xFFFF8000;
	s12 =	sadd.s32 $0x20000, s0  }
0x1a9: {  	[hbm4b:s0+s5] =	stream.strided.scatter [tilespmem:s31], [sflag:$0x6], $0x1000, s6, s5, $0x38;
	[tilespmem:$0x18020] =	vst v63  }
0x1aa: {  	s17 =	sadd.s32 $0x40000, s0;
	[smem:$0x770] =	sst s12  }
0x1ab: {  	[hbm4b:s12+s5] =	stream.strided.scatter [tilespmem:s10], [sflag:$0x6], $0x1000, s6, s5, $0x38;
	[tilespmem:$0x18020] =	vst v63  }
0x1ac: {  	s19 =	sadd.s32 $0x60000, s0;
	[smem:$0x771] =	sst s17  }
0x1ad: {  	[hbm4b:s17+s5] =	stream.strided.scatter [tilespmem:s15], [sflag:$0x6], $0x1000, s6, s5, $0x38;
	[tilespmem:$0x18020] =	vst v63  }
0x1ae: {  	s20 =	sadd.s32 $0x80000, s0;
	[smem:$0x772] =	sst s19  }
0x1af: {  	[hbm4b:s19+s5] =	stream.strided.scatter [tilespmem:s18], [sflag:$0x6], $0x1000, s6, s5, $0x38;
	[tilespmem:$0x18020] =	vst v63  }
0x1b0: {  	s24 =	sadd.s32 $0xA0000, s0;
	[smem:$0x773] =	sst s20  }
0x1b1: {  	[hbm4b:s20+s5] =	stream.strided.scatter [tilespmem:s7], [sflag:$0x6], $0x1000, s6, s5, $0x38;
	[tilespmem:$0x18020] =	vst v63  }
0x1b2: {  	[smem:$0x774] =	sst s24;
	s7 =	sadd.s32 $0xC0000, s0  }
0x1b3: {  	[hbm4b:s24+s5] =	stream.strided.scatter [tilespmem:s11], [sflag:$0x6], $0x1000, s6, s5, $0x38;
	[tilespmem:$0x18020] =	vst v63  }
0x1b4: {  	s0 =	sadd.s32 $0xE0000, s0;
	[smem:$0x775] =	sst s7  }
0x1b5: {  	[hbm4b:s7+s5] =	stream.strided.scatter [tilespmem:s13], [sflag:$0x6], $0x1000, s6, s5, $0x38;
	[tilespmem:$0x18020] =	vst v63  }
0x1b6: {  	[smem:$0x776] =	sst s0  }
0x1b7: {  	[hbm4b:s0+s5] =	stream.strided.scatter [tilespmem:s14], [sflag:$0x6], $0x1000, s6, s5, $0x38;
	[tilespmem:$0x18020] =	vst v63  }
0x1b8: {  	s11 =	sshll.u32 s8, $0xD;
	_ =	swait.ge [sflag:s2], $0x8000  }
0x1b9: {  	s18 =	sand.u32 $0x1FFFE000, s11;
	[sflag:s2] =	ssyncset.done $0x0  }
0x1ba: {  	s12 =	sadd.s32 s23, s18;
	[sflag:s2] =	ssyncadd.s32 $0xFFFF8000  }
0x1bb: {  	[tilespmem:s22], [sflag:$0x2] =	stream.linear.gather [hbm4b:s12+s9], $0x8000, $0x38;
	[tilespmem:$0x18020] =	vst v63  }
0x1bc: {  	_ =	swait.ge [sflag:s30], $0x8000  }
0x1bd: {  	[sflag:s30] =	ssyncset.done $0x0;
	s8 =	rddreg [dreg:$0x17]  }
0x1be: {  	[sflag:s30] =	ssyncadd.s32 $0xFFFF8000;
	s14 =	sadd.s32 $0x20000, s8  }
0x1bf: {  	[hbm4b:s8+s5] =	stream.strided.scatter [tilespmem:s1], [sflag:$0x4], $0x1000, s6, s5, $0x38;
	[tilespmem:$0x18020] =	vst v63  }
0x1c0: {  	s4 =	simm.s32 $0x1020;
	s17 =	sadd.s32 $0x40000, s8;
	[smem:$0x778] =	sst s14  }
0x1c1: {  	[hbm4b:s14+s5] =	stream.strided.scatter [tilespmem:s4], [sflag:$0x4], $0x1000, s6, s5, $0x38;
	[tilespmem:$0x18020] =	vst v63  }
0x1c2: {  	s13 =	simm.s32 $0x2020;
	s19 =	sadd.s32 $0x60000, s8;
	[smem:$0x779] =	sst s17  }
0x1c3: {  	[hbm4b:s17+s5] =	stream.strided.scatter [tilespmem:s13], [sflag:$0x4], $0x1000, s6, s5, $0x38;
	[tilespmem:$0x18020] =	vst v63  }
0x1c4: {  	s24 =	simm.s32 $0x3020;
	s11 =	sadd.s32 $0xA0000, s8;
	[smem:$0x77A] =	sst s19  }
0x1c5: {  	[hbm4b:s19+s5] =	stream.strided.scatter [tilespmem:s24], [sflag:$0x4], $0x1000, s6, s5, $0x38;
	[tilespmem:$0x18020] =	vst v63  }
0x1c6: {  	s7 =	simm.s32 $0x4020;
	[smem:$0x77C] =	sst s11;
	s4 =	sadd.s32 $0x80000, s8  }
0x1c7: {  	[hbm4b:s4+s5] =	stream.strided.scatter [tilespmem:s7], [sflag:$0x4], $0x1000, s6, s5, $0x38;
	[tilespmem:$0x18020] =	vst v63  }
0x1c8: {  	s12 =	simm.s32 $0x5020;
	[smem:$0x77B] =	sst s4;
	s13 =	sadd.s32 $0xC0000, s8  }
0x1c9: {  	[hbm4b:s11+s5] =	stream.strided.scatter [tilespmem:s12], [sflag:$0x4], $0x1000, s6, s5, $0x38;
	[tilespmem:$0x18020] =	vst v63  }
0x1ca: {  	s14 =	simm.s32 $0x6020;
	s17 =	sadd.s32 $0xE0000, s8;
	[smem:$0x77D] =	sst s13  }
0x1cb: {  	[hbm4b:s13+s5] =	stream.strided.scatter [tilespmem:s14], [sflag:$0x4], $0x1000, s6, s5, $0x38;
	[tilespmem:$0x18020] =	vst v63  }
0x1cc: {  	[smem:$0x77E] =	sst s17;
	s13 =	simm.s32 $0x7020  }
0x1cd: {  	[hbm4b:s17+s5] =	stream.strided.scatter [tilespmem:s13], [sflag:$0x4], $0x1000, s6, s5, $0x38;
	[tilespmem:$0x18020] =	vst v63  }
0x1ce: {  	_ =	swait.ge [sflag:s26], $0x8000  }
0x1cf: {  	[sflag:s26] =	ssyncset.done $0x0  }
0x1d0: {  	s18 =	sadd.s32 s18, s21;
	[sflag:s26] =	ssyncadd.s32 $0xFFFF8000  }
0x1d1: {  	[tilespmem:s31], [sflag:$0x3] =	stream.linear.gather [hbm4b:s18+s9], $0x8000, $0x38;
	[tilespmem:$0x18020] =	vst v63  }
0x1d2: {  	_ =	swait.ge [sflag:s28], $0x8000  }
0x1d3: {  	[sflag:s28] =	ssyncset.done $0x0;
	s8 =	rddreg [dreg:$0x16]  }
0x1d4: {  	[sflag:s28] =	ssyncadd.s32 $0xFFFF8000;
	s19 =	sadd.s32 $0x20000, s8  }
0x1d5: {  	[hbm4b:s8+s5] =	stream.strided.scatter [tilespmem:s22], [sflag:$0x5], $0x1000, s6, s5, $0x38;
	[tilespmem:$0x18020] =	vst v63  }
0x1d6: {  	s4 =	sadd.s32 $0x40000, s8;
	[smem:$0x77F] =	sst s19  }
0x1d7: {  	s24 =	simm.s32 $0x9020;
	s12 =	sadd.s32 $0x60000, s8;
	[smem:$0x780] =	sst s4  }
0x1d8: {  	[hbm4b:s19+s5] =	stream.strided.scatter [tilespmem:s24], [sflag:$0x5], $0x1000, s6, s5, $0x38;
	[tilespmem:$0x18020] =	vst v63  }
0x1d9: {  	s11 =	simm.s32 $0xA020;
	s17 =	sadd.s32 $0x80000, s8;
	[smem:$0x781] =	sst s12  }
0x1da: {  	[hbm4b:s4+s5] =	stream.strided.scatter [tilespmem:s11], [sflag:$0x5], $0x1000, s6, s5, $0x38;
	[tilespmem:$0x18020] =	vst v63  }
0x1db: {  	s14 =	simm.s32 $0xB020;
	[smem:$0x782] =	sst s17;
	s19 =	sadd.s32 $0xA0000, s8  }
0x1dc: {  	[hbm4b:s12+s5] =	stream.strided.scatter [tilespmem:s14], [sflag:$0x5], $0x1000, s6, s5, $0x38;
	[tilespmem:$0x18020] =	vst v63  }
0x1dd: {  	s18 =	simm.s32 $0xC020;
	[smem:$0x783] =	sst s19;
	s11 =	sadd.s32 $0xC0000, s8  }
0x1de: {  	[hbm4b:s17+s5] =	stream.strided.scatter [tilespmem:s18], [sflag:$0x5], $0x1000, s6, s5, $0x38;
	[tilespmem:$0x18020] =	vst v63  }
0x1df: {  	s24 =	simm.s32 $0xD020;
	[smem:$0x784] =	sst s11  }
0x1e0: {  	[hbm4b:s19+s5] =	stream.strided.scatter [tilespmem:s24], [sflag:$0x5], $0x1000, s6, s5, $0x38;
	[tilespmem:$0x18020] =	vst v63  }
0x1e1: {  	s12 =	simm.s32 $0xE020;
	s14 =	sadd.s32 $0xE0000, s8;
	s17 =	sld [smem:$0x786]  }
0x1e2: {  	[hbm4b:s11+s5] =	stream.strided.scatter [tilespmem:s12], [sflag:$0x5], $0x1000, s6, s5, $0x38;
	[tilespmem:$0x18020] =	vst v63  }
0x1e3: {  	[smem:$0x785] =	sst s14;
	s11 =	simm.s32 $0xF020  }
0x1e4: {  	[hbm4b:s14+s5] =	stream.strided.scatter [tilespmem:s11], [sflag:$0x5], $0x1000, s6, s5, $0x38;
	[tilespmem:$0x18020] =	vst v63  }
0x1e5: {  	s18 =	sshll.u32 s17, $0xD;
	_ =	swait.ge [sflag:s16], $0x8000  }
0x1e6: {  	s17 =	sand.u32 $0x1FFFE000, s18;
	[sflag:s16] =	ssyncset.done $0x0  }
0x1e7: {  	s19 =	sadd.s32 s23, s17;
	[sflag:s16] =	ssyncadd.s32 $0xFFFF8000  }
0x1e8: {  	[tilespmem:s1], [sflag:$0x1] =	stream.linear.gather [hbm4b:s19+s9], $0x8000, $0x38;
	[tilespmem:$0x18020] =	vst v63  }
0x1e9: {  	_ =	swait.ge [sflag:s3], $0x8000  }
0x1ea: {  	[sflag:s3] =	ssyncset.done $0x0;
	s0 =	rddreg [dreg:$0x15]  }
0x1eb: {  	[sflag:s3] =	ssyncadd.s32 $0xFFFF8000;
	s24 =	sadd.s32 $0x20000, s0  }
0x1ec: {  	[hbm4b:s0+s5] =	stream.strided.scatter [tilespmem:s31], [sflag:$0x6], $0x1000, s6, s5, $0x38;
	[tilespmem:$0x18020] =	vst v63  }
0x1ed: {  	s10 =	simm.s32 $0x11020;
	s12 =	sadd.s32 $0x40000, s0;
	[smem:$0x787] =	sst s24  }
0x1ee: {  	[hbm4b:s24+s5] =	stream.strided.scatter [tilespmem:s10], [sflag:$0x6], $0x1000, s6, s5, $0x38;
	[tilespmem:$0x18020] =	vst v63  }
0x1ef: {  	s25 =	simm.s32 $0x12020;
	s14 =	sadd.s32 $0x60000, s0;
	[smem:$0x788] =	sst s12  }
0x1f0: {  	[hbm4b:s12+s5] =	stream.strided.scatter [tilespmem:s25], [sflag:$0x6], $0x1000, s6, s5, $0x38;
	[tilespmem:$0x18020] =	vst v63  }
0x1f1: {  	s19 =	simm.s32 $0x13020;
	[smem:$0x789] =	sst s14;
	s25 =	sadd.s32 $0x80000, s0  }
0x1f2: {  	[hbm4b:s14+s5] =	stream.strided.scatter [tilespmem:s19], [sflag:$0x6], $0x1000, s6, s5, $0x38;
	[tilespmem:$0x18020] =	vst v63  }
0x1f3: {  	s10 =	simm.s32 $0x14020;
	s12 =	sadd.s32 $0xA0000, s0;
	[smem:$0x78A] =	sst s25  }
0x1f4: {  	[hbm4b:s25+s5] =	stream.strided.scatter [tilespmem:s10], [sflag:$0x6], $0x1000, s6, s5, $0x38;
	[tilespmem:$0x18020] =	vst v63  }
0x1f5: {  	[smem:$0x78B] =	sst s12;
	s14 =	simm.s32 $0x15020;
	s25 =	sadd.s32 $0xC0000, s0  }
0x1f6: {  	[hbm4b:s12+s5] =	stream.strided.scatter [tilespmem:s14], [sflag:$0x6], $0x1000, s6, s5, $0x38;
	[tilespmem:$0x18020] =	vst v63  }
0x1f7: {  	s0 =	sadd.s32 $0xE0000, s0;
	[smem:$0x78C] =	sst s25;
	s12 =	simm.s32 $0x16020  }
0x1f8: {  	[hbm4b:s25+s5] =	stream.strided.scatter [tilespmem:s12], [sflag:$0x6], $0x1000, s6, s5, $0x38;
	[tilespmem:$0x18020] =	vst v63  }
0x1f9: {  	s15 =	simm.s32 $0x17020;
	[smem:$0x78D] =	sst s0  }
0x1fa: {  	[hbm4b:s0+s5] =	stream.strided.scatter [tilespmem:s15], [sflag:$0x6], $0x1000, s6, s5, $0x38;
	[tilespmem:$0x18020] =	vst v63  }
0x1fb: {  	_ =	swait.ge [sflag:s2], $0x8000  }
0x1fc: {  	[sflag:s2] =	ssyncset.done $0x0  }
0x1fd: {  	s17 =	sadd.s32 s17, s21;
	[sflag:s2] =	ssyncadd.s32 $0xFFFF8000  }
0x1fe: {  	[tilespmem:s22], [sflag:$0x2] =	stream.linear.gather [hbm4b:s17+s9], $0x8000, $0x38;
	[tilespmem:$0x18020] =	vst v63  }
0x1ff: {  	_ =	swait.ge [sflag:s30], $0x8000  }
0x200: {  	[sflag:s30] =	ssyncset.done $0x0;
	s4 =	rddreg [dreg:$0x14]  }
0x201: {  	[sflag:s30] =	ssyncadd.s32 $0xFFFF8000;
	s17 =	sadd.s32 $0x20000, s4  }
0x202: {  	[hbm4b:s4+s5] =	stream.strided.scatter [tilespmem:s1], [sflag:$0x4], $0x1000, s6, s5, $0x38;
	[tilespmem:$0x18020] =	vst v63  }
0x203: {  	s15 =	sadd.s32 $0x60000, s4;
	[smem:$0x78E] =	sst s17  }
0x204: {  	s20 =	simm.s32 $0x1020;
	s1 =	sadd.s32 $0x40000, s4;
	[smem:$0x790] =	sst s15  }
0x205: {  	[hbm4b:s17+s5] =	stream.strided.scatter [tilespmem:s20], [sflag:$0x4], $0x1000, s6, s5, $0x38;
	[tilespmem:$0x18020] =	vst v63  }
0x206: {  	s29 =	simm.s32 $0x2020;
	[smem:$0x78F] =	sst s1;
	s17 =	sadd.s32 $0x80000, s4  }
0x207: {  	[hbm4b:s1+s5] =	stream.strided.scatter [tilespmem:s29], [sflag:$0x4], $0x1000, s6, s5, $0x38;
	[tilespmem:$0x18020] =	vst v63  }
0x208: {  	s8 =	simm.s32 $0x3020;
	[smem:$0x791] =	sst s17;
	s1 =	sadd.s32 $0xA0000, s4  }
0x209: {  	[hbm4b:s15+s5] =	stream.strided.scatter [tilespmem:s8], [sflag:$0x4], $0x1000, s6, s5, $0x38;
	[tilespmem:$0x18020] =	vst v63  }
0x20a: {  	[smem:$0x792] =	sst s1;
	s8 =	sadd.s32 $0xC0000, s4  }
0x20b: {  	[hbm4b:s17+s5] =	stream.strided.scatter [tilespmem:s7], [sflag:$0x4], $0x1000, s6, s5, $0x38;
	[tilespmem:$0x18020] =	vst v63  }
0x20c: {  	[smem:$0x793] =	sst s8;
	s7 =	simm.s32 $0x5020  }
0x20d: {  	[hbm4b:s1+s5] =	stream.strided.scatter [tilespmem:s7], [sflag:$0x4], $0x1000, s6, s5, $0x38;
	[tilespmem:$0x18020] =	vst v63  }
0x20e: {  	s15 =	simm.s32 $0x6020;
	s17 =	sadd.s32 $0xE0000, s4;
	s1 =	sld [smem:$0x795]  }
0x20f: {  	[hbm4b:s8+s5] =	stream.strided.scatter [tilespmem:s15], [sflag:$0x4], $0x1000, s6, s5, $0x38;
	[tilespmem:$0x18020] =	vst v63  }
0x210: {  	[smem:$0x794] =	sst s17  }
0x211: {  	[hbm4b:s17+s5] =	stream.strided.scatter [tilespmem:s13], [sflag:$0x4], $0x1000, s6, s5, $0x38;
	[tilespmem:$0x18020] =	vst v63  }
0x212: {  	s4 =	sshll.u32 s1, $0xD;
	_ =	swait.ge [sflag:s26], $0x8000  }
0x213: {  	s15 =	sand.u32 $0x1FFFE000, s4;
	[sflag:s26] =	ssyncset.done $0x0  }
0x214: {  	s7 =	sadd.s32 s23, s15;
	[sflag:s26] =	ssyncadd.s32 $0xFFFF8000  }
0x215: {  	[tilespmem:s31], [sflag:$0x3] =	stream.linear.gather [hbm4b:s7+s9], $0x8000, $0x38;
	[tilespmem:$0x18020] =	vst v63  }
0x216: {  	_ =	swait.ge [sflag:s28], $0x8000  }
0x217: {  	[sflag:s28] =	ssyncset.done $0x0;
	s0 =	rddreg [dreg:$0x13]  }
0x218: {  	[sflag:s28] =	ssyncadd.s32 $0xFFFF8000;
	s8 =	sadd.s32 $0x20000, s0  }
0x219: {  	[hbm4b:s0+s5] =	stream.strided.scatter [tilespmem:s22], [sflag:$0x5], $0x1000, s6, s5, $0x38;
	[tilespmem:$0x18020] =	vst v63  }
0x21a: {  	s13 =	simm.s32 $0x9020;
	s7 =	sadd.s32 $0x40000, s0;
	[smem:$0x796] =	sst s8  }
0x21b: {  	[hbm4b:s8+s5] =	stream.strided.scatter [tilespmem:s13], [sflag:$0x5], $0x1000, s6, s5, $0x38;
	[tilespmem:$0x18020] =	vst v63  }
0x21c: {  	s1 =	sadd.s32 $0x60000, s0;
	[smem:$0x797] =	sst s7;
	s13 =	simm.s32 $0xA020  }
0x21d: {  	[hbm4b:s7+s5] =	stream.strided.scatter [tilespmem:s13], [sflag:$0x5], $0x1000, s6, s5, $0x38;
	[tilespmem:$0x18020] =	vst v63  }
0x21e: {  	[smem:$0x798] =	sst s1;
	s7 =	simm.s32 $0xB020;
	s13 =	sadd.s32 $0x80000, s0  }
0x21f: {  	[hbm4b:s1+s5] =	stream.strided.scatter [tilespmem:s7], [sflag:$0x5], $0x1000, s6, s5, $0x38;
	[tilespmem:$0x18020] =	vst v63  }
0x220: {  	s4 =	simm.s32 $0xC020;
	[smem:$0x799] =	sst s13;
	s1 =	sadd.s32 $0xC0000, s0  }
0x221: {  	[hbm4b:s13+s5] =	stream.strided.scatter [tilespmem:s4], [sflag:$0x5], $0x1000, s6, s5, $0x38;
	[tilespmem:$0x18020] =	vst v63  }
0x222: {  	s7 =	simm.s32 $0xD020;
	[smem:$0x79B] =	sst s1;
	s4 =	sadd.s32 $0xA0000, s0  }
0x223: {  	[hbm4b:s4+s5] =	stream.strided.scatter [tilespmem:s7], [sflag:$0x5], $0x1000, s6, s5, $0x38;
	[tilespmem:$0x18020] =	vst v63  }
0x224: {  	s0 =	sadd.s32 $0xE0000, s0;
	[smem:$0x79A] =	sst s4;
	s4 =	simm.s32 $0xE020  }
0x225: {  	[hbm4b:s1+s5] =	stream.strided.scatter [tilespmem:s4], [sflag:$0x5], $0x1000, s6, s5, $0x38;
	[tilespmem:$0x18020] =	vst v63  }
0x226: {  	[smem:$0x79C] =	sst s0  }
0x227: {  	[hbm4b:s0+s5] =	stream.strided.scatter [tilespmem:s11], [sflag:$0x5], $0x1000, s6, s5, $0x38;
	[tilespmem:$0x18020] =	vst v63  }
0x228: {  	_ =	swait.ge [sflag:s16], $0x8000  }
0x229: {  	[sflag:s16] =	ssyncset.done $0x0  }
0x22a: {  	s17 =	simm.s32 $0x20;
	s15 =	sadd.s32 s15, s21;
	[sflag:s16] =	ssyncadd.s32 $0xFFFF8000  }
0x22b: {  	[tilespmem:s17], [sflag:$0x1] =	stream.linear.gather [hbm4b:s15+s9], $0x8000, $0x38;
	[tilespmem:$0x18020] =	vst v63  }
0x22c: {  	_ =	swait.ge [sflag:s3], $0x8000  }
0x22d: {  	[sflag:s3] =	ssyncset.done $0x0  }
0x22e: {  	s7 =	rddreg [dreg:$0x12];
	[sflag:s3] =	ssyncadd.s32 $0xFFFF8000  }
0x22f: {  	[hbm4b:s7+s5] =	stream.strided.scatter [tilespmem:s31], [sflag:$0x6], $0x1000, s6, s5, $0x38;
	[tilespmem:$0x18020] =	vst v63  }
0x230: {  	s18 =	simm.s32 $0x11020;
	s8 =	sadd.s32 $0x20000, s7  }
0x231: {  	[hbm4b:s8+s5] =	stream.strided.scatter [tilespmem:s18], [sflag:$0x6], $0x1000, s6, s5, $0x38;
	[tilespmem:$0x18020] =	vst v63  }
0x232: {  	s24 =	simm.s32 $0x12020;
	s11 =	sadd.s32 $0x40000, s7  }
0x233: {  	[hbm4b:s11+s5] =	stream.strided.scatter [tilespmem:s24], [sflag:$0x6], $0x1000, s6, s5, $0x38;
	[tilespmem:$0x18020] =	vst v63  }
0x234: {  	s15 =	sadd.s32 $0x60000, s7;
	[smem:$0x79D] =	sst s8  }
0x235: {  	[hbm4b:s15+s5] =	stream.strided.scatter [tilespmem:s19], [sflag:$0x6], $0x1000, s6, s5, $0x38;
	[tilespmem:$0x18020] =	vst v63  }
0x236: {  	[smem:$0x79E] =	sst s11;
	s18 =	sadd.s32 $0x80000, s7  }
0x237: {  	[hbm4b:s18+s5] =	stream.strided.scatter [tilespmem:s10], [sflag:$0x6], $0x1000, s6, s5, $0x38;
	[tilespmem:$0x18020] =	vst v63  }
0x238: {  	s0 =	sadd.s32 $0xE0000, s7;
	[smem:$0x79F] =	sst s15;
	s19 =	sadd.s32 $0xA0000, s7  }
0x239: {  	[hbm4b:s19+s5] =	stream.strided.scatter [tilespmem:s14], [sflag:$0x6], $0x1000, s6, s5, $0x38;
	[tilespmem:$0x18020] =	vst v63  }
0x23a: {  	[smem:$0x7A3] =	sst s0;
	s24 =	sadd.s32 $0xC0000, s7  }
0x23b: {  	[hbm4b:s24+s5] =	stream.strided.scatter [tilespmem:s12], [sflag:$0x6], $0x1000, s6, s5, $0x38;
	[tilespmem:$0x18020] =	vst v63  }
0x23c: {  	s25 =	simm.s32 $0x17020;
	[smem:$0x7A0] =	sst s18  }
0x23d: {  	[hbm4b:s0+s5] =	stream.strided.scatter [tilespmem:s25], [sflag:$0x6], $0x1000, s6, s5, $0x38;
	[tilespmem:$0x18020] =	vst v63  }
0x23e: {  	s25 =	sld [smem:$0x7A4]  }
0x23f: {  	[smem:$0x7A2] =	sst s24  }
0x240: {  	[smem:$0x7A1] =	sst s19  }
0x241: {  	_ =	swait.ge [sflag:s2], $0x8000;
	s1 =	sshll.u32 s25, $0xD  }
0x242: {  	[sflag:s2] =	ssyncset.done $0x0;
	s14 =	sand.u32 $0x1FFFE000, s1  }
0x243: {  	[sflag:s2] =	ssyncadd.s32 $0xFFFF8000;
	s7 =	sadd.s32 s23, s14  }
0x244: {  	[tilespmem:s22], [sflag:$0x2] =	stream.linear.gather [hbm4b:s7+s9], $0x8000, $0x38;
	[tilespmem:$0x18020] =	vst v63  }
0x245: {  	_ =	swait.ge [sflag:s30], $0x8000  }
0x246: {  	[sflag:s30] =	ssyncset.done $0x0  }
0x247: {  	s1 =	rddreg [dreg:$0x11];
	[sflag:s30] =	ssyncadd.s32 $0xFFFF8000  }
0x248: {  	[hbm4b:s1+s5] =	stream.strided.scatter [tilespmem:s17], [sflag:$0x4], $0x1000, s6, s5, $0x38;
	[tilespmem:$0x18020] =	vst v63  }
0x249: {  	s12 =	simm.s32 $0x1020;
	s8 =	sadd.s32 $0x20000, s1  }
0x24a: {  	[hbm4b:s8+s5] =	stream.strided.scatter [tilespmem:s12], [sflag:$0x4], $0x1000, s6, s5, $0x38;
	[tilespmem:$0x18020] =	vst v63  }
0x24b: {  	s15 =	simm.s32 $0x2020;
	s10 =	sadd.s32 $0x40000, s1;
	[smem:$0x7A5] =	sst s8  }
0x24c: {  	[hbm4b:s10+s5] =	stream.strided.scatter [tilespmem:s15], [sflag:$0x4], $0x1000, s6, s5, $0x38;
	[tilespmem:$0x18020] =	vst v63  }
0x24d: {  	s20 =	simm.s32 $0x3020;
	s11 =	sadd.s32 $0x60000, s1;
	[smem:$0x7A6] =	sst s10  }
0x24e: {  	[hbm4b:s11+s5] =	stream.strided.scatter [tilespmem:s20], [sflag:$0x4], $0x1000, s6, s5, $0x38;
	[tilespmem:$0x18020] =	vst v63  }
0x24f: {  	s25 =	simm.s32 $0x4020;
	s18 =	sadd.s32 $0x80000, s1;
	[smem:$0x7A7] =	sst s11  }
0x250: {  	[hbm4b:s18+s5] =	stream.strided.scatter [tilespmem:s25], [sflag:$0x4], $0x1000, s6, s5, $0x38;
	[tilespmem:$0x18020] =	vst v63  }
0x251: {  	s7 =	simm.s32 $0x5020;
	[smem:$0x7A8] =	sst s18;
	s20 =	sadd.s32 $0xA0000, s1  }
0x252: {  	[hbm4b:s20+s5] =	stream.strided.scatter [tilespmem:s7], [sflag:$0x4], $0x1000, s6, s5, $0x38;
	[tilespmem:$0x18020] =	vst v63  }
0x253: {  	[smem:$0x7A9] =	sst s20;
	s7 =	sadd.s32 $0xC0000, s1  }
0x254: {  	s10 =	simm.s32 $0x6020;
	s1 =	sadd.s32 $0xE0000, s1;
	[smem:$0x7AA] =	sst s7  }
0x255: {  	[hbm4b:s7+s5] =	stream.strided.scatter [tilespmem:s10], [sflag:$0x4], $0x1000, s6, s5, $0x38;
	[tilespmem:$0x18020] =	vst v63  }
0x256: {  	s20 =	simm.s32 $0x7020;
	[smem:$0x7AB] =	sst s1  }
0x257: {  	[hbm4b:s1+s5] =	stream.strided.scatter [tilespmem:s20], [sflag:$0x4], $0x1000, s6, s5, $0x38;
	[tilespmem:$0x18020] =	vst v63  }
0x258: {  	_ =	swait.ge [sflag:s26], $0x8000  }
0x259: {  	[sflag:s26] =	ssyncset.done $0x0  }
0x25a: {  	s14 =	sadd.s32 s14, s21;
	[sflag:s26] =	ssyncadd.s32 $0xFFFF8000  }
0x25b: {  	[tilespmem:s31], [sflag:$0x3] =	stream.linear.gather [hbm4b:s14+s9], $0x8000, $0x38;
	[tilespmem:$0x18020] =	vst v63  }
0x25c: {  	_ =	swait.ge [sflag:s28], $0x8000  }
0x25d: {  	[sflag:s28] =	ssyncset.done $0x0;
	s8 =	rddreg [dreg:$0x10]  }
0x25e: {  	[sflag:s28] =	ssyncadd.s32 $0xFFFF8000;
	s7 =	sadd.s32 $0x40000, s8  }
0x25f: {  	[hbm4b:s8+s5] =	stream.strided.scatter [tilespmem:s22], [sflag:$0x5], $0x1000, s6, s5, $0x38;
	[tilespmem:$0x18020] =	vst v63  }
0x260: {  	s11 =	simm.s32 $0x9020;
	s14 =	sadd.s32 $0x60000, s8;
	[smem:$0x7AD] =	sst s7  }
0x261: {  	s0 =	sadd.s32 $0x80000, s8;
	s22 =	sadd.s32 $0x20000, s8;
	[smem:$0x7AE] =	sst s14  }
0x262: {  	[hbm4b:s22+s5] =	stream.strided.scatter [tilespmem:s11], [sflag:$0x5], $0x1000, s6, s5, $0x38;
	[tilespmem:$0x18020] =	vst v63  }
0x263: {  	s10 =	simm.s32 $0xA020;
	[smem:$0x7AF] =	sst s0  }
0x264: {  	[hbm4b:s7+s5] =	stream.strided.scatter [tilespmem:s10], [sflag:$0x5], $0x1000, s6, s5, $0x38;
	[tilespmem:$0x18020] =	vst v63  }
0x265: {  	[smem:$0x7AC] =	sst s22;
	s22 =	simm.s32 $0xB020;
	s7 =	sadd.s32 $0xA0000, s8  }
0x266: {  	[hbm4b:s14+s5] =	stream.strided.scatter [tilespmem:s22], [sflag:$0x5], $0x1000, s6, s5, $0x38;
	[tilespmem:$0x18020] =	vst v63  }
0x267: {  	s13 =	simm.s32 $0xC020;
	[smem:$0x7B0] =	sst s7;
	s22 =	sadd.s32 $0xE0000, s8  }
0x268: {  	[hbm4b:s0+s5] =	stream.strided.scatter [tilespmem:s13], [sflag:$0x5], $0x1000, s6, s5, $0x38;
	[tilespmem:$0x18020] =	vst v63  }
0x269: {  	s10 =	simm.s32 $0xD020;
	[smem:$0x7B2] =	sst s22  }
0x26a: {  	[hbm4b:s7+s5] =	stream.strided.scatter [tilespmem:s10], [sflag:$0x5], $0x1000, s6, s5, $0x38;
	[tilespmem:$0x18020] =	vst v63  }
0x26b: {  	s14 =	simm.s32 $0xE020;
	s13 =	sadd.s32 $0xC0000, s8;
	s0 =	sld [smem:$0x7B3]  }
0x26c: {  	[hbm4b:s13+s5] =	stream.strided.scatter [tilespmem:s14], [sflag:$0x5], $0x1000, s6, s5, $0x38;
	[tilespmem:$0x18020] =	vst v63  }
0x26d: {  	s4 =	simm.s32 $0xF020;
	[smem:$0x7B1] =	sst s13  }
0x26e: {  	[hbm4b:s22+s5] =	stream.strided.scatter [tilespmem:s4], [sflag:$0x5], $0x1000, s6, s5, $0x38;
	[tilespmem:$0x18020] =	vst v63  }
0x26f: {  	s1 =	sshll.u32 s0, $0xD;
	_ =	swait.ge [sflag:s16], $0x8000  }
0x270: {  	s13 =	sand.u32 $0x1FFFE000, s1;
	[sflag:s16] =	ssyncset.done $0x0  }
0x271: {  	s4 =	sadd.s32 s23, s13;
	[sflag:s16] =	ssyncadd.s32 $0xFFFF8000  }
0x272: {  	[tilespmem:s17], [sflag:$0x1] =	stream.linear.gather [hbm4b:s4+s9], $0x8000, $0x38;
	[tilespmem:$0x18020] =	vst v63  }
0x273: {  	_ =	swait.ge [sflag:s3], $0x8000  }
0x274: {  	[sflag:s3] =	ssyncset.done $0x0  }
0x275: {  	s1 =	rddreg [dreg:$0xf];
	[sflag:s3] =	ssyncadd.s32 $0xFFFF8000  }
0x276: {  	[hbm4b:s1+s5] =	stream.strided.scatter [tilespmem:s31], [sflag:$0x6], $0x1000, s6, s5, $0x38;
	[tilespmem:$0x18020] =	vst v63  }
0x277: {  	s0 =	simm.s32 $0x11020;
	s7 =	sadd.s32 $0x20000, s1  }
0x278: {  	[hbm4b:s7+s5] =	stream.strided.scatter [tilespmem:s0], [sflag:$0x6], $0x1000, s6, s5, $0x38;
	[tilespmem:$0x18020] =	vst v63  }
0x279: {  	s4 =	simm.s32 $0x12020;
	s10 =	sadd.s32 $0x40000, s1;
	[smem:$0x7B4] =	sst s7  }
0x27a: {  	[hbm4b:s10+s5] =	stream.strided.scatter [tilespmem:s4], [sflag:$0x6], $0x1000, s6, s5, $0x38;
	[tilespmem:$0x18020] =	vst v63  }
0x27b: {  	s11 =	sadd.s32 $0x60000, s1;
	[smem:$0x7B5] =	sst s10;
	s10 =	simm.s32 $0x13020  }
0x27c: {  	[hbm4b:s11+s5] =	stream.strided.scatter [tilespmem:s10], [sflag:$0x6], $0x1000, s6, s5, $0x38;
	[tilespmem:$0x18020] =	vst v63  }
0x27d: {  	s22 =	sadd.s32 $0x80000, s1;
	[smem:$0x7B6] =	sst s11;
	s7 =	simm.s32 $0x14020  }
0x27e: {  	[hbm4b:s22+s5] =	stream.strided.scatter [tilespmem:s7], [sflag:$0x6], $0x1000, s6, s5, $0x38;
	[tilespmem:$0x18020] =	vst v63  }
0x27f: {  	s19 =	simm.s32 $0x15020;
	[smem:$0x7B7] =	sst s22;
	s11 =	sadd.s32 $0xA0000, s1  }
0x280: {  	[hbm4b:s11+s5] =	stream.strided.scatter [tilespmem:s19], [sflag:$0x6], $0x1000, s6, s5, $0x38;
	[tilespmem:$0x18020] =	vst v63  }
0x281: {  	[smem:$0x7B8] =	sst s11;
	s19 =	sadd.s32 $0xC0000, s1  }
0x282: {  	s24 =	simm.s32 $0x16020;
	s1 =	sadd.s32 $0xE0000, s1;
	[smem:$0x7B9] =	sst s19  }
0x283: {  	[hbm4b:s19+s5] =	stream.strided.scatter [tilespmem:s24], [sflag:$0x6], $0x1000, s6, s5, $0x38;
	[tilespmem:$0x18020] =	vst v63  }
0x284: {  	[smem:$0x7BA] =	sst s1;
	s24 =	simm.s32 $0x17020  }
0x285: {  	[hbm4b:s1+s5] =	stream.strided.scatter [tilespmem:s24], [sflag:$0x6], $0x1000, s6, s5, $0x38;
	[tilespmem:$0x18020] =	vst v63  }
0x286: {  	_ =	swait.ge [sflag:s2], $0x8000  }
0x287: {  	[sflag:s2] =	ssyncset.done $0x0  }
0x288: {  	s14 =	simm.s32 $0x8020;
	s13 =	sadd.s32 s13, s21;
	[sflag:s2] =	ssyncadd.s32 $0xFFFF8000  }
0x289: {  	[tilespmem:s14], [sflag:$0x2] =	stream.linear.gather [hbm4b:s13+s9], $0x8000, $0x38;
	[tilespmem:$0x18020] =	vst v63  }
0x28a: {  	_ =	swait.ge [sflag:s30], $0x8000  }
0x28b: {  	[sflag:s30] =	ssyncset.done $0x0;
	s1 =	rddreg [dreg:$0xe]  }
0x28c: {  	[sflag:s30] =	ssyncadd.s32 $0xFFFF8000;
	s11 =	sadd.s32 $0x20000, s1  }
0x28d: {  	[hbm4b:s1+s5] =	stream.strided.scatter [tilespmem:s17], [sflag:$0x4], $0x1000, s6, s5, $0x38;
	[tilespmem:$0x18020] =	vst v63  }
0x28e: {  	s13 =	sadd.s32 $0x40000, s1;
	[smem:$0x7BB] =	sst s11  }
0x28f: {  	[hbm4b:s11+s5] =	stream.strided.scatter [tilespmem:s12], [sflag:$0x4], $0x1000, s6, s5, $0x38;
	[tilespmem:$0x18020] =	vst v63  }
0x290: {  	[smem:$0x7BC] =	sst s13;
	s11 =	sadd.s32 $0x80000, s1  }
0x291: {  	s12 =	sadd.s32 $0xA0000, s1;
	[smem:$0x7BE] =	sst s11  }
0x292: {  	[hbm4b:s13+s5] =	stream.strided.scatter [tilespmem:s15], [sflag:$0x4], $0x1000, s6, s5, $0x38;
	[tilespmem:$0x18020] =	vst v63  }
0x293: {  	s24 =	simm.s32 $0x3020;
	[smem:$0x7BF] =	sst s12;
	s15 =	sadd.s32 $0x60000, s1  }
0x294: {  	[hbm4b:s15+s5] =	stream.strided.scatter [tilespmem:s24], [sflag:$0x4], $0x1000, s6, s5, $0x38;
	[tilespmem:$0x18020] =	vst v63  }
0x295: {  	s13 =	sadd.s32 $0xC0000, s1;
	[smem:$0x7BD] =	sst s15  }
0x296: {  	[hbm4b:s11+s5] =	stream.strided.scatter [tilespmem:s25], [sflag:$0x4], $0x1000, s6, s5, $0x38;
	[tilespmem:$0x18020] =	vst v63  }
0x297: {  	[smem:$0x7C0] =	sst s13;
	s15 =	simm.s32 $0x5020  }
0x298: {  	[hbm4b:s12+s5] =	stream.strided.scatter [tilespmem:s15], [sflag:$0x4], $0x1000, s6, s5, $0x38;
	[tilespmem:$0x18020] =	vst v63  }
0x299: {  	s18 =	simm.s32 $0x6020;
	s1 =	sadd.s32 $0xE0000, s1;
	s25 =	sld [smem:$0x7C2]  }
0x29a: {  	[hbm4b:s13+s5] =	stream.strided.scatter [tilespmem:s18], [sflag:$0x4], $0x1000, s6, s5, $0x38;
	[tilespmem:$0x18020] =	vst v63  }
0x29b: {  	[smem:$0x7C1] =	sst s1  }
0x29c: {  	[hbm4b:s1+s5] =	stream.strided.scatter [tilespmem:s20], [sflag:$0x4], $0x1000, s6, s5, $0x38;
	[tilespmem:$0x18020] =	vst v63  }
0x29d: {  	s8 =	sshll.u32 s25, $0xD;
	_ =	swait.ge [sflag:s26], $0x8000  }
0x29e: {  	s12 =	sand.u32 $0x1FFFE000, s8;
	[sflag:s26] =	ssyncset.done $0x0  }
0x29f: {  	s11 =	sadd.s32 s23, s12;
	[sflag:s26] =	ssyncadd.s32 $0xFFFF8000  }
0x2a0: {  	[tilespmem:s31], [sflag:$0x3] =	stream.linear.gather [hbm4b:s11+s9], $0x8000, $0x38;
	[tilespmem:$0x18020] =	vst v63  }
0x2a1: {  	_ =	swait.ge [sflag:s28], $0x8000  }
0x2a2: {  	[sflag:s28] =	ssyncset.done $0x0;
	s8 =	rddreg [dreg:$0xd]  }
0x2a3: {  	s25 =	simm.s32 $0x9020;
	[sflag:s28] =	ssyncadd.s32 $0xFFFF8000;
	s20 =	sadd.s32 $0x20000, s8  }
0x2a4: {  	[hbm4b:s8+s5] =	stream.strided.scatter [tilespmem:s14], [sflag:$0x5], $0x1000, s6, s5, $0x38;
	[tilespmem:$0x18020] =	vst v63  }
0x2a5: {  	s1 =	sadd.s32 $0xA0000, s8;
	s11 =	sadd.s32 $0xE0000, s8;
	[smem:$0x7C3] =	sst s20  }
0x2a6: {  	[hbm4b:s20+s5] =	stream.strided.scatter [tilespmem:s25], [sflag:$0x5], $0x1000, s6, s5, $0x38;
	[tilespmem:$0x18020] =	vst v63  }
0x2a7: {  	[smem:$0x7C7] =	sst s1;
	s20 =	sadd.s32 $0x40000, s8;
	s25 =	simm.s32 $0xA020  }
0x2a8: {  	[hbm4b:s20+s5] =	stream.strided.scatter [tilespmem:s25], [sflag:$0x5], $0x1000, s6, s5, $0x38;
	[tilespmem:$0x18020] =	vst v63  }
0x2a9: {  	[smem:$0x7C4] =	sst s20;
	s20 =	sadd.s32 $0x60000, s8;
	s25 =	simm.s32 $0xB020  }
0x2aa: {  	[hbm4b:s20+s5] =	stream.strided.scatter [tilespmem:s25], [sflag:$0x5], $0x1000, s6, s5, $0x38;
	[tilespmem:$0x18020] =	vst v63  }
0x2ab: {  	[smem:$0x7C5] =	sst s20;
	s20 =	sadd.s32 $0x80000, s8;
	s25 =	simm.s32 $0xC020  }
0x2ac: {  	[hbm4b:s20+s5] =	stream.strided.scatter [tilespmem:s25], [sflag:$0x5], $0x1000, s6, s5, $0x38;
	[tilespmem:$0x18020] =	vst v63  }
0x2ad: {  	[smem:$0x7C9] =	sst s11;
	s25 =	simm.s32 $0xD020  }
0x2ae: {  	[hbm4b:s1+s5] =	stream.strided.scatter [tilespmem:s25], [sflag:$0x5], $0x1000, s6, s5, $0x38;
	[tilespmem:$0x18020] =	vst v63  }
0x2af: {  	[smem:$0x7C6] =	sst s20;
	s1 =	sadd.s32 $0xC0000, s8;
	s25 =	simm.s32 $0xE020  }
0x2b0: {  	[hbm4b:s1+s5] =	stream.strided.scatter [tilespmem:s25], [sflag:$0x5], $0x1000, s6, s5, $0x38;
	[tilespmem:$0x18020] =	vst v63  }
0x2b1: {  	s8 =	simm.s32 $0xF020;
	[smem:$0x7C8] =	sst s1  }
0x2b2: {  	[hbm4b:s11+s5] =	stream.strided.scatter [tilespmem:s8], [sflag:$0x5], $0x1000, s6, s5, $0x38;
	[tilespmem:$0x18020] =	vst v63  }
0x2b3: {  	_ =	swait.ge [sflag:s16], $0x8000  }
0x2b4: {  	[sflag:s16] =	ssyncset.done $0x0  }
0x2b5: {  	s12 =	sadd.s32 s12, s21;
	[sflag:s16] =	ssyncadd.s32 $0xFFFF8000  }
0x2b6: {  	[tilespmem:s17], [sflag:$0x1] =	stream.linear.gather [hbm4b:s12+s9], $0x8000, $0x38;
	[tilespmem:$0x18020] =	vst v63  }
0x2b7: {  	_ =	swait.ge [sflag:s3], $0x8000  }
0x2b8: {  	[sflag:s3] =	ssyncset.done $0x0  }
0x2b9: {  	s13 =	simm.s32 $0x10020;
	s1 =	rddreg [dreg:$0xc];
	[sflag:s3] =	ssyncadd.s32 $0xFFFF8000  }
0x2ba: {  	[hbm4b:s1+s5] =	stream.strided.scatter [tilespmem:s13], [sflag:$0x6], $0x1000, s6, s5, $0x38;
	[tilespmem:$0x18020] =	vst v63  }
0x2bb: {  	s12 =	sadd.s32 $0x20000, s1  }
0x2bc: {  	[hbm4b:s12+s5] =	stream.strided.scatter [tilespmem:s0], [sflag:$0x6], $0x1000, s6, s5, $0x38;
	[tilespmem:$0x18020] =	vst v63  }
0x2bd: {  	s25 =	sadd.s32 $0x40000, s1  }
0x2be: {  	[hbm4b:s25+s5] =	stream.strided.scatter [tilespmem:s4], [sflag:$0x6], $0x1000, s6, s5, $0x38;
	[tilespmem:$0x18020] =	vst v63  }
0x2bf: {  	[smem:$0x7CA] =	sst s12;
	s0 =	sadd.s32 $0x60000, s1  }
0x2c0: {  	[hbm4b:s0+s5] =	stream.strided.scatter [tilespmem:s10], [sflag:$0x6], $0x1000, s6, s5, $0x38;
	[tilespmem:$0x18020] =	vst v63  }
0x2c1: {  	s11 =	sadd.s32 $0xA0000, s1;
	[smem:$0x7CB] =	sst s25;
	s4 =	sadd.s32 $0x80000, s1  }
0x2c2: {  	[hbm4b:s4+s5] =	stream.strided.scatter [tilespmem:s7], [sflag:$0x6], $0x1000, s6, s5, $0x38;
	[tilespmem:$0x18020] =	vst v63  }
0x2c3: {  	s22 =	simm.s32 $0x15020;
	[smem:$0x7CE] =	sst s11  }
0x2c4: {  	[hbm4b:s11+s5] =	stream.strided.scatter [tilespmem:s22], [sflag:$0x6], $0x1000, s6, s5, $0x38;
	[tilespmem:$0x18020] =	vst v63  }
0x2c5: {  	s29 =	simm.s32 $0x16020;
	s12 =	sadd.s32 $0xC0000, s1;
	[smem:$0x7CC] =	sst s0  }
0x2c6: {  	[hbm4b:s12+s5] =	stream.strided.scatter [tilespmem:s29], [sflag:$0x6], $0x1000, s6, s5, $0x38;
	[tilespmem:$0x18020] =	vst v63  }
0x2c7: {  	s19 =	simm.s32 $0x17020;
	[smem:$0x7CF] =	sst s12;
	s1 =	sadd.s32 $0xE0000, s1  }
0x2c8: {  	[hbm4b:s1+s5] =	stream.strided.scatter [tilespmem:s19], [sflag:$0x6], $0x1000, s6, s5, $0x38;
	[tilespmem:$0x18020] =	vst v63  }
0x2c9: {  	s19 =	sld [smem:$0x7D1]  }
0x2ca: {  	[smem:$0x7CD] =	sst s4  }
0x2cb: {  	[smem:$0x7D0] =	sst s1  }
0x2cc: {  	_ =	swait.ge [sflag:s2], $0x8000;
	s22 =	sshll.u32 s19, $0xD  }
0x2cd: {  	[sflag:s2] =	ssyncset.done $0x0;
	s11 =	sand.u32 $0x1FFFE000, s22  }
0x2ce: {  	[sflag:s2] =	ssyncadd.s32 $0xFFFF8000;
	s25 =	sadd.s32 s23, s11  }
0x2cf: {  	[tilespmem:s14], [sflag:$0x2] =	stream.linear.gather [hbm4b:s25+s9], $0x8000, $0x38;
	[tilespmem:$0x18020] =	vst v63  }
0x2d0: {  	_ =	swait.ge [sflag:s30], $0x8000  }
0x2d1: {  	[sflag:s30] =	ssyncset.done $0x0;
	s1 =	rddreg [dreg:$0xa]  }
0x2d2: {  	[sflag:s30] =	ssyncadd.s32 $0xFFFF8000;
	s0 =	sadd.s32 $0x20000, s1  }
0x2d3: {  	[hbm4b:s1+s5] =	stream.strided.scatter [tilespmem:s17], [sflag:$0x4], $0x1000, s6, s5, $0x38;
	[tilespmem:$0x18020] =	vst v63  }
0x2d4: {  	s3 =	simm.s32 $0x1020;
	s4 =	sadd.s32 $0x40000, s1;
	[smem:$0x7D2] =	sst s0  }
0x2d5: {  	[hbm4b:s0+s5] =	stream.strided.scatter [tilespmem:s3], [sflag:$0x4], $0x1000, s6, s5, $0x38;
	[tilespmem:$0x18020] =	vst v63  }
0x2d6: {  	s7 =	simm.s32 $0x2020;
	s12 =	sadd.s32 $0x60000, s1;
	[smem:$0x7D3] =	sst s4  }
0x2d7: {  	[hbm4b:s4+s5] =	stream.strided.scatter [tilespmem:s7], [sflag:$0x4], $0x1000, s6, s5, $0x38;
	[tilespmem:$0x18020] =	vst v63  }
0x2d8: {  	s22 =	sadd.s32 $0x80000, s1;
	[smem:$0x7D4] =	sst s12  }
0x2d9: {  	[hbm4b:s12+s5] =	stream.strided.scatter [tilespmem:s24], [sflag:$0x4], $0x1000, s6, s5, $0x38;
	[tilespmem:$0x18020] =	vst v63  }
0x2da: {  	s25 =	simm.s32 $0x4020;
	[smem:$0x7D5] =	sst s22;
	s3 =	sadd.s32 $0xA0000, s1  }
0x2db: {  	[hbm4b:s22+s5] =	stream.strided.scatter [tilespmem:s25], [sflag:$0x4], $0x1000, s6, s5, $0x38;
	[tilespmem:$0x18020] =	vst v63  }
0x2dc: {  	[smem:$0x7D6] =	sst s3;
	s4 =	sadd.s32 $0xC0000, s1  }
0x2dd: {  	[hbm4b:s3+s5] =	stream.strided.scatter [tilespmem:s15], [sflag:$0x4], $0x1000, s6, s5, $0x38;
	[tilespmem:$0x18020] =	vst v63  }
0x2de: {  	s7 =	simm.s32 $0x6020;
	s1 =	sadd.s32 $0xE0000, s1;
	[smem:$0x7D7] =	sst s4  }
0x2df: {  	[hbm4b:s4+s5] =	stream.strided.scatter [tilespmem:s7], [sflag:$0x4], $0x1000, s6, s5, $0x38;
	[tilespmem:$0x18020] =	vst v63  }
0x2e0: {  	s18 =	simm.s32 $0x7020;
	[smem:$0x7D8] =	sst s1  }
0x2e1: {  	[hbm4b:s1+s5] =	stream.strided.scatter [tilespmem:s18], [sflag:$0x4], $0x1000, s6, s5, $0x38;
	[tilespmem:$0x18020] =	vst v63  }
0x2e2: {  	_ =	swait.ge [sflag:s26], $0x8000  }
0x2e3: {  	[sflag:s26] =	ssyncset.done $0x0  }
0x2e4: {  	s11 =	sadd.s32 s11, s21;
	[sflag:s26] =	ssyncadd.s32 $0xFFFF8000  }
0x2e5: {  	[tilespmem:s13], [sflag:$0x3] =	stream.linear.gather [hbm4b:s11+s9], $0x8000, $0x38;
	[tilespmem:$0x18020] =	vst v63  }
0x2e6: {  	_ =	swait.ge [sflag:s28], $0x8000  }
0x2e7: {  	[sflag:s28] =	ssyncset.done $0x0;
	s3 =	rddreg [dreg:$0x8]  }
0x2e8: {  	s2 =	sld [smem:$0x7E0];
	[sflag:s28] =	ssyncadd.s32 $0xFFFF8000;
	s11 =	sadd.s32 $0x20000, s3  }
0x2e9: {  	[hbm4b:s3+s5] =	stream.strided.scatter [tilespmem:s14], [sflag:$0x5], $0x1000, s6, s5, $0x38;
	[tilespmem:$0x18020] =	vst v63  }
0x2ea: {  	s31 =	simm.s32 $0x9020;
	s12 =	sadd.s32 $0x40000, s3;
	[smem:$0x7D9] =	sst s11  }
0x2eb: {  	[hbm4b:s11+s5] =	stream.strided.scatter [tilespmem:s31], [sflag:$0x5], $0x1000, s6, s5, $0x38;
	[tilespmem:$0x18020] =	vst v63  }
0x2ec: {  	s15 =	simm.s32 $0xA020;
	s1 =	sadd.s32 $0x60000, s3;
	[smem:$0x7DA] =	sst s12  }
0x2ed: {  	[hbm4b:s12+s5] =	stream.strided.scatter [tilespmem:s15], [sflag:$0x5], $0x1000, s6, s5, $0x38;
	[tilespmem:$0x18020] =	vst v63  }
0x2ee: {  	s4 =	simm.s32 $0xB020;
	s7 =	sadd.s32 $0x80000, s3;
	[smem:$0x7DB] =	sst s1  }
0x2ef: {  	[hbm4b:s1+s5] =	stream.strided.scatter [tilespmem:s4], [sflag:$0x5], $0x1000, s6, s5, $0x38;
	[tilespmem:$0x18020] =	vst v63  }
0x2f0: {  	s20 =	simm.s32 $0xC020;
	[smem:$0x7DC] =	sst s7;
	s11 =	sadd.s32 $0xA0000, s3  }
0x2f1: {  	[hbm4b:s7+s5] =	stream.strided.scatter [tilespmem:s20], [sflag:$0x5], $0x1000, s6, s5, $0x38;
	[tilespmem:$0x18020] =	vst v63  }
0x2f2: {  	s31 =	simm.s32 $0xD020;
	[smem:$0x7DD] =	sst s11;
	s12 =	sadd.s32 $0xC0000, s3  }
0x2f3: {  	[hbm4b:s11+s5] =	stream.strided.scatter [tilespmem:s31], [sflag:$0x5], $0x1000, s6, s5, $0x38;
	[tilespmem:$0x18020] =	vst v63  }
0x2f4: {  	s15 =	simm.s32 $0xE020;
	[smem:$0x7DE] =	sst s12;
	s20 =	sadd.s32 $0xE0000, s3  }
0x2f5: {  	[hbm4b:s12+s5] =	stream.strided.scatter [tilespmem:s15], [sflag:$0x5], $0x1000, s6, s5, $0x38;
	[tilespmem:$0x18020] =	vst v63  }
0x2f6: {  	[smem:$0x7DF] =	sst s20  }
0x2f7: {  	[hbm4b:s20+s5] =	stream.strided.scatter [tilespmem:s8], [sflag:$0x5], $0x1000, s6, s5, $0x38;
	[tilespmem:$0x18020] =	vst v63  }
0x2f8: {  	s3 =	sshll.u32 s2, $0xD;
	_ =	swait.ge [sflag:s16], $0x8000  }
0x2f9: {  	s8 =	sand.u32 $0x1FFFE000, s3;
	[sflag:s16] =	ssyncset.done $0x0  }
0x2fa: {  	s30 =	simm.s32 $0x3;
	s7 =	sadd.s32 s23, s8;
	[sflag:s16] =	ssyncadd.s32 $0xFFFF8000  }
0x2fb: {  	[tilespmem:s17], [sflag:$0x1] =	stream.linear.gather [hbm4b:s7+s9], $0x8000, $0x38;
	[tilespmem:$0x18020] =	vst v63  }
0x2fc: {  	_ =	swait.ge [sflag:s30], $0x8000  }
0x2fd: {  	[sflag:s30] =	ssyncset.done $0x0  }
0x2fe: {  	s3 =	rddreg [dreg:$0x7];
	[sflag:s30] =	ssyncadd.s32 $0xFFFF8000  }
0x2ff: {  	[hbm4b:s3+s5] =	stream.strided.scatter [tilespmem:s13], [sflag:$0x6], $0x1000, s6, s5, $0x38;
	[tilespmem:$0x18020] =	vst v63  }
0x300: {  	s20 =	simm.s32 $0x11020;
	s12 =	sadd.s32 $0x20000, s3;
	s7 =	sadd.s32 $0x60000, s3  }
0x301: {  	[hbm4b:s12+s5] =	stream.strided.scatter [tilespmem:s20], [sflag:$0x6], $0x1000, s6, s5, $0x38;
	[tilespmem:$0x18020] =	vst v63  }
0x302: {  	[smem:$0x7E1] =	sst s12;
	s12 =	sadd.s32 $0x40000, s3;
	s20 =	simm.s32 $0x12020  }
0x303: {  	[hbm4b:s12+s5] =	stream.strided.scatter [tilespmem:s20], [sflag:$0x6], $0x1000, s6, s5, $0x38;
	[tilespmem:$0x18020] =	vst v63  }
0x304: {  	s10 =	simm.s32 $0x13020;
	[smem:$0x7E3] =	sst s7  }
0x305: {  	[hbm4b:s7+s5] =	stream.strided.scatter [tilespmem:s10], [sflag:$0x6], $0x1000, s6, s5, $0x38;
	[tilespmem:$0x18020] =	vst v63  }
0x306: {  	[smem:$0x7E2] =	sst s12;
	s20 =	simm.s32 $0x14020;
	s10 =	sadd.s32 $0x80000, s3  }
0x307: {  	[hbm4b:s10+s5] =	stream.strided.scatter [tilespmem:s20], [sflag:$0x6], $0x1000, s6, s5, $0x38;
	[tilespmem:$0x18020] =	vst v63  }
0x308: {  	[smem:$0x7E4] =	sst s10;
	s10 =	sadd.s32 $0xA0000, s3;
	s20 =	simm.s32 $0x15020  }
0x309: {  	[hbm4b:s10+s5] =	stream.strided.scatter [tilespmem:s20], [sflag:$0x6], $0x1000, s6, s5, $0x38;
	[tilespmem:$0x18020] =	vst v63  }
0x30a: {  	[smem:$0x7E5] =	sst s10;
	s10 =	sadd.s32 $0xC0000, s3  }
0x30b: {  	s20 =	simm.s32 $0x16020;
	s3 =	sadd.s32 $0xE0000, s3;
	[smem:$0x7E6] =	sst s10  }
0x30c: {  	[hbm4b:s10+s5] =	stream.strided.scatter [tilespmem:s20], [sflag:$0x6], $0x1000, s6, s5, $0x38;
	[tilespmem:$0x18020] =	vst v63  }
0x30d: {  	s2 =	simm.s32 $0x5;
	[smem:$0x7E7] =	sst s3;
	s20 =	simm.s32 $0x17020  }
0x30e: {  	[hbm4b:s3+s5] =	stream.strided.scatter [tilespmem:s20], [sflag:$0x6], $0x1000, s6, s5, $0x38;
	[tilespmem:$0x18020] =	vst v63  }
0x30f: {  	_ =	swait.ge [sflag:s2], $0x8000  }
0x310: {  	s28 =	simm.s32 $0x1;
	[sflag:s2] =	ssyncset.done $0x0  }
0x311: {  	s8 =	sadd.s32 s8, s21;
	s7 =	simm.s32 $0x0;
	[sflag:s2] =	ssyncadd.s32 $0xFFFF8000  }
0x312: {  	[tilespmem:s14], [sflag:$0x2] =	stream.linear.gather [hbm4b:s8+s7], $0x8000, $0x38;
	[tilespmem:$0x18020] =	vst v63  }
0x313: {  	_ =	swait.ge [sflag:s28], $0x8000  }
0x314: {  	[sflag:s28] =	ssyncset.done $0x0  }
0x315: {  	s8 =	rddreg [dreg:$0x6];
	[sflag:s28] =	ssyncadd.s32 $0xFFFF8000  }
0x316: {  	[hbm4b:s8+s5] =	stream.strided.scatter [tilespmem:s17], [sflag:$0x4], $0x1000, s6, s5, $0x38;
	[tilespmem:$0x18020] =	vst v63  }
0x317: {  	s19 =	simm.s32 $0x1020;
	s12 =	sadd.s32 $0x20000, s8  }
0x318: {  	[hbm4b:s12+s5] =	stream.strided.scatter [tilespmem:s19], [sflag:$0x4], $0x1000, s6, s5, $0x38;
	[tilespmem:$0x18020] =	vst v63  }
0x319: {  	s29 =	simm.s32 $0x2020;
	[smem:$0x7E8] =	sst s12;
	s12 =	sadd.s32 $0x40000, s8  }
0x31a: {  	[hbm4b:s12+s5] =	stream.strided.scatter [tilespmem:s29], [sflag:$0x4], $0x1000, s6, s5, $0x38;
	[tilespmem:$0x18020] =	vst v63  }
0x31b: {  	s24 =	simm.s32 $0x3020;
	[smem:$0x7E9] =	sst s12;
	s12 =	sadd.s32 $0x60000, s8  }
0x31c: {  	[hbm4b:s12+s5] =	stream.strided.scatter [tilespmem:s24], [sflag:$0x4], $0x1000, s6, s5, $0x38;
	[tilespmem:$0x18020] =	vst v63  }
0x31d: {  	[smem:$0x7EA] =	sst s12;
	s12 =	sadd.s32 $0x80000, s8  }
0x31e: {  	s22 =	simm.s32 $0x4020;
	s24 =	sadd.s32 $0xC0000, s8;
	[smem:$0x7EB] =	sst s12  }
0x31f: {  	[hbm4b:s12+s5] =	stream.strided.scatter [tilespmem:s22], [sflag:$0x4], $0x1000, s6, s5, $0x38;
	[tilespmem:$0x18020] =	vst v63  }
0x320: {  	s25 =	simm.s32 $0x5020;
	[smem:$0x7ED] =	sst s24;
	s22 =	sadd.s32 $0xA0000, s8  }
0x321: {  	[hbm4b:s22+s5] =	stream.strided.scatter [tilespmem:s25], [sflag:$0x4], $0x1000, s6, s5, $0x38;
	[tilespmem:$0x18020] =	vst v63  }
0x322: {  	s12 =	sadd.s32 $0xE0000, s8;
	[smem:$0x7EC] =	sst s22;
	s25 =	simm.s32 $0x6020  }
0x323: {  	[hbm4b:s24+s5] =	stream.strided.scatter [tilespmem:s25], [sflag:$0x4], $0x1000, s6, s5, $0x38;
	[tilespmem:$0x18020] =	vst v63  }
0x324: {  	s18 =	simm.s32 $0x7020;
	s16 =	simm.s32 $0x2;
	[smem:$0x7EE] =	sst s12  }
0x325: {  	[hbm4b:s12+s5] =	stream.strided.scatter [tilespmem:s18], [sflag:$0x4], $0x1000, s6, s5, $0x38;
	[tilespmem:$0x18020] =	vst v63  }
0x326: {  	_ =	swait.ge [sflag:s16], $0x8000  }
0x327: {  	[sflag:s16] =	ssyncset.done $0x0;
	s8 =	rddreg [dreg:$0x5]  }
0x328: {  	[sflag:s16] =	ssyncadd.s32 $0xFFFF8000;
	s24 =	sadd.s32 $0x20000, s8  }
0x329: {  	[hbm4b:s8+s5] =	stream.strided.scatter [tilespmem:s14], [sflag:$0x5], $0x1000, s6, s5, $0x38;
	[tilespmem:$0x18020] =	vst v63  }
0x32a: {  	s0 =	simm.s32 $0x9020;
	s25 =	sadd.s32 $0x40000, s8;
	[smem:$0x7EF] =	sst s24  }
0x32b: {  	[hbm4b:s24+s5] =	stream.strided.scatter [tilespmem:s0], [sflag:$0x5], $0x1000, s6, s5, $0x38;
	[tilespmem:$0x18020] =	vst v63  }
0x32c: {  	s11 =	simm.s32 $0xA020;
	s3 =	sadd.s32 $0x60000, s8;
	[smem:$0x7F0] =	sst s25  }
0x32d: {  	[hbm4b:s25+s5] =	stream.strided.scatter [tilespmem:s11], [sflag:$0x5], $0x1000, s6, s5, $0x38;
	[tilespmem:$0x18020] =	vst v63  }
0x32e: {  	s1 =	simm.s32 $0xB020;
	s12 =	sadd.s32 $0x80000, s8;
	[smem:$0x7F1] =	sst s3  }
0x32f: {  	[hbm4b:s3+s5] =	stream.strided.scatter [tilespmem:s1], [sflag:$0x5], $0x1000, s6, s5, $0x38;
	[tilespmem:$0x18020] =	vst v63  }
0x330: {  	s4 =	simm.s32 $0xC020;
	s18 =	sadd.s32 $0xA0000, s8;
	[smem:$0x7F2] =	sst s12  }
0x331: {  	[hbm4b:s12+s5] =	stream.strided.scatter [tilespmem:s4], [sflag:$0x5], $0x1000, s6, s5, $0x38;
	[tilespmem:$0x18020] =	vst v63  }
0x332: {  	[smem:$0x7F3] =	sst s18;
	s24 =	sadd.s32 $0xC0000, s8  }
0x333: {  	[hbm4b:s18+s5] =	stream.strided.scatter [tilespmem:s31], [sflag:$0x5], $0x1000, s6, s5, $0x38;
	[tilespmem:$0x18020] =	vst v63  }
0x334: {  	s9 =	simm.s32 $0xE020;
	[smem:$0x7F4] =	sst s24;
	s25 =	sadd.s32 $0xE0000, s8  }
0x335: {  	[hbm4b:s24+s5] =	stream.strided.scatter [tilespmem:s9], [sflag:$0x5], $0x1000, s6, s5, $0x38;
	[tilespmem:$0x18020] =	vst v63  }
0x336: {  	s15 =	simm.s32 $0xF020;
	[smem:$0x7F5] =	sst s25  }
0x337: {  	[hbm4b:s25+s5] =	stream.strided.scatter [tilespmem:s15], [sflag:$0x5], $0x1000, s6, s5, $0x38;
	[tilespmem:$0x18020] =	vst v63  }
0x338: {  	_ =	swait.ge [sflag:s26], $0x8000  }
0x339: {  	[sflag:s26] =	ssyncset.done $0x0  }
0x33a: {  	s10 =	simm.s32 $0x4;
	[sflag:s26] =	ssyncadd.s32 $0xFFFF8000  }
0x33b: {  	_ =	swait.ge [sflag:s10], $0x8000  }
0x33c: {  	s26 =	sld [smem:$0x7F6];
	_ =	sdelay $0x2  }
0x33d: {  	p1 =	sne.s32 s26, $0x1  }
.Ltmp1:
0x33e: {  	_ = 	snop;
	(pc) =	sbr.rel @!p1 .LBB2_6-.Ltmp1, $4  }
0x33f: {  	_ = 	snop  }
0x340: {  	p0 =	por $0x1, $0x1;
	s20 =	simm.s32 $0x1020;
	[sflag:s10] =	ssyncset.done $0x0  }
0x341: {  	s19 =	simm.s32 $0x2020;
	s29 =	simm.s32 $0x4020;
	[sflag:s10] =	ssyncadd.s32 $0xFFFF8000  }
0x342: {  	s22 =	simm.s32 $0x6020;
	_ =	swait.ge [sflag:s2], $0x8000;
	s0 =	sadd.s32 $0xFFFFFFFF, s26  }
0x343: {  	s31 =	simm.s32 $0xD020  }
.LBB2_3:
0x344: {  	s8 =	rddreg [dreg:$0x2];
	[sflag:s2] =	ssyncset.done $0x0;
	s24 =	sadd.s32 $0xFFFFFFFF, s0  }
0x345: {  	s25 =	simm.s32 $0x7;
	[smem:$0x70C] =	sst s24;
	[sflag:s2] =	ssyncadd.s32 $0xFFFF8000  }
0x346: {  	[tilespmem:s7], [sflag:$0x7] =	stream.linear.gather [hbm4b:s8+s7], $0x10, $0x38;
	[tilespmem:$0x18020] =	vst v63  }
0x347: {  	_ =	swait.ge [sflag:s25], $0x10  }
0x348: {  	s26 =	rddreg [dreg:$0x3];
	[sflag:s25] =	ssyncset.done $0x0  }
0x349: {  	s11 =	rddreg [dreg:$0x4];
	[sflag:s25] =	ssyncadd.s32 $0xFFFFFFF0  }
0x34a: {  	[tilespmem:s11], [sflag:$0x7] =	stream.linear.gather [hbm4b:s26+s7], $0x10, $0x38;
	[tilespmem:$0x18020] =	vst v63  }
0x34b: {  	_ =	swait.ge [sflag:s25], $0x10  }
0x34c: {  	[sflag:s25] =	ssyncset.done $0x0  }
0x34d: {  	[sflag:s25] =	ssyncadd.s32 $0xFFFFFFF0  }
0x34e: {  	v0 =	vld [tilespmem:$0x10];
	_ =	sdelay $0x4  }
0x34f: {  	v0 =	vnsel vm1, $0x0, v0  }
0x350: {  	(xrf0) =	vadd.scan.msk.s32 $0xffff, v0;
	_ =	sdelay $0x3  }
0x351: {  	v44 =	vld [tilespmem:$0x0];
	_ =	sdelay $0x1  }
0x352: {  	v1, _, _ =	vpop (xrf0)  }
0x353: {  	v1 =	vbroadcast v1, $0xF;
	_ =	sdelay $0x1  }
0x354: {  	v0 =	vsub.s32 v1, v44  }
0x355: {  	v1 =	vnsel vm12, $0x0, v0  }
0x356: {  	vm2 =	vcmask $0x308;
	(xrf0) =	vadd.scan.msk.s32 $0xffff, v1  }
0x357: {  	v2 =	vsel vm2, $0x0, v0  }
0x358: {  	v3 =	vsel vm15, $0x0, v0;
	(xrf0) =	vadd.scan.msk.s32 $0xffff, v2  }
0x359: {  	(xrf0) =	vadd.scan.msk.s32 $0xffff, v3  }
0x35a: {  	v4 =	vsel vm11, $0x0, v0  }
0x35b: {  	(xrf0) =	vadd.scan.msk.s32 $0xffff, v4  }
0x35c: {  	v48, _, _ =	vpop (xrf0)  }
0x35d: {  	(v2sf) =	vpush v48, $0xF  }
0x35e: {  	v49, _, _ =	vpop (xrf0)  }
0x35f: {  	v5 =	vsel vm14, $0x0, v0;
	(v2sf) =	vpush v49, $0xF;
	v50, _, _ =	vpop (xrf0)  }
0x360: {  	(xrf0) =	vadd.scan.msk.s32 $0xffff, v5;
	(v2sf) =	vpush v50, $0xF  }
0x361: {  	v6 =	vsel vm13, $0x0, v0;
	v51, _, _ =	vpop (xrf0)  }
0x362: {  	v45 =	vsel vm9, $0x0, v0;
	(xrf0) =	vadd.scan.msk.s32 $0xffff, v6;
	(v2sf) =	vpush v51, $0xF  }
0x363: {  	v7 =	vsel vm10, $0x0, v0;
	(xrf0) =	vadd.scan.msk.s32 $0xffff, v45  }
0x364: {  	v8 =	vsel vm6, $0x0, v0;
	(xrf0) =	vadd.scan.msk.s32 $0xffff, v7  }
0x365: {  	v46 =	vsel vm4, $0x0, v0;
	(xrf0) =	vadd.scan.msk.s32 $0xffff, v8  }
0x366: {  	v9 =	vsel vm8, $0x0, v0;
	(xrf0) =	vadd.scan.msk.s32 $0xffff, v46;
	v52, _, _ =	vpop (xrf0)  }
0x367: {  	v10 =	vsel vm7, $0x0, v0;
	(xrf0) =	vadd.scan.msk.s32 $0xffff, v9;
	(v2sf) =	vpush v52, $0xF  }
0x368: {  	v47 =	vsel vm3, $0x0, v0;
	v53, _, _ =	vpop (xrf0);
	(xrf0) =	vadd.scan.msk.s32 $0xffff, v10  }
0x369: {  	v11 =	vsel vm5, $0x0, v0;
	vm2 =	vcmask $0x373C;
	v54, _, _ =	vpop (xrf0);
	(xrf0) =	vadd.scan.msk.s32 $0xffff, v47;
	(v2sf) =	vpush v53, $0xF  }
0x36a: {  	v12 =	vsel vm2, $0x0, v0;
	v55, _, _ =	vpop (xrf0);
	(xrf0) =	vadd.scan.msk.s32 $0xffff, v11;
	(v2sf) =	vpush v54, $0xF  }
0x36b: {  	v0 =	vsel vm0, $0x0, v0;
	v56, _, _ =	vpop (xrf0);
	(xrf0) =	vadd.scan.msk.s32 $0xffff, v12;
	(v2sf) =	vpush v55, $0xF  }
0x36c: {  	p1 =	sne.s32 s0, $0x1;
	v57, _, _ =	vpop (xrf0);
	(xrf0) =	vadd.scan.msk.s32 $0xffff, v0;
	s0 =	spop (v2sf)  }
0x36d: {  	v58, _, _ =	vpop (xrf0);
	s8 =	sshll.u32 s0, $0xD  }
0x36e: {  	v59, _, _ =	vpop (xrf0);
	s1 =	spop (v2sf);
	s8 =	sand.u32 $0x1FFFE000, s8  }
0x36f: {  	v60, _, _ =	vpop (xrf0);
	(v2sf) =	vpush v56, $0xF;
	s12 =	spop (v2sf);
	s13 =	sadd.s32 s23, s8  }
0x370: {  	v61, _, _ =	vpop (xrf0);
	(v2sf) =	vpush v57, $0xF;
	[tilespmem:s17], [sflag:$0x1] =	stream.linear.gather [hbm4b:s13+s7], $0x8000, $0x38;
	[tilespmem:$0x18020] =	vst v63  }
0x371: {  	v62, _, _ =	vpop (xrf0);
	s8 =	sadd.s32 s8, s21;
	(v2sf) =	vpush v58, $0xF;
	s3 =	spop (v2sf)  }
0x372: {  	v63, _, _ =	vpop (xrf0);
	(v2sf) =	vpush v59, $0xF;
	[tilespmem:s14], [sflag:$0x2] =	stream.linear.gather [hbm4b:s8+s7], $0x8000, $0x38;
	[tilespmem:$0x18020] =	vst v63  }
0x373: {  	s11 =	sshll.u32 s1, $0xD;
	_ =	swait.ge [sflag:s28], $0x8000  }
0x374: {  	s26 =	sand.u32 $0x1FFFE000, s11;
	s2 =	sshll.u32 s12, $0xD;
	s13 =	sld [smem:$0x7F8]  }
0x375: {  	s24 =	sand.u32 $0x1FFFE000, s2;
	s4 =	sshll.u32 s3, $0xD;
	[sflag:s28] =	ssyncset.done $0x0  }
0x376: {  	s11 =	spop (v2sf);
	s1 =	sld [smem:$0x70E];
	[sflag:s28] =	ssyncadd.s32 $0xFFFF8000  }
0x377: {  	[hbm4b:s13+s5] =	stream.strided.scatter [tilespmem:s17], [sflag:$0x4], $0x1000, s6, s5, $0x38;
	[tilespmem:$0x18020] =	vst v63  }
0x378: {  	s23 =	sand.u32 $0x1FFFE000, s4;
	s12 =	spop (v2sf);
	s17 =	sld [smem:$0x70D]  }
0x379: {  	s4 =	sld [smem:$0x70F];
	s8 =	sshll.u32 s11, $0xD;
	s15 =	spop (v2sf)  }
0x37a: {  	s21 =	sand.u32 $0x1FFFE000, s8;
	s14 =	sshll.u32 s12, $0xD;
	s25 =	spop (v2sf)  }
0x37b: {  	(v2sf) =	vpush v60, $0xF;
	[hbm4b:s17+s5] =	stream.strided.scatter [tilespmem:s20], [sflag:$0x4], $0x1000, s6, s5, $0x38;
	[tilespmem:$0x18020] =	vst v63  }
0x37c: {  	s18 =	sshll.u32 s15, $0xD;
	s13 =	sld [smem:$0x710];
	s2 =	sshll.u32 s25, $0xD  }
0x37d: {  	[hbm4b:s1+s5] =	stream.strided.scatter [tilespmem:s19], [sflag:$0x4], $0x1000, s6, s5, $0x38;
	[tilespmem:$0x18020] =	vst v63  }
0x37e: {  	s20 =	sand.u32 $0x1FFFE000, s14;
	s3 =	spop (v2sf);
	s19 =	sand.u32 $0x1FFFE000, s18  }
0x37f: {  	s1 =	simm.s32 $0x3020;
	s18 =	sand.u32 $0x1FFFE000, s2;
	s11 =	sshll.u32 s3, $0xD  }
0x380: {  	(v2sf) =	vpush v61, $0xF;
	s3 =	sld [smem:$0x711];
	s12 =	spop (v2sf);
	s14 =	sand.u32 $0x1FFFE000, s11  }
0x381: {  	[hbm4b:s4+s5] =	stream.strided.scatter [tilespmem:s1], [sflag:$0x4], $0x1000, s6, s5, $0x38;
	[tilespmem:$0x18020] =	vst v63  }
0x382: {  	(v2sf) =	vpush v62, $0xF;
	[smem:$0x704] =	sst s14;
	s15 =	sshll.u32 s12, $0xD;
	s2 =	spop (v2sf)  }
0x383: {  	s4 =	simm.s32 $0x5020;
	s1 =	sld [smem:$0x712];
	s8 =	sand.u32 $0x1FFFE000, s15  }
0x384: {  	[hbm4b:s13+s5] =	stream.strided.scatter [tilespmem:s29], [sflag:$0x4], $0x1000, s6, s5, $0x38;
	[tilespmem:$0x18020] =	vst v63  }
0x385: {  	s11 =	sshll.u32 s2, $0xD;
	s15 =	spop (v2sf);
	s2 =	rddreg [dreg:$0xb]  }
0x386: {  	[hbm4b:s3+s5] =	stream.strided.scatter [tilespmem:s4], [sflag:$0x4], $0x1000, s6, s5, $0x38;
	[tilespmem:$0x18020] =	vst v63  }
0x387: {  	(v2sf) =	vpush v63, $0xF;
	[smem:$0x705] =	sst s8;
	s12 =	sadd.s32 s2, s26;
	s3 =	sand.u32 $0x1FFFE000, s11  }
0x388: {  	s4 =	sshll.u32 s15, $0xD;
	s11 =	simm.s32 $0x7020;
	s15 =	sld [smem:$0x713]  }
0x389: {  	[hbm4b:s1+s5] =	stream.strided.scatter [tilespmem:s22], [sflag:$0x4], $0x1000, s6, s5, $0x38;
	[tilespmem:$0x18020] =	vst v63  }
0x38a: {  	[smem:$0x706] =	sst s3;
	s1 =	sand.u32 $0x1FFFE000, s4;
	s2 =	spop (v2sf)  }
0x38b: {  	[hbm4b:s15+s5] =	stream.strided.scatter [tilespmem:s11], [sflag:$0x4], $0x1000, s6, s5, $0x38;
	[tilespmem:$0x18020] =	vst v63  }
0x38c: {  	s9 =	simm.s32 $0x10020;
	[smem:$0x707] =	sst s1;
	s8 =	sshll.u32 s2, $0xD  }
0x38d: {  	[tilespmem:s9], [sflag:$0x3] =	stream.linear.gather [hbm4b:s12+s7], $0x8000, $0x38;
	[tilespmem:$0x18020] =	vst v63  }
0x38e: {  	s12 =	sand.u32 $0x1FFFE000, s8;
	_ =	swait.ge [sflag:s16], $0x8000  }
0x38f: {  	s4 =	spop (v2sf);
	[sflag:s16] =	ssyncset.done $0x0;
	[smem:$0x708] =	sst s12  }
0x390: {  	s2 =	sld [smem:$0x7F7];
	s15 =	sshll.u32 s4, $0xD;
	[sflag:s16] =	ssyncadd.s32 $0xFFFF8000  }
0x391: {  	s1 =	spop (v2sf);
	s4 =	sld [smem:$0x714];
	s16 =	sand.u32 $0x1FFFE000, s15  }
0x392: {  	s22 =	simm.s32 $0x8020;
	s8 =	sshll.u32 s1, $0xD;
	[smem:$0x709] =	sst s16  }
0x393: {  	[hbm4b:s2+s5] =	stream.strided.scatter [tilespmem:s22], [sflag:$0x5], $0x1000, s6, s5, $0x38;
	[tilespmem:$0x18020] =	vst v63  }
0x394: {  	s11 =	sand.u32 $0x1FFFE000, s8;
	s16 =	sld [smem:$0x715]  }
0x395: {  	[smem:$0x70A] =	sst s11  }
0x396: {  	s14 =	simm.s32 $0x9020;
	s29 =	spop (v2sf);
	s11 =	sld [smem:$0x717]  }
0x397: {  	[hbm4b:s4+s5] =	stream.strided.scatter [tilespmem:s14], [sflag:$0x5], $0x1000, s6, s5, $0x38;
	[tilespmem:$0x18020] =	vst v63  }
0x398: {  	s15 =	simm.s32 $0xA020;
	s12 =	sshll.u32 s29, $0xD;
	s4 =	sld [smem:$0x716]  }
0x399: {  	[hbm4b:s16+s5] =	stream.strided.scatter [tilespmem:s15], [sflag:$0x5], $0x1000, s6, s5, $0x38;
	[tilespmem:$0x18020] =	vst v63  }
0x39a: {  	s2 =	simm.s32 $0xB020;
	s1 =	sand.u32 $0x1FFFE000, s12;
	s12 =	sld [smem:$0x718]  }
0x39b: {  	[hbm4b:s4+s5] =	stream.strided.scatter [tilespmem:s2], [sflag:$0x5], $0x1000, s6, s5, $0x38;
	[tilespmem:$0x18020] =	vst v63  }
0x39c: {  	s13 =	simm.s32 $0xC020;
	[smem:$0x70B] =	sst s1  }
0x39d: {  	[hbm4b:s11+s5] =	stream.strided.scatter [tilespmem:s13], [sflag:$0x5], $0x1000, s6, s5, $0x38;
	[tilespmem:$0x18020] =	vst v63  }
0x39e: {  	s16 =	sld [smem:$0x719]  }
0x39f: {  	[hbm4b:s12+s5] =	stream.strided.scatter [tilespmem:s31], [sflag:$0x5], $0x1000, s6, s5, $0x38;
	[tilespmem:$0x18020] =	vst v63  }
0x3a0: {  	s1 =	sld [smem:$0x71A];
	s15 =	simm.s32 $0xE020  }
0x3a1: {  	[hbm4b:s16+s5] =	stream.strided.scatter [tilespmem:s15], [sflag:$0x5], $0x1000, s6, s5, $0x38;
	[tilespmem:$0x18020] =	vst v63  }
0x3a2: {  	s0 =	simm.s32 $0xF020  }
0x3a3: {  	[hbm4b:s1+s5] =	stream.strided.scatter [tilespmem:s0], [sflag:$0x5], $0x1000, s6, s5, $0x38;
	[tilespmem:$0x18020] =	vst v63  }
0x3a4: {  	_ =	swait.ge [sflag:s10], $0x8000  }
0x3a5: {  	[sflag:s10] =	ssyncset.done $0x0;
	s4 =	rddreg [dreg:$0x9]  }
0x3a6: {  	s25 =	simm.s32 $0x20;
	s26 =	sadd.s32 s26, s4;
	[sflag:s10] =	ssyncadd.s32 $0xFFFF8000  }
0x3a7: {  	[tilespmem:s25], [sflag:$0x1] =	stream.linear.gather [hbm4b:s26+s7], $0x8000, $0x38;
	[tilespmem:$0x18020] =	vst v63  }
0x3a8: {  	_ =	swait.ge [sflag:s30], $0x8000  }
0x3a9: {  	s7 =	sld [smem:$0x7F9]  }
0x3aa: {  	[sflag:s30] =	ssyncset.done $0x0  }
0x3ab: {  	s8 =	sld [smem:$0x71B];
	[sflag:s30] =	ssyncadd.s32 $0xFFFF8000  }
0x3ac: {  	[hbm4b:s7+s5] =	stream.strided.scatter [tilespmem:s9], [sflag:$0x6], $0x1000, s6, s5, $0x38;
	[tilespmem:$0x18020] =	vst v63  }
0x3ad: {  	s10 =	simm.s32 $0x11020;
	s11 =	sld [smem:$0x71C]  }
0x3ae: {  	[hbm4b:s8+s5] =	stream.strided.scatter [tilespmem:s10], [sflag:$0x6], $0x1000, s6, s5, $0x38;
	[tilespmem:$0x18020] =	vst v63  }
0x3af: {  	s12 =	simm.s32 $0x12020;
	s26 =	sld [smem:$0x71D]  }
0x3b0: {  	[hbm4b:s11+s5] =	stream.strided.scatter [tilespmem:s12], [sflag:$0x6], $0x1000, s6, s5, $0x38;
	[tilespmem:$0x18020] =	vst v63  }
0x3b1: {  	s16 =	simm.s32 $0x13020;
	s7 =	sld [smem:$0x71E]  }
0x3b2: {  	[hbm4b:s26+s5] =	stream.strided.scatter [tilespmem:s16], [sflag:$0x6], $0x1000, s6, s5, $0x38;
	[tilespmem:$0x18020] =	vst v63  }
0x3b3: {  	s4 =	simm.s32 $0x14020;
	s26 =	sld [smem:$0x71F]  }
0x3b4: {  	[hbm4b:s7+s5] =	stream.strided.scatter [tilespmem:s4], [sflag:$0x6], $0x1000, s6, s5, $0x38;
	[tilespmem:$0x18020] =	vst v63  }
0x3b5: {  	s16 =	simm.s32 $0x15020;
	s7 =	sld [smem:$0x720]  }
0x3b6: {  	[hbm4b:s26+s5] =	stream.strided.scatter [tilespmem:s16], [sflag:$0x6], $0x1000, s6, s5, $0x38;
	[tilespmem:$0x18020] =	vst v63  }
0x3b7: {  	s4 =	simm.s32 $0x16020  }
0x3b8: {  	[hbm4b:s7+s5] =	stream.strided.scatter [tilespmem:s4], [sflag:$0x6], $0x1000, s6, s5, $0x38;
	[tilespmem:$0x18020] =	vst v63  }
0x3b9: {  	s7 =	sld [smem:$0x721];
	_ =	sdelay $0x1  }
0x3ba: {  	s2 =	simm.s32 $0x5;
	s26 =	simm.s32 $0x17020  }
0x3bb: {  	[hbm4b:s7+s5] =	stream.strided.scatter [tilespmem:s26], [sflag:$0x6], $0x1000, s6, s5, $0x38;
	[tilespmem:$0x18020] =	vst v63  }
0x3bc: {  	_ =	swait.ge [sflag:s2], $0x8000  }
0x3bd: {  	s0 =	simm.s32 $0x0;
	[sflag:s2] =	ssyncset.done $0x0;
	s26 =	rddreg [dreg:$0xb]  }
0x3be: {  	s30 =	simm.s32 $0x1;
	s8 =	sadd.s32 s26, s24;
	[sflag:s2] =	ssyncadd.s32 $0xFFFF8000  }
0x3bf: {  	[tilespmem:s22], [sflag:$0x2] =	stream.linear.gather [hbm4b:s8+s0], $0x8000, $0x38;
	[tilespmem:$0x18020] =	vst v63  }
0x3c0: {  	_ =	swait.ge [sflag:s30], $0x8000  }
0x3c1: {  	s11 =	sld [smem:$0x7FA]  }
0x3c2: {  	[sflag:s30] =	ssyncset.done $0x0  }
0x3c3: {  	s26 =	sld [smem:$0x722];
	[sflag:s30] =	ssyncadd.s32 $0xFFFF8000  }
0x3c4: {  	[hbm4b:s11+s5] =	stream.strided.scatter [tilespmem:s25], [sflag:$0x4], $0x1000, s6, s5, $0x38;
	[tilespmem:$0x18020] =	vst v63  }
0x3c5: {  	s17 =	simm.s32 $0x1020;
	s11 =	sld [smem:$0x723]  }
0x3c6: {  	[hbm4b:s26+s5] =	stream.strided.scatter [tilespmem:s17], [sflag:$0x4], $0x1000, s6, s5, $0x38;
	[tilespmem:$0x18020] =	vst v63  }
0x3c7: {  	s26 =	simm.s32 $0x2020  }
0x3c8: {  	[hbm4b:s11+s5] =	stream.strided.scatter [tilespmem:s26], [sflag:$0x4], $0x1000, s6, s5, $0x38;
	[tilespmem:$0x18020] =	vst v63  }
0x3c9: {  	s11 =	sld [smem:$0x724];
	_ =	sdelay $0x1  }
0x3ca: {  	s26 =	simm.s32 $0x3020  }
0x3cb: {  	[hbm4b:s11+s5] =	stream.strided.scatter [tilespmem:s26], [sflag:$0x4], $0x1000, s6, s5, $0x38;
	[tilespmem:$0x18020] =	vst v63  }
0x3cc: {  	s11 =	sld [smem:$0x725];
	_ =	sdelay $0x1  }
0x3cd: {  	s26 =	simm.s32 $0x4020  }
0x3ce: {  	[hbm4b:s11+s5] =	stream.strided.scatter [tilespmem:s26], [sflag:$0x4], $0x1000, s6, s5, $0x38;
	[tilespmem:$0x18020] =	vst v63  }
0x3cf: {  	s26 =	sld [smem:$0x726];
	_ =	sdelay $0x1  }
0x3d0: {  	s11 =	simm.s32 $0x5020  }
0x3d1: {  	[hbm4b:s26+s5] =	stream.strided.scatter [tilespmem:s11], [sflag:$0x4], $0x1000, s6, s5, $0x38;
	[tilespmem:$0x18020] =	vst v63  }
0x3d2: {  	s26 =	sld [smem:$0x727];
	_ =	sdelay $0x1  }
0x3d3: {  	s11 =	simm.s32 $0x6020  }
0x3d4: {  	[hbm4b:s26+s5] =	stream.strided.scatter [tilespmem:s11], [sflag:$0x4], $0x1000, s6, s5, $0x38;
	[tilespmem:$0x18020] =	vst v63  }
0x3d5: {  	s26 =	sld [smem:$0x728];
	_ =	sdelay $0x1  }
0x3d6: {  	s3 =	simm.s32 $0x7020  }
0x3d7: {  	[hbm4b:s26+s5] =	stream.strided.scatter [tilespmem:s3], [sflag:$0x4], $0x1000, s6, s5, $0x38;
	[tilespmem:$0x18020] =	vst v63  }
0x3d8: {  	s26 =	simm.s32 $0x6  }
0x3d9: {  	_ =	swait.ge [sflag:s26], $0x8000  }
0x3da: {  	[sflag:s26] =	ssyncset.done $0x0;
	s11 =	rddreg [dreg:$0x9]  }
0x3db: {  	s28 =	simm.s32 $0x2;
	s24 =	sadd.s32 s24, s11;
	[sflag:s26] =	ssyncadd.s32 $0xFFFF8000  }
0x3dc: {  	[tilespmem:s9], [sflag:$0x3] =	stream.linear.gather [hbm4b:s24+s0], $0x8000, $0x38;
	[tilespmem:$0x18020] =	vst v63  }
0x3dd: {  	_ =	swait.ge [sflag:s28], $0x8000  }
0x3de: {  	s3 =	sld [smem:$0x7FB]  }
0x3df: {  	[sflag:s28] =	ssyncset.done $0x0  }
0x3e0: {  	s11 =	sld [smem:$0x729];
	[sflag:s28] =	ssyncadd.s32 $0xFFFF8000  }
0x3e1: {  	[hbm4b:s3+s5] =	stream.strided.scatter [tilespmem:s22], [sflag:$0x5], $0x1000, s6, s5, $0x38;
	[tilespmem:$0x18020] =	vst v63  }
0x3e2: {  	s3 =	sld [smem:$0x72A]  }
0x3e3: {  	[hbm4b:s11+s5] =	stream.strided.scatter [tilespmem:s14], [sflag:$0x5], $0x1000, s6, s5, $0x38;
	[tilespmem:$0x18020] =	vst v63  }
0x3e4: {  	s24 =	simm.s32 $0xA020  }
0x3e5: {  	[hbm4b:s3+s5] =	stream.strided.scatter [tilespmem:s24], [sflag:$0x5], $0x1000, s6, s5, $0x38;
	[tilespmem:$0x18020] =	vst v63  }
0x3e6: {  	s24 =	sld [smem:$0x72B];
	_ =	sdelay $0x1  }
0x3e7: {  	s11 =	simm.s32 $0xB020;
	s3 =	sld [smem:$0x72C]  }
0x3e8: {  	[hbm4b:s24+s5] =	stream.strided.scatter [tilespmem:s11], [sflag:$0x5], $0x1000, s6, s5, $0x38;
	[tilespmem:$0x18020] =	vst v63  }
0x3e9: {  	s11 =	sld [smem:$0x72D]  }
0x3ea: {  	[hbm4b:s3+s5] =	stream.strided.scatter [tilespmem:s13], [sflag:$0x5], $0x1000, s6, s5, $0x38;
	[tilespmem:$0x18020] =	vst v63  }
0x3eb: {  	s3 =	sld [smem:$0x72E]  }
0x3ec: {  	[hbm4b:s11+s5] =	stream.strided.scatter [tilespmem:s31], [sflag:$0x5], $0x1000, s6, s5, $0x38;
	[tilespmem:$0x18020] =	vst v63  }
0x3ed: {  	s24 =	simm.s32 $0xE020  }
0x3ee: {  	[hbm4b:s3+s5] =	stream.strided.scatter [tilespmem:s24], [sflag:$0x5], $0x1000, s6, s5, $0x38;
	[tilespmem:$0x18020] =	vst v63  }
0x3ef: {  	s24 =	sld [smem:$0x72F];
	_ =	sdelay $0x1  }
0x3f0: {  	s1 =	simm.s32 $0xF020;
	s16 =	simm.s32 $0x4  }
0x3f1: {  	[hbm4b:s24+s5] =	stream.strided.scatter [tilespmem:s1], [sflag:$0x5], $0x1000, s6, s5, $0x38;
	[tilespmem:$0x18020] =	vst v63  }
0x3f2: {  	_ =	swait.ge [sflag:s16], $0x8000  }
0x3f3: {  	[sflag:s16] =	ssyncset.done $0x0;
	s3 =	rddreg [dreg:$0xb]  }
0x3f4: {  	s29 =	simm.s32 $0x3;
	s8 =	sadd.s32 s3, s23;
	[sflag:s16] =	ssyncadd.s32 $0xFFFF8000  }
0x3f5: {  	[tilespmem:s25], [sflag:$0x1] =	stream.linear.gather [hbm4b:s8+s0], $0x8000, $0x38;
	[tilespmem:$0x18020] =	vst v63  }
0x3f6: {  	_ =	swait.ge [sflag:s29], $0x8000  }
0x3f7: {  	s11 =	sld [smem:$0x7FC]  }
0x3f8: {  	[sflag:s29] =	ssyncset.done $0x0  }
0x3f9: {  	s24 =	sld [smem:$0x730];
	[sflag:s29] =	ssyncadd.s32 $0xFFFF8000  }
0x3fa: {  	[hbm4b:s11+s5] =	stream.strided.scatter [tilespmem:s9], [sflag:$0x6], $0x1000, s6, s5, $0x38;
	[tilespmem:$0x18020] =	vst v63  }
0x3fb: {  	s15 =	simm.s32 $0x11020;
	s1 =	sld [smem:$0x731]  }
0x3fc: {  	[hbm4b:s24+s5] =	stream.strided.scatter [tilespmem:s15], [sflag:$0x6], $0x1000, s6, s5, $0x38;
	[tilespmem:$0x18020] =	vst v63  }
0x3fd: {  	s10 =	simm.s32 $0x12020;
	s3 =	sld [smem:$0x732]  }
0x3fe: {  	[hbm4b:s1+s5] =	stream.strided.scatter [tilespmem:s10], [sflag:$0x6], $0x1000, s6, s5, $0x38;
	[tilespmem:$0x18020] =	vst v63  }
0x3ff: {  	s12 =	simm.s32 $0x13020;
	s11 =	sld [smem:$0x733]  }
0x400: {  	[hbm4b:s3+s5] =	stream.strided.scatter [tilespmem:s12], [sflag:$0x6], $0x1000, s6, s5, $0x38;
	[tilespmem:$0x18020] =	vst v63  }
0x401: {  	s24 =	simm.s32 $0x14020;
	s1 =	sld [smem:$0x734]  }
0x402: {  	[hbm4b:s11+s5] =	stream.strided.scatter [tilespmem:s24], [sflag:$0x6], $0x1000, s6, s5, $0x38;
	[tilespmem:$0x18020] =	vst v63  }
0x403: {  	s3 =	simm.s32 $0x15020;
	s11 =	sld [smem:$0x735]  }
0x404: {  	[hbm4b:s1+s5] =	stream.strided.scatter [tilespmem:s3], [sflag:$0x6], $0x1000, s6, s5, $0x38;
	[tilespmem:$0x18020] =	vst v63  }
0x405: {  	s4 =	simm.s32 $0x16020;
	s1 =	sld [smem:$0x736]  }
0x406: {  	[hbm4b:s11+s5] =	stream.strided.scatter [tilespmem:s4], [sflag:$0x6], $0x1000, s6, s5, $0x38;
	[tilespmem:$0x18020] =	vst v63  }
0x407: {  	s7 =	simm.s32 $0x17020  }
0x408: {  	[hbm4b:s1+s5] =	stream.strided.scatter [tilespmem:s7], [sflag:$0x6], $0x1000, s6, s5, $0x38;
	[tilespmem:$0x18020] =	vst v63  }
0x409: {  	_ =	swait.ge [sflag:s2], $0x8000  }
0x40a: {  	[sflag:s2] =	ssyncset.done $0x0;
	s11 =	rddreg [dreg:$0x9]  }
0x40b: {  	s23 =	sadd.s32 s23, s11;
	[sflag:s2] =	ssyncadd.s32 $0xFFFF8000  }
0x40c: {  	[tilespmem:s22], [sflag:$0x2] =	stream.linear.gather [hbm4b:s23+s0], $0x8000, $0x38;
	[tilespmem:$0x18020] =	vst v63  }
0x40d: {  	_ =	swait.ge [sflag:s30], $0x8000  }
0x40e: {  	s23 =	sld [smem:$0x7FD]  }
0x40f: {  	[sflag:s30] =	ssyncset.done $0x0  }
0x410: {  	s1 =	sld [smem:$0x737];
	[sflag:s30] =	ssyncadd.s32 $0xFFFF8000  }
0x411: {  	[hbm4b:s23+s5] =	stream.strided.scatter [tilespmem:s25], [sflag:$0x4], $0x1000, s6, s5, $0x38;
	[tilespmem:$0x18020] =	vst v63  }
0x412: {  	s11 =	sld [smem:$0x738]  }
0x413: {  	[hbm4b:s1+s5] =	stream.strided.scatter [tilespmem:s17], [sflag:$0x4], $0x1000, s6, s5, $0x38;
	[tilespmem:$0x18020] =	vst v63  }
0x414: {  	s23 =	simm.s32 $0x2020  }
0x415: {  	[hbm4b:s11+s5] =	stream.strided.scatter [tilespmem:s23], [sflag:$0x4], $0x1000, s6, s5, $0x38;
	[tilespmem:$0x18020] =	vst v63  }
0x416: {  	s11 =	sld [smem:$0x739];
	_ =	sdelay $0x1  }
0x417: {  	s1 =	sld [smem:$0x73A];
	s23 =	simm.s32 $0x3020  }
0x418: {  	[hbm4b:s11+s5] =	stream.strided.scatter [tilespmem:s23], [sflag:$0x4], $0x1000, s6, s5, $0x38;
	[tilespmem:$0x18020] =	vst v63  }
0x419: {  	s11 =	simm.s32 $0x4020  }
0x41a: {  	[hbm4b:s1+s5] =	stream.strided.scatter [tilespmem:s11], [sflag:$0x4], $0x1000, s6, s5, $0x38;
	[tilespmem:$0x18020] =	vst v63  }
0x41b: {  	s1 =	sld [smem:$0x73B];
	_ =	sdelay $0x1  }
0x41c: {  	s23 =	simm.s32 $0x5020  }
0x41d: {  	[hbm4b:s1+s5] =	stream.strided.scatter [tilespmem:s23], [sflag:$0x4], $0x1000, s6, s5, $0x38;
	[tilespmem:$0x18020] =	vst v63  }
0x41e: {  	s1 =	sld [smem:$0x73C];
	_ =	sdelay $0x1  }
0x41f: {  	s11 =	sld [smem:$0x73D];
	s23 =	simm.s32 $0x6020  }
0x420: {  	[hbm4b:s1+s5] =	stream.strided.scatter [tilespmem:s23], [sflag:$0x4], $0x1000, s6, s5, $0x38;
	[tilespmem:$0x18020] =	vst v63  }
0x421: {  	s1 =	simm.s32 $0x7020  }
0x422: {  	[hbm4b:s11+s5] =	stream.strided.scatter [tilespmem:s1], [sflag:$0x4], $0x1000, s6, s5, $0x38;
	[tilespmem:$0x18020] =	vst v63  }
0x423: {  	_ =	swait.ge [sflag:s26], $0x8000  }
0x424: {  	[sflag:s26] =	ssyncset.done $0x0;
	s23 =	rddreg [dreg:$0xb]  }
0x425: {  	s8 =	sadd.s32 s23, s21;
	[sflag:s26] =	ssyncadd.s32 $0xFFFF8000  }
0x426: {  	[tilespmem:s9], [sflag:$0x3] =	stream.linear.gather [hbm4b:s8+s0], $0x8000, $0x38;
	[tilespmem:$0x18020] =	vst v63  }
0x427: {  	s23 =	rddreg [dreg:$0xb];
	_ =	swait.ge [sflag:s28], $0x8000  }
0x428: {  	[sflag:s28] =	ssyncset.done $0x0  }
0x429: {  	s11 =	rddreg [dreg:$0x1f];
	[sflag:s28] =	ssyncadd.s32 $0xFFFF8000  }
0x42a: {  	[hbm4b:s11+s5] =	stream.strided.scatter [tilespmem:s22], [sflag:$0x5], $0x1000, s6, s5, $0x38;
	[tilespmem:$0x18020] =	vst v63  }
0x42b: {  	s11 =	sld [smem:$0x73E];
	_ =	sdelay $0x2  }
0x42c: {  	[hbm4b:s11+s5] =	stream.strided.scatter [tilespmem:s14], [sflag:$0x5], $0x1000, s6, s5, $0x38;
	[tilespmem:$0x18020] =	vst v63  }
0x42d: {  	s11 =	sld [smem:$0x73F];
	_ =	sdelay $0x1  }
0x42e: {  	s8 =	simm.s32 $0xA020  }
0x42f: {  	[hbm4b:s11+s5] =	stream.strided.scatter [tilespmem:s8], [sflag:$0x5], $0x1000, s6, s5, $0x38;
	[tilespmem:$0x18020] =	vst v63  }
0x430: {  	s11 =	sld [smem:$0x740];
	_ =	sdelay $0x1  }
0x431: {  	s8 =	simm.s32 $0xB020  }
0x432: {  	[hbm4b:s11+s5] =	stream.strided.scatter [tilespmem:s8], [sflag:$0x5], $0x1000, s6, s5, $0x38;
	[tilespmem:$0x18020] =	vst v63  }
0x433: {  	s11 =	sld [smem:$0x741];
	_ =	sdelay $0x2  }
0x434: {  	[hbm4b:s11+s5] =	stream.strided.scatter [tilespmem:s13], [sflag:$0x5], $0x1000, s6, s5, $0x38;
	[tilespmem:$0x18020] =	vst v63  }
0x435: {  	s11 =	sld [smem:$0x742];
	_ =	sdelay $0x2  }
0x436: {  	[hbm4b:s11+s5] =	stream.strided.scatter [tilespmem:s31], [sflag:$0x5], $0x1000, s6, s5, $0x38;
	[tilespmem:$0x18020] =	vst v63  }
0x437: {  	s11 =	sld [smem:$0x743];
	_ =	sdelay $0x1  }
0x438: {  	s8 =	simm.s32 $0xE020  }
0x439: {  	[hbm4b:s11+s5] =	stream.strided.scatter [tilespmem:s8], [sflag:$0x5], $0x1000, s6, s5, $0x38;
	[tilespmem:$0x18020] =	vst v63  }
0x43a: {  	s8 =	sld [smem:$0x744];
	_ =	sdelay $0x1  }
0x43b: {  	s11 =	simm.s32 $0xF020  }
0x43c: {  	[hbm4b:s8+s5] =	stream.strided.scatter [tilespmem:s11], [sflag:$0x5], $0x1000, s6, s5, $0x38;
	[tilespmem:$0x18020] =	vst v63  }
0x43d: {  	_ =	swait.ge [sflag:s16], $0x8000  }
0x43e: {  	[sflag:s16] =	ssyncset.done $0x0;
	s8 =	rddreg [dreg:$0x9]  }
0x43f: {  	s21 =	sadd.s32 s21, s8;
	[sflag:s16] =	ssyncadd.s32 $0xFFFF8000  }
0x440: {  	[tilespmem:s25], [sflag:$0x1] =	stream.linear.gather [hbm4b:s21+s0], $0x8000, $0x38;
	[tilespmem:$0x18020] =	vst v63  }
0x441: {  	_ =	swait.ge [sflag:s29], $0x8000  }
0x442: {  	[sflag:s29] =	ssyncset.done $0x0  }
0x443: {  	s21 =	rddreg [dreg:$0x1e];
	[sflag:s29] =	ssyncadd.s32 $0xFFFF8000  }
0x444: {  	[hbm4b:s21+s5] =	stream.strided.scatter [tilespmem:s9], [sflag:$0x6], $0x1000, s6, s5, $0x38;
	[tilespmem:$0x18020] =	vst v63  }
0x445: {  	s21 =	sld [smem:$0x745];
	_ =	sdelay $0x2  }
0x446: {  	[hbm4b:s21+s5] =	stream.strided.scatter [tilespmem:s15], [sflag:$0x6], $0x1000, s6, s5, $0x38;
	[tilespmem:$0x18020] =	vst v63  }
0x447: {  	s21 =	sld [smem:$0x746];
	_ =	sdelay $0x2  }
0x448: {  	[hbm4b:s21+s5] =	stream.strided.scatter [tilespmem:s10], [sflag:$0x6], $0x1000, s6, s5, $0x38;
	[tilespmem:$0x18020] =	vst v63  }
0x449: {  	s10 =	sld [smem:$0x747];
	_ =	sdelay $0x1  }
0x44a: {  	s21 =	sld [smem:$0x748]  }
0x44b: {  	[hbm4b:s10+s5] =	stream.strided.scatter [tilespmem:s12], [sflag:$0x6], $0x1000, s6, s5, $0x38;
	[tilespmem:$0x18020] =	vst v63  }
0x44c: {  	_ = 	snop  }
0x44d: {  	[hbm4b:s21+s5] =	stream.strided.scatter [tilespmem:s24], [sflag:$0x6], $0x1000, s6, s5, $0x38;
	[tilespmem:$0x18020] =	vst v63  }
0x44e: {  	s8 =	sld [smem:$0x749];
	_ =	sdelay $0x2  }
0x44f: {  	[hbm4b:s8+s5] =	stream.strided.scatter [tilespmem:s3], [sflag:$0x6], $0x1000, s6, s5, $0x38;
	[tilespmem:$0x18020] =	vst v63  }
0x450: {  	s3 =	sld [smem:$0x74A];
	_ =	sdelay $0x2  }
0x451: {  	[hbm4b:s3+s5] =	stream.strided.scatter [tilespmem:s4], [sflag:$0x6], $0x1000, s6, s5, $0x38;
	[tilespmem:$0x18020] =	vst v63  }
0x452: {  	s4 =	sld [smem:$0x74B];
	_ =	sdelay $0x2  }
0x453: {  	[hbm4b:s4+s5] =	stream.strided.scatter [tilespmem:s7], [sflag:$0x6], $0x1000, s6, s5, $0x38;
	[tilespmem:$0x18020] =	vst v63  }
0x454: {  	_ =	swait.ge [sflag:s2], $0x8000  }
0x455: {  	[sflag:s2] =	ssyncset.done $0x0  }
0x456: {  	s10 =	sadd.s32 s23, s20;
	[sflag:s2] =	ssyncadd.s32 $0xFFFF8000  }
0x457: {  	[tilespmem:s22], [sflag:$0x2] =	stream.linear.gather [hbm4b:s10+s0], $0x8000, $0x38;
	[tilespmem:$0x18020] =	vst v63  }
0x458: {  	s21 =	rddreg [dreg:$0x9];
	_ =	swait.ge [sflag:s30], $0x8000  }
0x459: {  	[sflag:s30] =	ssyncset.done $0x0;
	s3 =	rddreg [dreg:$0x1d]  }
0x45a: {  	s4 =	sld [smem:$0x74C];
	[sflag:s30] =	ssyncadd.s32 $0xFFFF8000  }
0x45b: {  	[hbm4b:s3+s5] =	stream.strided.scatter [tilespmem:s25], [sflag:$0x4], $0x1000, s6, s5, $0x38;
	[tilespmem:$0x18020] =	vst v63  }
0x45c: {  	s7 =	sld [smem:$0x74D]  }
0x45d: {  	[hbm4b:s4+s5] =	stream.strided.scatter [tilespmem:s17], [sflag:$0x4], $0x1000, s6, s5, $0x38;
	[tilespmem:$0x18020] =	vst v63  }
0x45e: {  	s8 =	simm.s32 $0x2020;
	s10 =	sld [smem:$0x74E]  }
0x45f: {  	[hbm4b:s7+s5] =	stream.strided.scatter [tilespmem:s8], [sflag:$0x4], $0x1000, s6, s5, $0x38;
	[tilespmem:$0x18020] =	vst v63  }
0x460: {  	s3 =	sld [smem:$0x74F];
	s17 =	simm.s32 $0x3020  }
0x461: {  	[hbm4b:s10+s5] =	stream.strided.scatter [tilespmem:s17], [sflag:$0x4], $0x1000, s6, s5, $0x38;
	[tilespmem:$0x18020] =	vst v63  }
0x462: {  	s7 =	simm.s32 $0x4020;
	s10 =	sld [smem:$0x750]  }
0x463: {  	[hbm4b:s3+s5] =	stream.strided.scatter [tilespmem:s7], [sflag:$0x4], $0x1000, s6, s5, $0x38;
	[tilespmem:$0x18020] =	vst v63  }
0x464: {  	s8 =	simm.s32 $0x5020;
	s3 =	sld [smem:$0x751]  }
0x465: {  	[hbm4b:s10+s5] =	stream.strided.scatter [tilespmem:s8], [sflag:$0x4], $0x1000, s6, s5, $0x38;
	[tilespmem:$0x18020] =	vst v63  }
0x466: {  	s17 =	simm.s32 $0x6020;
	s7 =	sld [smem:$0x752]  }
0x467: {  	[hbm4b:s3+s5] =	stream.strided.scatter [tilespmem:s17], [sflag:$0x4], $0x1000, s6, s5, $0x38;
	[tilespmem:$0x18020] =	vst v63  }
0x468: {  	_ = 	snop  }
0x469: {  	[hbm4b:s7+s5] =	stream.strided.scatter [tilespmem:s1], [sflag:$0x4], $0x1000, s6, s5, $0x38;
	[tilespmem:$0x18020] =	vst v63  }
0x46a: {  	_ =	swait.ge [sflag:s26], $0x8000  }
0x46b: {  	[sflag:s26] =	ssyncset.done $0x0  }
0x46c: {  	s20 =	sadd.s32 s20, s21;
	[sflag:s26] =	ssyncadd.s32 $0xFFFF8000  }
0x46d: {  	[tilespmem:s9], [sflag:$0x3] =	stream.linear.gather [hbm4b:s20+s0], $0x8000, $0x38;
	[tilespmem:$0x18020] =	vst v63  }
0x46e: {  	_ =	swait.ge [sflag:s28], $0x8000  }
0x46f: {  	[sflag:s28] =	ssyncset.done $0x0;
	s8 =	rddreg [dreg:$0x1c]  }
0x470: {  	s10 =	sld [smem:$0x753];
	[sflag:s28] =	ssyncadd.s32 $0xFFFF8000  }
0x471: {  	[hbm4b:s8+s5] =	stream.strided.scatter [tilespmem:s22], [sflag:$0x5], $0x1000, s6, s5, $0x38;
	[tilespmem:$0x18020] =	vst v63  }
0x472: {  	s20 =	sld [smem:$0x754]  }
0x473: {  	[hbm4b:s10+s5] =	stream.strided.scatter [tilespmem:s14], [sflag:$0x5], $0x1000, s6, s5, $0x38;
	[tilespmem:$0x18020] =	vst v63  }
0x474: {  	s17 =	simm.s32 $0xA020;
	s3 =	sld [smem:$0x755]  }
0x475: {  	[hbm4b:s20+s5] =	stream.strided.scatter [tilespmem:s17], [sflag:$0x5], $0x1000, s6, s5, $0x38;
	[tilespmem:$0x18020] =	vst v63  }
0x476: {  	s1 =	simm.s32 $0xB020;
	s7 =	sld [smem:$0x756]  }
0x477: {  	[hbm4b:s3+s5] =	stream.strided.scatter [tilespmem:s1], [sflag:$0x5], $0x1000, s6, s5, $0x38;
	[tilespmem:$0x18020] =	vst v63  }
0x478: {  	s8 =	sld [smem:$0x757]  }
0x479: {  	[hbm4b:s7+s5] =	stream.strided.scatter [tilespmem:s13], [sflag:$0x5], $0x1000, s6, s5, $0x38;
	[tilespmem:$0x18020] =	vst v63  }
0x47a: {  	s17 =	sld [smem:$0x758]  }
0x47b: {  	[hbm4b:s8+s5] =	stream.strided.scatter [tilespmem:s31], [sflag:$0x5], $0x1000, s6, s5, $0x38;
	[tilespmem:$0x18020] =	vst v63  }
0x47c: {  	s10 =	simm.s32 $0xE020;
	s20 =	sld [smem:$0x759]  }
0x47d: {  	[hbm4b:s17+s5] =	stream.strided.scatter [tilespmem:s10], [sflag:$0x5], $0x1000, s6, s5, $0x38;
	[tilespmem:$0x18020] =	vst v63  }
0x47e: {  	_ = 	snop  }
0x47f: {  	[hbm4b:s20+s5] =	stream.strided.scatter [tilespmem:s11], [sflag:$0x5], $0x1000, s6, s5, $0x38;
	[tilespmem:$0x18020] =	vst v63  }
0x480: {  	_ =	swait.ge [sflag:s16], $0x8000  }
0x481: {  	[sflag:s16] =	ssyncset.done $0x0  }
0x482: {  	s1 =	sadd.s32 s23, s19;
	[sflag:s16] =	ssyncadd.s32 $0xFFFF8000  }
0x483: {  	[tilespmem:s25], [sflag:$0x1] =	stream.linear.gather [hbm4b:s1+s0], $0x8000, $0x38;
	[tilespmem:$0x18020] =	vst v63  }
0x484: {  	_ =	swait.ge [sflag:s29], $0x8000  }
0x485: {  	[sflag:s29] =	ssyncset.done $0x0;
	s3 =	rddreg [dreg:$0x1b]  }
0x486: {  	s7 =	sld [smem:$0x75A];
	[sflag:s29] =	ssyncadd.s32 $0xFFFF8000  }
0x487: {  	[hbm4b:s3+s5] =	stream.strided.scatter [tilespmem:s9], [sflag:$0x6], $0x1000, s6, s5, $0x38;
	[tilespmem:$0x18020] =	vst v63  }
0x488: {  	s8 =	sld [smem:$0x75B]  }
0x489: {  	[hbm4b:s7+s5] =	stream.strided.scatter [tilespmem:s15], [sflag:$0x6], $0x1000, s6, s5, $0x38;
	[tilespmem:$0x18020] =	vst v63  }
0x48a: {  	s10 =	simm.s32 $0x12020;
	s11 =	sld [smem:$0x75C]  }
0x48b: {  	[hbm4b:s8+s5] =	stream.strided.scatter [tilespmem:s10], [sflag:$0x6], $0x1000, s6, s5, $0x38;
	[tilespmem:$0x18020] =	vst v63  }
0x48c: {  	_ = 	snop  }
0x48d: {  	[hbm4b:s11+s5] =	stream.strided.scatter [tilespmem:s12], [sflag:$0x6], $0x1000, s6, s5, $0x38;
	[tilespmem:$0x18020] =	vst v63  }
0x48e: {  	s12 =	sld [smem:$0x75D];
	_ =	sdelay $0x1  }
0x48f: {  	s17 =	sld [smem:$0x75E];
	s15 =	simm.s32 $0x14020  }
0x490: {  	[hbm4b:s12+s5] =	stream.strided.scatter [tilespmem:s15], [sflag:$0x6], $0x1000, s6, s5, $0x38;
	[tilespmem:$0x18020] =	vst v63  }
0x491: {  	s24 =	simm.s32 $0x15020;
	s20 =	sld [smem:$0x75F]  }
0x492: {  	[hbm4b:s17+s5] =	stream.strided.scatter [tilespmem:s24], [sflag:$0x6], $0x1000, s6, s5, $0x38;
	[tilespmem:$0x18020] =	vst v63  }
0x493: {  	s3 =	sld [smem:$0x760];
	s12 =	simm.s32 $0x16020  }
0x494: {  	[hbm4b:s20+s5] =	stream.strided.scatter [tilespmem:s12], [sflag:$0x6], $0x1000, s6, s5, $0x38;
	[tilespmem:$0x18020] =	vst v63  }
0x495: {  	s11 =	simm.s32 $0x17020  }
0x496: {  	[hbm4b:s3+s5] =	stream.strided.scatter [tilespmem:s11], [sflag:$0x6], $0x1000, s6, s5, $0x38;
	[tilespmem:$0x18020] =	vst v63  }
0x497: {  	_ =	swait.ge [sflag:s2], $0x8000  }
0x498: {  	[sflag:s2] =	ssyncset.done $0x0  }
0x499: {  	s19 =	sadd.s32 s19, s21;
	[sflag:s2] =	ssyncadd.s32 $0xFFFF8000  }
0x49a: {  	[tilespmem:s22], [sflag:$0x2] =	stream.linear.gather [hbm4b:s19+s0], $0x8000, $0x38;
	[tilespmem:$0x18020] =	vst v63  }
0x49b: {  	_ =	swait.ge [sflag:s30], $0x8000  }
0x49c: {  	[sflag:s30] =	ssyncset.done $0x0;
	s7 =	rddreg [dreg:$0x1a]  }
0x49d: {  	s8 =	sld [smem:$0x761];
	[sflag:s30] =	ssyncadd.s32 $0xFFFF8000  }
0x49e: {  	[hbm4b:s7+s5] =	stream.strided.scatter [tilespmem:s25], [sflag:$0x4], $0x1000, s6, s5, $0x38;
	[tilespmem:$0x18020] =	vst v63  }
0x49f: {  	s1 =	simm.s32 $0x1020;
	s17 =	sld [smem:$0x762]  }
0x4a0: {  	[hbm4b:s8+s5] =	stream.strided.scatter [tilespmem:s1], [sflag:$0x4], $0x1000, s6, s5, $0x38;
	[tilespmem:$0x18020] =	vst v63  }
0x4a1: {  	s19 =	simm.s32 $0x2020;
	s3 =	sld [smem:$0x763]  }
0x4a2: {  	[hbm4b:s17+s5] =	stream.strided.scatter [tilespmem:s19], [sflag:$0x4], $0x1000, s6, s5, $0x38;
	[tilespmem:$0x18020] =	vst v63  }
0x4a3: {  	s7 =	simm.s32 $0x3020;
	s8 =	sld [smem:$0x764]  }
0x4a4: {  	[hbm4b:s3+s5] =	stream.strided.scatter [tilespmem:s7], [sflag:$0x4], $0x1000, s6, s5, $0x38;
	[tilespmem:$0x18020] =	vst v63  }
0x4a5: {  	s17 =	simm.s32 $0x4020;
	s3 =	sld [smem:$0x765]  }
0x4a6: {  	[hbm4b:s8+s5] =	stream.strided.scatter [tilespmem:s17], [sflag:$0x4], $0x1000, s6, s5, $0x38;
	[tilespmem:$0x18020] =	vst v63  }
0x4a7: {  	s19 =	simm.s32 $0x5020;
	s7 =	sld [smem:$0x766]  }
0x4a8: {  	[hbm4b:s3+s5] =	stream.strided.scatter [tilespmem:s19], [sflag:$0x4], $0x1000, s6, s5, $0x38;
	[tilespmem:$0x18020] =	vst v63  }
0x4a9: {  	s4 =	simm.s32 $0x6020;
	s8 =	sld [smem:$0x767]  }
0x4aa: {  	[hbm4b:s7+s5] =	stream.strided.scatter [tilespmem:s4], [sflag:$0x4], $0x1000, s6, s5, $0x38;
	[tilespmem:$0x18020] =	vst v63  }
0x4ab: {  	s4 =	simm.s32 $0x7020  }
0x4ac: {  	[hbm4b:s8+s5] =	stream.strided.scatter [tilespmem:s4], [sflag:$0x4], $0x1000, s6, s5, $0x38;
	[tilespmem:$0x18020] =	vst v63  }
0x4ad: {  	_ =	swait.ge [sflag:s26], $0x8000  }
0x4ae: {  	[sflag:s26] =	ssyncset.done $0x0  }
0x4af: {  	s17 =	sadd.s32 s23, s18;
	[sflag:s26] =	ssyncadd.s32 $0xFFFF8000  }
0x4b0: {  	[tilespmem:s9], [sflag:$0x3] =	stream.linear.gather [hbm4b:s17+s0], $0x8000, $0x38;
	[tilespmem:$0x18020] =	vst v63  }
0x4b1: {  	_ =	swait.ge [sflag:s28], $0x8000  }
0x4b2: {  	[sflag:s28] =	ssyncset.done $0x0;
	s19 =	rddreg [dreg:$0x19]  }
0x4b3: {  	s3 =	sld [smem:$0x769];
	[sflag:s28] =	ssyncadd.s32 $0xFFFF8000  }
0x4b4: {  	[hbm4b:s19+s5] =	stream.strided.scatter [tilespmem:s22], [sflag:$0x5], $0x1000, s6, s5, $0x38;
	[tilespmem:$0x18020] =	vst v63  }
0x4b5: {  	s19 =	sld [smem:$0x76A]  }
0x4b6: {  	[hbm4b:s3+s5] =	stream.strided.scatter [tilespmem:s14], [sflag:$0x5], $0x1000, s6, s5, $0x38;
	[tilespmem:$0x18020] =	vst v63  }
0x4b7: {  	s7 =	simm.s32 $0xA020  }
0x4b8: {  	[hbm4b:s19+s5] =	stream.strided.scatter [tilespmem:s7], [sflag:$0x5], $0x1000, s6, s5, $0x38;
	[tilespmem:$0x18020] =	vst v63  }
0x4b9: {  	s7 =	sld [smem:$0x76B];
	_ =	sdelay $0x1  }
0x4ba: {  	s8 =	sld [smem:$0x76C];
	s3 =	simm.s32 $0xB020  }
0x4bb: {  	[hbm4b:s7+s5] =	stream.strided.scatter [tilespmem:s3], [sflag:$0x5], $0x1000, s6, s5, $0x38;
	[tilespmem:$0x18020] =	vst v63  }
0x4bc: {  	s19 =	sld [smem:$0x76D]  }
0x4bd: {  	[hbm4b:s8+s5] =	stream.strided.scatter [tilespmem:s13], [sflag:$0x5], $0x1000, s6, s5, $0x38;
	[tilespmem:$0x18020] =	vst v63  }
0x4be: {  	s7 =	sld [smem:$0x76E]  }
0x4bf: {  	[hbm4b:s19+s5] =	stream.strided.scatter [tilespmem:s31], [sflag:$0x5], $0x1000, s6, s5, $0x38;
	[tilespmem:$0x18020] =	vst v63  }
0x4c0: {  	s1 =	simm.s32 $0xE020;
	s8 =	sld [smem:$0x76F]  }
0x4c1: {  	[hbm4b:s7+s5] =	stream.strided.scatter [tilespmem:s1], [sflag:$0x5], $0x1000, s6, s5, $0x38;
	[tilespmem:$0x18020] =	vst v63  }
0x4c2: {  	s13 =	simm.s32 $0xF020  }
0x4c3: {  	[hbm4b:s8+s5] =	stream.strided.scatter [tilespmem:s13], [sflag:$0x5], $0x1000, s6, s5, $0x38;
	[tilespmem:$0x18020] =	vst v63  }
0x4c4: {  	_ =	swait.ge [sflag:s16], $0x8000  }
0x4c5: {  	[sflag:s16] =	ssyncset.done $0x0  }
0x4c6: {  	s18 =	sadd.s32 s18, s21;
	[sflag:s16] =	ssyncadd.s32 $0xFFFF8000  }
0x4c7: {  	[tilespmem:s25], [sflag:$0x1] =	stream.linear.gather [hbm4b:s18+s0], $0x8000, $0x38;
	[tilespmem:$0x18020] =	vst v63  }
0x4c8: {  	_ =	swait.ge [sflag:s29], $0x8000  }
0x4c9: {  	[sflag:s29] =	ssyncset.done $0x0;
	s19 =	rddreg [dreg:$0x18]  }
0x4ca: {  	s3 =	sld [smem:$0x770];
	[sflag:s29] =	ssyncadd.s32 $0xFFFF8000  }
0x4cb: {  	[hbm4b:s19+s5] =	stream.strided.scatter [tilespmem:s9], [sflag:$0x6], $0x1000, s6, s5, $0x38;
	[tilespmem:$0x18020] =	vst v63  }
0x4cc: {  	s8 =	simm.s32 $0x11020;
	s7 =	sld [smem:$0x771]  }
0x4cd: {  	[hbm4b:s3+s5] =	stream.strided.scatter [tilespmem:s8], [sflag:$0x6], $0x1000, s6, s5, $0x38;
	[tilespmem:$0x18020] =	vst v63  }
0x4ce: {  	_ = 	snop  }
0x4cf: {  	[hbm4b:s7+s5] =	stream.strided.scatter [tilespmem:s10], [sflag:$0x6], $0x1000, s6, s5, $0x38;
	[tilespmem:$0x18020] =	vst v63  }
0x4d0: {  	s10 =	sld [smem:$0x772];
	_ =	sdelay $0x1  }
0x4d1: {  	s18 =	sld [smem:$0x773];
	s7 =	simm.s32 $0x13020  }
0x4d2: {  	[hbm4b:s10+s5] =	stream.strided.scatter [tilespmem:s7], [sflag:$0x6], $0x1000, s6, s5, $0x38;
	[tilespmem:$0x18020] =	vst v63  }
0x4d3: {  	s19 =	sld [smem:$0x774]  }
0x4d4: {  	[hbm4b:s18+s5] =	stream.strided.scatter [tilespmem:s15], [sflag:$0x6], $0x1000, s6, s5, $0x38;
	[tilespmem:$0x18020] =	vst v63  }
0x4d5: {  	s24 =	simm.s32 $0x15020;
	s3 =	sld [smem:$0x775]  }
0x4d6: {  	[hbm4b:s19+s5] =	stream.strided.scatter [tilespmem:s24], [sflag:$0x6], $0x1000, s6, s5, $0x38;
	[tilespmem:$0x18020] =	vst v63  }
0x4d7: {  	s10 =	sld [smem:$0x776]  }
0x4d8: {  	[hbm4b:s3+s5] =	stream.strided.scatter [tilespmem:s12], [sflag:$0x6], $0x1000, s6, s5, $0x38;
	[tilespmem:$0x18020] =	vst v63  }
0x4d9: {  	_ = 	snop  }
0x4da: {  	[hbm4b:s10+s5] =	stream.strided.scatter [tilespmem:s11], [sflag:$0x6], $0x1000, s6, s5, $0x38;
	[tilespmem:$0x18020] =	vst v63  }
0x4db: {  	_ =	swait.ge [sflag:s2], $0x8000  }
0x4dc: {  	s11 =	sld [smem:$0x704];
	_ =	sdelay $0x1  }
0x4dd: {  	[sflag:s2] =	ssyncset.done $0x0  }
0x4de: {  	[sflag:s2] =	ssyncadd.s32 $0xFFFF8000;
	s12 =	sadd.s32 s23, s11  }
0x4df: {  	[tilespmem:s22], [sflag:$0x2] =	stream.linear.gather [hbm4b:s12+s0], $0x8000, $0x38;
	[tilespmem:$0x18020] =	vst v63  }
0x4e0: {  	_ =	swait.ge [sflag:s30], $0x8000  }
0x4e1: {  	[sflag:s30] =	ssyncset.done $0x0;
	s18 =	rddreg [dreg:$0x17]  }
0x4e2: {  	s19 =	sld [smem:$0x778];
	[sflag:s30] =	ssyncadd.s32 $0xFFFF8000  }
0x4e3: {  	[hbm4b:s18+s5] =	stream.strided.scatter [tilespmem:s25], [sflag:$0x4], $0x1000, s6, s5, $0x38;
	[tilespmem:$0x18020] =	vst v63  }
0x4e4: {  	s20 =	simm.s32 $0x1020;
	s10 =	sld [smem:$0x779]  }
0x4e5: {  	[hbm4b:s19+s5] =	stream.strided.scatter [tilespmem:s20], [sflag:$0x4], $0x1000, s6, s5, $0x38;
	[tilespmem:$0x18020] =	vst v63  }
0x4e6: {  	s17 =	simm.s32 $0x2020;
	s12 =	sld [smem:$0x77A]  }
0x4e7: {  	[hbm4b:s10+s5] =	stream.strided.scatter [tilespmem:s17], [sflag:$0x4], $0x1000, s6, s5, $0x38;
	[tilespmem:$0x18020] =	vst v63  }
0x4e8: {  	s15 =	simm.s32 $0x3020  }
0x4e9: {  	[hbm4b:s12+s5] =	stream.strided.scatter [tilespmem:s15], [sflag:$0x4], $0x1000, s6, s5, $0x38;
	[tilespmem:$0x18020] =	vst v63  }
0x4ea: {  	s15 =	sld [smem:$0x77B];
	_ =	sdelay $0x1  }
0x4eb: {  	s17 =	simm.s32 $0x4020;
	s10 =	sld [smem:$0x77C]  }
0x4ec: {  	[hbm4b:s15+s5] =	stream.strided.scatter [tilespmem:s17], [sflag:$0x4], $0x1000, s6, s5, $0x38;
	[tilespmem:$0x18020] =	vst v63  }
0x4ed: {  	s3 =	simm.s32 $0x5020;
	s15 =	sld [smem:$0x77D]  }
0x4ee: {  	[hbm4b:s10+s5] =	stream.strided.scatter [tilespmem:s3], [sflag:$0x4], $0x1000, s6, s5, $0x38;
	[tilespmem:$0x18020] =	vst v63  }
0x4ef: {  	s12 =	simm.s32 $0x6020;
	s17 =	sld [smem:$0x77E]  }
0x4f0: {  	[hbm4b:s15+s5] =	stream.strided.scatter [tilespmem:s12], [sflag:$0x4], $0x1000, s6, s5, $0x38;
	[tilespmem:$0x18020] =	vst v63  }
0x4f1: {  	_ = 	snop  }
0x4f2: {  	[hbm4b:s17+s5] =	stream.strided.scatter [tilespmem:s4], [sflag:$0x4], $0x1000, s6, s5, $0x38;
	[tilespmem:$0x18020] =	vst v63  }
0x4f3: {  	_ =	swait.ge [sflag:s26], $0x8000  }
0x4f4: {  	[sflag:s26] =	ssyncset.done $0x0  }
0x4f5: {  	s3 =	sadd.s32 s11, s21;
	[sflag:s26] =	ssyncadd.s32 $0xFFFF8000  }
0x4f6: {  	[tilespmem:s9], [sflag:$0x3] =	stream.linear.gather [hbm4b:s3+s0], $0x8000, $0x38;
	[tilespmem:$0x18020] =	vst v63  }
0x4f7: {  	_ =	swait.ge [sflag:s28], $0x8000  }
0x4f8: {  	[sflag:s28] =	ssyncset.done $0x0;
	s10 =	rddreg [dreg:$0x16]  }
0x4f9: {  	s11 =	sld [smem:$0x77F];
	[sflag:s28] =	ssyncadd.s32 $0xFFFF8000  }
0x4fa: {  	[hbm4b:s10+s5] =	stream.strided.scatter [tilespmem:s22], [sflag:$0x5], $0x1000, s6, s5, $0x38;
	[tilespmem:$0x18020] =	vst v63  }
0x4fb: {  	_ = 	snop  }
0x4fc: {  	[hbm4b:s11+s5] =	stream.strided.scatter [tilespmem:s14], [sflag:$0x5], $0x1000, s6, s5, $0x38;
	[tilespmem:$0x18020] =	vst v63  }
0x4fd: {  	s14 =	sld [smem:$0x780];
	_ =	sdelay $0x1  }
0x4fe: {  	s12 =	simm.s32 $0xA020;
	s17 =	sld [smem:$0x781]  }
0x4ff: {  	[hbm4b:s14+s5] =	stream.strided.scatter [tilespmem:s12], [sflag:$0x5], $0x1000, s6, s5, $0x38;
	[tilespmem:$0x18020] =	vst v63  }
0x500: {  	s15 =	simm.s32 $0xB020;
	s11 =	sld [smem:$0x782]  }
0x501: {  	[hbm4b:s17+s5] =	stream.strided.scatter [tilespmem:s15], [sflag:$0x5], $0x1000, s6, s5, $0x38;
	[tilespmem:$0x18020] =	vst v63  }
0x502: {  	s10 =	simm.s32 $0xC020;
	s12 =	sld [smem:$0x783]  }
0x503: {  	[hbm4b:s11+s5] =	stream.strided.scatter [tilespmem:s10], [sflag:$0x5], $0x1000, s6, s5, $0x38;
	[tilespmem:$0x18020] =	vst v63  }
0x504: {  	s17 =	sld [smem:$0x784]  }
0x505: {  	[hbm4b:s12+s5] =	stream.strided.scatter [tilespmem:s31], [sflag:$0x5], $0x1000, s6, s5, $0x38;
	[tilespmem:$0x18020] =	vst v63  }
0x506: {  	s3 =	sld [smem:$0x785];
	s15 =	simm.s32 $0xE020  }
0x507: {  	[hbm4b:s17+s5] =	stream.strided.scatter [tilespmem:s15], [sflag:$0x5], $0x1000, s6, s5, $0x38;
	[tilespmem:$0x18020] =	vst v63  }
0x508: {  	_ = 	snop  }
0x509: {  	[hbm4b:s3+s5] =	stream.strided.scatter [tilespmem:s13], [sflag:$0x5], $0x1000, s6, s5, $0x38;
	[tilespmem:$0x18020] =	vst v63  }
0x50a: {  	_ =	swait.ge [sflag:s16], $0x8000  }
0x50b: {  	s3 =	sld [smem:$0x705];
	_ =	sdelay $0x1  }
0x50c: {  	[sflag:s16] =	ssyncset.done $0x0  }
0x50d: {  	[sflag:s16] =	ssyncadd.s32 $0xFFFF8000;
	s10 =	sadd.s32 s23, s3  }
0x50e: {  	[tilespmem:s25], [sflag:$0x1] =	stream.linear.gather [hbm4b:s10+s0], $0x8000, $0x38;
	[tilespmem:$0x18020] =	vst v63  }
0x50f: {  	_ =	swait.ge [sflag:s29], $0x8000  }
0x510: {  	[sflag:s29] =	ssyncset.done $0x0;
	s11 =	rddreg [dreg:$0x15]  }
0x511: {  	s12 =	sld [smem:$0x787];
	[sflag:s29] =	ssyncadd.s32 $0xFFFF8000  }
0x512: {  	[hbm4b:s11+s5] =	stream.strided.scatter [tilespmem:s9], [sflag:$0x6], $0x1000, s6, s5, $0x38;
	[tilespmem:$0x18020] =	vst v63  }
0x513: {  	s15 =	sld [smem:$0x788]  }
0x514: {  	[hbm4b:s12+s5] =	stream.strided.scatter [tilespmem:s8], [sflag:$0x6], $0x1000, s6, s5, $0x38;
	[tilespmem:$0x18020] =	vst v63  }
0x515: {  	s25 =	sld [smem:$0x789];
	s11 =	simm.s32 $0x12020  }
0x516: {  	[hbm4b:s15+s5] =	stream.strided.scatter [tilespmem:s11], [sflag:$0x6], $0x1000, s6, s5, $0x38;
	[tilespmem:$0x18020] =	vst v63  }
0x517: {  	s8 =	sld [smem:$0x78A]  }
0x518: {  	[hbm4b:s25+s5] =	stream.strided.scatter [tilespmem:s7], [sflag:$0x6], $0x1000, s6, s5, $0x38;
	[tilespmem:$0x18020] =	vst v63  }
0x519: {  	s10 =	sld [smem:$0x78B];
	s12 =	simm.s32 $0x14020  }
0x51a: {  	[hbm4b:s8+s5] =	stream.strided.scatter [tilespmem:s12], [sflag:$0x6], $0x1000, s6, s5, $0x38;
	[tilespmem:$0x18020] =	vst v63  }
0x51b: {  	s15 =	sld [smem:$0x78C]  }
0x51c: {  	[hbm4b:s10+s5] =	stream.strided.scatter [tilespmem:s24], [sflag:$0x6], $0x1000, s6, s5, $0x38;
	[tilespmem:$0x18020] =	vst v63  }
0x51d: {  	s10 =	simm.s32 $0x16020;
	s24 =	sld [smem:$0x78D]  }
0x51e: {  	[hbm4b:s15+s5] =	stream.strided.scatter [tilespmem:s10], [sflag:$0x6], $0x1000, s6, s5, $0x38;
	[tilespmem:$0x18020] =	vst v63  }
0x51f: {  	s8 =	simm.s32 $0x17020  }
0x520: {  	[hbm4b:s24+s5] =	stream.strided.scatter [tilespmem:s8], [sflag:$0x6], $0x1000, s6, s5, $0x38;
	[tilespmem:$0x18020] =	vst v63  }
0x521: {  	_ =	swait.ge [sflag:s2], $0x8000  }
0x522: {  	[sflag:s2] =	ssyncset.done $0x0  }
0x523: {  	s7 =	sadd.s32 s3, s21;
	[sflag:s2] =	ssyncadd.s32 $0xFFFF8000  }
0x524: {  	[tilespmem:s22], [sflag:$0x2] =	stream.linear.gather [hbm4b:s7+s0], $0x8000, $0x38;
	[tilespmem:$0x18020] =	vst v63  }
0x525: {  	_ =	swait.ge [sflag:s30], $0x8000  }
0x526: {  	[sflag:s30] =	ssyncset.done $0x0;
	s15 =	rddreg [dreg:$0x14]  }
0x527: {  	s17 =	simm.s32 $0x20;
	s24 =	sld [smem:$0x78E];
	[sflag:s30] =	ssyncadd.s32 $0xFFFF8000  }
0x528: {  	[hbm4b:s15+s5] =	stream.strided.scatter [tilespmem:s17], [sflag:$0x4], $0x1000, s6, s5, $0x38;
	[tilespmem:$0x18020] =	vst v63  }
0x529: {  	s20 =	simm.s32 $0x1020;
	s3 =	sld [smem:$0x78F]  }
0x52a: {  	[hbm4b:s24+s5] =	stream.strided.scatter [tilespmem:s20], [sflag:$0x4], $0x1000, s6, s5, $0x38;
	[tilespmem:$0x18020] =	vst v63  }
0x52b: {  	s19 =	simm.s32 $0x2020;
	s7 =	sld [smem:$0x790]  }
0x52c: {  	[hbm4b:s3+s5] =	stream.strided.scatter [tilespmem:s19], [sflag:$0x4], $0x1000, s6, s5, $0x38;
	[tilespmem:$0x18020] =	vst v63  }
0x52d: {  	s18 =	simm.s32 $0x3020;
	s15 =	sld [smem:$0x791]  }
0x52e: {  	[hbm4b:s7+s5] =	stream.strided.scatter [tilespmem:s18], [sflag:$0x4], $0x1000, s6, s5, $0x38;
	[tilespmem:$0x18020] =	vst v63  }
0x52f: {  	s13 =	simm.s32 $0x4020;
	s24 =	sld [smem:$0x792]  }
0x530: {  	[hbm4b:s15+s5] =	stream.strided.scatter [tilespmem:s13], [sflag:$0x4], $0x1000, s6, s5, $0x38;
	[tilespmem:$0x18020] =	vst v63  }
0x531: {  	s19 =	simm.s32 $0x5020;
	s13 =	sld [smem:$0x793]  }
0x532: {  	[hbm4b:s24+s5] =	stream.strided.scatter [tilespmem:s19], [sflag:$0x4], $0x1000, s6, s5, $0x38;
	[tilespmem:$0x18020] =	vst v63  }
0x533: {  	s7 =	simm.s32 $0x6020;
	s15 =	sld [smem:$0x794]  }
0x534: {  	[hbm4b:s13+s5] =	stream.strided.scatter [tilespmem:s7], [sflag:$0x4], $0x1000, s6, s5, $0x38;
	[tilespmem:$0x18020] =	vst v63  }
0x535: {  	s4 =	simm.s32 $0x7020  }
0x536: {  	[hbm4b:s15+s5] =	stream.strided.scatter [tilespmem:s4], [sflag:$0x4], $0x1000, s6, s5, $0x38;
	[tilespmem:$0x18020] =	vst v63  }
0x537: {  	_ =	swait.ge [sflag:s26], $0x8000  }
0x538: {  	s7 =	sld [smem:$0x706];
	_ =	sdelay $0x1  }
0x539: {  	[sflag:s26] =	ssyncset.done $0x0  }
0x53a: {  	[sflag:s26] =	ssyncadd.s32 $0xFFFF8000;
	s19 =	sadd.s32 s23, s7  }
0x53b: {  	[tilespmem:s9], [sflag:$0x3] =	stream.linear.gather [hbm4b:s19+s0], $0x8000, $0x38;
	[tilespmem:$0x18020] =	vst v63  }
0x53c: {  	_ =	swait.ge [sflag:s28], $0x8000  }
0x53d: {  	[sflag:s28] =	ssyncset.done $0x0;
	s24 =	rddreg [dreg:$0x13]  }
0x53e: {  	s13 =	sld [smem:$0x796];
	[sflag:s28] =	ssyncadd.s32 $0xFFFF8000  }
0x53f: {  	[hbm4b:s24+s5] =	stream.strided.scatter [tilespmem:s22], [sflag:$0x5], $0x1000, s6, s5, $0x38;
	[tilespmem:$0x18020] =	vst v63  }
0x540: {  	s3 =	simm.s32 $0x9020;
	s19 =	sld [smem:$0x797]  }
0x541: {  	[hbm4b:s13+s5] =	stream.strided.scatter [tilespmem:s3], [sflag:$0x5], $0x1000, s6, s5, $0x38;
	[tilespmem:$0x18020] =	vst v63  }
0x542: {  	s15 =	simm.s32 $0xA020  }
0x543: {  	[hbm4b:s19+s5] =	stream.strided.scatter [tilespmem:s15], [sflag:$0x5], $0x1000, s6, s5, $0x38;
	[tilespmem:$0x18020] =	vst v63  }
0x544: {  	s15 =	sld [smem:$0x798];
	_ =	sdelay $0x1  }
0x545: {  	s13 =	simm.s32 $0xB020;
	s19 =	sld [smem:$0x799]  }
0x546: {  	[hbm4b:s15+s5] =	stream.strided.scatter [tilespmem:s13], [sflag:$0x5], $0x1000, s6, s5, $0x38;
	[tilespmem:$0x18020] =	vst v63  }
0x547: {  	s14 =	simm.s32 $0xC020;
	s3 =	sld [smem:$0x79A]  }
0x548: {  	[hbm4b:s19+s5] =	stream.strided.scatter [tilespmem:s14], [sflag:$0x5], $0x1000, s6, s5, $0x38;
	[tilespmem:$0x18020] =	vst v63  }
0x549: {  	s14 =	sld [smem:$0x79B]  }
0x54a: {  	[hbm4b:s3+s5] =	stream.strided.scatter [tilespmem:s31], [sflag:$0x5], $0x1000, s6, s5, $0x38;
	[tilespmem:$0x18020] =	vst v63  }
0x54b: {  	s13 =	simm.s32 $0xE020;
	s15 =	sld [smem:$0x79C]  }
0x54c: {  	[hbm4b:s14+s5] =	stream.strided.scatter [tilespmem:s13], [sflag:$0x5], $0x1000, s6, s5, $0x38;
	[tilespmem:$0x18020] =	vst v63  }
0x54d: {  	s19 =	simm.s32 $0xF020  }
0x54e: {  	[hbm4b:s15+s5] =	stream.strided.scatter [tilespmem:s19], [sflag:$0x5], $0x1000, s6, s5, $0x38;
	[tilespmem:$0x18020] =	vst v63  }
0x54f: {  	_ =	swait.ge [sflag:s16], $0x8000  }
0x550: {  	[sflag:s16] =	ssyncset.done $0x0  }
0x551: {  	s13 =	sadd.s32 s7, s21;
	[sflag:s16] =	ssyncadd.s32 $0xFFFF8000  }
0x552: {  	[tilespmem:s17], [sflag:$0x1] =	stream.linear.gather [hbm4b:s13+s0], $0x8000, $0x38;
	[tilespmem:$0x18020] =	vst v63  }
0x553: {  	_ =	swait.ge [sflag:s29], $0x8000  }
0x554: {  	[sflag:s29] =	ssyncset.done $0x0;
	s14 =	rddreg [dreg:$0x12]  }
0x555: {  	s15 =	sld [smem:$0x79D];
	[sflag:s29] =	ssyncadd.s32 $0xFFFF8000  }
0x556: {  	[hbm4b:s14+s5] =	stream.strided.scatter [tilespmem:s9], [sflag:$0x6], $0x1000, s6, s5, $0x38;
	[tilespmem:$0x18020] =	vst v63  }
0x557: {  	s19 =	simm.s32 $0x11020;
	s3 =	sld [smem:$0x79E]  }
0x558: {  	[hbm4b:s15+s5] =	stream.strided.scatter [tilespmem:s19], [sflag:$0x6], $0x1000, s6, s5, $0x38;
	[tilespmem:$0x18020] =	vst v63  }
0x559: {  	s7 =	sld [smem:$0x79F]  }
0x55a: {  	[hbm4b:s3+s5] =	stream.strided.scatter [tilespmem:s11], [sflag:$0x6], $0x1000, s6, s5, $0x38;
	[tilespmem:$0x18020] =	vst v63  }
0x55b: {  	s25 =	simm.s32 $0x13020;
	s11 =	sld [smem:$0x7A0]  }
0x55c: {  	[hbm4b:s7+s5] =	stream.strided.scatter [tilespmem:s25], [sflag:$0x6], $0x1000, s6, s5, $0x38;
	[tilespmem:$0x18020] =	vst v63  }
0x55d: {  	s13 =	sld [smem:$0x7A1]  }
0x55e: {  	[hbm4b:s11+s5] =	stream.strided.scatter [tilespmem:s12], [sflag:$0x6], $0x1000, s6, s5, $0x38;
	[tilespmem:$0x18020] =	vst v63  }
0x55f: {  	s14 =	sld [smem:$0x7A2];
	s7 =	simm.s32 $0x15020  }
0x560: {  	[hbm4b:s13+s5] =	stream.strided.scatter [tilespmem:s7], [sflag:$0x6], $0x1000, s6, s5, $0x38;
	[tilespmem:$0x18020] =	vst v63  }
0x561: {  	s3 =	sld [smem:$0x7A3]  }
0x562: {  	[hbm4b:s14+s5] =	stream.strided.scatter [tilespmem:s10], [sflag:$0x6], $0x1000, s6, s5, $0x38;
	[tilespmem:$0x18020] =	vst v63  }
0x563: {  	_ = 	snop  }
0x564: {  	[hbm4b:s3+s5] =	stream.strided.scatter [tilespmem:s8], [sflag:$0x6], $0x1000, s6, s5, $0x38;
	[tilespmem:$0x18020] =	vst v63  }
0x565: {  	_ =	swait.ge [sflag:s2], $0x8000  }
0x566: {  	s3 =	sld [smem:$0x707];
	_ =	sdelay $0x1  }
0x567: {  	[sflag:s2] =	ssyncset.done $0x0  }
0x568: {  	[sflag:s2] =	ssyncadd.s32 $0xFFFF8000;
	s10 =	sadd.s32 s23, s3  }
0x569: {  	[tilespmem:s22], [sflag:$0x2] =	stream.linear.gather [hbm4b:s10+s0], $0x8000, $0x38;
	[tilespmem:$0x18020] =	vst v63  }
0x56a: {  	_ =	swait.ge [sflag:s30], $0x8000  }
0x56b: {  	[sflag:s30] =	ssyncset.done $0x0;
	s11 =	rddreg [dreg:$0x11]  }
0x56c: {  	s13 =	sld [smem:$0x7A5];
	[sflag:s30] =	ssyncadd.s32 $0xFFFF8000  }
0x56d: {  	[hbm4b:s11+s5] =	stream.strided.scatter [tilespmem:s17], [sflag:$0x4], $0x1000, s6, s5, $0x38;
	[tilespmem:$0x18020] =	vst v63  }
0x56e: {  	s20 =	simm.s32 $0x1020  }
0x56f: {  	[hbm4b:s13+s5] =	stream.strided.scatter [tilespmem:s20], [sflag:$0x4], $0x1000, s6, s5, $0x38;
	[tilespmem:$0x18020] =	vst v63  }
0x570: {  	s20 =	sld [smem:$0x7A6];
	_ =	sdelay $0x1  }
0x571: {  	s8 =	sld [smem:$0x7A7];
	s11 =	simm.s32 $0x2020  }
0x572: {  	[hbm4b:s20+s5] =	stream.strided.scatter [tilespmem:s11], [sflag:$0x4], $0x1000, s6, s5, $0x38;
	[tilespmem:$0x18020] =	vst v63  }
0x573: {  	s18 =	simm.s32 $0x3020;
	s13 =	sld [smem:$0x7A8]  }
0x574: {  	[hbm4b:s8+s5] =	stream.strided.scatter [tilespmem:s18], [sflag:$0x4], $0x1000, s6, s5, $0x38;
	[tilespmem:$0x18020] =	vst v63  }
0x575: {  	s20 =	sld [smem:$0x7A9];
	s8 =	simm.s32 $0x4020  }
0x576: {  	[hbm4b:s13+s5] =	stream.strided.scatter [tilespmem:s8], [sflag:$0x4], $0x1000, s6, s5, $0x38;
	[tilespmem:$0x18020] =	vst v63  }
0x577: {  	s4 =	simm.s32 $0x5020;
	s13 =	sld [smem:$0x7AA]  }
0x578: {  	[hbm4b:s20+s5] =	stream.strided.scatter [tilespmem:s4], [sflag:$0x4], $0x1000, s6, s5, $0x38;
	[tilespmem:$0x18020] =	vst v63  }
0x579: {  	s10 =	simm.s32 $0x6020;
	s20 =	sld [smem:$0x7AB]  }
0x57a: {  	[hbm4b:s13+s5] =	stream.strided.scatter [tilespmem:s10], [sflag:$0x4], $0x1000, s6, s5, $0x38;
	[tilespmem:$0x18020] =	vst v63  }
0x57b: {  	s4 =	simm.s32 $0x7020  }
0x57c: {  	[hbm4b:s20+s5] =	stream.strided.scatter [tilespmem:s4], [sflag:$0x4], $0x1000, s6, s5, $0x38;
	[tilespmem:$0x18020] =	vst v63  }
0x57d: {  	_ =	swait.ge [sflag:s26], $0x8000  }
0x57e: {  	[sflag:s26] =	ssyncset.done $0x0  }
0x57f: {  	s10 =	sadd.s32 s3, s21;
	[sflag:s26] =	ssyncadd.s32 $0xFFFF8000  }
0x580: {  	[tilespmem:s9], [sflag:$0x3] =	stream.linear.gather [hbm4b:s10+s0], $0x8000, $0x38;
	[tilespmem:$0x18020] =	vst v63  }
0x581: {  	_ =	swait.ge [sflag:s28], $0x8000  }
0x582: {  	[sflag:s28] =	ssyncset.done $0x0;
	s13 =	rddreg [dreg:$0x10]  }
0x583: {  	s14 =	simm.s32 $0x8020;
	s20 =	sld [smem:$0x7AC];
	[sflag:s28] =	ssyncadd.s32 $0xFFFF8000  }
0x584: {  	[hbm4b:s13+s5] =	stream.strided.scatter [tilespmem:s14], [sflag:$0x5], $0x1000, s6, s5, $0x38;
	[tilespmem:$0x18020] =	vst v63  }
0x585: {  	s24 =	simm.s32 $0x9020;
	s9 =	sld [smem:$0x7AD]  }
0x586: {  	[hbm4b:s20+s5] =	stream.strided.scatter [tilespmem:s24], [sflag:$0x5], $0x1000, s6, s5, $0x38;
	[tilespmem:$0x18020] =	vst v63  }
0x587: {  	s3 =	simm.s32 $0xA020;
	s13 =	sld [smem:$0x7AE]  }
0x588: {  	[hbm4b:s9+s5] =	stream.strided.scatter [tilespmem:s3], [sflag:$0x5], $0x1000, s6, s5, $0x38;
	[tilespmem:$0x18020] =	vst v63  }
0x589: {  	s10 =	simm.s32 $0xB020;
	s20 =	sld [smem:$0x7AF]  }
0x58a: {  	[hbm4b:s13+s5] =	stream.strided.scatter [tilespmem:s10], [sflag:$0x5], $0x1000, s6, s5, $0x38;
	[tilespmem:$0x18020] =	vst v63  }
0x58b: {  	s24 =	simm.s32 $0xC020;
	s9 =	sld [smem:$0x7B0]  }
0x58c: {  	[hbm4b:s20+s5] =	stream.strided.scatter [tilespmem:s24], [sflag:$0x5], $0x1000, s6, s5, $0x38;
	[tilespmem:$0x18020] =	vst v63  }
0x58d: {  	s13 =	sld [smem:$0x7B1]  }
0x58e: {  	[hbm4b:s9+s5] =	stream.strided.scatter [tilespmem:s31], [sflag:$0x5], $0x1000, s6, s5, $0x38;
	[tilespmem:$0x18020] =	vst v63  }
0x58f: {  	s10 =	simm.s32 $0xE020;
	s20 =	sld [smem:$0x7B2]  }
0x590: {  	[hbm4b:s13+s5] =	stream.strided.scatter [tilespmem:s10], [sflag:$0x5], $0x1000, s6, s5, $0x38;
	[tilespmem:$0x18020] =	vst v63  }
0x591: {  	s24 =	simm.s32 $0xF020  }
0x592: {  	[hbm4b:s20+s5] =	stream.strided.scatter [tilespmem:s24], [sflag:$0x5], $0x1000, s6, s5, $0x38;
	[tilespmem:$0x18020] =	vst v63  }
0x593: {  	_ =	swait.ge [sflag:s16], $0x8000  }
0x594: {  	s3 =	sld [smem:$0x708];
	_ =	sdelay $0x1  }
0x595: {  	[sflag:s16] =	ssyncset.done $0x0  }
0x596: {  	[sflag:s16] =	ssyncadd.s32 $0xFFFF8000;
	s9 =	sadd.s32 s23, s3  }
0x597: {  	[tilespmem:s17], [sflag:$0x1] =	stream.linear.gather [hbm4b:s9+s0], $0x8000, $0x38;
	[tilespmem:$0x18020] =	vst v63  }
0x598: {  	_ =	swait.ge [sflag:s29], $0x8000  }
0x599: {  	[sflag:s29] =	ssyncset.done $0x0;
	s10 =	rddreg [dreg:$0xf]  }
0x59a: {  	s13 =	simm.s32 $0x10020;
	s20 =	sld [smem:$0x7B4];
	[sflag:s29] =	ssyncadd.s32 $0xFFFF8000  }
0x59b: {  	[hbm4b:s10+s5] =	stream.strided.scatter [tilespmem:s13], [sflag:$0x6], $0x1000, s6, s5, $0x38;
	[tilespmem:$0x18020] =	vst v63  }
0x59c: {  	s24 =	sld [smem:$0x7B5]  }
0x59d: {  	[hbm4b:s20+s5] =	stream.strided.scatter [tilespmem:s19], [sflag:$0x6], $0x1000, s6, s5, $0x38;
	[tilespmem:$0x18020] =	vst v63  }
0x59e: {  	s15 =	simm.s32 $0x12020;
	s9 =	sld [smem:$0x7B6]  }
0x59f: {  	[hbm4b:s24+s5] =	stream.strided.scatter [tilespmem:s15], [sflag:$0x6], $0x1000, s6, s5, $0x38;
	[tilespmem:$0x18020] =	vst v63  }
0x5a0: {  	s10 =	sld [smem:$0x7B7];
	s20 =	simm.s32 $0x13020  }
0x5a1: {  	[hbm4b:s9+s5] =	stream.strided.scatter [tilespmem:s20], [sflag:$0x6], $0x1000, s6, s5, $0x38;
	[tilespmem:$0x18020] =	vst v63  }
0x5a2: {  	s25 =	simm.s32 $0x14020;
	s15 =	sld [smem:$0x7B8]  }
0x5a3: {  	[hbm4b:s10+s5] =	stream.strided.scatter [tilespmem:s25], [sflag:$0x6], $0x1000, s6, s5, $0x38;
	[tilespmem:$0x18020] =	vst v63  }
0x5a4: {  	s19 =	sld [smem:$0x7B9]  }
0x5a5: {  	[hbm4b:s15+s5] =	stream.strided.scatter [tilespmem:s7], [sflag:$0x6], $0x1000, s6, s5, $0x38;
	[tilespmem:$0x18020] =	vst v63  }
0x5a6: {  	s24 =	sld [smem:$0x7BA];
	s10 =	simm.s32 $0x16020  }
0x5a7: {  	[hbm4b:s19+s5] =	stream.strided.scatter [tilespmem:s10], [sflag:$0x6], $0x1000, s6, s5, $0x38;
	[tilespmem:$0x18020] =	vst v63  }
0x5a8: {  	s12 =	simm.s32 $0x17020  }
0x5a9: {  	[hbm4b:s24+s5] =	stream.strided.scatter [tilespmem:s12], [sflag:$0x6], $0x1000, s6, s5, $0x38;
	[tilespmem:$0x18020] =	vst v63  }
0x5aa: {  	_ =	swait.ge [sflag:s2], $0x8000  }
0x5ab: {  	[sflag:s2] =	ssyncset.done $0x0  }
0x5ac: {  	s7 =	sadd.s32 s3, s21;
	[sflag:s2] =	ssyncadd.s32 $0xFFFF8000  }
0x5ad: {  	[tilespmem:s14], [sflag:$0x2] =	stream.linear.gather [hbm4b:s7+s0], $0x8000, $0x38;
	[tilespmem:$0x18020] =	vst v63  }
0x5ae: {  	_ =	swait.ge [sflag:s30], $0x8000  }
0x5af: {  	[sflag:s30] =	ssyncset.done $0x0;
	s9 =	rddreg [dreg:$0xe]  }
0x5b0: {  	s12 =	sld [smem:$0x7BB];
	[sflag:s30] =	ssyncadd.s32 $0xFFFF8000  }
0x5b1: {  	[hbm4b:s9+s5] =	stream.strided.scatter [tilespmem:s17], [sflag:$0x4], $0x1000, s6, s5, $0x38;
	[tilespmem:$0x18020] =	vst v63  }
0x5b2: {  	s22 =	simm.s32 $0x1020;
	s15 =	sld [smem:$0x7BC]  }
0x5b3: {  	[hbm4b:s12+s5] =	stream.strided.scatter [tilespmem:s22], [sflag:$0x4], $0x1000, s6, s5, $0x38;
	[tilespmem:$0x18020] =	vst v63  }
0x5b4: {  	s19 =	sld [smem:$0x7BD]  }
0x5b5: {  	[hbm4b:s15+s5] =	stream.strided.scatter [tilespmem:s11], [sflag:$0x4], $0x1000, s6, s5, $0x38;
	[tilespmem:$0x18020] =	vst v63  }
0x5b6: {  	s18 =	simm.s32 $0x3020;
	s24 =	sld [smem:$0x7BE]  }
0x5b7: {  	[hbm4b:s19+s5] =	stream.strided.scatter [tilespmem:s18], [sflag:$0x4], $0x1000, s6, s5, $0x38;
	[tilespmem:$0x18020] =	vst v63  }
0x5b8: {  	s3 =	sld [smem:$0x7BF]  }
0x5b9: {  	[hbm4b:s24+s5] =	stream.strided.scatter [tilespmem:s8], [sflag:$0x4], $0x1000, s6, s5, $0x38;
	[tilespmem:$0x18020] =	vst v63  }
0x5ba: {  	s7 =	sld [smem:$0x7C0];
	s18 =	simm.s32 $0x5020  }
0x5bb: {  	[hbm4b:s3+s5] =	stream.strided.scatter [tilespmem:s18], [sflag:$0x4], $0x1000, s6, s5, $0x38;
	[tilespmem:$0x18020] =	vst v63  }
0x5bc: {  	s24 =	simm.s32 $0x6020;
	s8 =	sld [smem:$0x7C1]  }
0x5bd: {  	[hbm4b:s7+s5] =	stream.strided.scatter [tilespmem:s24], [sflag:$0x4], $0x1000, s6, s5, $0x38;
	[tilespmem:$0x18020] =	vst v63  }
0x5be: {  	_ = 	snop  }
0x5bf: {  	[hbm4b:s8+s5] =	stream.strided.scatter [tilespmem:s4], [sflag:$0x4], $0x1000, s6, s5, $0x38;
	[tilespmem:$0x18020] =	vst v63  }
0x5c0: {  	_ =	swait.ge [sflag:s26], $0x8000  }
0x5c1: {  	s7 =	sld [smem:$0x709];
	_ =	sdelay $0x1  }
0x5c2: {  	[sflag:s26] =	ssyncset.done $0x0  }
0x5c3: {  	[sflag:s26] =	ssyncadd.s32 $0xFFFF8000;
	s9 =	sadd.s32 s23, s7  }
0x5c4: {  	[tilespmem:s13], [sflag:$0x3] =	stream.linear.gather [hbm4b:s9+s0], $0x8000, $0x38;
	[tilespmem:$0x18020] =	vst v63  }
0x5c5: {  	_ =	swait.ge [sflag:s28], $0x8000  }
0x5c6: {  	[sflag:s28] =	ssyncset.done $0x0;
	s11 =	rddreg [dreg:$0xd]  }
0x5c7: {  	s12 =	sld [smem:$0x7C3];
	[sflag:s28] =	ssyncadd.s32 $0xFFFF8000  }
0x5c8: {  	[hbm4b:s11+s5] =	stream.strided.scatter [tilespmem:s14], [sflag:$0x5], $0x1000, s6, s5, $0x38;
	[tilespmem:$0x18020] =	vst v63  }
0x5c9: {  	s4 =	simm.s32 $0x9020;
	s8 =	sld [smem:$0x7C4]  }
0x5ca: {  	[hbm4b:s12+s5] =	stream.strided.scatter [tilespmem:s4], [sflag:$0x5], $0x1000, s6, s5, $0x38;
	[tilespmem:$0x18020] =	vst v63  }
0x5cb: {  	s3 =	simm.s32 $0xA020;
	s11 =	sld [smem:$0x7C5]  }
0x5cc: {  	[hbm4b:s8+s5] =	stream.strided.scatter [tilespmem:s3], [sflag:$0x5], $0x1000, s6, s5, $0x38;
	[tilespmem:$0x18020] =	vst v63  }
0x5cd: {  	s9 =	simm.s32 $0xB020;
	s12 =	sld [smem:$0x7C6]  }
0x5ce: {  	[hbm4b:s11+s5] =	stream.strided.scatter [tilespmem:s9], [sflag:$0x5], $0x1000, s6, s5, $0x38;
	[tilespmem:$0x18020] =	vst v63  }
0x5cf: {  	s3 =	sld [smem:$0x7C7];
	s9 =	simm.s32 $0xC020  }
0x5d0: {  	[hbm4b:s12+s5] =	stream.strided.scatter [tilespmem:s9], [sflag:$0x5], $0x1000, s6, s5, $0x38;
	[tilespmem:$0x18020] =	vst v63  }
0x5d1: {  	s11 =	sld [smem:$0x7C8]  }
0x5d2: {  	[hbm4b:s3+s5] =	stream.strided.scatter [tilespmem:s31], [sflag:$0x5], $0x1000, s6, s5, $0x38;
	[tilespmem:$0x18020] =	vst v63  }
0x5d3: {  	s8 =	simm.s32 $0xE020;
	s12 =	sld [smem:$0x7C9]  }
0x5d4: {  	[hbm4b:s11+s5] =	stream.strided.scatter [tilespmem:s8], [sflag:$0x5], $0x1000, s6, s5, $0x38;
	[tilespmem:$0x18020] =	vst v63  }
0x5d5: {  	s8 =	simm.s32 $0xF020  }
0x5d6: {  	[hbm4b:s12+s5] =	stream.strided.scatter [tilespmem:s8], [sflag:$0x5], $0x1000, s6, s5, $0x38;
	[tilespmem:$0x18020] =	vst v63  }
0x5d7: {  	_ =	swait.ge [sflag:s16], $0x8000  }
0x5d8: {  	[sflag:s16] =	ssyncset.done $0x0  }
0x5d9: {  	s1 =	sadd.s32 s7, s21;
	[sflag:s16] =	ssyncadd.s32 $0xFFFF8000  }
0x5da: {  	[tilespmem:s17], [sflag:$0x1] =	stream.linear.gather [hbm4b:s1+s0], $0x8000, $0x38;
	[tilespmem:$0x18020] =	vst v63  }
0x5db: {  	_ =	swait.ge [sflag:s29], $0x8000  }
0x5dc: {  	[sflag:s29] =	ssyncset.done $0x0;
	s3 =	rddreg [dreg:$0xc]  }
0x5dd: {  	s7 =	sld [smem:$0x7CA];
	[sflag:s29] =	ssyncadd.s32 $0xFFFF8000  }
0x5de: {  	[hbm4b:s3+s5] =	stream.strided.scatter [tilespmem:s13], [sflag:$0x6], $0x1000, s6, s5, $0x38;
	[tilespmem:$0x18020] =	vst v63  }
0x5df: {  	s11 =	simm.s32 $0x11020;
	s12 =	sld [smem:$0x7CB]  }
0x5e0: {  	[hbm4b:s7+s5] =	stream.strided.scatter [tilespmem:s11], [sflag:$0x6], $0x1000, s6, s5, $0x38;
	[tilespmem:$0x18020] =	vst v63  }
0x5e1: {  	s3 =	sld [smem:$0x7CC];
	s7 =	simm.s32 $0x12020  }
0x5e2: {  	[hbm4b:s12+s5] =	stream.strided.scatter [tilespmem:s7], [sflag:$0x6], $0x1000, s6, s5, $0x38;
	[tilespmem:$0x18020] =	vst v63  }
0x5e3: {  	s11 =	sld [smem:$0x7CD]  }
0x5e4: {  	[hbm4b:s3+s5] =	stream.strided.scatter [tilespmem:s20], [sflag:$0x6], $0x1000, s6, s5, $0x38;
	[tilespmem:$0x18020] =	vst v63  }
0x5e5: {  	s12 =	simm.s32 $0x14020;
	s3 =	sld [smem:$0x7CE]  }
0x5e6: {  	[hbm4b:s11+s5] =	stream.strided.scatter [tilespmem:s12], [sflag:$0x6], $0x1000, s6, s5, $0x38;
	[tilespmem:$0x18020] =	vst v63  }
0x5e7: {  	s25 =	simm.s32 $0x15020;
	s11 =	sld [smem:$0x7CF]  }
0x5e8: {  	[hbm4b:s3+s5] =	stream.strided.scatter [tilespmem:s25], [sflag:$0x6], $0x1000, s6, s5, $0x38;
	[tilespmem:$0x18020] =	vst v63  }
0x5e9: {  	s12 =	sld [smem:$0x7D0]  }
0x5ea: {  	[hbm4b:s11+s5] =	stream.strided.scatter [tilespmem:s10], [sflag:$0x6], $0x1000, s6, s5, $0x38;
	[tilespmem:$0x18020] =	vst v63  }
0x5eb: {  	s25 =	simm.s32 $0x17020  }
0x5ec: {  	[hbm4b:s12+s5] =	stream.strided.scatter [tilespmem:s25], [sflag:$0x6], $0x1000, s6, s5, $0x38;
	[tilespmem:$0x18020] =	vst v63  }
0x5ed: {  	_ =	swait.ge [sflag:s2], $0x8000  }
0x5ee: {  	s3 =	sld [smem:$0x70A];
	_ =	sdelay $0x1  }
0x5ef: {  	[sflag:s2] =	ssyncset.done $0x0  }
0x5f0: {  	[sflag:s2] =	ssyncadd.s32 $0xFFFF8000;
	s1 =	sadd.s32 s23, s3  }
0x5f1: {  	[tilespmem:s14], [sflag:$0x2] =	stream.linear.gather [hbm4b:s1+s0], $0x8000, $0x38;
	[tilespmem:$0x18020] =	vst v63  }
0x5f2: {  	_ =	swait.ge [sflag:s30], $0x8000  }
0x5f3: {  	[sflag:s30] =	ssyncset.done $0x0;
	s2 =	rddreg [dreg:$0xa]  }
0x5f4: {  	s11 =	sld [smem:$0x7D2];
	[sflag:s30] =	ssyncadd.s32 $0xFFFF8000  }
0x5f5: {  	[hbm4b:s2+s5] =	stream.strided.scatter [tilespmem:s17], [sflag:$0x4], $0x1000, s6, s5, $0x38;
	[tilespmem:$0x18020] =	vst v63  }
0x5f6: {  	s12 =	simm.s32 $0x1020;
	s25 =	sld [smem:$0x7D3]  }
0x5f7: {  	[hbm4b:s11+s5] =	stream.strided.scatter [tilespmem:s12], [sflag:$0x4], $0x1000, s6, s5, $0x38;
	[tilespmem:$0x18020] =	vst v63  }
0x5f8: {  	s22 =	simm.s32 $0x2020;
	s2 =	sld [smem:$0x7D4]  }
0x5f9: {  	[hbm4b:s25+s5] =	stream.strided.scatter [tilespmem:s22], [sflag:$0x4], $0x1000, s6, s5, $0x38;
	[tilespmem:$0x18020] =	vst v63  }
0x5fa: {  	s11 =	simm.s32 $0x3020;
	s12 =	sld [smem:$0x7D5]  }
0x5fb: {  	[hbm4b:s2+s5] =	stream.strided.scatter [tilespmem:s11], [sflag:$0x4], $0x1000, s6, s5, $0x38;
	[tilespmem:$0x18020] =	vst v63  }
0x5fc: {  	s15 =	simm.s32 $0x4020  }
0x5fd: {  	[hbm4b:s12+s5] =	stream.strided.scatter [tilespmem:s15], [sflag:$0x4], $0x1000, s6, s5, $0x38;
	[tilespmem:$0x18020] =	vst v63  }
0x5fe: {  	s15 =	sld [smem:$0x7D6];
	_ =	sdelay $0x2  }
0x5ff: {  	[hbm4b:s15+s5] =	stream.strided.scatter [tilespmem:s18], [sflag:$0x4], $0x1000, s6, s5, $0x38;
	[tilespmem:$0x18020] =	vst v63  }
0x600: {  	s18 =	sld [smem:$0x7D7];
	_ =	sdelay $0x2  }
0x601: {  	[hbm4b:s18+s5] =	stream.strided.scatter [tilespmem:s24], [sflag:$0x4], $0x1000, s6, s5, $0x38;
	[tilespmem:$0x18020] =	vst v63  }
0x602: {  	s24 =	sld [smem:$0x7D8];
	_ =	sdelay $0x1  }
0x603: {  	s19 =	simm.s32 $0x7020  }
0x604: {  	[hbm4b:s24+s5] =	stream.strided.scatter [tilespmem:s19], [sflag:$0x4], $0x1000, s6, s5, $0x38;
	[tilespmem:$0x18020] =	vst v63  }
0x605: {  	_ =	swait.ge [sflag:s26], $0x8000  }
0x606: {  	[sflag:s26] =	ssyncset.done $0x0  }
0x607: {  	s1 =	sadd.s32 s3, s21;
	[sflag:s26] =	ssyncadd.s32 $0xFFFF8000  }
0x608: {  	[tilespmem:s13], [sflag:$0x3] =	stream.linear.gather [hbm4b:s1+s0], $0x8000, $0x38;
	[tilespmem:$0x18020] =	vst v63  }
0x609: {  	_ =	swait.ge [sflag:s28], $0x8000  }
0x60a: {  	[sflag:s28] =	ssyncset.done $0x0;
	s2 =	rddreg [dreg:$0x8]  }
0x60b: {  	s3 =	sld [smem:$0x7D9];
	[sflag:s28] =	ssyncadd.s32 $0xFFFF8000  }
0x60c: {  	[hbm4b:s2+s5] =	stream.strided.scatter [tilespmem:s14], [sflag:$0x5], $0x1000, s6, s5, $0x38;
	[tilespmem:$0x18020] =	vst v63  }
0x60d: {  	s11 =	sld [smem:$0x7DA]  }
0x60e: {  	[hbm4b:s3+s5] =	stream.strided.scatter [tilespmem:s4], [sflag:$0x5], $0x1000, s6, s5, $0x38;
	[tilespmem:$0x18020] =	vst v63  }
0x60f: {  	s19 =	sld [smem:$0x7DB];
	s4 =	simm.s32 $0xA020  }
0x610: {  	[hbm4b:s11+s5] =	stream.strided.scatter [tilespmem:s4], [sflag:$0x5], $0x1000, s6, s5, $0x38;
	[tilespmem:$0x18020] =	vst v63  }
0x611: {  	s12 =	simm.s32 $0xB020;
	s2 =	sld [smem:$0x7DC]  }
0x612: {  	[hbm4b:s19+s5] =	stream.strided.scatter [tilespmem:s12], [sflag:$0x5], $0x1000, s6, s5, $0x38;
	[tilespmem:$0x18020] =	vst v63  }
0x613: {  	s3 =	sld [smem:$0x7DD]  }
0x614: {  	[hbm4b:s2+s5] =	stream.strided.scatter [tilespmem:s9], [sflag:$0x5], $0x1000, s6, s5, $0x38;
	[tilespmem:$0x18020] =	vst v63  }
0x615: {  	s11 =	sld [smem:$0x7DE]  }
0x616: {  	[hbm4b:s3+s5] =	stream.strided.scatter [tilespmem:s31], [sflag:$0x5], $0x1000, s6, s5, $0x38;
	[tilespmem:$0x18020] =	vst v63  }
0x617: {  	s12 =	sld [smem:$0x7DF];
	s9 =	simm.s32 $0xE020  }
0x618: {  	[hbm4b:s11+s5] =	stream.strided.scatter [tilespmem:s9], [sflag:$0x5], $0x1000, s6, s5, $0x38;
	[tilespmem:$0x18020] =	vst v63  }
0x619: {  	_ = 	snop  }
0x61a: {  	[hbm4b:s12+s5] =	stream.strided.scatter [tilespmem:s8], [sflag:$0x5], $0x1000, s6, s5, $0x38;
	[tilespmem:$0x18020] =	vst v63  }
0x61b: {  	_ =	swait.ge [sflag:s16], $0x8000  }
0x61c: {  	s8 =	sld [smem:$0x70B];
	_ =	sdelay $0x1  }
0x61d: {  	[sflag:s16] =	ssyncset.done $0x0  }
0x61e: {  	s30 =	simm.s32 $0x3;
	[sflag:s16] =	ssyncadd.s32 $0xFFFF8000;
	s19 =	sadd.s32 s23, s8  }
0x61f: {  	[tilespmem:s17], [sflag:$0x1] =	stream.linear.gather [hbm4b:s19+s0], $0x8000, $0x38;
	[tilespmem:$0x18020] =	vst v63  }
0x620: {  	_ =	swait.ge [sflag:s30], $0x8000  }
0x621: {  	[sflag:s30] =	ssyncset.done $0x0;
	s0 =	rddreg [dreg:$0x7]  }
0x622: {  	s2 =	sld [smem:$0x7E1];
	[sflag:s30] =	ssyncadd.s32 $0xFFFF8000  }
0x623: {  	[hbm4b:s0+s5] =	stream.strided.scatter [tilespmem:s13], [sflag:$0x6], $0x1000, s6, s5, $0x38;
	[tilespmem:$0x18020] =	vst v63  }
0x624: {  	s29 =	simm.s32 $0x11020;
	s3 =	sld [smem:$0x7E2]  }
0x625: {  	[hbm4b:s2+s5] =	stream.strided.scatter [tilespmem:s29], [sflag:$0x6], $0x1000, s6, s5, $0x38;
	[tilespmem:$0x18020] =	vst v63  }
0x626: {  	_ = 	snop  }
0x627: {  	[hbm4b:s3+s5] =	stream.strided.scatter [tilespmem:s7], [sflag:$0x6], $0x1000, s6, s5, $0x38;
	[tilespmem:$0x18020] =	vst v63  }
0x628: {  	s7 =	sld [smem:$0x7E3];
	_ =	sdelay $0x1  }
0x629: {  	s20 =	simm.s32 $0x13020;
	s19 =	sld [smem:$0x7E4]  }
0x62a: {  	[hbm4b:s7+s5] =	stream.strided.scatter [tilespmem:s20], [sflag:$0x6], $0x1000, s6, s5, $0x38;
	[tilespmem:$0x18020] =	vst v63  }
0x62b: {  	s20 =	simm.s32 $0x14020  }
0x62c: {  	[hbm4b:s19+s5] =	stream.strided.scatter [tilespmem:s20], [sflag:$0x6], $0x1000, s6, s5, $0x38;
	[tilespmem:$0x18020] =	vst v63  }
0x62d: {  	s19 =	sld [smem:$0x7E5];
	_ =	sdelay $0x1  }
0x62e: {  	s3 =	sld [smem:$0x7E6];
	s20 =	simm.s32 $0x15020  }
0x62f: {  	[hbm4b:s19+s5] =	stream.strided.scatter [tilespmem:s20], [sflag:$0x6], $0x1000, s6, s5, $0x38;
	[tilespmem:$0x18020] =	vst v63  }
0x630: {  	s10 =	simm.s32 $0x16020;
	s19 =	sld [smem:$0x7E7]  }
0x631: {  	[hbm4b:s3+s5] =	stream.strided.scatter [tilespmem:s10], [sflag:$0x6], $0x1000, s6, s5, $0x38;
	[tilespmem:$0x18020] =	vst v63  }
0x632: {  	s2 =	simm.s32 $0x5;
	s20 =	simm.s32 $0x17020  }
0x633: {  	[hbm4b:s19+s5] =	stream.strided.scatter [tilespmem:s20], [sflag:$0x6], $0x1000, s6, s5, $0x38;
	[tilespmem:$0x18020] =	vst v63  }
0x634: {  	_ =	swait.ge [sflag:s2], $0x8000  }
0x635: {  	s28 =	simm.s32 $0x1;
	[sflag:s2] =	ssyncset.done $0x0  }
0x636: {  	s8 =	sadd.s32 s8, s21;
	s7 =	simm.s32 $0x0;
	[sflag:s2] =	ssyncadd.s32 $0xFFFF8000  }
0x637: {  	[tilespmem:s14], [sflag:$0x2] =	stream.linear.gather [hbm4b:s8+s7], $0x8000, $0x38;
	[tilespmem:$0x18020] =	vst v63  }
0x638: {  	_ =	swait.ge [sflag:s28], $0x8000  }
0x639: {  	[sflag:s28] =	ssyncset.done $0x0;
	s3 =	rddreg [dreg:$0x6]  }
0x63a: {  	s8 =	sld [smem:$0x7E8];
	[sflag:s28] =	ssyncadd.s32 $0xFFFF8000  }
0x63b: {  	[hbm4b:s3+s5] =	stream.strided.scatter [tilespmem:s17], [sflag:$0x4], $0x1000, s6, s5, $0x38;
	[tilespmem:$0x18020] =	vst v63  }
0x63c: {  	s19 =	simm.s32 $0x1020;
	s3 =	sld [smem:$0x7E9]  }
0x63d: {  	[hbm4b:s8+s5] =	stream.strided.scatter [tilespmem:s19], [sflag:$0x4], $0x1000, s6, s5, $0x38;
	[tilespmem:$0x18020] =	vst v63  }
0x63e: {  	s8 =	simm.s32 $0x2020  }
0x63f: {  	[hbm4b:s3+s5] =	stream.strided.scatter [tilespmem:s8], [sflag:$0x4], $0x1000, s6, s5, $0x38;
	[tilespmem:$0x18020] =	vst v63  }
0x640: {  	s3 =	sld [smem:$0x7EA];
	_ =	sdelay $0x1  }
0x641: {  	s8 =	simm.s32 $0x3020  }
0x642: {  	[hbm4b:s3+s5] =	stream.strided.scatter [tilespmem:s8], [sflag:$0x4], $0x1000, s6, s5, $0x38;
	[tilespmem:$0x18020] =	vst v63  }
0x643: {  	s8 =	sld [smem:$0x7EB];
	_ =	sdelay $0x1  }
0x644: {  	s25 =	simm.s32 $0x4020;
	s3 =	sld [smem:$0x7EC]  }
0x645: {  	[hbm4b:s8+s5] =	stream.strided.scatter [tilespmem:s25], [sflag:$0x4], $0x1000, s6, s5, $0x38;
	[tilespmem:$0x18020] =	vst v63  }
0x646: {  	s22 =	simm.s32 $0x5020;
	s8 =	sld [smem:$0x7ED]  }
0x647: {  	[hbm4b:s3+s5] =	stream.strided.scatter [tilespmem:s22], [sflag:$0x4], $0x1000, s6, s5, $0x38;
	[tilespmem:$0x18020] =	vst v63  }
0x648: {  	s15 =	simm.s32 $0x6020  }
0x649: {  	[hbm4b:s8+s5] =	stream.strided.scatter [tilespmem:s15], [sflag:$0x4], $0x1000, s6, s5, $0x38;
	[tilespmem:$0x18020] =	vst v63  }
0x64a: {  	s15 =	sld [smem:$0x7EE];
	_ =	sdelay $0x1  }
0x64b: {  	s18 =	simm.s32 $0x7020;
	s16 =	simm.s32 $0x2  }
0x64c: {  	[hbm4b:s15+s5] =	stream.strided.scatter [tilespmem:s18], [sflag:$0x4], $0x1000, s6, s5, $0x38;
	[tilespmem:$0x18020] =	vst v63  }
0x64d: {  	_ =	swait.ge [sflag:s16], $0x8000  }
0x64e: {  	[sflag:s16] =	ssyncset.done $0x0;
	s18 =	rddreg [dreg:$0x5]  }
0x64f: {  	s25 =	sld [smem:$0x7EF];
	[sflag:s16] =	ssyncadd.s32 $0xFFFF8000  }
0x650: {  	[hbm4b:s18+s5] =	stream.strided.scatter [tilespmem:s14], [sflag:$0x5], $0x1000, s6, s5, $0x38;
	[tilespmem:$0x18020] =	vst v63  }
0x651: {  	s24 =	simm.s32 $0x9020;
	s3 =	sld [smem:$0x7F0]  }
0x652: {  	[hbm4b:s25+s5] =	stream.strided.scatter [tilespmem:s24], [sflag:$0x5], $0x1000, s6, s5, $0x38;
	[tilespmem:$0x18020] =	vst v63  }
0x653: {  	s11 =	simm.s32 $0xA020;
	s8 =	sld [smem:$0x7F1]  }
0x654: {  	[hbm4b:s3+s5] =	stream.strided.scatter [tilespmem:s11], [sflag:$0x5], $0x1000, s6, s5, $0x38;
	[tilespmem:$0x18020] =	vst v63  }
0x655: {  	s1 =	simm.s32 $0xB020;
	s15 =	sld [smem:$0x7F2]  }
0x656: {  	[hbm4b:s8+s5] =	stream.strided.scatter [tilespmem:s1], [sflag:$0x5], $0x1000, s6, s5, $0x38;
	[tilespmem:$0x18020] =	vst v63  }
0x657: {  	s4 =	simm.s32 $0xC020;
	s18 =	sld [smem:$0x7F3]  }
0x658: {  	[hbm4b:s15+s5] =	stream.strided.scatter [tilespmem:s4], [sflag:$0x5], $0x1000, s6, s5, $0x38;
	[tilespmem:$0x18020] =	vst v63  }
0x659: {  	s24 =	sld [smem:$0x7F4]  }
0x65a: {  	[hbm4b:s18+s5] =	stream.strided.scatter [tilespmem:s31], [sflag:$0x5], $0x1000, s6, s5, $0x38;
	[tilespmem:$0x18020] =	vst v63  }
0x65b: {  	s9 =	simm.s32 $0xE020;
	s25 =	sld [smem:$0x7F5]  }
0x65c: {  	[hbm4b:s24+s5] =	stream.strided.scatter [tilespmem:s9], [sflag:$0x5], $0x1000, s6, s5, $0x38;
	[tilespmem:$0x18020] =	vst v63  }
0x65d: {  	s12 =	simm.s32 $0xF020  }
0x65e: {  	[hbm4b:s25+s5] =	stream.strided.scatter [tilespmem:s12], [sflag:$0x5], $0x1000, s6, s5, $0x38;
	[tilespmem:$0x18020] =	vst v63  }
0x65f: {  	s0 =	sld [smem:$0x70C];
	_ =	swait.ge [sflag:s26], $0x8000  }
0x660: {  	[sflag:s26] =	ssyncset.done $0x0  }
.Ltmp2:
0x661: {  	s10 =	simm.s32 $0x4;
	[sflag:s26] =	ssyncadd.s32 $0xFFFF8000;
	(pc) =	sbr.rel @p1 .LBB2_3-.Ltmp2, $4  }
0x662: {  	_ =	swait.ge [sflag:s10], $0x8000  }
0x663: {  	[sflag:s10] =	ssyncset.done $0x0  }
0x664: {  	s29 =	simm.s32 $0x4020;
	s20 =	simm.s32 $0x1020;
	[sflag:s10] =	ssyncadd.s32 $0xFFFF8000  }
0x665: {  	s19 =	simm.s32 $0x2020;
	s22 =	simm.s32 $0x6020;
	_ =	swait.ge [sflag:s2], $0x8000  }
0x666: {  	s0 =	simm.s32 $0xF020;
	s12 =	simm.s32 $0x7020;
	s24 =	simm.s32 $0x7;
	vm2 =	vcmask $0x308  }
.LBB2_5:
0x667: {  	[sflag:s2] =	ssyncset.done @p0 $0x0  }
0x668: {  	s3 =	rddreg [dreg:$0x2];
	[sflag:s2] =	ssyncadd.s32 @p0 $0xFFFF8000  }
0x669: {  	[tilespmem:s7], [sflag:$0x7] =	stream.linear.gather [hbm4b:s3+s7], $0x10, $0x38;
	[tilespmem:$0x18020] =	vst v63  }
0x66a: {  	_ =	swait.ge [sflag:s24], $0x10  }
0x66b: {  	s4 =	rddreg [dreg:$0x3];
	[sflag:s24] =	ssyncset.done $0x0  }
0x66c: {  	s8 =	rddreg [dreg:$0x4];
	[sflag:s24] =	ssyncadd.s32 $0xFFFFFFF0  }
0x66d: {  	[tilespmem:s8], [sflag:$0x7] =	stream.linear.gather [hbm4b:s4+s7], $0x10, $0x38;
	[tilespmem:$0x18020] =	vst v63  }
0x66e: {  	_ =	swait.ge [sflag:s24], $0x10  }
0x66f: {  	[sflag:s24] =	ssyncset.done $0x0  }
0x670: {  	[sflag:s24] =	ssyncadd.s32 $0xFFFFFFF0  }
0x671: {  	v0 =	vld [tilespmem:$0x10];
	_ =	sdelay $0x4  }
0x672: {  	v0 =	vnsel vm1, $0x0, v0  }
0x673: {  	(xrf0) =	vadd.scan.msk.s32 $0xffff, v0;
	_ =	sdelay $0x3  }
0x674: {  	v39 =	vld [tilespmem:$0x0];
	_ =	sdelay $0x1  }
0x675: {  	v1, _, _ =	vpop (xrf0)  }
0x676: {  	v1 =	vbroadcast v1, $0xF;
	_ =	sdelay $0x1  }
0x677: {  	v0 =	vsub.s32 v1, v39  }
0x678: {  	v1 =	vnsel vm12, $0x0, v0  }
0x679: {  	(xrf0) =	vadd.scan.msk.s32 $0xffff, v1;
	_ =	sdelay $0x5  }
0x67a: {  	v2, _, _ =	vpop (xrf0)  }
0x67b: {  	v40 =	vsel vm2, $0x0, v0;
	(v2sf) =	vpush v2, $0xF  }
0x67c: {  	v3 =	vsel vm15, $0x0, v0;
	(xrf0) =	vadd.scan.msk.s32 $0xffff, v40  }
0x67d: {  	v41 =	vsel vm11, $0x0, v0;
	(xrf0) =	vadd.scan.msk.s32 $0xffff, v3  }
0x67e: {  	(xrf0) =	vadd.scan.msk.s32 $0xffff, v41;
	_ =	sdelay $0x2  }
0x67f: {  	v42 =	vsel vm14, $0x0, v0  }
0x680: {  	v44 =	vsel vm13, $0x0, v0;
	(xrf0) =	vadd.scan.msk.s32 $0xffff, v42;
	v43, _, _ =	vpop (xrf0)  }
0x681: {  	v46 =	vsel vm9, $0x0, v0;
	(v2sf) =	vpush v43, $0xF;
	v45, _, _ =	vpop (xrf0);
	(xrf0) =	vadd.scan.msk.s32 $0xffff, v44  }
0x682: {  	v48 =	vsel vm10, $0x0, v0;
	(v2sf) =	vpush v45, $0xF;
	v47, _, _ =	vpop (xrf0);
	(xrf0) =	vadd.scan.msk.s32 $0xffff, v46  }
0x683: {  	v49 =	vsel vm6, $0x0, v0;
	(v2sf) =	vpush v47, $0xF;
	(xrf0) =	vadd.scan.msk.s32 $0xffff, v48  }
0x684: {  	v50 =	vsel vm4, $0x0, v0;
	(xrf0) =	vadd.scan.msk.s32 $0xffff, v49  }
0x685: {  	v51 =	vsel vm8, $0x0, v0;
	(xrf0) =	vadd.scan.msk.s32 $0xffff, v50  }
0x686: {  	v52 =	vsel vm7, $0x0, v0;
	v53, _, _ =	vpop (xrf0);
	(xrf0) =	vadd.scan.msk.s32 $0xffff, v51  }
0x687: {  	v54 =	vsel vm3, $0x0, v0;
	v4, _, _ =	vpop (xrf0);
	(xrf0) =	vadd.scan.msk.s32 $0xffff, v52  }
0x688: {  	v55 =	vsel vm5, $0x0, v0;
	vm15 =	vcmask $0x373C;
	v5, _, _ =	vpop (xrf0);
	(xrf0) =	vadd.scan.msk.s32 $0xffff, v54;
	s8 =	spop (v2sf)  }
0x689: {  	v56 =	vsel vm15, $0x0, v0;
	v6, _, _ =	vpop (xrf0);
	(xrf0) =	vadd.scan.msk.s32 $0xffff, v55;
	s3 =	sshll.u32 s8, $0xD  }
0x68a: {  	v0 =	vsel vm0, $0x0, v0;
	v57, _, _ =	vpop (xrf0);
	(xrf0) =	vadd.scan.msk.s32 $0xffff, v56;
	(v2sf) =	vpush v53, $0xF;
	s3 =	sand.u32 $0x1FFFE000, s3  }
0x68b: {  	v58, _, _ =	vpop (xrf0);
	(xrf0) =	vadd.scan.msk.s32 $0xffff, v0;
	(v2sf) =	vpush v4, $0xF;
	s15 =	sadd.s32 s23, s3  }
0x68c: {  	v59, _, _ =	vpop (xrf0);
	(v2sf) =	vpush v5, $0xF;
	[tilespmem:s17], [sflag:$0x1] =	stream.linear.gather [hbm4b:s15+s7], $0x8000, $0x38;
	[tilespmem:$0x18020] =	vst v63  }
0x68d: {  	v3, _, _ =	vpop (xrf0)  }
0x68e: {  	s3 =	sadd.s32 s3, s21;
	(v2sf) =	vpush v6, $0xF  }
0x68f: {  	[tilespmem:s14], [sflag:$0x2] =	stream.linear.gather [hbm4b:s3+s7], $0x8000, $0x38;
	v60, _, _ =	vpop (xrf0);
	(v2sf) =	vpush v57, $0xF;
	[tilespmem:$0x18020] =	vst v63  }
0x690: {  	s3 =	spop (v2sf);
	v61, _, _ =	vpop (xrf0);
	(v2sf) =	vpush v58, $0xF  }
0x691: {  	s24 =	spop (v2sf);
	v62, _, _ =	vpop (xrf0);
	(v2sf) =	vpush v59, $0xF  }
0x692: {  	s7 =	smov.u32 s23;
	s23 =	spop (v2sf);
	v63, _, _ =	vpop (xrf0);
	(v2sf) =	vpush v3, $0xF  }
0x693: {  	_ =	swait.ge [sflag:s28], $0x8000  }
0x694: {  	s14 =	sld [smem:$0x7F8]  }
0x695: {  	[sflag:s28] =	ssyncset.done $0x0  }
0x696: {  	[sflag:s28] =	ssyncadd.s32 $0xFFFF8000  }
0x697: {  	[hbm4b:s14+s5] =	stream.strided.scatter [tilespmem:s17], [sflag:$0x4], $0x1000, s6, s5, $0x38;
	[tilespmem:$0x18020] =	vst v63  }
0x698: {  	s17 =	sadd.s32 $0x20000, s14  }
0x699: {  	[hbm4b:s17+s5] =	stream.strided.scatter [tilespmem:s20], [sflag:$0x4], $0x1000, s6, s5, $0x38;
	[tilespmem:$0x18020] =	vst v63  }
0x69a: {  	s18 =	sadd.s32 $0x40000, s14  }
0x69b: {  	[hbm4b:s18+s5] =	stream.strided.scatter [tilespmem:s19], [sflag:$0x4], $0x1000, s6, s5, $0x38;
	[tilespmem:$0x18020] =	vst v63  }
0x69c: {  	s4 =	simm.s32 $0x3020;
	s20 =	sadd.s32 $0x60000, s14  }
0x69d: {  	[hbm4b:s20+s5] =	stream.strided.scatter [tilespmem:s4], [sflag:$0x4], $0x1000, s6, s5, $0x38;
	[tilespmem:$0x18020] =	vst v63  }
0x69e: {  	s25 =	sadd.s32 $0x80000, s14  }
0x69f: {  	(v2sf) =	vpush v60, $0xF;
	[hbm4b:s25+s5] =	stream.strided.scatter [tilespmem:s29], [sflag:$0x4], $0x1000, s6, s5, $0x38;
	[tilespmem:$0x18020] =	vst v63  }
0x6a0: {  	s28 =	sadd.s32 $0xA0000, s14;
	s29 =	simm.s32 $0x5020  }
0x6a1: {  	[hbm4b:s28+s5] =	stream.strided.scatter [tilespmem:s29], [sflag:$0x4], $0x1000, s6, s5, $0x38;
	[tilespmem:$0x18020] =	vst v63  }
0x6a2: {  	s15 =	sadd.s32 $0xC0000, s14  }
0x6a3: {  	[hbm4b:s15+s5] =	stream.strided.scatter [tilespmem:s22], [sflag:$0x4], $0x1000, s6, s5, $0x38;
	[tilespmem:$0x18020] =	vst v63  }
0x6a4: {  	s26 =	simm.s32 $0x0;
	s22 =	smov.u32 s21;
	s21 =	spop (v2sf)  }
0x6a5: {  	s3 =	sshll.u32 s3, $0xD;
	s17 =	sadd.s32 $0xE0000, s14;
	s18 =	spop (v2sf)  }
0x6a6: {  	[hbm4b:s17+s5] =	stream.strided.scatter [tilespmem:s12], [sflag:$0x4], $0x1000, s6, s5, $0x38;
	[tilespmem:$0x18020] =	vst v63  }
0x6a7: {  	s25 =	sand.u32 $0x1FFFE000, s3;
	[smem:$0x6F9] =	sst s18;
	s28 =	spop (v2sf)  }
0x6a8: {  	s3 =	sadd.s32 s7, s25;
	[smem:$0x6FA] =	sst s28;
	s29 =	spop (v2sf)  }
0x6a9: {  	[tilespmem:s13], [sflag:$0x3] =	stream.linear.gather [hbm4b:s3+s26], $0x8000, $0x38;
	[tilespmem:$0x18020] =	vst v63  }
0x6aa: {  	[smem:$0x6FB] =	sst s29;
	s4 =	spop (v2sf)  }
0x6ab: {  	[smem:$0x6FC] =	sst s4;
	s8 =	spop (v2sf)  }
0x6ac: {  	(v2sf) =	vpush v61, $0xF;
	[smem:$0x6FD] =	sst s8;
	s14 =	spop (v2sf)  }
0x6ad: {  	[smem:$0x6FE] =	sst s14;
	s17 =	spop (v2sf)  }
0x6ae: {  	(v2sf) =	vpush v62, $0xF;
	[smem:$0x6FF] =	sst s17;
	s18 =	spop (v2sf)  }
0x6af: {  	(v2sf) =	vpush v63, $0xF;
	[smem:$0x700] =	sst s18  }
0x6b0: {  	_ =	swait.ge [sflag:s16], $0x8000  }
0x6b1: {  	s8 =	sld [smem:$0x7F7]  }
0x6b2: {  	[sflag:s16] =	ssyncset.done $0x0  }
0x6b3: {  	s12 =	simm.s32 $0x8020;
	[sflag:s16] =	ssyncadd.s32 $0xFFFF8000  }
0x6b4: {  	[hbm4b:s8+s5] =	stream.strided.scatter [tilespmem:s12], [sflag:$0x5], $0x1000, s6, s5, $0x38;
	[tilespmem:$0x18020] =	vst v63  }
0x6b5: {  	s4 =	simm.s32 $0x9020;
	s29 =	sadd.s32 $0x20000, s8  }
0x6b6: {  	[hbm4b:s29+s5] =	stream.strided.scatter [tilespmem:s4], [sflag:$0x5], $0x1000, s6, s5, $0x38;
	[tilespmem:$0x18020] =	vst v63  }
0x6b7: {  	s12 =	sadd.s32 $0x40000, s8  }
0x6b8: {  	[hbm4b:s12+s5] =	stream.strided.scatter [tilespmem:s11], [sflag:$0x5], $0x1000, s6, s5, $0x38;
	[tilespmem:$0x18020] =	vst v63  }
0x6b9: {  	s16 =	sadd.s32 $0x60000, s8  }
0x6ba: {  	[hbm4b:s16+s5] =	stream.strided.scatter [tilespmem:s1], [sflag:$0x5], $0x1000, s6, s5, $0x38;
	[tilespmem:$0x18020] =	vst v63  }
0x6bb: {  	s18 =	simm.s32 $0xC020;
	s17 =	sadd.s32 $0x80000, s8;
	s3 =	spop (v2sf)  }
0x6bc: {  	[hbm4b:s17+s5] =	stream.strided.scatter [tilespmem:s18], [sflag:$0x5], $0x1000, s6, s5, $0x38;
	[tilespmem:$0x18020] =	vst v63  }
0x6bd: {  	s29 =	sadd.s32 $0xA0000, s8;
	[smem:$0x701] =	sst s3;
	s4 =	spop (v2sf)  }
0x6be: {  	[hbm4b:s29+s5] =	stream.strided.scatter [tilespmem:s31], [sflag:$0x5], $0x1000, s6, s5, $0x38;
	[tilespmem:$0x18020] =	vst v63  }
0x6bf: {  	[smem:$0x702] =	sst s4;
	s11 =	spop (v2sf);
	s31 =	sadd.s32 $0xC0000, s8  }
0x6c0: {  	[hbm4b:s31+s5] =	stream.strided.scatter [tilespmem:s9], [sflag:$0x5], $0x1000, s6, s5, $0x38;
	[tilespmem:$0x18020] =	vst v63  }
0x6c1: {  	s1 =	sadd.s32 $0xE0000, s8;
	[smem:$0x703] =	sst s11  }
0x6c2: {  	[hbm4b:s1+s5] =	stream.strided.scatter [tilespmem:s0], [sflag:$0x5], $0x1000, s6, s5, $0x38;
	[tilespmem:$0x18020] =	vst v63  }
0x6c3: {  	_ =	swait.ge [sflag:s10], $0x8000  }
0x6c4: {  	[sflag:s10] =	ssyncset.done $0x0  }
0x6c5: {  	s25 =	sadd.s32 s25, s22;
	s13 =	simm.s32 $0x20;
	[sflag:s10] =	ssyncadd.s32 $0xFFFF8000  }
0x6c6: {  	[tilespmem:s13], [sflag:$0x1] =	stream.linear.gather [hbm4b:s25+s26], $0x8000, $0x38;
	[tilespmem:$0x18020] =	vst v63  }
0x6c7: {  	_ =	swait.ge [sflag:s30], $0x8000  }
0x6c8: {  	s1 =	sld [smem:$0x7F9]  }
0x6c9: {  	[sflag:s30] =	ssyncset.done $0x0  }
0x6ca: {  	s14 =	simm.s32 $0x10020;
	[sflag:s30] =	ssyncadd.s32 $0xFFFF8000  }
0x6cb: {  	[hbm4b:s1+s5] =	stream.strided.scatter [tilespmem:s14], [sflag:$0x6], $0x1000, s6, s5, $0x38;
	[tilespmem:$0x18020] =	vst v63  }
0x6cc: {  	s28 =	simm.s32 $0x11020;
	s12 =	sadd.s32 $0x20000, s1  }
0x6cd: {  	[hbm4b:s12+s5] =	stream.strided.scatter [tilespmem:s28], [sflag:$0x6], $0x1000, s6, s5, $0x38;
	[tilespmem:$0x18020] =	vst v63  }
0x6ce: {  	s4 =	simm.s32 $0x12020;
	s16 =	sadd.s32 $0x40000, s1  }
0x6cf: {  	[hbm4b:s16+s5] =	stream.strided.scatter [tilespmem:s4], [sflag:$0x6], $0x1000, s6, s5, $0x38;
	[tilespmem:$0x18020] =	vst v63  }
0x6d0: {  	s29 =	simm.s32 $0x13020;
	s28 =	sadd.s32 $0x60000, s1  }
0x6d1: {  	[hbm4b:s28+s5] =	stream.strided.scatter [tilespmem:s29], [sflag:$0x6], $0x1000, s6, s5, $0x38;
	[tilespmem:$0x18020] =	vst v63  }
0x6d2: {  	s31 =	simm.s32 $0x14020;
	s30 =	sadd.s32 $0x80000, s1  }
0x6d3: {  	[hbm4b:s30+s5] =	stream.strided.scatter [tilespmem:s31], [sflag:$0x6], $0x1000, s6, s5, $0x38;
	[tilespmem:$0x18020] =	vst v63  }
0x6d4: {  	s3 =	simm.s32 $0x15020;
	s0 =	sadd.s32 $0xA0000, s1  }
0x6d5: {  	[hbm4b:s0+s5] =	stream.strided.scatter [tilespmem:s3], [sflag:$0x6], $0x1000, s6, s5, $0x38;
	[tilespmem:$0x18020] =	vst v63  }
0x6d6: {  	s2 =	simm.s32 $0x5;
	s11 =	sadd.s32 $0xC0000, s1;
	s12 =	simm.s32 $0x16020  }
0x6d7: {  	[hbm4b:s11+s5] =	stream.strided.scatter [tilespmem:s12], [sflag:$0x6], $0x1000, s6, s5, $0x38;
	[tilespmem:$0x18020] =	vst v63  }
0x6d8: {  	s24 =	sshll.u32 s24, $0xD;
	s29 =	sadd.s32 $0xE0000, s1;
	s31 =	simm.s32 $0x17020  }
0x6d9: {  	[hbm4b:s29+s5] =	stream.strided.scatter [tilespmem:s31], [sflag:$0x6], $0x1000, s6, s5, $0x38;
	[tilespmem:$0x18020] =	vst v63  }
0x6da: {  	s24 =	sand.u32 $0x1FFFE000, s24;
	_ =	swait.ge [sflag:s2], $0x8000  }
0x6db: {  	s1 =	sadd.s32 s7, s24;
	[sflag:s2] =	ssyncset.done $0x0  }
0x6dc: {  	s30 =	simm.s32 $0x1;
	s29 =	simm.s32 $0x8020;
	[sflag:s2] =	ssyncadd.s32 $0xFFFF8000  }
0x6dd: {  	[tilespmem:s29], [sflag:$0x2] =	stream.linear.gather [hbm4b:s1+s26], $0x8000, $0x38;
	[tilespmem:$0x18020] =	vst v63  }
0x6de: {  	_ =	swait.ge [sflag:s30], $0x8000  }
0x6df: {  	s1 =	sld [smem:$0x7FA]  }
0x6e0: {  	[sflag:s30] =	ssyncset.done $0x0  }
0x6e1: {  	[sflag:s30] =	ssyncadd.s32 $0xFFFF8000  }
0x6e2: {  	[hbm4b:s1+s5] =	stream.strided.scatter [tilespmem:s13], [sflag:$0x4], $0x1000, s6, s5, $0x38;
	[tilespmem:$0x18020] =	vst v63  }
0x6e3: {  	s19 =	simm.s32 $0x1020;
	s3 =	sadd.s32 $0x20000, s1  }
0x6e4: {  	[hbm4b:s3+s5] =	stream.strided.scatter [tilespmem:s19], [sflag:$0x4], $0x1000, s6, s5, $0x38;
	[tilespmem:$0x18020] =	vst v63  }
0x6e5: {  	s11 =	sadd.s32 $0x40000, s1;
	s19 =	simm.s32 $0x2020  }
0x6e6: {  	[hbm4b:s11+s5] =	stream.strided.scatter [tilespmem:s19], [sflag:$0x4], $0x1000, s6, s5, $0x38;
	[tilespmem:$0x18020] =	vst v63  }
0x6e7: {  	s31 =	sadd.s32 $0x60000, s1;
	s11 =	simm.s32 $0x3020  }
0x6e8: {  	[hbm4b:s31+s5] =	stream.strided.scatter [tilespmem:s11], [sflag:$0x4], $0x1000, s6, s5, $0x38;
	[tilespmem:$0x18020] =	vst v63  }
0x6e9: {  	s3 =	sadd.s32 $0x80000, s1;
	s31 =	simm.s32 $0x4020  }
0x6ea: {  	[hbm4b:s3+s5] =	stream.strided.scatter [tilespmem:s31], [sflag:$0x4], $0x1000, s6, s5, $0x38;
	[tilespmem:$0x18020] =	vst v63  }
0x6eb: {  	s31 =	sadd.s32 $0xA0000, s1;
	s3 =	simm.s32 $0x5020  }
0x6ec: {  	[hbm4b:s31+s5] =	stream.strided.scatter [tilespmem:s3], [sflag:$0x4], $0x1000, s6, s5, $0x38;
	[tilespmem:$0x18020] =	vst v63  }
0x6ed: {  	s15 =	simm.s32 $0x6020;
	s31 =	sadd.s32 $0xC0000, s1  }
0x6ee: {  	[hbm4b:s31+s5] =	stream.strided.scatter [tilespmem:s15], [sflag:$0x4], $0x1000, s6, s5, $0x38;
	[tilespmem:$0x18020] =	vst v63  }
0x6ef: {  	s20 =	simm.s32 $0x7020;
	s25 =	simm.s32 $0x6;
	s15 =	sadd.s32 $0xE0000, s1  }
0x6f0: {  	[hbm4b:s15+s5] =	stream.strided.scatter [tilespmem:s20], [sflag:$0x4], $0x1000, s6, s5, $0x38;
	[tilespmem:$0x18020] =	vst v63  }
0x6f1: {  	_ =	swait.ge [sflag:s25], $0x8000  }
0x6f2: {  	[sflag:s25] =	ssyncset.done $0x0  }
0x6f3: {  	s28 =	simm.s32 $0x2;
	s24 =	sadd.s32 s24, s22;
	[sflag:s25] =	ssyncadd.s32 $0xFFFF8000  }
0x6f4: {  	[tilespmem:s14], [sflag:$0x3] =	stream.linear.gather [hbm4b:s24+s26], $0x8000, $0x38;
	[tilespmem:$0x18020] =	vst v63  }
0x6f5: {  	_ =	swait.ge [sflag:s28], $0x8000  }
0x6f6: {  	s1 =	sld [smem:$0x7FB]  }
0x6f7: {  	[sflag:s28] =	ssyncset.done $0x0  }
0x6f8: {  	[sflag:s28] =	ssyncadd.s32 $0xFFFF8000  }
0x6f9: {  	[hbm4b:s1+s5] =	stream.strided.scatter [tilespmem:s29], [sflag:$0x5], $0x1000, s6, s5, $0x38;
	[tilespmem:$0x18020] =	vst v63  }
0x6fa: {  	s15 =	simm.s32 $0x9020;
	s31 =	sadd.s32 $0x20000, s1  }
0x6fb: {  	[hbm4b:s31+s5] =	stream.strided.scatter [tilespmem:s15], [sflag:$0x5], $0x1000, s6, s5, $0x38;
	[tilespmem:$0x18020] =	vst v63  }
0x6fc: {  	s9 =	simm.s32 $0xA020;
	s20 =	sadd.s32 $0x40000, s1  }
0x6fd: {  	[hbm4b:s20+s5] =	stream.strided.scatter [tilespmem:s9], [sflag:$0x5], $0x1000, s6, s5, $0x38;
	[tilespmem:$0x18020] =	vst v63  }
0x6fe: {  	s8 =	simm.s32 $0xB020;
	s31 =	sadd.s32 $0x60000, s1  }
0x6ff: {  	[hbm4b:s31+s5] =	stream.strided.scatter [tilespmem:s8], [sflag:$0x5], $0x1000, s6, s5, $0x38;
	[tilespmem:$0x18020] =	vst v63  }
0x700: {  	s17 =	simm.s32 $0xC020;
	s8 =	sadd.s32 $0x80000, s1  }
0x701: {  	[hbm4b:s8+s5] =	stream.strided.scatter [tilespmem:s17], [sflag:$0x5], $0x1000, s6, s5, $0x38;
	[tilespmem:$0x18020] =	vst v63  }
0x702: {  	s9 =	sadd.s32 $0xA0000, s1;
	s31 =	simm.s32 $0xD020  }
0x703: {  	[hbm4b:s9+s5] =	stream.strided.scatter [tilespmem:s31], [sflag:$0x5], $0x1000, s6, s5, $0x38;
	[tilespmem:$0x18020] =	vst v63  }
0x704: {  	s17 =	sadd.s32 $0xC0000, s1;
	s8 =	simm.s32 $0xE020  }
0x705: {  	[hbm4b:s17+s5] =	stream.strided.scatter [tilespmem:s8], [sflag:$0x5], $0x1000, s6, s5, $0x38;
	[tilespmem:$0x18020] =	vst v63  }
0x706: {  	s16 =	simm.s32 $0x4;
	s20 =	sadd.s32 $0xE0000, s1;
	s17 =	simm.s32 $0xF020  }
0x707: {  	[hbm4b:s20+s5] =	stream.strided.scatter [tilespmem:s17], [sflag:$0x5], $0x1000, s6, s5, $0x38;
	[tilespmem:$0x18020] =	vst v63  }
0x708: {  	s23 =	sshll.u32 s23, $0xD;
	_ =	swait.ge [sflag:s16], $0x8000  }
0x709: {  	s23 =	sand.u32 $0x1FFFE000, s23;
	[sflag:s16] =	ssyncset.done $0x0  }
0x70a: {  	s0 =	simm.s32 $0x3;
	s1 =	sadd.s32 s7, s23;
	[sflag:s16] =	ssyncadd.s32 $0xFFFF8000  }
0x70b: {  	[tilespmem:s13], [sflag:$0x1] =	stream.linear.gather [hbm4b:s1+s26], $0x8000, $0x38;
	[tilespmem:$0x18020] =	vst v63  }
0x70c: {  	_ =	swait.ge [sflag:s0], $0x8000  }
0x70d: {  	s1 =	sld [smem:$0x7FC]  }
0x70e: {  	[sflag:s0] =	ssyncset.done $0x0  }
0x70f: {  	[sflag:s0] =	ssyncadd.s32 $0xFFFF8000  }
0x710: {  	[hbm4b:s1+s5] =	stream.strided.scatter [tilespmem:s14], [sflag:$0x6], $0x1000, s6, s5, $0x38;
	[tilespmem:$0x18020] =	vst v63  }
0x711: {  	s18 =	simm.s32 $0x11020;
	s9 =	sadd.s32 $0x20000, s1  }
0x712: {  	[hbm4b:s9+s5] =	stream.strided.scatter [tilespmem:s18], [sflag:$0x6], $0x1000, s6, s5, $0x38;
	[tilespmem:$0x18020] =	vst v63  }
0x713: {  	s20 =	sadd.s32 $0x40000, s1  }
0x714: {  	[hbm4b:s20+s5] =	stream.strided.scatter [tilespmem:s4], [sflag:$0x6], $0x1000, s6, s5, $0x38;
	[tilespmem:$0x18020] =	vst v63  }
0x715: {  	s9 =	simm.s32 $0x13020;
	s4 =	sadd.s32 $0x60000, s1  }
0x716: {  	[hbm4b:s4+s5] =	stream.strided.scatter [tilespmem:s9], [sflag:$0x6], $0x1000, s6, s5, $0x38;
	[tilespmem:$0x18020] =	vst v63  }
0x717: {  	s10 =	simm.s32 $0x14020;
	s20 =	sadd.s32 $0x80000, s1  }
0x718: {  	[hbm4b:s20+s5] =	stream.strided.scatter [tilespmem:s10], [sflag:$0x6], $0x1000, s6, s5, $0x38;
	[tilespmem:$0x18020] =	vst v63  }
0x719: {  	s4 =	sadd.s32 $0xA0000, s1;
	s10 =	simm.s32 $0x15020  }
0x71a: {  	[hbm4b:s4+s5] =	stream.strided.scatter [tilespmem:s10], [sflag:$0x6], $0x1000, s6, s5, $0x38;
	[tilespmem:$0x18020] =	vst v63  }
0x71b: {  	s24 =	sadd.s32 $0xC0000, s1;
	s4 =	simm.s32 $0x16020  }
0x71c: {  	[hbm4b:s24+s5] =	stream.strided.scatter [tilespmem:s4], [sflag:$0x6], $0x1000, s6, s5, $0x38;
	[tilespmem:$0x18020] =	vst v63  }
0x71d: {  	s1 =	sadd.s32 $0xE0000, s1;
	s4 =	simm.s32 $0x17020  }
0x71e: {  	[hbm4b:s1+s5] =	stream.strided.scatter [tilespmem:s4], [sflag:$0x6], $0x1000, s6, s5, $0x38;
	[tilespmem:$0x18020] =	vst v63  }
0x71f: {  	_ =	swait.ge [sflag:s2], $0x8000  }
0x720: {  	[sflag:s2] =	ssyncset.done $0x0  }
0x721: {  	s29 =	simm.s32 $0x8020;
	s23 =	sadd.s32 s23, s22;
	[sflag:s2] =	ssyncadd.s32 $0xFFFF8000  }
0x722: {  	[tilespmem:s29], [sflag:$0x2] =	stream.linear.gather [hbm4b:s23+s26], $0x8000, $0x38;
	[tilespmem:$0x18020] =	vst v63  }
0x723: {  	_ =	swait.ge [sflag:s30], $0x8000  }
0x724: {  	s1 =	sld [smem:$0x7FD]  }
0x725: {  	[sflag:s30] =	ssyncset.done $0x0  }
0x726: {  	[sflag:s30] =	ssyncadd.s32 $0xFFFF8000  }
0x727: {  	[hbm4b:s1+s5] =	stream.strided.scatter [tilespmem:s13], [sflag:$0x4], $0x1000, s6, s5, $0x38;
	[tilespmem:$0x18020] =	vst v63  }
0x728: {  	s12 =	simm.s32 $0x1020;
	s4 =	sadd.s32 $0x20000, s1  }
0x729: {  	[hbm4b:s4+s5] =	stream.strided.scatter [tilespmem:s12], [sflag:$0x4], $0x1000, s6, s5, $0x38;
	[tilespmem:$0x18020] =	vst v63  }
0x72a: {  	s12 =	sadd.s32 $0x40000, s1  }
0x72b: {  	[hbm4b:s12+s5] =	stream.strided.scatter [tilespmem:s19], [sflag:$0x4], $0x1000, s6, s5, $0x38;
	[tilespmem:$0x18020] =	vst v63  }
0x72c: {  	s24 =	sadd.s32 $0x60000, s1  }
0x72d: {  	[hbm4b:s24+s5] =	stream.strided.scatter [tilespmem:s11], [sflag:$0x4], $0x1000, s6, s5, $0x38;
	[tilespmem:$0x18020] =	vst v63  }
0x72e: {  	s4 =	sadd.s32 $0x80000, s1;
	s12 =	simm.s32 $0x4020  }
0x72f: {  	[hbm4b:s4+s5] =	stream.strided.scatter [tilespmem:s12], [sflag:$0x4], $0x1000, s6, s5, $0x38;
	[tilespmem:$0x18020] =	vst v63  }
0x730: {  	s24 =	sadd.s32 $0xA0000, s1  }
0x731: {  	[hbm4b:s24+s5] =	stream.strided.scatter [tilespmem:s3], [sflag:$0x4], $0x1000, s6, s5, $0x38;
	[tilespmem:$0x18020] =	vst v63  }
0x732: {  	s4 =	sadd.s32 $0xC0000, s1;
	s24 =	simm.s32 $0x6020  }
0x733: {  	[hbm4b:s4+s5] =	stream.strided.scatter [tilespmem:s24], [sflag:$0x4], $0x1000, s6, s5, $0x38;
	[tilespmem:$0x18020] =	vst v63  }
0x734: {  	s1 =	sadd.s32 $0xE0000, s1;
	s4 =	simm.s32 $0x7020  }
0x735: {  	[hbm4b:s1+s5] =	stream.strided.scatter [tilespmem:s4], [sflag:$0x4], $0x1000, s6, s5, $0x38;
	[tilespmem:$0x18020] =	vst v63  }
0x736: {  	s21 =	sshll.u32 s21, $0xD;
	_ =	swait.ge [sflag:s25], $0x8000  }
0x737: {  	s21 =	sand.u32 $0x1FFFE000, s21;
	[sflag:s25] =	ssyncset.done $0x0  }
0x738: {  	s3 =	sadd.s32 s7, s21;
	[sflag:s25] =	ssyncadd.s32 $0xFFFF8000  }
0x739: {  	[tilespmem:s14], [sflag:$0x3] =	stream.linear.gather [hbm4b:s3+s26], $0x8000, $0x38;
	[tilespmem:$0x18020] =	vst v63  }
0x73a: {  	_ =	swait.ge [sflag:s28], $0x8000  }
0x73b: {  	[sflag:s28] =	ssyncset.done $0x0  }
0x73c: {  	s1 =	rddreg [dreg:$0x1f];
	[sflag:s28] =	ssyncadd.s32 $0xFFFF8000  }
0x73d: {  	[hbm4b:s1+s5] =	stream.strided.scatter [tilespmem:s29], [sflag:$0x5], $0x1000, s6, s5, $0x38;
	[tilespmem:$0x18020] =	vst v63  }
0x73e: {  	s29 =	sadd.s32 $0x20000, s1  }
0x73f: {  	[hbm4b:s29+s5] =	stream.strided.scatter [tilespmem:s15], [sflag:$0x5], $0x1000, s6, s5, $0x38;
	[tilespmem:$0x18020] =	vst v63  }
0x740: {  	s3 =	sadd.s32 $0x40000, s1;
	s15 =	simm.s32 $0xA020  }
0x741: {  	[hbm4b:s3+s5] =	stream.strided.scatter [tilespmem:s15], [sflag:$0x5], $0x1000, s6, s5, $0x38;
	[tilespmem:$0x18020] =	vst v63  }
0x742: {  	s29 =	sadd.s32 $0x60000, s1;
	s15 =	simm.s32 $0xB020  }
0x743: {  	[hbm4b:s29+s5] =	stream.strided.scatter [tilespmem:s15], [sflag:$0x5], $0x1000, s6, s5, $0x38;
	[tilespmem:$0x18020] =	vst v63  }
0x744: {  	s3 =	sadd.s32 $0x80000, s1;
	s29 =	simm.s32 $0xC020  }
0x745: {  	[hbm4b:s3+s5] =	stream.strided.scatter [tilespmem:s29], [sflag:$0x5], $0x1000, s6, s5, $0x38;
	[tilespmem:$0x18020] =	vst v63  }
0x746: {  	s29 =	sadd.s32 $0xA0000, s1  }
0x747: {  	[hbm4b:s29+s5] =	stream.strided.scatter [tilespmem:s31], [sflag:$0x5], $0x1000, s6, s5, $0x38;
	[tilespmem:$0x18020] =	vst v63  }
0x748: {  	s3 =	sadd.s32 $0xC0000, s1  }
0x749: {  	[hbm4b:s3+s5] =	stream.strided.scatter [tilespmem:s8], [sflag:$0x5], $0x1000, s6, s5, $0x38;
	[tilespmem:$0x18020] =	vst v63  }
0x74a: {  	s8 =	sadd.s32 $0xE0000, s1  }
0x74b: {  	[hbm4b:s8+s5] =	stream.strided.scatter [tilespmem:s17], [sflag:$0x5], $0x1000, s6, s5, $0x38;
	[tilespmem:$0x18020] =	vst v63  }
0x74c: {  	_ =	swait.ge [sflag:s16], $0x8000  }
0x74d: {  	[sflag:s16] =	ssyncset.done $0x0  }
0x74e: {  	s21 =	sadd.s32 s21, s22;
	[sflag:s16] =	ssyncadd.s32 $0xFFFF8000  }
0x74f: {  	[tilespmem:s13], [sflag:$0x1] =	stream.linear.gather [hbm4b:s21+s26], $0x8000, $0x38;
	[tilespmem:$0x18020] =	vst v63  }
0x750: {  	_ =	swait.ge [sflag:s0], $0x8000  }
0x751: {  	[sflag:s0] =	ssyncset.done $0x0  }
0x752: {  	s1 =	rddreg [dreg:$0x1e];
	[sflag:s0] =	ssyncadd.s32 $0xFFFF8000  }
0x753: {  	[hbm4b:s1+s5] =	stream.strided.scatter [tilespmem:s14], [sflag:$0x6], $0x1000, s6, s5, $0x38;
	[tilespmem:$0x18020] =	vst v63  }
0x754: {  	s18 =	simm.s32 $0x11020;
	s23 =	sadd.s32 $0x20000, s1  }
0x755: {  	[hbm4b:s23+s5] =	stream.strided.scatter [tilespmem:s18], [sflag:$0x6], $0x1000, s6, s5, $0x38;
	[tilespmem:$0x18020] =	vst v63  }
0x756: {  	s31 =	sadd.s32 $0x40000, s1;
	s23 =	simm.s32 $0x12020  }
0x757: {  	[hbm4b:s31+s5] =	stream.strided.scatter [tilespmem:s23], [sflag:$0x6], $0x1000, s6, s5, $0x38;
	[tilespmem:$0x18020] =	vst v63  }
0x758: {  	s9 =	simm.s32 $0x13020;
	s3 =	sadd.s32 $0x60000, s1  }
0x759: {  	[hbm4b:s3+s5] =	stream.strided.scatter [tilespmem:s9], [sflag:$0x6], $0x1000, s6, s5, $0x38;
	[tilespmem:$0x18020] =	vst v63  }
0x75a: {  	s20 =	simm.s32 $0x14020;
	s9 =	sadd.s32 $0x80000, s1  }
0x75b: {  	[hbm4b:s9+s5] =	stream.strided.scatter [tilespmem:s20], [sflag:$0x6], $0x1000, s6, s5, $0x38;
	[tilespmem:$0x18020] =	vst v63  }
0x75c: {  	s10 =	simm.s32 $0x15020;
	s17 =	sadd.s32 $0xA0000, s1  }
0x75d: {  	[hbm4b:s17+s5] =	stream.strided.scatter [tilespmem:s10], [sflag:$0x6], $0x1000, s6, s5, $0x38;
	[tilespmem:$0x18020] =	vst v63  }
0x75e: {  	s21 =	sld [smem:$0x6F9];
	s18 =	sadd.s32 $0xC0000, s1;
	s10 =	simm.s32 $0x16020  }
0x75f: {  	[hbm4b:s18+s5] =	stream.strided.scatter [tilespmem:s10], [sflag:$0x6], $0x1000, s6, s5, $0x38;
	[tilespmem:$0x18020] =	vst v63  }
0x760: {  	s20 =	sadd.s32 $0xE0000, s1;
	s18 =	simm.s32 $0x17020  }
0x761: {  	[hbm4b:s20+s5] =	stream.strided.scatter [tilespmem:s18], [sflag:$0x6], $0x1000, s6, s5, $0x38;
	[tilespmem:$0x18020] =	vst v63  }
0x762: {  	s31 =	sshll.u32 s21, $0xD;
	_ =	swait.ge [sflag:s2], $0x8000  }
0x763: {  	s20 =	sand.u32 $0x1FFFE000, s31;
	[sflag:s2] =	ssyncset.done $0x0  }
0x764: {  	s3 =	simm.s32 $0x8020;
	s1 =	sadd.s32 s7, s20;
	[sflag:s2] =	ssyncadd.s32 $0xFFFF8000  }
0x765: {  	[tilespmem:s3], [sflag:$0x2] =	stream.linear.gather [hbm4b:s1+s26], $0x8000, $0x38;
	[tilespmem:$0x18020] =	vst v63  }
0x766: {  	_ =	swait.ge [sflag:s30], $0x8000  }
0x767: {  	[sflag:s30] =	ssyncset.done $0x0  }
0x768: {  	s1 =	rddreg [dreg:$0x1d];
	[sflag:s30] =	ssyncadd.s32 $0xFFFF8000  }
0x769: {  	[hbm4b:s1+s5] =	stream.strided.scatter [tilespmem:s13], [sflag:$0x4], $0x1000, s6, s5, $0x38;
	[tilespmem:$0x18020] =	vst v63  }
0x76a: {  	s17 =	simm.s32 $0x1020;
	s9 =	sadd.s32 $0x20000, s1  }
0x76b: {  	[hbm4b:s9+s5] =	stream.strided.scatter [tilespmem:s17], [sflag:$0x4], $0x1000, s6, s5, $0x38;
	[tilespmem:$0x18020] =	vst v63  }
0x76c: {  	s19 =	simm.s32 $0x2020;
	s31 =	sadd.s32 $0x40000, s1  }
0x76d: {  	[hbm4b:s31+s5] =	stream.strided.scatter [tilespmem:s19], [sflag:$0x4], $0x1000, s6, s5, $0x38;
	[tilespmem:$0x18020] =	vst v63  }
0x76e: {  	s11 =	simm.s32 $0x3020;
	s9 =	sadd.s32 $0x60000, s1  }
0x76f: {  	[hbm4b:s9+s5] =	stream.strided.scatter [tilespmem:s11], [sflag:$0x4], $0x1000, s6, s5, $0x38;
	[tilespmem:$0x18020] =	vst v63  }
0x770: {  	s11 =	sadd.s32 $0x80000, s1  }
0x771: {  	[hbm4b:s11+s5] =	stream.strided.scatter [tilespmem:s12], [sflag:$0x4], $0x1000, s6, s5, $0x38;
	[tilespmem:$0x18020] =	vst v63  }
0x772: {  	s17 =	simm.s32 $0x5020;
	s12 =	sadd.s32 $0xA0000, s1  }
0x773: {  	[hbm4b:s12+s5] =	stream.strided.scatter [tilespmem:s17], [sflag:$0x4], $0x1000, s6, s5, $0x38;
	[tilespmem:$0x18020] =	vst v63  }
0x774: {  	s19 =	sadd.s32 $0xC0000, s1  }
0x775: {  	[hbm4b:s19+s5] =	stream.strided.scatter [tilespmem:s24], [sflag:$0x4], $0x1000, s6, s5, $0x38;
	[tilespmem:$0x18020] =	vst v63  }
0x776: {  	s1 =	sadd.s32 $0xE0000, s1  }
0x777: {  	[hbm4b:s1+s5] =	stream.strided.scatter [tilespmem:s4], [sflag:$0x4], $0x1000, s6, s5, $0x38;
	[tilespmem:$0x18020] =	vst v63  }
0x778: {  	_ =	swait.ge [sflag:s25], $0x8000  }
0x779: {  	[sflag:s25] =	ssyncset.done $0x0  }
0x77a: {  	s20 =	sadd.s32 s20, s22;
	[sflag:s25] =	ssyncadd.s32 $0xFFFF8000  }
0x77b: {  	[tilespmem:s14], [sflag:$0x3] =	stream.linear.gather [hbm4b:s20+s26], $0x8000, $0x38;
	[tilespmem:$0x18020] =	vst v63  }
0x77c: {  	_ =	swait.ge [sflag:s28], $0x8000  }
0x77d: {  	[sflag:s28] =	ssyncset.done $0x0  }
0x77e: {  	s4 =	rddreg [dreg:$0x1c];
	[sflag:s28] =	ssyncadd.s32 $0xFFFF8000  }
0x77f: {  	[hbm4b:s4+s5] =	stream.strided.scatter [tilespmem:s3], [sflag:$0x5], $0x1000, s6, s5, $0x38;
	[tilespmem:$0x18020] =	vst v63  }
0x780: {  	s24 =	simm.s32 $0x9020;
	s9 =	sadd.s32 $0x20000, s4  }
0x781: {  	[hbm4b:s9+s5] =	stream.strided.scatter [tilespmem:s24], [sflag:$0x5], $0x1000, s6, s5, $0x38;
	[tilespmem:$0x18020] =	vst v63  }
0x782: {  	s11 =	sadd.s32 $0x40000, s4;
	s9 =	simm.s32 $0xA020  }
0x783: {  	[hbm4b:s11+s5] =	stream.strided.scatter [tilespmem:s9], [sflag:$0x5], $0x1000, s6, s5, $0x38;
	[tilespmem:$0x18020] =	vst v63  }
0x784: {  	s12 =	sadd.s32 $0x60000, s4  }
0x785: {  	[hbm4b:s12+s5] =	stream.strided.scatter [tilespmem:s15], [sflag:$0x5], $0x1000, s6, s5, $0x38;
	[tilespmem:$0x18020] =	vst v63  }
0x786: {  	s17 =	sadd.s32 $0x80000, s4;
	s11 =	simm.s32 $0xC020  }
0x787: {  	[hbm4b:s17+s5] =	stream.strided.scatter [tilespmem:s11], [sflag:$0x5], $0x1000, s6, s5, $0x38;
	[tilespmem:$0x18020] =	vst v63  }
0x788: {  	s29 =	simm.s32 $0xD020;
	s19 =	sadd.s32 $0xA0000, s4;
	s21 =	sadd.s32 $0xC0000, s4  }
0x789: {  	[hbm4b:s19+s5] =	stream.strided.scatter [tilespmem:s29], [sflag:$0x5], $0x1000, s6, s5, $0x38;
	[tilespmem:$0x18020] =	vst v63  }
0x78a: {  	s1 =	sadd.s32 $0xE0000, s4;
	s4 =	sld [smem:$0x6FA];
	s29 =	simm.s32 $0xE020  }
0x78b: {  	[hbm4b:s21+s5] =	stream.strided.scatter [tilespmem:s29], [sflag:$0x5], $0x1000, s6, s5, $0x38;
	[tilespmem:$0x18020] =	vst v63  }
0x78c: {  	s8 =	simm.s32 $0xF020  }
0x78d: {  	[hbm4b:s1+s5] =	stream.strided.scatter [tilespmem:s8], [sflag:$0x5], $0x1000, s6, s5, $0x38;
	[tilespmem:$0x18020] =	vst v63  }
0x78e: {  	s8 =	sshll.u32 s4, $0xD;
	_ =	swait.ge [sflag:s16], $0x8000  }
0x78f: {  	s19 =	sand.u32 $0x1FFFE000, s8;
	[sflag:s16] =	ssyncset.done $0x0  }
0x790: {  	s12 =	sadd.s32 s7, s19;
	[sflag:s16] =	ssyncadd.s32 $0xFFFF8000  }
0x791: {  	[tilespmem:s13], [sflag:$0x1] =	stream.linear.gather [hbm4b:s12+s26], $0x8000, $0x38;
	[tilespmem:$0x18020] =	vst v63  }
0x792: {  	_ =	swait.ge [sflag:s0], $0x8000  }
0x793: {  	[sflag:s0] =	ssyncset.done $0x0  }
0x794: {  	s1 =	rddreg [dreg:$0x1b];
	[sflag:s0] =	ssyncadd.s32 $0xFFFF8000  }
0x795: {  	[hbm4b:s1+s5] =	stream.strided.scatter [tilespmem:s14], [sflag:$0x6], $0x1000, s6, s5, $0x38;
	[tilespmem:$0x18020] =	vst v63  }
0x796: {  	s15 =	simm.s32 $0x11020;
	s14 =	sadd.s32 $0x20000, s1  }
0x797: {  	[hbm4b:s14+s5] =	stream.strided.scatter [tilespmem:s15], [sflag:$0x6], $0x1000, s6, s5, $0x38;
	[tilespmem:$0x18020] =	vst v63  }
0x798: {  	s17 =	sadd.s32 $0x40000, s1  }
0x799: {  	[hbm4b:s17+s5] =	stream.strided.scatter [tilespmem:s23], [sflag:$0x6], $0x1000, s6, s5, $0x38;
	[tilespmem:$0x18020] =	vst v63  }
0x79a: {  	s8 =	simm.s32 $0x13020;
	s21 =	sadd.s32 $0x60000, s1  }
0x79b: {  	[hbm4b:s21+s5] =	stream.strided.scatter [tilespmem:s8], [sflag:$0x6], $0x1000, s6, s5, $0x38;
	[tilespmem:$0x18020] =	vst v63  }
0x79c: {  	s23 =	sadd.s32 $0x80000, s1;
	s21 =	simm.s32 $0x14020  }
0x79d: {  	[hbm4b:s23+s5] =	stream.strided.scatter [tilespmem:s21], [sflag:$0x6], $0x1000, s6, s5, $0x38;
	[tilespmem:$0x18020] =	vst v63  }
0x79e: {  	s4 =	sadd.s32 $0xA0000, s1;
	s17 =	simm.s32 $0x15020  }
0x79f: {  	[hbm4b:s4+s5] =	stream.strided.scatter [tilespmem:s17], [sflag:$0x6], $0x1000, s6, s5, $0x38;
	[tilespmem:$0x18020] =	vst v63  }
0x7a0: {  	s12 =	sadd.s32 $0xC0000, s1  }
0x7a1: {  	[hbm4b:s12+s5] =	stream.strided.scatter [tilespmem:s10], [sflag:$0x6], $0x1000, s6, s5, $0x38;
	[tilespmem:$0x18020] =	vst v63  }
0x7a2: {  	s14 =	sadd.s32 $0xE0000, s1  }
0x7a3: {  	[hbm4b:s14+s5] =	stream.strided.scatter [tilespmem:s18], [sflag:$0x6], $0x1000, s6, s5, $0x38;
	[tilespmem:$0x18020] =	vst v63  }
0x7a4: {  	_ =	swait.ge [sflag:s2], $0x8000  }
0x7a5: {  	[sflag:s2] =	ssyncset.done $0x0  }
0x7a6: {  	s3 =	simm.s32 $0x8020;
	s19 =	sadd.s32 s19, s22;
	[sflag:s2] =	ssyncadd.s32 $0xFFFF8000  }
0x7a7: {  	[tilespmem:s3], [sflag:$0x2] =	stream.linear.gather [hbm4b:s19+s26], $0x8000, $0x38;
	[tilespmem:$0x18020] =	vst v63  }
0x7a8: {  	_ =	swait.ge [sflag:s30], $0x8000  }
0x7a9: {  	[sflag:s30] =	ssyncset.done $0x0  }
0x7aa: {  	s1 =	rddreg [dreg:$0x1a];
	[sflag:s30] =	ssyncadd.s32 $0xFFFF8000  }
0x7ab: {  	[hbm4b:s1+s5] =	stream.strided.scatter [tilespmem:s13], [sflag:$0x4], $0x1000, s6, s5, $0x38;
	[tilespmem:$0x18020] =	vst v63  }
0x7ac: {  	s14 =	simm.s32 $0x1020;
	s18 =	sadd.s32 $0x20000, s1  }
0x7ad: {  	[hbm4b:s18+s5] =	stream.strided.scatter [tilespmem:s14], [sflag:$0x4], $0x1000, s6, s5, $0x38;
	[tilespmem:$0x18020] =	vst v63  }
0x7ae: {  	s20 =	sadd.s32 $0x40000, s1;
	s13 =	simm.s32 $0x2020  }
0x7af: {  	[hbm4b:s20+s5] =	stream.strided.scatter [tilespmem:s13], [sflag:$0x4], $0x1000, s6, s5, $0x38;
	[tilespmem:$0x18020] =	vst v63  }
0x7b0: {  	s12 =	simm.s32 $0x3020;
	s4 =	sadd.s32 $0x60000, s1  }
0x7b1: {  	[hbm4b:s4+s5] =	stream.strided.scatter [tilespmem:s12], [sflag:$0x4], $0x1000, s6, s5, $0x38;
	[tilespmem:$0x18020] =	vst v63  }
0x7b2: {  	s31 =	simm.s32 $0x4020;
	s10 =	sadd.s32 $0x80000, s1  }
0x7b3: {  	[hbm4b:s10+s5] =	stream.strided.scatter [tilespmem:s31], [sflag:$0x4], $0x1000, s6, s5, $0x38;
	[tilespmem:$0x18020] =	vst v63  }
0x7b4: {  	s18 =	sadd.s32 $0xA0000, s1;
	s4 =	simm.s32 $0x5020  }
0x7b5: {  	[hbm4b:s18+s5] =	stream.strided.scatter [tilespmem:s4], [sflag:$0x4], $0x1000, s6, s5, $0x38;
	[tilespmem:$0x18020] =	vst v63  }
0x7b6: {  	s19 =	sld [smem:$0x6FB];
	s20 =	sadd.s32 $0xC0000, s1;
	s31 =	simm.s32 $0x6020  }
0x7b7: {  	[hbm4b:s20+s5] =	stream.strided.scatter [tilespmem:s31], [sflag:$0x4], $0x1000, s6, s5, $0x38;
	[tilespmem:$0x18020] =	vst v63  }
0x7b8: {  	s18 =	sadd.s32 $0xE0000, s1;
	s20 =	simm.s32 $0x7020  }
0x7b9: {  	[hbm4b:s18+s5] =	stream.strided.scatter [tilespmem:s20], [sflag:$0x4], $0x1000, s6, s5, $0x38;
	[tilespmem:$0x18020] =	vst v63  }
0x7ba: {  	s31 =	sshll.u32 s19, $0xD;
	_ =	swait.ge [sflag:s25], $0x8000  }
0x7bb: {  	s18 =	sand.u32 $0x1FFFE000, s31;
	[sflag:s25] =	ssyncset.done $0x0  }
0x7bc: {  	s10 =	simm.s32 $0x10020;
	s1 =	sadd.s32 s7, s18;
	[sflag:s25] =	ssyncadd.s32 $0xFFFF8000  }
0x7bd: {  	[tilespmem:s10], [sflag:$0x3] =	stream.linear.gather [hbm4b:s1+s26], $0x8000, $0x38;
	[tilespmem:$0x18020] =	vst v63  }
0x7be: {  	_ =	swait.ge [sflag:s28], $0x8000  }
0x7bf: {  	[sflag:s28] =	ssyncset.done $0x0  }
0x7c0: {  	s1 =	rddreg [dreg:$0x19];
	[sflag:s28] =	ssyncadd.s32 $0xFFFF8000  }
0x7c1: {  	[hbm4b:s1+s5] =	stream.strided.scatter [tilespmem:s3], [sflag:$0x5], $0x1000, s6, s5, $0x38;
	[tilespmem:$0x18020] =	vst v63  }
0x7c2: {  	s31 =	sadd.s32 $0x20000, s1  }
0x7c3: {  	[hbm4b:s31+s5] =	stream.strided.scatter [tilespmem:s24], [sflag:$0x5], $0x1000, s6, s5, $0x38;
	[tilespmem:$0x18020] =	vst v63  }
0x7c4: {  	s3 =	sadd.s32 $0x40000, s1  }
0x7c5: {  	[hbm4b:s3+s5] =	stream.strided.scatter [tilespmem:s9], [sflag:$0x5], $0x1000, s6, s5, $0x38;
	[tilespmem:$0x18020] =	vst v63  }
0x7c6: {  	s24 =	simm.s32 $0xB020;
	s9 =	sadd.s32 $0x60000, s1  }
0x7c7: {  	[hbm4b:s9+s5] =	stream.strided.scatter [tilespmem:s24], [sflag:$0x5], $0x1000, s6, s5, $0x38;
	[tilespmem:$0x18020] =	vst v63  }
0x7c8: {  	s31 =	sadd.s32 $0x80000, s1  }
0x7c9: {  	[hbm4b:s31+s5] =	stream.strided.scatter [tilespmem:s11], [sflag:$0x5], $0x1000, s6, s5, $0x38;
	[tilespmem:$0x18020] =	vst v63  }
0x7ca: {  	s3 =	sadd.s32 $0xA0000, s1;
	s9 =	simm.s32 $0xD020  }
0x7cb: {  	[hbm4b:s3+s5] =	stream.strided.scatter [tilespmem:s9], [sflag:$0x5], $0x1000, s6, s5, $0x38;
	[tilespmem:$0x18020] =	vst v63  }
0x7cc: {  	s11 =	sadd.s32 $0xC0000, s1  }
0x7cd: {  	[hbm4b:s11+s5] =	stream.strided.scatter [tilespmem:s29], [sflag:$0x5], $0x1000, s6, s5, $0x38;
	[tilespmem:$0x18020] =	vst v63  }
0x7ce: {  	s24 =	sadd.s32 $0xE0000, s1;
	s3 =	simm.s32 $0xF020  }
0x7cf: {  	[hbm4b:s24+s5] =	stream.strided.scatter [tilespmem:s3], [sflag:$0x5], $0x1000, s6, s5, $0x38;
	[tilespmem:$0x18020] =	vst v63  }
0x7d0: {  	_ =	swait.ge [sflag:s16], $0x8000  }
0x7d1: {  	[sflag:s16] =	ssyncset.done $0x0  }
0x7d2: {  	s18 =	sadd.s32 s18, s22;
	s9 =	simm.s32 $0x20;
	[sflag:s16] =	ssyncadd.s32 $0xFFFF8000  }
0x7d3: {  	[tilespmem:s9], [sflag:$0x1] =	stream.linear.gather [hbm4b:s18+s26], $0x8000, $0x38;
	[tilespmem:$0x18020] =	vst v63  }
0x7d4: {  	_ =	swait.ge [sflag:s0], $0x8000  }
0x7d5: {  	[sflag:s0] =	ssyncset.done $0x0  }
0x7d6: {  	s1 =	rddreg [dreg:$0x18];
	[sflag:s0] =	ssyncadd.s32 $0xFFFF8000  }
0x7d7: {  	[hbm4b:s1+s5] =	stream.strided.scatter [tilespmem:s10], [sflag:$0x6], $0x1000, s6, s5, $0x38;
	[tilespmem:$0x18020] =	vst v63  }
0x7d8: {  	s29 =	sadd.s32 $0x20000, s1  }
0x7d9: {  	[hbm4b:s29+s5] =	stream.strided.scatter [tilespmem:s15], [sflag:$0x6], $0x1000, s6, s5, $0x38;
	[tilespmem:$0x18020] =	vst v63  }
0x7da: {  	s11 =	simm.s32 $0x12020;
	s10 =	sadd.s32 $0x40000, s1  }
0x7db: {  	[hbm4b:s10+s5] =	stream.strided.scatter [tilespmem:s11], [sflag:$0x6], $0x1000, s6, s5, $0x38;
	[tilespmem:$0x18020] =	vst v63  }
0x7dc: {  	s15 =	sadd.s32 $0x60000, s1  }
0x7dd: {  	[hbm4b:s15+s5] =	stream.strided.scatter [tilespmem:s8], [sflag:$0x6], $0x1000, s6, s5, $0x38;
	[tilespmem:$0x18020] =	vst v63  }
0x7de: {  	s19 =	sadd.s32 $0x80000, s1  }
0x7df: {  	[hbm4b:s19+s5] =	stream.strided.scatter [tilespmem:s21], [sflag:$0x6], $0x1000, s6, s5, $0x38;
	[tilespmem:$0x18020] =	vst v63  }
0x7e0: {  	s8 =	sadd.s32 $0xA0000, s1  }
0x7e1: {  	[hbm4b:s8+s5] =	stream.strided.scatter [tilespmem:s17], [sflag:$0x6], $0x1000, s6, s5, $0x38;
	[tilespmem:$0x18020] =	vst v63  }
0x7e2: {  	s18 =	sld [smem:$0x6FC];
	s10 =	sadd.s32 $0xC0000, s1;
	s15 =	simm.s32 $0x16020  }
0x7e3: {  	[hbm4b:s10+s5] =	stream.strided.scatter [tilespmem:s15], [sflag:$0x6], $0x1000, s6, s5, $0x38;
	[tilespmem:$0x18020] =	vst v63  }
0x7e4: {  	s23 =	simm.s32 $0x17020;
	s17 =	sadd.s32 $0xE0000, s1  }
0x7e5: {  	[hbm4b:s17+s5] =	stream.strided.scatter [tilespmem:s23], [sflag:$0x6], $0x1000, s6, s5, $0x38;
	[tilespmem:$0x18020] =	vst v63  }
0x7e6: {  	s19 =	sshll.u32 s18, $0xD;
	_ =	swait.ge [sflag:s2], $0x8000  }
0x7e7: {  	s17 =	sand.u32 $0x1FFFE000, s19;
	[sflag:s2] =	ssyncset.done $0x0  }
0x7e8: {  	s15 =	simm.s32 $0x8020;
	s21 =	sadd.s32 s7, s17;
	[sflag:s2] =	ssyncadd.s32 $0xFFFF8000  }
0x7e9: {  	[tilespmem:s15], [sflag:$0x2] =	stream.linear.gather [hbm4b:s21+s26], $0x8000, $0x38;
	[tilespmem:$0x18020] =	vst v63  }
0x7ea: {  	_ =	swait.ge [sflag:s30], $0x8000  }
0x7eb: {  	[sflag:s30] =	ssyncset.done $0x0  }
0x7ec: {  	s1 =	rddreg [dreg:$0x17];
	[sflag:s30] =	ssyncadd.s32 $0xFFFF8000  }
0x7ed: {  	[hbm4b:s1+s5] =	stream.strided.scatter [tilespmem:s9], [sflag:$0x4], $0x1000, s6, s5, $0x38;
	[tilespmem:$0x18020] =	vst v63  }
0x7ee: {  	s23 =	sadd.s32 $0x20000, s1  }
0x7ef: {  	[hbm4b:s23+s5] =	stream.strided.scatter [tilespmem:s14], [sflag:$0x4], $0x1000, s6, s5, $0x38;
	[tilespmem:$0x18020] =	vst v63  }
0x7f0: {  	s8 =	sadd.s32 $0x40000, s1  }
0x7f1: {  	[hbm4b:s8+s5] =	stream.strided.scatter [tilespmem:s13], [sflag:$0x4], $0x1000, s6, s5, $0x38;
	[tilespmem:$0x18020] =	vst v63  }
0x7f2: {  	s9 =	sadd.s32 $0x60000, s1  }
0x7f3: {  	[hbm4b:s9+s5] =	stream.strided.scatter [tilespmem:s12], [sflag:$0x4], $0x1000, s6, s5, $0x38;
	[tilespmem:$0x18020] =	vst v63  }
0x7f4: {  	s13 =	sadd.s32 $0x80000, s1;
	s8 =	simm.s32 $0x4020  }
0x7f5: {  	[hbm4b:s13+s5] =	stream.strided.scatter [tilespmem:s8], [sflag:$0x4], $0x1000, s6, s5, $0x38;
	[tilespmem:$0x18020] =	vst v63  }
0x7f6: {  	s21 =	sadd.s32 $0xA0000, s1  }
0x7f7: {  	[hbm4b:s21+s5] =	stream.strided.scatter [tilespmem:s4], [sflag:$0x4], $0x1000, s6, s5, $0x38;
	[tilespmem:$0x18020] =	vst v63  }
0x7f8: {  	s23 =	sadd.s32 $0xC0000, s1;
	s4 =	simm.s32 $0x6020  }
0x7f9: {  	[hbm4b:s23+s5] =	stream.strided.scatter [tilespmem:s4], [sflag:$0x4], $0x1000, s6, s5, $0x38;
	[tilespmem:$0x18020] =	vst v63  }
0x7fa: {  	s1 =	sadd.s32 $0xE0000, s1  }
0x7fb: {  	[hbm4b:s1+s5] =	stream.strided.scatter [tilespmem:s20], [sflag:$0x4], $0x1000, s6, s5, $0x38;
	[tilespmem:$0x18020] =	vst v63  }
0x7fc: {  	_ =	swait.ge [sflag:s25], $0x8000  }
0x7fd: {  	[sflag:s25] =	ssyncset.done $0x0  }
0x7fe: {  	s24 =	simm.s32 $0x10020;
	s17 =	sadd.s32 s17, s22;
	[sflag:s25] =	ssyncadd.s32 $0xFFFF8000  }
0x7ff: {  	[tilespmem:s24], [sflag:$0x3] =	stream.linear.gather [hbm4b:s17+s26], $0x8000, $0x38;
	[tilespmem:$0x18020] =	vst v63  }
0x800: {  	_ =	swait.ge [sflag:s28], $0x8000  }
0x801: {  	[sflag:s28] =	ssyncset.done $0x0  }
0x802: {  	s1 =	rddreg [dreg:$0x16];
	[sflag:s28] =	ssyncadd.s32 $0xFFFF8000  }
0x803: {  	[hbm4b:s1+s5] =	stream.strided.scatter [tilespmem:s15], [sflag:$0x5], $0x1000, s6, s5, $0x38;
	[tilespmem:$0x18020] =	vst v63  }
0x804: {  	s13 =	simm.s32 $0x9020;
	s12 =	sadd.s32 $0x20000, s1  }
0x805: {  	[hbm4b:s12+s5] =	stream.strided.scatter [tilespmem:s13], [sflag:$0x5], $0x1000, s6, s5, $0x38;
	[tilespmem:$0x18020] =	vst v63  }
0x806: {  	s18 =	simm.s32 $0xA020;
	s15 =	sadd.s32 $0x40000, s1  }
0x807: {  	[hbm4b:s15+s5] =	stream.strided.scatter [tilespmem:s18], [sflag:$0x5], $0x1000, s6, s5, $0x38;
	[tilespmem:$0x18020] =	vst v63  }
0x808: {  	s21 =	simm.s32 $0xB020;
	s20 =	sadd.s32 $0x60000, s1  }
0x809: {  	[hbm4b:s20+s5] =	stream.strided.scatter [tilespmem:s21], [sflag:$0x5], $0x1000, s6, s5, $0x38;
	[tilespmem:$0x18020] =	vst v63  }
0x80a: {  	s31 =	simm.s32 $0xC020;
	s13 =	sadd.s32 $0x80000, s1  }
0x80b: {  	[hbm4b:s13+s5] =	stream.strided.scatter [tilespmem:s31], [sflag:$0x5], $0x1000, s6, s5, $0x38;
	[tilespmem:$0x18020] =	vst v63  }
0x80c: {  	s15 =	sadd.s32 $0xA0000, s1;
	s20 =	simm.s32 $0xD020  }
0x80d: {  	[hbm4b:s15+s5] =	stream.strided.scatter [tilespmem:s20], [sflag:$0x5], $0x1000, s6, s5, $0x38;
	[tilespmem:$0x18020] =	vst v63  }
0x80e: {  	s21 =	sadd.s32 $0xC0000, s1;
	s31 =	simm.s32 $0xE020;
	s15 =	sld [smem:$0x6FD]  }
0x80f: {  	[hbm4b:s21+s5] =	stream.strided.scatter [tilespmem:s31], [sflag:$0x5], $0x1000, s6, s5, $0x38;
	[tilespmem:$0x18020] =	vst v63  }
0x810: {  	s13 =	sadd.s32 $0xE0000, s1  }
0x811: {  	[hbm4b:s13+s5] =	stream.strided.scatter [tilespmem:s3], [sflag:$0x5], $0x1000, s6, s5, $0x38;
	[tilespmem:$0x18020] =	vst v63  }
0x812: {  	s17 =	sshll.u32 s15, $0xD;
	_ =	swait.ge [sflag:s16], $0x8000  }
0x813: {  	s15 =	sand.u32 $0x1FFFE000, s17;
	[sflag:s16] =	ssyncset.done $0x0  }
0x814: {  	s19 =	simm.s32 $0x20;
	s20 =	sadd.s32 s7, s15;
	[sflag:s16] =	ssyncadd.s32 $0xFFFF8000  }
0x815: {  	[tilespmem:s19], [sflag:$0x1] =	stream.linear.gather [hbm4b:s20+s26], $0x8000, $0x38;
	[tilespmem:$0x18020] =	vst v63  }
0x816: {  	_ =	swait.ge [sflag:s0], $0x8000  }
0x817: {  	[sflag:s0] =	ssyncset.done $0x0  }
0x818: {  	s1 =	rddreg [dreg:$0x15];
	[sflag:s0] =	ssyncadd.s32 $0xFFFF8000  }
0x819: {  	[hbm4b:s1+s5] =	stream.strided.scatter [tilespmem:s24], [sflag:$0x6], $0x1000, s6, s5, $0x38;
	[tilespmem:$0x18020] =	vst v63  }
0x81a: {  	s31 =	simm.s32 $0x11020;
	s21 =	sadd.s32 $0x20000, s1  }
0x81b: {  	[hbm4b:s21+s5] =	stream.strided.scatter [tilespmem:s31], [sflag:$0x6], $0x1000, s6, s5, $0x38;
	[tilespmem:$0x18020] =	vst v63  }
0x81c: {  	s3 =	sadd.s32 $0x40000, s1  }
0x81d: {  	[hbm4b:s3+s5] =	stream.strided.scatter [tilespmem:s11], [sflag:$0x6], $0x1000, s6, s5, $0x38;
	[tilespmem:$0x18020] =	vst v63  }
0x81e: {  	s29 =	simm.s32 $0x13020;
	s11 =	sadd.s32 $0x60000, s1  }
0x81f: {  	[hbm4b:s11+s5] =	stream.strided.scatter [tilespmem:s29], [sflag:$0x6], $0x1000, s6, s5, $0x38;
	[tilespmem:$0x18020] =	vst v63  }
0x820: {  	s13 =	simm.s32 $0x14020;
	s12 =	sadd.s32 $0x80000, s1  }
0x821: {  	[hbm4b:s12+s5] =	stream.strided.scatter [tilespmem:s13], [sflag:$0x6], $0x1000, s6, s5, $0x38;
	[tilespmem:$0x18020] =	vst v63  }
0x822: {  	s31 =	simm.s32 $0x15020;
	s29 =	sadd.s32 $0xA0000, s1  }
0x823: {  	[hbm4b:s29+s5] =	stream.strided.scatter [tilespmem:s31], [sflag:$0x6], $0x1000, s6, s5, $0x38;
	[tilespmem:$0x18020] =	vst v63  }
0x824: {  	s3 =	sadd.s32 $0xC0000, s1;
	s13 =	simm.s32 $0x16020  }
0x825: {  	[hbm4b:s3+s5] =	stream.strided.scatter [tilespmem:s13], [sflag:$0x6], $0x1000, s6, s5, $0x38;
	[tilespmem:$0x18020] =	vst v63  }
0x826: {  	s11 =	sadd.s32 $0xE0000, s1;
	s12 =	simm.s32 $0x17020  }
0x827: {  	[hbm4b:s11+s5] =	stream.strided.scatter [tilespmem:s12], [sflag:$0x6], $0x1000, s6, s5, $0x38;
	[tilespmem:$0x18020] =	vst v63  }
0x828: {  	_ =	swait.ge [sflag:s2], $0x8000  }
0x829: {  	[sflag:s2] =	ssyncset.done $0x0  }
0x82a: {  	s15 =	sadd.s32 s15, s22;
	s3 =	simm.s32 $0x8020;
	[sflag:s2] =	ssyncadd.s32 $0xFFFF8000  }
0x82b: {  	[tilespmem:s3], [sflag:$0x2] =	stream.linear.gather [hbm4b:s15+s26], $0x8000, $0x38;
	[tilespmem:$0x18020] =	vst v63  }
0x82c: {  	_ =	swait.ge [sflag:s30], $0x8000  }
0x82d: {  	[sflag:s30] =	ssyncset.done $0x0  }
0x82e: {  	s1 =	rddreg [dreg:$0x14];
	[sflag:s30] =	ssyncadd.s32 $0xFFFF8000  }
0x82f: {  	[hbm4b:s1+s5] =	stream.strided.scatter [tilespmem:s19], [sflag:$0x4], $0x1000, s6, s5, $0x38;
	[tilespmem:$0x18020] =	vst v63  }
0x830: {  	s10 =	simm.s32 $0x1020;
	s17 =	sadd.s32 $0x20000, s1  }
0x831: {  	[hbm4b:s17+s5] =	stream.strided.scatter [tilespmem:s10], [sflag:$0x4], $0x1000, s6, s5, $0x38;
	[tilespmem:$0x18020] =	vst v63  }
0x832: {  	s14 =	simm.s32 $0x2020;
	s19 =	sadd.s32 $0x40000, s1  }
0x833: {  	[hbm4b:s19+s5] =	stream.strided.scatter [tilespmem:s14], [sflag:$0x4], $0x1000, s6, s5, $0x38;
	[tilespmem:$0x18020] =	vst v63  }
0x834: {  	s9 =	simm.s32 $0x3020;
	s29 =	sadd.s32 $0x60000, s1  }
0x835: {  	[hbm4b:s29+s5] =	stream.strided.scatter [tilespmem:s9], [sflag:$0x4], $0x1000, s6, s5, $0x38;
	[tilespmem:$0x18020] =	vst v63  }
0x836: {  	s10 =	sadd.s32 $0x80000, s1  }
0x837: {  	[hbm4b:s10+s5] =	stream.strided.scatter [tilespmem:s8], [sflag:$0x4], $0x1000, s6, s5, $0x38;
	[tilespmem:$0x18020] =	vst v63  }
0x838: {  	s11 =	sadd.s32 $0xA0000, s1;
	s19 =	simm.s32 $0x5020  }
0x839: {  	[hbm4b:s11+s5] =	stream.strided.scatter [tilespmem:s19], [sflag:$0x4], $0x1000, s6, s5, $0x38;
	[tilespmem:$0x18020] =	vst v63  }
0x83a: {  	s14 =	sadd.s32 $0xC0000, s1;
	s29 =	sld [smem:$0x6FE]  }
0x83b: {  	[hbm4b:s14+s5] =	stream.strided.scatter [tilespmem:s4], [sflag:$0x4], $0x1000, s6, s5, $0x38;
	[tilespmem:$0x18020] =	vst v63  }
0x83c: {  	s23 =	simm.s32 $0x7020;
	s17 =	sadd.s32 $0xE0000, s1  }
0x83d: {  	[hbm4b:s17+s5] =	stream.strided.scatter [tilespmem:s23], [sflag:$0x4], $0x1000, s6, s5, $0x38;
	[tilespmem:$0x18020] =	vst v63  }
0x83e: {  	s1 =	sshll.u32 s29, $0xD;
	_ =	swait.ge [sflag:s25], $0x8000  }
0x83f: {  	s14 =	sand.u32 $0x1FFFE000, s1;
	[sflag:s25] =	ssyncset.done $0x0  }
0x840: {  	s4 =	sadd.s32 s7, s14;
	[sflag:s25] =	ssyncadd.s32 $0xFFFF8000  }
0x841: {  	[tilespmem:s24], [sflag:$0x3] =	stream.linear.gather [hbm4b:s4+s26], $0x8000, $0x38;
	[tilespmem:$0x18020] =	vst v63  }
0x842: {  	_ =	swait.ge [sflag:s28], $0x8000  }
0x843: {  	[sflag:s28] =	ssyncset.done $0x0  }
0x844: {  	s1 =	rddreg [dreg:$0x13];
	[sflag:s28] =	ssyncadd.s32 $0xFFFF8000  }
0x845: {  	[hbm4b:s1+s5] =	stream.strided.scatter [tilespmem:s3], [sflag:$0x5], $0x1000, s6, s5, $0x38;
	[tilespmem:$0x18020] =	vst v63  }
0x846: {  	s8 =	sadd.s32 $0x20000, s1;
	s3 =	simm.s32 $0x9020  }
0x847: {  	[hbm4b:s8+s5] =	stream.strided.scatter [tilespmem:s3], [sflag:$0x5], $0x1000, s6, s5, $0x38;
	[tilespmem:$0x18020] =	vst v63  }
0x848: {  	s9 =	sadd.s32 $0x40000, s1  }
0x849: {  	[hbm4b:s9+s5] =	stream.strided.scatter [tilespmem:s18], [sflag:$0x5], $0x1000, s6, s5, $0x38;
	[tilespmem:$0x18020] =	vst v63  }
0x84a: {  	s4 =	simm.s32 $0xB020;
	s10 =	sadd.s32 $0x60000, s1  }
0x84b: {  	[hbm4b:s10+s5] =	stream.strided.scatter [tilespmem:s4], [sflag:$0x5], $0x1000, s6, s5, $0x38;
	[tilespmem:$0x18020] =	vst v63  }
0x84c: {  	s17 =	simm.s32 $0xC020;
	s11 =	sadd.s32 $0x80000, s1  }
0x84d: {  	[hbm4b:s11+s5] =	stream.strided.scatter [tilespmem:s17], [sflag:$0x5], $0x1000, s6, s5, $0x38;
	[tilespmem:$0x18020] =	vst v63  }
0x84e: {  	s8 =	sadd.s32 $0xA0000, s1;
	s11 =	simm.s32 $0xD020  }
0x84f: {  	[hbm4b:s8+s5] =	stream.strided.scatter [tilespmem:s11], [sflag:$0x5], $0x1000, s6, s5, $0x38;
	[tilespmem:$0x18020] =	vst v63  }
0x850: {  	s9 =	sadd.s32 $0xC0000, s1;
	s8 =	simm.s32 $0xE020  }
0x851: {  	[hbm4b:s9+s5] =	stream.strided.scatter [tilespmem:s8], [sflag:$0x5], $0x1000, s6, s5, $0x38;
	[tilespmem:$0x18020] =	vst v63  }
0x852: {  	s10 =	sadd.s32 $0xE0000, s1;
	s17 =	simm.s32 $0xF020  }
0x853: {  	[hbm4b:s10+s5] =	stream.strided.scatter [tilespmem:s17], [sflag:$0x5], $0x1000, s6, s5, $0x38;
	[tilespmem:$0x18020] =	vst v63  }
0x854: {  	_ =	swait.ge [sflag:s16], $0x8000  }
0x855: {  	[sflag:s16] =	ssyncset.done $0x0  }
0x856: {  	s14 =	sadd.s32 s14, s22;
	s9 =	simm.s32 $0x20;
	[sflag:s16] =	ssyncadd.s32 $0xFFFF8000  }
0x857: {  	[tilespmem:s9], [sflag:$0x1] =	stream.linear.gather [hbm4b:s14+s26], $0x8000, $0x38;
	[tilespmem:$0x18020] =	vst v63  }
0x858: {  	_ =	swait.ge [sflag:s0], $0x8000  }
0x859: {  	[sflag:s0] =	ssyncset.done $0x0  }
0x85a: {  	s1 =	rddreg [dreg:$0x12];
	[sflag:s0] =	ssyncadd.s32 $0xFFFF8000  }
0x85b: {  	[hbm4b:s1+s5] =	stream.strided.scatter [tilespmem:s24], [sflag:$0x6], $0x1000, s6, s5, $0x38;
	[tilespmem:$0x18020] =	vst v63  }
0x85c: {  	s15 =	sadd.s32 $0x20000, s1;
	s24 =	simm.s32 $0x11020  }
0x85d: {  	[hbm4b:s15+s5] =	stream.strided.scatter [tilespmem:s24], [sflag:$0x6], $0x1000, s6, s5, $0x38;
	[tilespmem:$0x18020] =	vst v63  }
0x85e: {  	s21 =	simm.s32 $0x12020;
	s10 =	sadd.s32 $0x40000, s1  }
0x85f: {  	[hbm4b:s10+s5] =	stream.strided.scatter [tilespmem:s21], [sflag:$0x6], $0x1000, s6, s5, $0x38;
	[tilespmem:$0x18020] =	vst v63  }
0x860: {  	s20 =	simm.s32 $0x13020;
	s15 =	sadd.s32 $0x60000, s1  }
0x861: {  	[hbm4b:s15+s5] =	stream.strided.scatter [tilespmem:s20], [sflag:$0x6], $0x1000, s6, s5, $0x38;
	[tilespmem:$0x18020] =	vst v63  }
0x862: {  	s21 =	simm.s32 $0x14020;
	s20 =	sadd.s32 $0x80000, s1  }
0x863: {  	[hbm4b:s20+s5] =	stream.strided.scatter [tilespmem:s21], [sflag:$0x6], $0x1000, s6, s5, $0x38;
	[tilespmem:$0x18020] =	vst v63  }
0x864: {  	s31 =	simm.s32 $0x15020;
	s24 =	sadd.s32 $0xA0000, s1  }
0x865: {  	[hbm4b:s24+s5] =	stream.strided.scatter [tilespmem:s31], [sflag:$0x6], $0x1000, s6, s5, $0x38;
	[tilespmem:$0x18020] =	vst v63  }
0x866: {  	s10 =	sadd.s32 $0xC0000, s1;
	s15 =	sld [smem:$0x6FF]  }
0x867: {  	[hbm4b:s10+s5] =	stream.strided.scatter [tilespmem:s13], [sflag:$0x6], $0x1000, s6, s5, $0x38;
	[tilespmem:$0x18020] =	vst v63  }
0x868: {  	s13 =	sadd.s32 $0xE0000, s1  }
0x869: {  	[hbm4b:s13+s5] =	stream.strided.scatter [tilespmem:s12], [sflag:$0x6], $0x1000, s6, s5, $0x38;
	[tilespmem:$0x18020] =	vst v63  }
0x86a: {  	s21 =	sshll.u32 s15, $0xD;
	_ =	swait.ge [sflag:s2], $0x8000  }
0x86b: {  	s13 =	sand.u32 $0x1FFFE000, s21;
	[sflag:s2] =	ssyncset.done $0x0  }
0x86c: {  	s29 =	simm.s32 $0x8020;
	s24 =	sadd.s32 s7, s13;
	[sflag:s2] =	ssyncadd.s32 $0xFFFF8000  }
0x86d: {  	[tilespmem:s29], [sflag:$0x2] =	stream.linear.gather [hbm4b:s24+s26], $0x8000, $0x38;
	[tilespmem:$0x18020] =	vst v63  }
0x86e: {  	_ =	swait.ge [sflag:s30], $0x8000  }
0x86f: {  	[sflag:s30] =	ssyncset.done $0x0  }
0x870: {  	s1 =	rddreg [dreg:$0x11];
	[sflag:s30] =	ssyncadd.s32 $0xFFFF8000  }
0x871: {  	[hbm4b:s1+s5] =	stream.strided.scatter [tilespmem:s9], [sflag:$0x4], $0x1000, s6, s5, $0x38;
	[tilespmem:$0x18020] =	vst v63  }
0x872: {  	s15 =	simm.s32 $0x1020;
	s31 =	sadd.s32 $0x20000, s1  }
0x873: {  	[hbm4b:s31+s5] =	stream.strided.scatter [tilespmem:s15], [sflag:$0x4], $0x1000, s6, s5, $0x38;
	[tilespmem:$0x18020] =	vst v63  }
0x874: {  	s10 =	simm.s32 $0x2020;
	s9 =	sadd.s32 $0x40000, s1  }
0x875: {  	[hbm4b:s9+s5] =	stream.strided.scatter [tilespmem:s10], [sflag:$0x4], $0x1000, s6, s5, $0x38;
	[tilespmem:$0x18020] =	vst v63  }
0x876: {  	s12 =	sadd.s32 $0x60000, s1;
	s9 =	simm.s32 $0x3020  }
0x877: {  	[hbm4b:s12+s5] =	stream.strided.scatter [tilespmem:s9], [sflag:$0x4], $0x1000, s6, s5, $0x38;
	[tilespmem:$0x18020] =	vst v63  }
0x878: {  	s21 =	sadd.s32 $0x80000, s1;
	s31 =	simm.s32 $0x4020  }
0x879: {  	[hbm4b:s21+s5] =	stream.strided.scatter [tilespmem:s31], [sflag:$0x4], $0x1000, s6, s5, $0x38;
	[tilespmem:$0x18020] =	vst v63  }
0x87a: {  	s12 =	sadd.s32 $0xA0000, s1  }
0x87b: {  	[hbm4b:s12+s5] =	stream.strided.scatter [tilespmem:s19], [sflag:$0x4], $0x1000, s6, s5, $0x38;
	[tilespmem:$0x18020] =	vst v63  }
0x87c: {  	s21 =	sadd.s32 $0xC0000, s1;
	s31 =	simm.s32 $0x6020  }
0x87d: {  	[hbm4b:s21+s5] =	stream.strided.scatter [tilespmem:s31], [sflag:$0x4], $0x1000, s6, s5, $0x38;
	[tilespmem:$0x18020] =	vst v63  }
0x87e: {  	s23 =	simm.s32 $0x7020;
	s1 =	sadd.s32 $0xE0000, s1  }
0x87f: {  	[hbm4b:s1+s5] =	stream.strided.scatter [tilespmem:s23], [sflag:$0x4], $0x1000, s6, s5, $0x38;
	[tilespmem:$0x18020] =	vst v63  }
0x880: {  	_ =	swait.ge [sflag:s25], $0x8000  }
0x881: {  	[sflag:s25] =	ssyncset.done $0x0  }
0x882: {  	s14 =	simm.s32 $0x10020;
	s13 =	sadd.s32 s13, s22;
	[sflag:s25] =	ssyncadd.s32 $0xFFFF8000  }
0x883: {  	[tilespmem:s14], [sflag:$0x3] =	stream.linear.gather [hbm4b:s13+s26], $0x8000, $0x38;
	[tilespmem:$0x18020] =	vst v63  }
0x884: {  	_ =	swait.ge [sflag:s28], $0x8000  }
0x885: {  	[sflag:s28] =	ssyncset.done $0x0  }
0x886: {  	s12 =	rddreg [dreg:$0x10];
	[sflag:s28] =	ssyncadd.s32 $0xFFFF8000  }
0x887: {  	[hbm4b:s12+s5] =	stream.strided.scatter [tilespmem:s29], [sflag:$0x5], $0x1000, s6, s5, $0x38;
	[tilespmem:$0x18020] =	vst v63  }
0x888: {  	s19 =	sadd.s32 $0x20000, s12  }
0x889: {  	[hbm4b:s19+s5] =	stream.strided.scatter [tilespmem:s3], [sflag:$0x5], $0x1000, s6, s5, $0x38;
	[tilespmem:$0x18020] =	vst v63  }
0x88a: {  	s18 =	simm.s32 $0xA020;
	s21 =	sadd.s32 $0x40000, s12  }
0x88b: {  	[hbm4b:s21+s5] =	stream.strided.scatter [tilespmem:s18], [sflag:$0x5], $0x1000, s6, s5, $0x38;
	[tilespmem:$0x18020] =	vst v63  }
0x88c: {  	s23 =	sadd.s32 $0x60000, s12  }
0x88d: {  	[hbm4b:s23+s5] =	stream.strided.scatter [tilespmem:s4], [sflag:$0x5], $0x1000, s6, s5, $0x38;
	[tilespmem:$0x18020] =	vst v63  }
0x88e: {  	s31 =	simm.s32 $0xC020;
	s29 =	sadd.s32 $0x80000, s12  }
0x88f: {  	[hbm4b:s29+s5] =	stream.strided.scatter [tilespmem:s31], [sflag:$0x5], $0x1000, s6, s5, $0x38;
	[tilespmem:$0x18020] =	vst v63  }
0x890: {  	s3 =	sadd.s32 $0xA0000, s12  }
0x891: {  	[hbm4b:s3+s5] =	stream.strided.scatter [tilespmem:s11], [sflag:$0x5], $0x1000, s6, s5, $0x38;
	[tilespmem:$0x18020] =	vst v63  }
0x892: {  	s4 =	sadd.s32 $0xC0000, s12;
	s11 =	sadd.s32 $0xE0000, s12;
	s12 =	sld [smem:$0x700]  }
0x893: {  	[hbm4b:s4+s5] =	stream.strided.scatter [tilespmem:s8], [sflag:$0x5], $0x1000, s6, s5, $0x38;
	[tilespmem:$0x18020] =	vst v63  }
0x894: {  	_ = 	snop  }
0x895: {  	[hbm4b:s11+s5] =	stream.strided.scatter [tilespmem:s17], [sflag:$0x5], $0x1000, s6, s5, $0x38;
	[tilespmem:$0x18020] =	vst v63  }
0x896: {  	s13 =	sshll.u32 s12, $0xD;
	_ =	swait.ge [sflag:s16], $0x8000  }
0x897: {  	s12 =	sand.u32 $0x1FFFE000, s13;
	[sflag:s16] =	ssyncset.done $0x0  }
0x898: {  	s24 =	simm.s32 $0x20;
	s17 =	sadd.s32 s7, s12;
	[sflag:s16] =	ssyncadd.s32 $0xFFFF8000  }
0x899: {  	[tilespmem:s24], [sflag:$0x1] =	stream.linear.gather [hbm4b:s17+s26], $0x8000, $0x38;
	[tilespmem:$0x18020] =	vst v63  }
0x89a: {  	_ =	swait.ge [sflag:s0], $0x8000  }
0x89b: {  	[sflag:s0] =	ssyncset.done $0x0  }
0x89c: {  	s18 =	rddreg [dreg:$0xf];
	[sflag:s0] =	ssyncadd.s32 $0xFFFF8000  }
0x89d: {  	[hbm4b:s18+s5] =	stream.strided.scatter [tilespmem:s14], [sflag:$0x6], $0x1000, s6, s5, $0x38;
	[tilespmem:$0x18020] =	vst v63  }
0x89e: {  	s3 =	simm.s32 $0x11020;
	s19 =	sadd.s32 $0x20000, s18  }
0x89f: {  	[hbm4b:s19+s5] =	stream.strided.scatter [tilespmem:s3], [sflag:$0x6], $0x1000, s6, s5, $0x38;
	[tilespmem:$0x18020] =	vst v63  }
0x8a0: {  	s21 =	sadd.s32 $0x40000, s18;
	s14 =	simm.s32 $0x12020  }
0x8a1: {  	[hbm4b:s21+s5] =	stream.strided.scatter [tilespmem:s14], [sflag:$0x6], $0x1000, s6, s5, $0x38;
	[tilespmem:$0x18020] =	vst v63  }
0x8a2: {  	s8 =	simm.s32 $0x13020;
	s23 =	sadd.s32 $0x60000, s18  }
0x8a3: {  	[hbm4b:s23+s5] =	stream.strided.scatter [tilespmem:s8], [sflag:$0x6], $0x1000, s6, s5, $0x38;
	[tilespmem:$0x18020] =	vst v63  }
0x8a4: {  	s29 =	sadd.s32 $0x80000, s18;
	s23 =	simm.s32 $0x14020  }
0x8a5: {  	[hbm4b:s29+s5] =	stream.strided.scatter [tilespmem:s23], [sflag:$0x6], $0x1000, s6, s5, $0x38;
	[tilespmem:$0x18020] =	vst v63  }
0x8a6: {  	s4 =	sadd.s32 $0xA0000, s18;
	s21 =	simm.s32 $0x15020  }
0x8a7: {  	[hbm4b:s4+s5] =	stream.strided.scatter [tilespmem:s21], [sflag:$0x6], $0x1000, s6, s5, $0x38;
	[tilespmem:$0x18020] =	vst v63  }
0x8a8: {  	s17 =	simm.s32 $0x16020;
	s11 =	sadd.s32 $0xC0000, s18  }
0x8a9: {  	[hbm4b:s11+s5] =	stream.strided.scatter [tilespmem:s17], [sflag:$0x6], $0x1000, s6, s5, $0x38;
	[tilespmem:$0x18020] =	vst v63  }
0x8aa: {  	s20 =	simm.s32 $0x17020;
	s18 =	sadd.s32 $0xE0000, s18  }
0x8ab: {  	[hbm4b:s18+s5] =	stream.strided.scatter [tilespmem:s20], [sflag:$0x6], $0x1000, s6, s5, $0x38;
	[tilespmem:$0x18020] =	vst v63  }
0x8ac: {  	_ =	swait.ge [sflag:s2], $0x8000  }
0x8ad: {  	[sflag:s2] =	ssyncset.done $0x0  }
0x8ae: {  	s12 =	sadd.s32 s12, s22;
	s4 =	simm.s32 $0x8020;
	[sflag:s2] =	ssyncadd.s32 $0xFFFF8000  }
0x8af: {  	[tilespmem:s4], [sflag:$0x2] =	stream.linear.gather [hbm4b:s12+s26], $0x8000, $0x38;
	[tilespmem:$0x18020] =	vst v63  }
0x8b0: {  	_ =	swait.ge [sflag:s30], $0x8000  }
0x8b1: {  	[sflag:s30] =	ssyncset.done $0x0  }
0x8b2: {  	s19 =	rddreg [dreg:$0xe];
	[sflag:s30] =	ssyncadd.s32 $0xFFFF8000  }
0x8b3: {  	[hbm4b:s19+s5] =	stream.strided.scatter [tilespmem:s24], [sflag:$0x4], $0x1000, s6, s5, $0x38;
	[tilespmem:$0x18020] =	vst v63  }
0x8b4: {  	s20 =	sadd.s32 $0x20000, s19  }
0x8b5: {  	[hbm4b:s20+s5] =	stream.strided.scatter [tilespmem:s15], [sflag:$0x4], $0x1000, s6, s5, $0x38;
	[tilespmem:$0x18020] =	vst v63  }
0x8b6: {  	s24 =	sadd.s32 $0x40000, s19  }
0x8b7: {  	[hbm4b:s24+s5] =	stream.strided.scatter [tilespmem:s10], [sflag:$0x4], $0x1000, s6, s5, $0x38;
	[tilespmem:$0x18020] =	vst v63  }
0x8b8: {  	s29 =	sadd.s32 $0x60000, s19  }
0x8b9: {  	[hbm4b:s29+s5] =	stream.strided.scatter [tilespmem:s9], [sflag:$0x4], $0x1000, s6, s5, $0x38;
	[tilespmem:$0x18020] =	vst v63  }
0x8ba: {  	s11 =	simm.s32 $0x4020;
	s10 =	sadd.s32 $0x80000, s19  }
0x8bb: {  	[hbm4b:s10+s5] =	stream.strided.scatter [tilespmem:s11], [sflag:$0x4], $0x1000, s6, s5, $0x38;
	[tilespmem:$0x18020] =	vst v63  }
0x8bc: {  	s13 =	sadd.s32 $0xA0000, s19;
	s18 =	sadd.s32 $0xE0000, s19;
	s29 =	simm.s32 $0x5020  }
0x8bd: {  	[hbm4b:s13+s5] =	stream.strided.scatter [tilespmem:s29], [sflag:$0x4], $0x1000, s6, s5, $0x38;
	[tilespmem:$0x18020] =	vst v63  }
0x8be: {  	s15 =	sadd.s32 $0xC0000, s19;
	s24 =	simm.s32 $0x6020;
	s19 =	sld [smem:$0x701]  }
0x8bf: {  	[hbm4b:s15+s5] =	stream.strided.scatter [tilespmem:s24], [sflag:$0x4], $0x1000, s6, s5, $0x38;
	[tilespmem:$0x18020] =	vst v63  }
0x8c0: {  	s20 =	simm.s32 $0x7020  }
0x8c1: {  	[hbm4b:s18+s5] =	stream.strided.scatter [tilespmem:s20], [sflag:$0x4], $0x1000, s6, s5, $0x38;
	[tilespmem:$0x18020] =	vst v63  }
0x8c2: {  	s1 =	sshll.u32 s19, $0xD;
	_ =	swait.ge [sflag:s25], $0x8000  }
0x8c3: {  	s11 =	sand.u32 $0x1FFFE000, s1;
	[sflag:s25] =	ssyncset.done $0x0  }
0x8c4: {  	s19 =	simm.s32 $0x10020;
	s9 =	sadd.s32 s7, s11;
	[sflag:s25] =	ssyncadd.s32 $0xFFFF8000  }
0x8c5: {  	[tilespmem:s19], [sflag:$0x3] =	stream.linear.gather [hbm4b:s9+s26], $0x8000, $0x38;
	[tilespmem:$0x18020] =	vst v63  }
0x8c6: {  	_ =	swait.ge [sflag:s28], $0x8000  }
0x8c7: {  	[sflag:s28] =	ssyncset.done $0x0  }
0x8c8: {  	s1 =	rddreg [dreg:$0xd];
	[sflag:s28] =	ssyncadd.s32 $0xFFFF8000  }
0x8c9: {  	[hbm4b:s1+s5] =	stream.strided.scatter [tilespmem:s4], [sflag:$0x5], $0x1000, s6, s5, $0x38;
	[tilespmem:$0x18020] =	vst v63  }
0x8ca: {  	s10 =	sadd.s32 $0x20000, s1;
	s4 =	simm.s32 $0x9020  }
0x8cb: {  	[hbm4b:s10+s5] =	stream.strided.scatter [tilespmem:s4], [sflag:$0x5], $0x1000, s6, s5, $0x38;
	[tilespmem:$0x18020] =	vst v63  }
0x8cc: {  	s15 =	simm.s32 $0xA020;
	s13 =	sadd.s32 $0x40000, s1  }
0x8cd: {  	[hbm4b:s13+s5] =	stream.strided.scatter [tilespmem:s15], [sflag:$0x5], $0x1000, s6, s5, $0x38;
	[tilespmem:$0x18020] =	vst v63  }
0x8ce: {  	s9 =	sadd.s32 $0x60000, s1;
	s13 =	simm.s32 $0xB020  }
0x8cf: {  	[hbm4b:s9+s5] =	stream.strided.scatter [tilespmem:s13], [sflag:$0x5], $0x1000, s6, s5, $0x38;
	[tilespmem:$0x18020] =	vst v63  }
0x8d0: {  	s10 =	sadd.s32 $0x80000, s1  }
0x8d1: {  	[hbm4b:s10+s5] =	stream.strided.scatter [tilespmem:s31], [sflag:$0x5], $0x1000, s6, s5, $0x38;
	[tilespmem:$0x18020] =	vst v63  }
0x8d2: {  	s15 =	sadd.s32 $0xA0000, s1;
	s10 =	simm.s32 $0xD020  }
0x8d3: {  	[hbm4b:s15+s5] =	stream.strided.scatter [tilespmem:s10], [sflag:$0x5], $0x1000, s6, s5, $0x38;
	[tilespmem:$0x18020] =	vst v63  }
0x8d4: {  	s9 =	sadd.s32 $0xC0000, s1;
	s15 =	simm.s32 $0xE020  }
0x8d5: {  	[hbm4b:s9+s5] =	stream.strided.scatter [tilespmem:s15], [sflag:$0x5], $0x1000, s6, s5, $0x38;
	[tilespmem:$0x18020] =	vst v63  }
0x8d6: {  	s1 =	sadd.s32 $0xE0000, s1;
	s9 =	simm.s32 $0xF020  }
0x8d7: {  	[hbm4b:s1+s5] =	stream.strided.scatter [tilespmem:s9], [sflag:$0x5], $0x1000, s6, s5, $0x38;
	[tilespmem:$0x18020] =	vst v63  }
0x8d8: {  	_ =	swait.ge [sflag:s16], $0x8000  }
0x8d9: {  	[sflag:s16] =	ssyncset.done $0x0  }
0x8da: {  	s11 =	sadd.s32 s11, s22;
	s9 =	simm.s32 $0x20;
	[sflag:s16] =	ssyncadd.s32 $0xFFFF8000  }
0x8db: {  	[tilespmem:s9], [sflag:$0x1] =	stream.linear.gather [hbm4b:s11+s26], $0x8000, $0x38;
	[tilespmem:$0x18020] =	vst v63  }
0x8dc: {  	_ =	swait.ge [sflag:s0], $0x8000  }
0x8dd: {  	[sflag:s0] =	ssyncset.done $0x0  }
0x8de: {  	s1 =	rddreg [dreg:$0xc];
	[sflag:s0] =	ssyncadd.s32 $0xFFFF8000  }
0x8df: {  	[hbm4b:s1+s5] =	stream.strided.scatter [tilespmem:s19], [sflag:$0x6], $0x1000, s6, s5, $0x38;
	[tilespmem:$0x18020] =	vst v63  }
0x8e0: {  	s12 =	sadd.s32 $0x20000, s1  }
0x8e1: {  	[hbm4b:s12+s5] =	stream.strided.scatter [tilespmem:s3], [sflag:$0x6], $0x1000, s6, s5, $0x38;
	[tilespmem:$0x18020] =	vst v63  }
0x8e2: {  	s12 =	sadd.s32 $0x40000, s1  }
0x8e3: {  	[hbm4b:s12+s5] =	stream.strided.scatter [tilespmem:s14], [sflag:$0x6], $0x1000, s6, s5, $0x38;
	[tilespmem:$0x18020] =	vst v63  }
0x8e4: {  	s3 =	sadd.s32 $0x60000, s1  }
0x8e5: {  	[hbm4b:s3+s5] =	stream.strided.scatter [tilespmem:s8], [sflag:$0x6], $0x1000, s6, s5, $0x38;
	[tilespmem:$0x18020] =	vst v63  }
0x8e6: {  	s8 =	sadd.s32 $0x80000, s1  }
0x8e7: {  	[hbm4b:s8+s5] =	stream.strided.scatter [tilespmem:s23], [sflag:$0x6], $0x1000, s6, s5, $0x38;
	[tilespmem:$0x18020] =	vst v63  }
0x8e8: {  	s12 =	sadd.s32 $0xA0000, s1  }
0x8e9: {  	[hbm4b:s12+s5] =	stream.strided.scatter [tilespmem:s21], [sflag:$0x6], $0x1000, s6, s5, $0x38;
	[tilespmem:$0x18020] =	vst v63  }
0x8ea: {  	s14 =	sadd.s32 $0xC0000, s1;
	s23 =	sld [smem:$0x702]  }
0x8eb: {  	[hbm4b:s14+s5] =	stream.strided.scatter [tilespmem:s17], [sflag:$0x6], $0x1000, s6, s5, $0x38;
	[tilespmem:$0x18020] =	vst v63  }
0x8ec: {  	s21 =	simm.s32 $0x17020;
	s17 =	sadd.s32 $0xE0000, s1  }
0x8ed: {  	[hbm4b:s17+s5] =	stream.strided.scatter [tilespmem:s21], [sflag:$0x6], $0x1000, s6, s5, $0x38;
	[tilespmem:$0x18020] =	vst v63  }
0x8ee: {  	s1 =	sshll.u32 s23, $0xD;
	_ =	swait.ge [sflag:s2], $0x8000  }
0x8ef: {  	s8 =	sand.u32 $0x1FFFE000, s1;
	[sflag:s2] =	ssyncset.done $0x0  }
0x8f0: {  	s18 =	simm.s32 $0x8020;
	s3 =	sadd.s32 s7, s8;
	[sflag:s2] =	ssyncadd.s32 $0xFFFF8000  }
0x8f1: {  	[tilespmem:s18], [sflag:$0x2] =	stream.linear.gather [hbm4b:s3+s26], $0x8000, $0x38;
	[tilespmem:$0x18020] =	vst v63  }
0x8f2: {  	_ =	swait.ge [sflag:s30], $0x8000  }
0x8f3: {  	[sflag:s30] =	ssyncset.done $0x0  }
0x8f4: {  	s1 =	rddreg [dreg:$0xa];
	[sflag:s30] =	ssyncadd.s32 $0xFFFF8000  }
0x8f5: {  	[hbm4b:s1+s5] =	stream.strided.scatter [tilespmem:s9], [sflag:$0x4], $0x1000, s6, s5, $0x38;
	[tilespmem:$0x18020] =	vst v63  }
0x8f6: {  	s14 =	simm.s32 $0x1020;
	s12 =	sadd.s32 $0x20000, s1  }
0x8f7: {  	[hbm4b:s12+s5] =	stream.strided.scatter [tilespmem:s14], [sflag:$0x4], $0x1000, s6, s5, $0x38;
	[tilespmem:$0x18020] =	vst v63  }
0x8f8: {  	s23 =	simm.s32 $0x2020;
	s17 =	sadd.s32 $0x40000, s1  }
0x8f9: {  	[hbm4b:s17+s5] =	stream.strided.scatter [tilespmem:s23], [sflag:$0x4], $0x1000, s6, s5, $0x38;
	[tilespmem:$0x18020] =	vst v63  }
0x8fa: {  	s3 =	sadd.s32 $0x60000, s1;
	s12 =	simm.s32 $0x3020  }
0x8fb: {  	[hbm4b:s3+s5] =	stream.strided.scatter [tilespmem:s12], [sflag:$0x4], $0x1000, s6, s5, $0x38;
	[tilespmem:$0x18020] =	vst v63  }
0x8fc: {  	s14 =	sadd.s32 $0x80000, s1;
	s23 =	simm.s32 $0x4020  }
0x8fd: {  	[hbm4b:s14+s5] =	stream.strided.scatter [tilespmem:s23], [sflag:$0x4], $0x1000, s6, s5, $0x38;
	[tilespmem:$0x18020] =	vst v63  }
0x8fe: {  	s3 =	sadd.s32 $0xA0000, s1  }
0x8ff: {  	[hbm4b:s3+s5] =	stream.strided.scatter [tilespmem:s29], [sflag:$0x4], $0x1000, s6, s5, $0x38;
	[tilespmem:$0x18020] =	vst v63  }
0x900: {  	s14 =	sadd.s32 $0xC0000, s1  }
0x901: {  	[hbm4b:s14+s5] =	stream.strided.scatter [tilespmem:s24], [sflag:$0x4], $0x1000, s6, s5, $0x38;
	[tilespmem:$0x18020] =	vst v63  }
0x902: {  	s3 =	sadd.s32 $0xE0000, s1  }
0x903: {  	[hbm4b:s3+s5] =	stream.strided.scatter [tilespmem:s20], [sflag:$0x4], $0x1000, s6, s5, $0x38;
	[tilespmem:$0x18020] =	vst v63  }
0x904: {  	_ =	swait.ge [sflag:s25], $0x8000  }
0x905: {  	[sflag:s25] =	ssyncset.done $0x0  }
0x906: {  	s19 =	simm.s32 $0x10020;
	s8 =	sadd.s32 s8, s22;
	[sflag:s25] =	ssyncadd.s32 $0xFFFF8000  }
0x907: {  	[tilespmem:s19], [sflag:$0x3] =	stream.linear.gather [hbm4b:s8+s26], $0x8000, $0x38;
	[tilespmem:$0x18020] =	vst v63  }
0x908: {  	_ =	swait.ge [sflag:s28], $0x8000  }
0x909: {  	[sflag:s28] =	ssyncset.done $0x0  }
0x90a: {  	s1 =	rddreg [dreg:$0x8];
	[sflag:s28] =	ssyncadd.s32 $0xFFFF8000  }
0x90b: {  	[hbm4b:s1+s5] =	stream.strided.scatter [tilespmem:s18], [sflag:$0x5], $0x1000, s6, s5, $0x38;
	[tilespmem:$0x18020] =	vst v63  }
0x90c: {  	s14 =	sadd.s32 $0x20000, s1  }
0x90d: {  	[hbm4b:s14+s5] =	stream.strided.scatter [tilespmem:s4], [sflag:$0x5], $0x1000, s6, s5, $0x38;
	[tilespmem:$0x18020] =	vst v63  }
0x90e: {  	s11 =	simm.s32 $0xA020;
	s3 =	sadd.s32 $0x40000, s1  }
0x90f: {  	[hbm4b:s3+s5] =	stream.strided.scatter [tilespmem:s11], [sflag:$0x5], $0x1000, s6, s5, $0x38;
	[tilespmem:$0x18020] =	vst v63  }
0x910: {  	s4 =	sadd.s32 $0x60000, s1  }
0x911: {  	[hbm4b:s4+s5] =	stream.strided.scatter [tilespmem:s13], [sflag:$0x5], $0x1000, s6, s5, $0x38;
	[tilespmem:$0x18020] =	vst v63  }
0x912: {  	s31 =	simm.s32 $0xC020;
	s3 =	sadd.s32 $0x80000, s1  }
0x913: {  	[hbm4b:s3+s5] =	stream.strided.scatter [tilespmem:s31], [sflag:$0x5], $0x1000, s6, s5, $0x38;
	[tilespmem:$0x18020] =	vst v63  }
0x914: {  	s4 =	sadd.s32 $0xA0000, s1  }
0x915: {  	[hbm4b:s4+s5] =	stream.strided.scatter [tilespmem:s10], [sflag:$0x5], $0x1000, s6, s5, $0x38;
	[tilespmem:$0x18020] =	vst v63  }
0x916: {  	s31 =	sadd.s32 $0xC0000, s1;
	s3 =	sld [smem:$0x703]  }
0x917: {  	[hbm4b:s31+s5] =	stream.strided.scatter [tilespmem:s15], [sflag:$0x5], $0x1000, s6, s5, $0x38;
	[tilespmem:$0x18020] =	vst v63  }
0x918: {  	s1 =	sadd.s32 $0xE0000, s1;
	s4 =	simm.s32 $0xF020  }
0x919: {  	[hbm4b:s1+s5] =	stream.strided.scatter [tilespmem:s4], [sflag:$0x5], $0x1000, s6, s5, $0x38;
	[tilespmem:$0x18020] =	vst v63  }
0x91a: {  	s8 =	sshll.u32 s3, $0xD;
	_ =	swait.ge [sflag:s16], $0x8000  }
0x91b: {  	s3 =	sand.u32 $0x1FFFE000, s8;
	[sflag:s16] =	ssyncset.done $0x0  }
0x91c: {  	s9 =	simm.s32 $0x20;
	s7 =	sadd.s32 s7, s3;
	[sflag:s16] =	ssyncadd.s32 $0xFFFF8000  }
0x91d: {  	[tilespmem:s9], [sflag:$0x1] =	stream.linear.gather [hbm4b:s7+s26], $0x8000, $0x38;
	[tilespmem:$0x18020] =	vst v63  }
0x91e: {  	_ =	swait.ge [sflag:s0], $0x8000  }
0x91f: {  	[sflag:s0] =	ssyncset.done $0x0  }
0x920: {  	s1 =	rddreg [dreg:$0x7];
	[sflag:s0] =	ssyncadd.s32 $0xFFFF8000  }
0x921: {  	[hbm4b:s1+s5] =	stream.strided.scatter [tilespmem:s19], [sflag:$0x6], $0x1000, s6, s5, $0x38;
	[tilespmem:$0x18020] =	vst v63  }
0x922: {  	s31 =	simm.s32 $0x11020;
	s19 =	sadd.s32 $0x20000, s1  }
0x923: {  	[hbm4b:s19+s5] =	stream.strided.scatter [tilespmem:s31], [sflag:$0x6], $0x1000, s6, s5, $0x38;
	[tilespmem:$0x18020] =	vst v63  }
0x924: {  	s19 =	sadd.s32 $0x40000, s1;
	s31 =	simm.s32 $0x12020  }
0x925: {  	[hbm4b:s19+s5] =	stream.strided.scatter [tilespmem:s31], [sflag:$0x6], $0x1000, s6, s5, $0x38;
	[tilespmem:$0x18020] =	vst v63  }
0x926: {  	s19 =	sadd.s32 $0x60000, s1;
	s31 =	simm.s32 $0x13020  }
0x927: {  	[hbm4b:s19+s5] =	stream.strided.scatter [tilespmem:s31], [sflag:$0x6], $0x1000, s6, s5, $0x38;
	[tilespmem:$0x18020] =	vst v63  }
0x928: {  	s19 =	sadd.s32 $0x80000, s1;
	s31 =	simm.s32 $0x14020  }
0x929: {  	[hbm4b:s19+s5] =	stream.strided.scatter [tilespmem:s31], [sflag:$0x6], $0x1000, s6, s5, $0x38;
	[tilespmem:$0x18020] =	vst v63  }
0x92a: {  	s19 =	sadd.s32 $0xA0000, s1;
	s31 =	simm.s32 $0x15020  }
0x92b: {  	[hbm4b:s19+s5] =	stream.strided.scatter [tilespmem:s31], [sflag:$0x6], $0x1000, s6, s5, $0x38;
	[tilespmem:$0x18020] =	vst v63  }
0x92c: {  	s19 =	sadd.s32 $0xC0000, s1;
	s31 =	simm.s32 $0x16020  }
0x92d: {  	[hbm4b:s19+s5] =	stream.strided.scatter [tilespmem:s31], [sflag:$0x6], $0x1000, s6, s5, $0x38;
	[tilespmem:$0x18020] =	vst v63  }
0x92e: {  	s8 =	sadd.s32 $0xE0000, s1;
	s19 =	simm.s32 $0x17020  }
0x92f: {  	[hbm4b:s8+s5] =	stream.strided.scatter [tilespmem:s19], [sflag:$0x6], $0x1000, s6, s5, $0x38;
	[tilespmem:$0x18020] =	vst v63  }
0x930: {  	_ =	swait.ge [sflag:s2], $0x8000  }
0x931: {  	[sflag:s2] =	ssyncset.done $0x0  }
0x932: {  	s22 =	sadd.s32 s3, s22;
	[sflag:s2] =	ssyncadd.s32 $0xFFFF8000  }
0x933: {  	[tilespmem:s18], [sflag:$0x2] =	stream.linear.gather [hbm4b:s22+s26], $0x8000, $0x38;
	[tilespmem:$0x18020] =	vst v63  }
0x934: {  	_ =	swait.ge [sflag:s30], $0x8000  }
0x935: {  	[sflag:s30] =	ssyncset.done $0x0  }
0x936: {  	[sflag:s30] =	ssyncadd.s32 $0xFFFF8000;
	s30 =	rddreg [dreg:$0x6]  }
0x937: {  	[hbm4b:s30+s5] =	stream.strided.scatter [tilespmem:s9], [sflag:$0x4], $0x1000, s6, s5, $0x38;
	[tilespmem:$0x18020] =	vst v63  }
0x938: {  	s21 =	simm.s32 $0x1020;
	s31 =	sadd.s32 $0x20000, s30  }
0x939: {  	[hbm4b:s31+s5] =	stream.strided.scatter [tilespmem:s21], [sflag:$0x4], $0x1000, s6, s5, $0x38;
	[tilespmem:$0x18020] =	vst v63  }
0x93a: {  	s17 =	simm.s32 $0x2020;
	s3 =	sadd.s32 $0x40000, s30  }
0x93b: {  	[hbm4b:s3+s5] =	stream.strided.scatter [tilespmem:s17], [sflag:$0x4], $0x1000, s6, s5, $0x38;
	[tilespmem:$0x18020] =	vst v63  }
0x93c: {  	s8 =	sadd.s32 $0x60000, s30  }
0x93d: {  	[hbm4b:s8+s5] =	stream.strided.scatter [tilespmem:s12], [sflag:$0x4], $0x1000, s6, s5, $0x38;
	[tilespmem:$0x18020] =	vst v63  }
0x93e: {  	s23 =	simm.s32 $0x4020;
	s9 =	sadd.s32 $0x80000, s30  }
0x93f: {  	[hbm4b:s9+s5] =	stream.strided.scatter [tilespmem:s23], [sflag:$0x4], $0x1000, s6, s5, $0x38;
	[tilespmem:$0x18020] =	vst v63  }
0x940: {  	s29 =	simm.s32 $0x5020;
	s12 =	sadd.s32 $0xA0000, s30  }
0x941: {  	[hbm4b:s12+s5] =	stream.strided.scatter [tilespmem:s29], [sflag:$0x4], $0x1000, s6, s5, $0x38;
	[tilespmem:$0x18020] =	vst v63  }
0x942: {  	s24 =	simm.s32 $0x6020;
	s17 =	sadd.s32 $0xC0000, s30  }
0x943: {  	[hbm4b:s17+s5] =	stream.strided.scatter [tilespmem:s24], [sflag:$0x4], $0x1000, s6, s5, $0x38;
	[tilespmem:$0x18020] =	vst v63  }
0x944: {  	s20 =	simm.s32 $0x7020;
	s19 =	sadd.s32 $0xE0000, s30  }
0x945: {  	[hbm4b:s19+s5] =	stream.strided.scatter [tilespmem:s20], [sflag:$0x4], $0x1000, s6, s5, $0x38;
	[tilespmem:$0x18020] =	vst v63  }
0x946: {  	_ =	swait.ge [sflag:s28], $0x8000  }
0x947: {  	[sflag:s28] =	ssyncset.done $0x0  }
0x948: {  	s21 =	rddreg [dreg:$0x5];
	[sflag:s28] =	ssyncadd.s32 $0xFFFF8000  }
0x949: {  	[hbm4b:s21+s5] =	stream.strided.scatter [tilespmem:s18], [sflag:$0x5], $0x1000, s6, s5, $0x38;
	[tilespmem:$0x18020] =	vst v63  }
0x94a: {  	s14 =	simm.s32 $0x9020;
	s22 =	sadd.s32 $0x20000, s21  }
0x94b: {  	[hbm4b:s22+s5] =	stream.strided.scatter [tilespmem:s14], [sflag:$0x5], $0x1000, s6, s5, $0x38;
	[tilespmem:$0x18020] =	vst v63  }
0x94c: {  	s23 =	sadd.s32 $0x40000, s21  }
0x94d: {  	[hbm4b:s23+s5] =	stream.strided.scatter [tilespmem:s11], [sflag:$0x5], $0x1000, s6, s5, $0x38;
	[tilespmem:$0x18020] =	vst v63  }
0x94e: {  	s13 =	simm.s32 $0xB020;
	s24 =	sadd.s32 $0x60000, s21  }
0x94f: {  	[hbm4b:s24+s5] =	stream.strided.scatter [tilespmem:s13], [sflag:$0x5], $0x1000, s6, s5, $0x38;
	[tilespmem:$0x18020] =	vst v63  }
0x950: {  	s7 =	simm.s32 $0xC020;
	s26 =	sadd.s32 $0x80000, s21  }
0x951: {  	[hbm4b:s26+s5] =	stream.strided.scatter [tilespmem:s7], [sflag:$0x5], $0x1000, s6, s5, $0x38;
	[tilespmem:$0x18020] =	vst v63  }
0x952: {  	s10 =	simm.s32 $0xD020;
	s28 =	sadd.s32 $0xA0000, s21  }
0x953: {  	[hbm4b:s28+s5] =	stream.strided.scatter [tilespmem:s10], [sflag:$0x5], $0x1000, s6, s5, $0x38;
	[tilespmem:$0x18020] =	vst v63  }
0x954: {  	s15 =	simm.s32 $0xE020;
	s29 =	sadd.s32 $0xC0000, s21  }
0x955: {  	[hbm4b:s29+s5] =	stream.strided.scatter [tilespmem:s15], [sflag:$0x5], $0x1000, s6, s5, $0x38;
	[tilespmem:$0x18020] =	vst v63  }
0x956: {  	s30 =	sadd.s32 $0xE0000, s21  }
0x957: {  	[hbm4b:s30+s5] =	stream.strided.scatter [tilespmem:s4], [sflag:$0x5], $0x1000, s6, s5, $0x38;
	[tilespmem:$0x18020] =	vst v63  }
0x958: {  	_ =	swait.ge [sflag:s25], $0x8000  }
0x959: {  	[sflag:s25] =	ssyncset.done $0x0  }
0x95a: {  	[sflag:s25] =	ssyncadd.s32 $0xFFFF8000  }
0x95b: {  	_ =	swait.ge [sflag:s16], $0x8000  }
0x95c: {  	[sflag:s16] =	ssyncset.done $0x0  }
0x95d: {  	[sflag:s16] =	ssyncadd.s32 $0xFFFF8000  }
0x95e: {  	_ =	swait.ge [sflag:s2], $0x8000  }
0x95f: {  	[sflag:s2] =	ssyncset.done $0x0  }
0x960: {  	[sflag:s2] =	ssyncadd.s32 $0xFFFF8000  }
0x961: {  	_ =	sfence.sel $0x180000  }
0x962: {  	[bflag:$0x0] =	sbarrier.arrive $0xFFFF  }
0x963: {  	_ =	strace $0x90000047  }
0x964: {  	s31 =	stileid.u32;
	[bflag:$0x2] =	sbarrier.arrive $0xFFFF  }
0x965: {  	p0 =	sne.s32 s31, $0x0;
	s0 =	rddreg [dreg:$0x1]  }
0x966: {  	s0 =	sadd.s32 @!p0 $0x100000, s0  }
0x967: {  	[sflag:s0] =	ssyncadd.tile.s32 @!p0 $0x1;
	_ =	shalt  }
.LBB2_6:
.Ltmp3:
0x968: {  	(pc) =	sbr.rel .LBB2_5-.Ltmp3, $2  }
0x969: {  	_ =	sdelay $0x2  }
0x96a: {  	s0 =	simm.s32 $0xF020;
	s12 =	simm.s32 $0x7020;
	s24 =	simm.s32 $0x7;
	vm2 =	vcmask $0x308  }
.Lfunc_end2:
_tile_overlayer_lowered:
.L_overlay_start_2:
0x96b: {  	(tag) =	ssettag $0x2  }
0x96c: {  	s0 =	rddreg [dreg:$0x0];
	s2 =	stileid.u32  }
0x96d: {  	s1 =	rddreg [dreg:$0x1];
	p0 =	sne.s32 s2, $0x0  }
0x96e: {  	s3 =	rddreg [dreg:$0x2];
	[bflag:$0x3] =	sbarrier.arrive $0xFFFF;
	s2 =	simm.s32 @!p0 $0x1C07  }
0x96f: {  	[timem:s3], [sflag:s2] =	dma.local @!p0 [hbm:s0], s1  }
0x970: {  	s0 =	simm.s32 @!p0 $0x7  }
0x971: {  	_ =	swait.ge @!p0 [sflag:s0], s1  }
0x972: {  	s1 =	ssub.s32 @!p0 $0x0, s1;
	[sflag:s0] =	ssyncset.done @!p0 $0x0  }
0x973: {  	[sflag:s0] =	ssyncadd.s32 @!p0 s1  }
0x974: {  	[bflag:$0x3] =	sbarrier.arrive $0xFFFF  }
0x975: {  	_ =	shalt  }

</sc_bundles>
